<compile_context>
chip_gen: v7x
topology: tpu7x:2x2x1
jax: 0.10.2.dev20260603
libtpu: 0.0.44.dev20260713+nightly
codegen_flags: <defaults>
</compile_context>

<pallas_src>
import functools

import jax
import jax.numpy as jnp
from jax import lax
from jax.experimental import pallas as pl
from jax.experimental.pallas import tpu as pltpu
from jax.experimental.pallas import tpu_sc as plsc

_DIMS = (5, 6, 2, 2)
_TROWS = 128
_TCOLS = 128


def _tab_body(w0, w1, w2, w3, o):
    d = w0.shape[1]
    r = lax.broadcasted_iota(jnp.int32, (_TROWS, d), 0)
    digits = (r // 24, (r % 24) // 4, (r // 2) % 2, r % 2)
    acc = jnp.zeros((_TROWS, d), jnp.float32)
    for dig, w, n in zip(digits, (w0, w1, w2, w3), _DIMS):
        for k in range(n):
            acc = acc + jnp.where(dig == k, 1.0, 0.0) * w[k]
    o[...] = jnp.concatenate(
        [acc, jnp.zeros((_TROWS, _TCOLS - d), jnp.float32)], axis=1)


def _build_table(W0, W1, W2, W3):
    return pl.pallas_call(
        _tab_body,
        out_shape=jax.ShapeDtypeStruct((_TROWS, _TCOLS), jnp.float32),
    )(W0, W1, W2, W3)


def _sc_gather(pk, ftab, E, D):
    info = plsc.get_sparse_core_info()
    NW = info.num_cores * info.num_subcores
    B = 400
    NG = B // 16
    SL = 80
    NSTR = B // SL
    nblk = E // B
    assert E % B == 0

    mesh = plsc.VectorSubcoreMesh(core_axis_name="c", subcore_axis_name="s")

    @functools.partial(
        pl.kernel,
        mesh=mesh,
        out_type=jax.ShapeDtypeStruct((E, _TCOLS), jnp.float32),
        scratch_types=[
            (pltpu.VMEM((B,), jnp.int32),) * 2,
            (pltpu.VMEM((B,), jnp.int32),) * 2,
            (pltpu.VMEM((B, _TCOLS), jnp.float32),) * 2,
            pltpu.VMEM_SHARED((_TROWS, _TCOLS), jnp.float32),
            pltpu.SemaphoreType.DMA,
            (pltpu.SemaphoreType.DMA, pltpu.SemaphoreType.DMA),
        ],
    )
    def run(pk_hbm, tab_hbm, out_hbm, pkv, idxv, rows, tab_sh, gsem, osems):
        sid = lax.axis_index("s")
        wid = sid * info.num_cores + lax.axis_index("c")

        @pl.when(sid == 0)
        def _():
            pltpu.sync_copy(tab_hbm, tab_sh)
        plsc.subcore_barrier()

        nblk_w = (nblk - wid + NW - 1) // NW

        def do_block(j, p, osem):
            off = (wid + j * NW) * B
            pltpu.sync_copy(pk_hbm.at[pl.ds(off, B)], pkv[p])
            for g in range(NG):
                v = pkv[p][pl.ds(g * 16, 16)]
                idx = ((v & 0xFF) * 24 + ((v >> 8) & 0xFF) * 4
                       + ((v >> 16) & 0xFF) * 2 + ((v >> 24) & 0xFF))
                idxv[p][pl.ds(g * 16, 16)] = jnp.minimum(idx, _TROWS - 1)
            handles = [
                pltpu.async_copy(
                    tab_sh.at[idxv[p].at[pl.ds(r * SL, SL)]],
                    rows[p].at[pl.ds(r * SL, SL)],
                    gsem,
                )
                for r in range(NSTR)
            ]
            for h in handles:
                h.wait()
            return pltpu.async_copy(rows[p], out_hbm.at[pl.ds(off, B)], osem)

        def block(j, carry):
            for p in (0, 1):

                @pl.when(j % 2 == p)
                def _():
                    @pl.when(j >= 2)
                    def _():
                        pltpu.make_async_copy(
                            rows[p], out_hbm.at[pl.ds(0, B)], osems[p]
                        ).wait()
                    do_block(j, p, osems[p])
            return carry

        lax.fori_loop(0, nblk_w, block, 0)
        for p in (0, 1):

            @pl.when(nblk_w >= p + 1)
            def _():
                pltpu.make_async_copy(
                    rows[p], out_hbm.at[pl.ds(0, B)], osems[p]
                ).wait()

    return run(pk, ftab)


def kernel(edge_attr, W0, W1, W2, W3):
    E = edge_attr.shape[0]
    D = W0.shape[1]
    pk = lax.bitcast_convert_type(edge_attr.astype(jnp.uint8), jnp.int32)
    ftab = _build_table(W0, W1, W2, W3)
    out128 = _sc_gather(pk, ftab, E, D)
    return out128[:, :D]

# --- scband reference (transcript-rebuilt; emitter-appended) ---
"""Pipeline reference for scband-bond-encoder-44212393345824 (READ-ONLY COPY).

The authoritative reference and input builder live on the scoring server;
editing this copy changes nothing except your own understanding.
"""

import jax, jax.numpy as jnp
import numpy as np

E = 800000
EMB_DIM = 64
FULL_BOND_FEATURE_DIMS = [5, 6, 2, 2]

def _xavier_uniform(key, shape):
    fan_in, fan_out = shape[0], shape[1]
    a = np.sqrt(6.0 / (fan_in + fan_out))
    return jax.random.uniform(key, shape, dtype=jnp.float32, minval=-a, maxval=a)

def setup_inputs(seed: int = 0) -> dict:
    key = jax.random.key(seed)
    k_idx, k0, k1, k2, k3 = jax.random.split(key, 5)
    # fill_max=2 keeps indices in-range for every feature dim (min dim is 2)
    edge_attr = jax.random.randint(k_idx, (E, 4), 0, 2, dtype=jnp.int64 if jax.config.jax_enable_x64 else jnp.int32).astype(jnp.int32)
    W0 = _xavier_uniform(k0, (FULL_BOND_FEATURE_DIMS[0], EMB_DIM))
    W1 = _xavier_uniform(k1, (FULL_BOND_FEATURE_DIMS[1], EMB_DIM))
    W2 = _xavier_uniform(k2, (FULL_BOND_FEATURE_DIMS[2], EMB_DIM))
    W3 = _xavier_uniform(k3, (FULL_BOND_FEATURE_DIMS[3], EMB_DIM))
    return {"edge_attr": edge_attr, "W0": W0, "W1": W1, "W2": W2, "W3": W3}

def reference(edge_attr, W0, W1, W2, W3):
    tables = [W0, W1, W2, W3]
    bond_embedding = jnp.zeros((edge_attr.shape[0], EMB_DIM), dtype=jnp.float32)
    for i in range(edge_attr.shape[1]):
        bond_embedding = bond_embedding + jnp.take(tables[i], edge_attr[:, i], axis=0)
    return bond_embedding

if __name__ == "__main__":
    import jax
    _d = setup_inputs()
    print(jax.jit(kernel)(*tuple(_d.values())))

</pallas_src>

<mosaic_0001>
#map = affine_map<(d0, d1) -> (0)>
#map1 = affine_map<(d0, d1) -> (0, 0)>
module attributes {stable_mosaic.version = 14 : i64} {
  func.func @run(%arg0: i32, %arg1: i32, %arg2: memref<800000xi32, #tpu.memory_space<hbm>>, %arg3: memref<128x128xf32, #tpu.memory_space<hbm>>, %arg4: memref<800000x128xf32, #tpu.memory_space<hbm>>, %arg5: memref<400xi32, #tpu.memory_space<vmem>>, %arg6: memref<400xi32, #tpu.memory_space<vmem>>, %arg7: memref<400xi32, #tpu.memory_space<vmem>>, %arg8: memref<400xi32, #tpu.memory_space<vmem>>, %arg9: memref<400x128xf32, #tpu.memory_space<vmem>>, %arg10: memref<400x128xf32, #tpu.memory_space<vmem>>, %arg11: memref<128x128xf32, #tpu.memory_space<vmem_shared>>, %arg12: memref<!tpu.dma_semaphore, #tpu.memory_space<semaphore_mem>>, %arg13: memref<!tpu.dma_semaphore, #tpu.memory_space<semaphore_mem>>, %arg14: memref<!tpu.dma_semaphore, #tpu.memory_space<semaphore_mem>>) attributes {dimension_semantics = [#tpu.dimension_semantics<core_parallel>, #tpu.dimension_semantics<subcore_parallel>], iteration_bounds = array<i64: 2, 16>, scalar_prefetch = 0 : i64, scratch_operands = 10 : i64, tpu.core_type = #tpu.core_type<sc_vector_subcore>, window_params = [{transform_indices = #map}, {transform_indices = #map1}, {transform_indices = #map1}]} {
    %mul3A = arith.constant 2 : i32
    %mul3A_0 = arith.muli %arg1, %mul3A : i32
    %add3A = arith.addi %mul3A_0, %arg0 : i32
    %eq3A = arith.constant 0 : i32
    %eq3A_1 = arith.cmpi eq, %arg1, %eq3A : i32
    %convert_element_type3A = arith.extui %eq3A_1 : i1 to i32
    %cond3A = arith.constant 0 : i32
    %cond3A_2 = arith.cmpi ne, %convert_element_type3A, %cond3A : i32
    scf.if %cond3A_2 {
      "tpu.region"() ({
        %run_scoped3A = tpu.sem_alloc : memref<!tpu.dma_semaphore, #tpu.memory_space<semaphore_mem>>
        tpu.enqueue_dma source(%arg3 : memref<128x128xf32, #tpu.memory_space<hbm>>) target(%arg11 : memref<128x128xf32, #tpu.memory_space<vmem_shared>>) target_semaphore(%run_scoped3A : memref<!tpu.dma_semaphore, #tpu.memory_space<semaphore_mem>>)
        tpu.wait_dma2 semaphore(%run_scoped3A : memref<!tpu.dma_semaphore, #tpu.memory_space<semaphore_mem>>) src(%arg3 : memref<128x128xf32, #tpu.memory_space<hbm>>) dst(%arg11 : memref<128x128xf32, #tpu.memory_space<vmem_shared>>)
        tpu.yield
      }) : () -> ()
    } else {
    }
    %barrier3A = arith.constant 0 : index
    tpu.barrier barrier_id(%barrier3A)
    %sub3A = arith.constant 2000 : i32
    %sub3A_3 = arith.subi %sub3A, %add3A : i32
    %add3A_4 = arith.constant 32 : i32
    %add3A_5 = arith.addi %sub3A_3, %add3A_4 : i32
    %sub3A_6 = arith.constant 1 : i32
    %sub3A_7 = arith.subi %add3A_5, %sub3A_6 : i32
    %jit3A = arith.constant 32 : i32
    %div3A = arith.divsi %sub3A_7, %jit3A : i32
    %sign3A = arith.constant 0 : i32
    %sign3A_8 = arith.cmpi sgt, %sub3A_7, %sign3A : i32
    %sign3A_9 = arith.extui %sign3A_8 : i1 to i32
    %sign3A_10 = arith.constant 0 : i32
    %sign3A_11 = arith.cmpi slt, %sub3A_7, %sign3A_10 : i32
    %sign3A_12 = arith.extui %sign3A_11 : i1 to i32
    %sign3A_13 = arith.subi %sign3A_9, %sign3A_12 : i32
    %sign3A_14 = arith.constant 0 : i32
    %sign3A_15 = arith.cmpi sgt, %jit3A, %sign3A_14 : i32
    %sign3A_16 = arith.extui %sign3A_15 : i1 to i32
    %sign3A_17 = arith.constant 0 : i32
    %sign3A_18 = arith.cmpi slt, %jit3A, %sign3A_17 : i32
    %sign3A_19 = arith.extui %sign3A_18 : i1 to i32
    %sign3A_20 = arith.subi %sign3A_16, %sign3A_19 : i32
    %ne3A = arith.cmpi ne, %sign3A_13, %sign3A_20 : i32
    %rem3A = arith.remsi %sub3A_7, %jit3A : i32
    %ne3A_21 = arith.constant 0 : i32
    %ne3A_22 = arith.cmpi ne, %rem3A, %ne3A_21 : i32
    %and3A = arith.andi %ne3A, %ne3A_22 : i1
    %sub3A_23 = arith.constant 1 : i32
    %sub3A_24 = arith.subi %div3A, %sub3A_23 : i32
    %select_n3A = arith.select %and3A, %sub3A_24, %div3A : i32
    %while3A = arith.constant 0 : i32
    %while3A_25 = arith.constant 0 : i32
    %while3A_26 = arith.subi %select_n3A, %while3A_25 : i32
    %while3A_27 = arith.addi %while3A_25, %while3A_26 : i32
    %while3A_28 = arith.constant 1 : i32
    %while3A_29 = arith.divsi %while3A_26, %while3A_28 : i32
    %while3A_30 = arith.muli %while3A_29, %while3A_28 : i32
    %while3A_31 = arith.addi %while3A_25, %while3A_30 : i32
    %while3A_32 = arith.constant 1 : i32
    scf.for %while3A_43 = %while3A_25 to %while3A_31 step %while3A_32  : i32 {
      %jit3A_44 = arith.constant 2 : i32
      %eq3A_45 = arith.constant 0 : i32
      %eq3A_46 = arith.cmpi eq, %jit3A_44, %eq3A_45 : i32
      %jit3A_47 = arith.constant 1 : i32
      %select_n3A_48 = arith.select %eq3A_46, %jit3A_47, %jit3A_44 : i32
      %rem3A_49 = arith.remsi %while3A_43, %select_n3A_48 : i32
      %ne3A_50 = arith.constant 0 : i32
      %ne3A_51 = arith.cmpi ne, %rem3A_49, %ne3A_50 : i32
      %lt3A = arith.constant 0 : i32
      %lt3A_52 = arith.cmpi slt, %rem3A_49, %lt3A : i32
      %lt3A_53 = arith.constant 0 : i32
      %lt3A_54 = arith.cmpi slt, %select_n3A_48, %lt3A_53 : i32
      %ne3A_55 = arith.xori %lt3A_52, %lt3A_54 : i1
      %and3A_56 = arith.andi %ne3A_55, %ne3A_51 : i1
      %add3A_57 = arith.addi %rem3A_49, %select_n3A_48 : i32
      %select_n3A_58 = arith.select %and3A_56, %add3A_57, %rem3A_49 : i32
      %eq3A_59 = arith.constant 0 : i32
      %eq3A_60 = arith.cmpi eq, %select_n3A_58, %eq3A_59 : i32
      %convert_element_type3A_61 = arith.extui %eq3A_60 : i1 to i32
      %cond3A_62 = arith.constant 0 : i32
      %cond3A_63 = arith.cmpi ne, %convert_element_type3A_61, %cond3A_62 : i32
      scf.if %cond3A_63 {
        %ge3A_85 = arith.constant 2 : i32
        %ge3A_86 = arith.cmpi sge, %while3A_43, %ge3A_85 : i32
        %convert_element_type3A_87 = arith.extui %ge3A_86 : i1 to i32
        %cond3A_88 = arith.constant 0 : i32
        %cond3A_89 = arith.cmpi ne, %convert_element_type3A_87, %cond3A_88 : i32
        scf.if %cond3A_89 {
          %dma_wait3A_1248 = arith.constant 0 : i32
          %dma_wait3A_1249 = arith.constant 0 : i32
          %dma_wait3A_1250 = tpu.memref_slice %arg4[%dma_wait3A_1248, %dma_wait3A_1249] : memref<800000x128xf32, #tpu.memory_space<hbm>> -> memref<400x128xf32, #tpu.memory_space<hbm>>
          %dma_wait3A_1251 = arith.constant 0 : i32
          %dma_wait3A_1252 = arith.constant 0 : i32
          %dma_wait3A_1253 = tpu.memref_slice %arg4[%dma_wait3A_1251, %dma_wait3A_1252] : memref<800000x128xf32, #tpu.memory_space<hbm>> -> memref<400x128xf32, #tpu.memory_space<hbm>>
          tpu.wait_dma2 semaphore(%arg13 : memref<!tpu.dma_semaphore, #tpu.memory_space<semaphore_mem>>) src(%arg9 : memref<400x128xf32, #tpu.memory_space<vmem>>) dst(%dma_wait3A_1253 : memref<400x128xf32, #tpu.memory_space<hbm>>)
        } else {
        }
        %mul3A_90 = arith.constant 32 : i32
        %mul3A_91 = arith.muli %while3A_43, %mul3A_90 : i32
        %add3A_92 = arith.addi %add3A, %mul3A_91 : i32
        %mul3A_93 = arith.constant 400 : i32
        %mul3A_94 = arith.muli %add3A_92, %mul3A_93 : i32
        "tpu.region"() ({
          %run_scoped3A = tpu.sem_alloc : memref<!tpu.dma_semaphore, #tpu.memory_space<semaphore_mem>>
          %dma_start3A_1248 = tpu.memref_slice %arg2[%mul3A_94] : memref<800000xi32, #tpu.memory_space<hbm>> -> memref<400xi32, #tpu.memory_space<hbm>>
          %dma_start3A_1249 = tpu.memref_slice %arg2[%mul3A_94] : memref<800000xi32, #tpu.memory_space<hbm>> -> memref<400xi32, #tpu.memory_space<hbm>>
          tpu.enqueue_dma source(%dma_start3A_1249 : memref<400xi32, #tpu.memory_space<hbm>>) target(%arg5 : memref<400xi32, #tpu.memory_space<vmem>>) target_semaphore(%run_scoped3A : memref<!tpu.dma_semaphore, #tpu.memory_space<semaphore_mem>>)
          %dma_wait3A_1250 = tpu.memref_slice %arg2[%mul3A_94] : memref<800000xi32, #tpu.memory_space<hbm>> -> memref<400xi32, #tpu.memory_space<hbm>>
          %dma_wait3A_1251 = tpu.memref_slice %arg2[%mul3A_94] : memref<800000xi32, #tpu.memory_space<hbm>> -> memref<400xi32, #tpu.memory_space<hbm>>
          tpu.wait_dma2 semaphore(%run_scoped3A : memref<!tpu.dma_semaphore, #tpu.memory_space<semaphore_mem>>) src(%dma_wait3A_1251 : memref<400xi32, #tpu.memory_space<hbm>>) dst(%arg5 : memref<400xi32, #tpu.memory_space<vmem>>)
          tpu.yield
        }) : () -> ()
        %get3A = arith.constant 0 : index
        %get3A_95 = tpu.vector_load %arg5[%get3A] {strides = array<i32>} : memref<400xi32, #tpu.memory_space<vmem>>, vector<16xi32>,
        %get3A_96 = vector.shape_cast %get3A_95 : vector<16xi32> to vector<16xi32>
        %and3A_97 = arith.constant 255 : i32
        %and3A_98 = vector.broadcast %and3A_97 : i32 to vector<16xi32>
        %and3A_99 = arith.andi %get3A_96, %and3A_98 : vector<16xi32>
        %mul3A_100 = arith.constant 24 : i32
        %mul3A_101 = vector.broadcast %mul3A_100 : i32 to vector<16xi32>
        %mul3A_102 = arith.muli %and3A_99, %mul3A_101 : vector<16xi32>
        %shift_right_arithmetic3A = arith.constant 8 : i32
        %shift_right_arithmetic3A_103 = vector.broadcast %shift_right_arithmetic3A : i32 to vector<16xi32>
        %shift_right_arithmetic3A_104 = arith.shrsi %get3A_96, %shift_right_arithmetic3A_103 : vector<16xi32>
        %and3A_105 = arith.constant 255 : i32
        %and3A_106 = vector.broadcast %and3A_105 : i32 to vector<16xi32>
        %and3A_107 = arith.andi %shift_right_arithmetic3A_104, %and3A_106 : vector<16xi32>
        %mul3A_108 = arith.constant 4 : i32
        %mul3A_109 = vector.broadcast %mul3A_108 : i32 to vector<16xi32>
        %mul3A_110 = arith.muli %and3A_107, %mul3A_109 : vector<16xi32>
        %add3A_111 = arith.addi %mul3A_102, %mul3A_110 : vector<16xi32>
        %shift_right_arithmetic3A_112 = arith.constant 16 : i32
        %shift_right_arithmetic3A_113 = vector.broadcast %shift_right_arithmetic3A_112 : i32 to vector<16xi32>
        %shift_right_arithmetic3A_114 = arith.shrsi %get3A_96, %shift_right_arithmetic3A_113 : vector<16xi32>
        %and3A_115 = arith.constant 255 : i32
        %and3A_116 = vector.broadcast %and3A_115 : i32 to vector<16xi32>
        %and3A_117 = arith.andi %shift_right_arithmetic3A_114, %and3A_116 : vector<16xi32>
        %mul3A_118 = arith.constant 2 : i32
        %mul3A_119 = vector.broadcast %mul3A_118 : i32 to vector<16xi32>
        %mul3A_120 = arith.muli %and3A_117, %mul3A_119 : vector<16xi32>
        %add3A_121 = arith.addi %add3A_111, %mul3A_120 : vector<16xi32>
        %shift_right_arithmetic3A_122 = arith.constant 24 : i32
        %shift_right_arithmetic3A_123 = vector.broadcast %shift_right_arithmetic3A_122 : i32 to vector<16xi32>
        %shift_right_arithmetic3A_124 = arith.shrsi %get3A_96, %shift_right_arithmetic3A_123 : vector<16xi32>
        %and3A_125 = arith.constant 255 : i32
        %and3A_126 = vector.broadcast %and3A_125 : i32 to vector<16xi32>
        %and3A_127 = arith.andi %shift_right_arithmetic3A_124, %and3A_126 : vector<16xi32>
        %add3A_128 = arith.addi %add3A_121, %and3A_127 : vector<16xi32>
        %min3A = arith.constant 127 : i32
        %min3A_129 = vector.broadcast %min3A : i32 to vector<16xi32>
        %min3A_130 = arith.minsi %add3A_128, %min3A_129 : vector<16xi32>
        %swap3A = arith.constant 0 : index
        %swap3A_131 = tpu.vector_load %arg7[%swap3A] {strides = array<i32>} : memref<400xi32, #tpu.memory_space<vmem>>, vector<16xi32>,
        %swap3A_132 = vector.shape_cast %swap3A_131 : vector<16xi32> to vector<16xi32>
        %swap3A_133 = vector.shape_cast %min3A_130 : vector<16xi32> to vector<16xi32>
        tpu.vector_store %arg7[%swap3A], %swap3A_133 {strides = array<i32>} : memref<400xi32, #tpu.memory_space<vmem>>, vector<16xi32>,
        %get3A_134 = arith.constant 16 : index
        %get3A_135 = tpu.vector_load %arg5[%get3A_134] {strides = array<i32>} : memref<400xi32, #tpu.memory_space<vmem>>, vector<16xi32>,
        %get3A_136 = vector.shape_cast %get3A_135 : vector<16xi32> to vector<16xi32>
        %and3A_137 = arith.constant 255 : i32
        %and3A_138 = vector.broadcast %and3A_137 : i32 to vector<16xi32>
        %and3A_139 = arith.andi %get3A_136, %and3A_138 : vector<16xi32>
        %mul3A_140 = arith.constant 24 : i32
        %mul3A_141 = vector.broadcast %mul3A_140 : i32 to vector<16xi32>
        %mul3A_142 = arith.muli %and3A_139, %mul3A_141 : vector<16xi32>
        %shift_right_arithmetic3A_143 = arith.constant 8 : i32
        %shift_right_arithmetic3A_144 = vector.broadcast %shift_right_arithmetic3A_143 : i32 to vector<16xi32>
        %shift_right_arithmetic3A_145 = arith.shrsi %get3A_136, %shift_right_arithmetic3A_144 : vector<16xi32>
        %and3A_146 = arith.constant 255 : i32
        %and3A_147 = vector.broadcast %and3A_146 : i32 to vector<16xi32>
        %and3A_148 = arith.andi %shift_right_arithmetic3A_145, %and3A_147 : vector<16xi32>
        %mul3A_149 = arith.constant 4 : i32
        %mul3A_150 = vector.broadcast %mul3A_149 : i32 to vector<16xi32>
        %mul3A_151 = arith.muli %and3A_148, %mul3A_150 : vector<16xi32>
        %add3A_152 = arith.addi %mul3A_142, %mul3A_151 : vector<16xi32>
        %shift_right_arithmetic3A_153 = arith.constant 16 : i32
        %shift_right_arithmetic3A_154 = vector.broadcast %shift_right_arithmetic3A_153 : i32 to vector<16xi32>
        %shift_right_arithmetic3A_155 = arith.shrsi %get3A_136, %shift_right_arithmetic3A_154 : vector<16xi32>
        %and3A_156 = arith.constant 255 : i32
        %and3A_157 = vector.broadcast %and3A_156 : i32 to vector<16xi32>
        %and3A_158 = arith.andi %shift_right_arithmetic3A_155, %and3A_157 : vector<16xi32>
        %mul3A_159 = arith.constant 2 : i32
        %mul3A_160 = vector.broadcast %mul3A_159 : i32 to vector<16xi32>
        %mul3A_161 = arith.muli %and3A_158, %mul3A_160 : vector<16xi32>
        %add3A_162 = arith.addi %add3A_152, %mul3A_161 : vector<16xi32>
        %shift_right_arithmetic3A_163 = arith.constant 24 : i32
        %shift_right_arithmetic3A_164 = vector.broadcast %shift_right_arithmetic3A_163 : i32 to vector<16xi32>
        %shift_right_arithmetic3A_165 = arith.shrsi %get3A_136, %shift_right_arithmetic3A_164 : vector<16xi32>
        %and3A_166 = arith.constant 255 : i32
        %and3A_167 = vector.broadcast %and3A_166 : i32 to vector<16xi32>
        %and3A_168 = arith.andi %shift_right_arithmetic3A_165, %and3A_167 : vector<16xi32>
        %add3A_169 = arith.addi %add3A_162, %and3A_168 : vector<16xi32>
        %min3A_170 = arith.constant 127 : i32
        %min3A_171 = vector.broadcast %min3A_170 : i32 to vector<16xi32>
        %min3A_172 = arith.minsi %add3A_169, %min3A_171 : vector<16xi32>
        %swap3A_173 = arith.constant 16 : index
        %swap3A_174 = tpu.vector_load %arg7[%swap3A_173] {strides = array<i32>} : memref<400xi32, #tpu.memory_space<vmem>>, vector<16xi32>,
        %swap3A_175 = vector.shape_cast %swap3A_174 : vector<16xi32> to vector<16xi32>
        %swap3A_176 = vector.shape_cast %min3A_172 : vector<16xi32> to vector<16xi32>
        tpu.vector_store %arg7[%swap3A_173], %swap3A_176 {strides = array<i32>} : memref<400xi32, #tpu.memory_space<vmem>>, vector<16xi32>,
        %get3A_177 = arith.constant 32 : index
        %get3A_178 = tpu.vector_load %arg5[%get3A_177] {strides = array<i32>} : memref<400xi32, #tpu.memory_space<vmem>>, vector<16xi32>,
        %get3A_179 = vector.shape_cast %get3A_178 : vector<16xi32> to vector<16xi32>
        %and3A_180 = arith.constant 255 : i32
        %and3A_181 = vector.broadcast %and3A_180 : i32 to vector<16xi32>
        %and3A_182 = arith.andi %get3A_179, %and3A_181 : vector<16xi32>
        %mul3A_183 = arith.constant 24 : i32
        %mul3A_184 = vector.broadcast %mul3A_183 : i32 to vector<16xi32>
        %mul3A_185 = arith.muli %and3A_182, %mul3A_184 : vector<16xi32>
        %shift_right_arithmetic3A_186 = arith.constant 8 : i32
        %shift_right_arithmetic3A_187 = vector.broadcast %shift_right_arithmetic3A_186 : i32 to vector<16xi32>
        %shift_right_arithmetic3A_188 = arith.shrsi %get3A_179, %shift_right_arithmetic3A_187 : vector<16xi32>
        %and3A_189 = arith.constant 255 : i32
        %and3A_190 = vector.broadcast %and3A_189 : i32 to vector<16xi32>
        %and3A_191 = arith.andi %shift_right_arithmetic3A_188, %and3A_190 : vector<16xi32>
        %mul3A_192 = arith.constant 4 : i32
        %mul3A_193 = vector.broadcast %mul3A_192 : i32 to vector<16xi32>
        %mul3A_194 = arith.muli %and3A_191, %mul3A_193 : vector<16xi32>
        %add3A_195 = arith.addi %mul3A_185, %mul3A_194 : vector<16xi32>
        %shift_right_arithmetic3A_196 = arith.constant 16 : i32
        %shift_right_arithmetic3A_197 = vector.broadcast %shift_right_arithmetic3A_196 : i32 to vector<16xi32>
        %shift_right_arithmetic3A_198 = arith.shrsi %get3A_179, %shift_right_arithmetic3A_197 : vector<16xi32>
        %and3A_199 = arith.constant 255 : i32
        %and3A_200 = vector.broadcast %and3A_199 : i32 to vector<16xi32>
        %and3A_201 = arith.andi %shift_right_arithmetic3A_198, %and3A_200 : vector<16xi32>
        %mul3A_202 = arith.constant 2 : i32
        %mul3A_203 = vector.broadcast %mul3A_202 : i32 to vector<16xi32>
        %mul3A_204 = arith.muli %and3A_201, %mul3A_203 : vector<16xi32>
        %add3A_205 = arith.addi %add3A_195, %mul3A_204 : vector<16xi32>
        %shift_right_arithmetic3A_206 = arith.constant 24 : i32
        %shift_right_arithmetic3A_207 = vector.broadcast %shift_right_arithmetic3A_206 : i32 to vector<16xi32>
        %shift_right_arithmetic3A_208 = arith.shrsi %get3A_179, %shift_right_arithmetic3A_207 : vector<16xi32>
        %and3A_209 = arith.constant 255 : i32
        %and3A_210 = vector.broadcast %and3A_209 : i32 to vector<16xi32>
        %and3A_211 = arith.andi %shift_right_arithmetic3A_208, %and3A_210 : vector<16xi32>
        %add3A_212 = arith.addi %add3A_205, %and3A_211 : vector<16xi32>
        %min3A_213 = arith.constant 127 : i32
        %min3A_214 = vector.broadcast %min3A_213 : i32 to vector<16xi32>
        %min3A_215 = arith.minsi %add3A_212, %min3A_214 : vector<16xi32>
        %swap3A_216 = arith.constant 32 : index
        %swap3A_217 = tpu.vector_load %arg7[%swap3A_216] {strides = array<i32>} : memref<400xi32, #tpu.memory_space<vmem>>, vector<16xi32>,
        %swap3A_218 = vector.shape_cast %swap3A_217 : vector<16xi32> to vector<16xi32>
        %swap3A_219 = vector.shape_cast %min3A_215 : vector<16xi32> to vector<16xi32>
        tpu.vector_store %arg7[%swap3A_216], %swap3A_219 {strides = array<i32>} : memref<400xi32, #tpu.memory_space<vmem>>, vector<16xi32>,
        %get3A_220 = arith.constant 48 : index
        %get3A_221 = tpu.vector_load %arg5[%get3A_220] {strides = array<i32>} : memref<400xi32, #tpu.memory_space<vmem>>, vector<16xi32>,
        %get3A_222 = vector.shape_cast %get3A_221 : vector<16xi32> to vector<16xi32>
        %and3A_223 = arith.constant 255 : i32
        %and3A_224 = vector.broadcast %and3A_223 : i32 to vector<16xi32>
        %and3A_225 = arith.andi %get3A_222, %and3A_224 : vector<16xi32>
        %mul3A_226 = arith.constant 24 : i32
        %mul3A_227 = vector.broadcast %mul3A_226 : i32 to vector<16xi32>
        %mul3A_228 = arith.muli %and3A_225, %mul3A_227 : vector<16xi32>
        %shift_right_arithmetic3A_229 = arith.constant 8 : i32
        %shift_right_arithmetic3A_230 = vector.broadcast %shift_right_arithmetic3A_229 : i32 to vector<16xi32>
        %shift_right_arithmetic3A_231 = arith.shrsi %get3A_222, %shift_right_arithmetic3A_230 : vector<16xi32>
        %and3A_232 = arith.constant 255 : i32
        %and3A_233 = vector.broadcast %and3A_232 : i32 to vector<16xi32>
        %and3A_234 = arith.andi %shift_right_arithmetic3A_231, %and3A_233 : vector<16xi32>
        %mul3A_235 = arith.constant 4 : i32
        %mul3A_236 = vector.broadcast %mul3A_235 : i32 to vector<16xi32>
        %mul3A_237 = arith.muli %and3A_234, %mul3A_236 : vector<16xi32>
        %add3A_238 = arith.addi %mul3A_228, %mul3A_237 : vector<16xi32>
        %shift_right_arithmetic3A_239 = arith.constant 16 : i32
        %shift_right_arithmetic3A_240 = vector.broadcast %shift_right_arithmetic3A_239 : i32 to vector<16xi32>
        %shift_right_arithmetic3A_241 = arith.shrsi %get3A_222, %shift_right_arithmetic3A_240 : vector<16xi32>
        %and3A_242 = arith.constant 255 : i32
        %and3A_243 = vector.broadcast %and3A_242 : i32 to vector<16xi32>
        %and3A_244 = arith.andi %shift_right_arithmetic3A_241, %and3A_243 : vector<16xi32>
        %mul3A_245 = arith.constant 2 : i32
        %mul3A_246 = vector.broadcast %mul3A_245 : i32 to vector<16xi32>
        %mul3A_247 = arith.muli %and3A_244, %mul3A_246 : vector<16xi32>
        %add3A_248 = arith.addi %add3A_238, %mul3A_247 : vector<16xi32>
        %shift_right_arithmetic3A_249 = arith.constant 24 : i32
        %shift_right_arithmetic3A_250 = vector.broadcast %shift_right_arithmetic3A_249 : i32 to vector<16xi32>
        %shift_right_arithmetic3A_251 = arith.shrsi %get3A_222, %shift_right_arithmetic3A_250 : vector<16xi32>
        %and3A_252 = arith.constant 255 : i32
        %and3A_253 = vector.broadcast %and3A_252 : i32 to vector<16xi32>
        %and3A_254 = arith.andi %shift_right_arithmetic3A_251, %and3A_253 : vector<16xi32>
        %add3A_255 = arith.addi %add3A_248, %and3A_254 : vector<16xi32>
        %min3A_256 = arith.constant 127 : i32
        %min3A_257 = vector.broadcast %min3A_256 : i32 to vector<16xi32>
        %min3A_258 = arith.minsi %add3A_255, %min3A_257 : vector<16xi32>
        %swap3A_259 = arith.constant 48 : index
        %swap3A_260 = tpu.vector_load %arg7[%swap3A_259] {strides = array<i32>} : memref<400xi32, #tpu.memory_space<vmem>>, vector<16xi32>,
        %swap3A_261 = vector.shape_cast %swap3A_260 : vector<16xi32> to vector<16xi32>
        %swap3A_262 = vector.shape_cast %min3A_258 : vector<16xi32> to vector<16xi32>
        tpu.vector_store %arg7[%swap3A_259], %swap3A_262 {strides = array<i32>} : memref<400xi32, #tpu.memory_space<vmem>>, vector<16xi32>,
        %get3A_263 = arith.constant 64 : index
        %get3A_264 = tpu.vector_load %arg5[%get3A_263] {strides = array<i32>} : memref<400xi32, #tpu.memory_space<vmem>>, vector<16xi32>,
        %get3A_265 = vector.shape_cast %get3A_264 : vector<16xi32> to vector<16xi32>
        %and3A_266 = arith.constant 255 : i32
        %and3A_267 = vector.broadcast %and3A_266 : i32 to vector<16xi32>
        %and3A_268 = arith.andi %get3A_265, %and3A_267 : vector<16xi32>
        %mul3A_269 = arith.constant 24 : i32
        %mul3A_270 = vector.broadcast %mul3A_269 : i32 to vector<16xi32>
        %mul3A_271 = arith.muli %and3A_268, %mul3A_270 : vector<16xi32>
        %shift_right_arithmetic3A_272 = arith.constant 8 : i32
        %shift_right_arithmetic3A_273 = vector.broadcast %shift_right_arithmetic3A_272 : i32 to vector<16xi32>
        %shift_right_arithmetic3A_274 = arith.shrsi %get3A_265, %shift_right_arithmetic3A_273 : vector<16xi32>
        %and3A_275 = arith.constant 255 : i32
        %and3A_276 = vector.broadcast %and3A_275 : i32 to vector<16xi32>
        %and3A_277 = arith.andi %shift_right_arithmetic3A_274, %and3A_276 : vector<16xi32>
        %mul3A_278 = arith.constant 4 : i32
        %mul3A_279 = vector.broadcast %mul3A_278 : i32 to vector<16xi32>
        %mul3A_280 = arith.muli %and3A_277, %mul3A_279 : vector<16xi32>
        %add3A_281 = arith.addi %mul3A_271, %mul3A_280 : vector<16xi32>
        %shift_right_arithmetic3A_282 = arith.constant 16 : i32
        %shift_right_arithmetic3A_283 = vector.broadcast %shift_right_arithmetic3A_282 : i32 to vector<16xi32>
        %shift_right_arithmetic3A_284 = arith.shrsi %get3A_265, %shift_right_arithmetic3A_283 : vector<16xi32>
        %and3A_285 = arith.constant 255 : i32
        %and3A_286 = vector.broadcast %and3A_285 : i32 to vector<16xi32>
        %and3A_287 = arith.andi %shift_right_arithmetic3A_284, %and3A_286 : vector<16xi32>
        %mul3A_288 = arith.constant 2 : i32
        %mul3A_289 = vector.broadcast %mul3A_288 : i32 to vector<16xi32>
        %mul3A_290 = arith.muli %and3A_287, %mul3A_289 : vector<16xi32>
        %add3A_291 = arith.addi %add3A_281, %mul3A_290 : vector<16xi32>
        %shift_right_arithmetic3A_292 = arith.constant 24 : i32
        %shift_right_arithmetic3A_293 = vector.broadcast %shift_right_arithmetic3A_292 : i32 to vector<16xi32>
        %shift_right_arithmetic3A_294 = arith.shrsi %get3A_265, %shift_right_arithmetic3A_293 : vector<16xi32>
        %and3A_295 = arith.constant 255 : i32
        %and3A_296 = vector.broadcast %and3A_295 : i32 to vector<16xi32>
        %and3A_297 = arith.andi %shift_right_arithmetic3A_294, %and3A_296 : vector<16xi32>
        %add3A_298 = arith.addi %add3A_291, %and3A_297 : vector<16xi32>
        %min3A_299 = arith.constant 127 : i32
        %min3A_300 = vector.broadcast %min3A_299 : i32 to vector<16xi32>
        %min3A_301 = arith.minsi %add3A_298, %min3A_300 : vector<16xi32>
        %swap3A_302 = arith.constant 64 : index
        %swap3A_303 = tpu.vector_load %arg7[%swap3A_302] {strides = array<i32>} : memref<400xi32, #tpu.memory_space<vmem>>, vector<16xi32>,
        %swap3A_304 = vector.shape_cast %swap3A_303 : vector<16xi32> to vector<16xi32>
        %swap3A_305 = vector.shape_cast %min3A_301 : vector<16xi32> to vector<16xi32>
        tpu.vector_store %arg7[%swap3A_302], %swap3A_305 {strides = array<i32>} : memref<400xi32, #tpu.memory_space<vmem>>, vector<16xi32>,
        %get3A_306 = arith.constant 80 : index
        %get3A_307 = tpu.vector_load %arg5[%get3A_306] {strides = array<i32>} : memref<400xi32, #tpu.memory_space<vmem>>, vector<16xi32>,
        %get3A_308 = vector.shape_cast %get3A_307 : vector<16xi32> to vector<16xi32>
        %and3A_309 = arith.constant 255 : i32
        %and3A_310 = vector.broadcast %and3A_309 : i32 to vector<16xi32>
        %and3A_311 = arith.andi %get3A_308, %and3A_310 : vector<16xi32>
        %mul3A_312 = arith.constant 24 : i32
        %mul3A_313 = vector.broadcast %mul3A_312 : i32 to vector<16xi32>
        %mul3A_314 = arith.muli %and3A_311, %mul3A_313 : vector<16xi32>
        %shift_right_arithmetic3A_315 = arith.constant 8 : i32
        %shift_right_arithmetic3A_316 = vector.broadcast %shift_right_arithmetic3A_315 : i32 to vector<16xi32>
        %shift_right_arithmetic3A_317 = arith.shrsi %get3A_308, %shift_right_arithmetic3A_316 : vector<16xi32>
        %and3A_318 = arith.constant 255 : i32
        %and3A_319 = vector.broadcast %and3A_318 : i32 to vector<16xi32>
        %and3A_320 = arith.andi %shift_right_arithmetic3A_317, %and3A_319 : vector<16xi32>
        %mul3A_321 = arith.constant 4 : i32
        %mul3A_322 = vector.broadcast %mul3A_321 : i32 to vector<16xi32>
        %mul3A_323 = arith.muli %and3A_320, %mul3A_322 : vector<16xi32>
        %add3A_324 = arith.addi %mul3A_314, %mul3A_323 : vector<16xi32>
        %shift_right_arithmetic3A_325 = arith.constant 16 : i32
        %shift_right_arithmetic3A_326 = vector.broadcast %shift_right_arithmetic3A_325 : i32 to vector<16xi32>
        %shift_right_arithmetic3A_327 = arith.shrsi %get3A_308, %shift_right_arithmetic3A_326 : vector<16xi32>
        %and3A_328 = arith.constant 255 : i32
        %and3A_329 = vector.broadcast %and3A_328 : i32 to vector<16xi32>
        %and3A_330 = arith.andi %shift_right_arithmetic3A_327, %and3A_329 : vector<16xi32>
        %mul3A_331 = arith.constant 2 : i32
        %mul3A_332 = vector.broadcast %mul3A_331 : i32 to vector<16xi32>
        %mul3A_333 = arith.muli %and3A_330, %mul3A_332 : vector<16xi32>
        %add3A_334 = arith.addi %add3A_324, %mul3A_333 : vector<16xi32>
        %shift_right_arithmetic3A_335 = arith.constant 24 : i32
        %shift_right_arithmetic3A_336 = vector.broadcast %shift_right_arithmetic3A_335 : i32 to vector<16xi32>
        %shift_right_arithmetic3A_337 = arith.shrsi %get3A_308, %shift_right_arithmetic3A_336 : vector<16xi32>
        %and3A_338 = arith.constant 255 : i32
        %and3A_339 = vector.broadcast %and3A_338 : i32 to vector<16xi32>
        %and3A_340 = arith.andi %shift_right_arithmetic3A_337, %and3A_339 : vector<16xi32>
        %add3A_341 = arith.addi %add3A_334, %and3A_340 : vector<16xi32>
        %min3A_342 = arith.constant 127 : i32
        %min3A_343 = vector.broadcast %min3A_342 : i32 to vector<16xi32>
        %min3A_344 = arith.minsi %add3A_341, %min3A_343 : vector<16xi32>
        %swap3A_345 = arith.constant 80 : index
        %swap3A_346 = tpu.vector_load %arg7[%swap3A_345] {strides = array<i32>} : memref<400xi32, #tpu.memory_space<vmem>>, vector<16xi32>,
        %swap3A_347 = vector.shape_cast %swap3A_346 : vector<16xi32> to vector<16xi32>
        %swap3A_348 = vector.shape_cast %min3A_344 : vector<16xi32> to vector<16xi32>
        tpu.vector_store %arg7[%swap3A_345], %swap3A_348 {strides = array<i32>} : memref<400xi32, #tpu.memory_space<vmem>>, vector<16xi32>,
        %get3A_349 = arith.constant 96 : index
        %get3A_350 = tpu.vector_load %arg5[%get3A_349] {strides = array<i32>} : memref<400xi32, #tpu.memory_space<vmem>>, vector<16xi32>,
        %get3A_351 = vector.shape_cast %get3A_350 : vector<16xi32> to vector<16xi32>
        %and3A_352 = arith.constant 255 : i32
        %and3A_353 = vector.broadcast %and3A_352 : i32 to vector<16xi32>
        %and3A_354 = arith.andi %get3A_351, %and3A_353 : vector<16xi32>
        %mul3A_355 = arith.constant 24 : i32
        %mul3A_356 = vector.broadcast %mul3A_355 : i32 to vector<16xi32>
        %mul3A_357 = arith.muli %and3A_354, %mul3A_356 : vector<16xi32>
        %shift_right_arithmetic3A_358 = arith.constant 8 : i32
        %shift_right_arithmetic3A_359 = vector.broadcast %shift_right_arithmetic3A_358 : i32 to vector<16xi32>
        %shift_right_arithmetic3A_360 = arith.shrsi %get3A_351, %shift_right_arithmetic3A_359 : vector<16xi32>
        %and3A_361 = arith.constant 255 : i32
        %and3A_362 = vector.broadcast %and3A_361 : i32 to vector<16xi32>
        %and3A_363 = arith.andi %shift_right_arithmetic3A_360, %and3A_362 : vector<16xi32>
        %mul3A_364 = arith.constant 4 : i32
        %mul3A_365 = vector.broadcast %mul3A_364 : i32 to vector<16xi32>
        %mul3A_366 = arith.muli %and3A_363, %mul3A_365 : vector<16xi32>
        %add3A_367 = arith.addi %mul3A_357, %mul3A_366 : vector<16xi32>
        %shift_right_arithmetic3A_368 = arith.constant 16 : i32
        %shift_right_arithmetic3A_369 = vector.broadcast %shift_right_arithmetic3A_368 : i32 to vector<16xi32>
        %shift_right_arithmetic3A_370 = arith.shrsi %get3A_351, %shift_right_arithmetic3A_369 : vector<16xi32>
        %and3A_371 = arith.constant 255 : i32
        %and3A_372 = vector.broadcast %and3A_371 : i32 to vector<16xi32>
        %and3A_373 = arith.andi %shift_right_arithmetic3A_370, %and3A_372 : vector<16xi32>
        %mul3A_374 = arith.constant 2 : i32
        %mul3A_375 = vector.broadcast %mul3A_374 : i32 to vector<16xi32>
        %mul3A_376 = arith.muli %and3A_373, %mul3A_375 : vector<16xi32>
        %add3A_377 = arith.addi %add3A_367, %mul3A_376 : vector<16xi32>
        %shift_right_arithmetic3A_378 = arith.constant 24 : i32
        %shift_right_arithmetic3A_379 = vector.broadcast %shift_right_arithmetic3A_378 : i32 to vector<16xi32>
        %shift_right_arithmetic3A_380 = arith.shrsi %get3A_351, %shift_right_arithmetic3A_379 : vector<16xi32>
        %and3A_381 = arith.constant 255 : i32
        %and3A_382 = vector.broadcast %and3A_381 : i32 to vector<16xi32>
        %and3A_383 = arith.andi %shift_right_arithmetic3A_380, %and3A_382 : vector<16xi32>
        %add3A_384 = arith.addi %add3A_377, %and3A_383 : vector<16xi32>
        %min3A_385 = arith.constant 127 : i32
        %min3A_386 = vector.broadcast %min3A_385 : i32 to vector<16xi32>
        %min3A_387 = arith.minsi %add3A_384, %min3A_386 : vector<16xi32>
        %swap3A_388 = arith.constant 96 : index
        %swap3A_389 = tpu.vector_load %arg7[%swap3A_388] {strides = array<i32>} : memref<400xi32, #tpu.memory_space<vmem>>, vector<16xi32>,
        %swap3A_390 = vector.shape_cast %swap3A_389 : vector<16xi32> to vector<16xi32>
        %swap3A_391 = vector.shape_cast %min3A_387 : vector<16xi32> to vector<16xi32>
        tpu.vector_store %arg7[%swap3A_388], %swap3A_391 {strides = array<i32>} : memref<400xi32, #tpu.memory_space<vmem>>, vector<16xi32>,
        %get3A_392 = arith.constant 112 : index
        %get3A_393 = tpu.vector_load %arg5[%get3A_392] {strides = array<i32>} : memref<400xi32, #tpu.memory_space<vmem>>, vector<16xi32>,
        %get3A_394 = vector.shape_cast %get3A_393 : vector<16xi32> to vector<16xi32>
        %and3A_395 = arith.constant 255 : i32
        %and3A_396 = vector.broadcast %and3A_395 : i32 to vector<16xi32>
        %and3A_397 = arith.andi %get3A_394, %and3A_396 : vector<16xi32>
        %mul3A_398 = arith.constant 24 : i32
        %mul3A_399 = vector.broadcast %mul3A_398 : i32 to vector<16xi32>
        %mul3A_400 = arith.muli %and3A_397, %mul3A_399 : vector<16xi32>
        %shift_right_arithmetic3A_401 = arith.constant 8 : i32
        %shift_right_arithmetic3A_402 = vector.broadcast %shift_right_arithmetic3A_401 : i32 to vector<16xi32>
        %shift_right_arithmetic3A_403 = arith.shrsi %get3A_394, %shift_right_arithmetic3A_402 : vector<16xi32>
        %and3A_404 = arith.constant 255 : i32
        %and3A_405 = vector.broadcast %and3A_404 : i32 to vector<16xi32>
        %and3A_406 = arith.andi %shift_right_arithmetic3A_403, %and3A_405 : vector<16xi32>
        %mul3A_407 = arith.constant 4 : i32
        %mul3A_408 = vector.broadcast %mul3A_407 : i32 to vector<16xi32>
        %mul3A_409 = arith.muli %and3A_406, %mul3A_408 : vector<16xi32>
        %add3A_410 = arith.addi %mul3A_400, %mul3A_409 : vector<16xi32>
        %shift_right_arithmetic3A_411 = arith.constant 16 : i32
        %shift_right_arithmetic3A_412 = vector.broadcast %shift_right_arithmetic3A_411 : i32 to vector<16xi32>
        %shift_right_arithmetic3A_413 = arith.shrsi %get3A_394, %shift_right_arithmetic3A_412 : vector<16xi32>
        %and3A_414 = arith.constant 255 : i32
        %and3A_415 = vector.broadcast %and3A_414 : i32 to vector<16xi32>
        %and3A_416 = arith.andi %shift_right_arithmetic3A_413, %and3A_415 : vector<16xi32>
        %mul3A_417 = arith.constant 2 : i32
        %mul3A_418 = vector.broadcast %mul3A_417 : i32 to vector<16xi32>
        %mul3A_419 = arith.muli %and3A_416, %mul3A_418 : vector<16xi32>
        %add3A_420 = arith.addi %add3A_410, %mul3A_419 : vector<16xi32>
        %shift_right_arithmetic3A_421 = arith.constant 24 : i32
        %shift_right_arithmetic3A_422 = vector.broadcast %shift_right_arithmetic3A_421 : i32 to vector<16xi32>
        %shift_right_arithmetic3A_423 = arith.shrsi %get3A_394, %shift_right_arithmetic3A_422 : vector<16xi32>
        %and3A_424 = arith.constant 255 : i32
        %and3A_425 = vector.broadcast %and3A_424 : i32 to vector<16xi32>
        %and3A_426 = arith.andi %shift_right_arithmetic3A_423, %and3A_425 : vector<16xi32>
        %add3A_427 = arith.addi %add3A_420, %and3A_426 : vector<16xi32>
        %min3A_428 = arith.constant 127 : i32
        %min3A_429 = vector.broadcast %min3A_428 : i32 to vector<16xi32>
        %min3A_430 = arith.minsi %add3A_427, %min3A_429 : vector<16xi32>
        %swap3A_431 = arith.constant 112 : index
        %swap3A_432 = tpu.vector_load %arg7[%swap3A_431] {strides = array<i32>} : memref<400xi32, #tpu.memory_space<vmem>>, vector<16xi32>,
        %swap3A_433 = vector.shape_cast %swap3A_432 : vector<16xi32> to vector<16xi32>
        %swap3A_434 = vector.shape_cast %min3A_430 : vector<16xi32> to vector<16xi32>
        tpu.vector_store %arg7[%swap3A_431], %swap3A_434 {strides = array<i32>} : memref<400xi32, #tpu.memory_space<vmem>>, vector<16xi32>,
        %get3A_435 = arith.constant 128 : index
        %get3A_436 = tpu.vector_load %arg5[%get3A_435] {strides = array<i32>} : memref<400xi32, #tpu.memory_space<vmem>>, vector<16xi32>,
        %get3A_437 = vector.shape_cast %get3A_436 : vector<16xi32> to vector<16xi32>
        %and3A_438 = arith.constant 255 : i32
        %and3A_439 = vector.broadcast %and3A_438 : i32 to vector<16xi32>
        %and3A_440 = arith.andi %get3A_437, %and3A_439 : vector<16xi32>
        %mul3A_441 = arith.constant 24 : i32
        %mul3A_442 = vector.broadcast %mul3A_441 : i32 to vector<16xi32>
        %mul3A_443 = arith.muli %and3A_440, %mul3A_442 : vector<16xi32>
        %shift_right_arithmetic3A_444 = arith.constant 8 : i32
        %shift_right_arithmetic3A_445 = vector.broadcast %shift_right_arithmetic3A_444 : i32 to vector<16xi32>
        %shift_right_arithmetic3A_446 = arith.shrsi %get3A_437, %shift_right_arithmetic3A_445 : vector<16xi32>
        %and3A_447 = arith.constant 255 : i32
        %and3A_448 = vector.broadcast %and3A_447 : i32 to vector<16xi32>
        %and3A_449 = arith.andi %shift_right_arithmetic3A_446, %and3A_448 : vector<16xi32>
        %mul3A_450 = arith.constant 4 : i32
        %mul3A_451 = vector.broadcast %mul3A_450 : i32 to vector<16xi32>
        %mul3A_452 = arith.muli %and3A_449, %mul3A_451 : vector<16xi32>
        %add3A_453 = arith.addi %mul3A_443, %mul3A_452 : vector<16xi32>
        %shift_right_arithmetic3A_454 = arith.constant 16 : i32
        %shift_right_arithmetic3A_455 = vector.broadcast %shift_right_arithmetic3A_454 : i32 to vector<16xi32>
        %shift_right_arithmetic3A_456 = arith.shrsi %get3A_437, %shift_right_arithmetic3A_455 : vector<16xi32>
        %and3A_457 = arith.constant 255 : i32
        %and3A_458 = vector.broadcast %and3A_457 : i32 to vector<16xi32>
        %and3A_459 = arith.andi %shift_right_arithmetic3A_456, %and3A_458 : vector<16xi32>
        %mul3A_460 = arith.constant 2 : i32
        %mul3A_461 = vector.broadcast %mul3A_460 : i32 to vector<16xi32>
        %mul3A_462 = arith.muli %and3A_459, %mul3A_461 : vector<16xi32>
        %add3A_463 = arith.addi %add3A_453, %mul3A_462 : vector<16xi32>
        %shift_right_arithmetic3A_464 = arith.constant 24 : i32
        %shift_right_arithmetic3A_465 = vector.broadcast %shift_right_arithmetic3A_464 : i32 to vector<16xi32>
        %shift_right_arithmetic3A_466 = arith.shrsi %get3A_437, %shift_right_arithmetic3A_465 : vector<16xi32>
        %and3A_467 = arith.constant 255 : i32
        %and3A_468 = vector.broadcast %and3A_467 : i32 to vector<16xi32>
        %and3A_469 = arith.andi %shift_right_arithmetic3A_466, %and3A_468 : vector<16xi32>
        %add3A_470 = arith.addi %add3A_463, %and3A_469 : vector<16xi32>
        %min3A_471 = arith.constant 127 : i32
        %min3A_472 = vector.broadcast %min3A_471 : i32 to vector<16xi32>
        %min3A_473 = arith.minsi %add3A_470, %min3A_472 : vector<16xi32>
        %swap3A_474 = arith.constant 128 : index
        %swap3A_475 = tpu.vector_load %arg7[%swap3A_474] {strides = array<i32>} : memref<400xi32, #tpu.memory_space<vmem>>, vector<16xi32>,
        %swap3A_476 = vector.shape_cast %swap3A_475 : vector<16xi32> to vector<16xi32>
        %swap3A_477 = vector.shape_cast %min3A_473 : vector<16xi32> to vector<16xi32>
        tpu.vector_store %arg7[%swap3A_474], %swap3A_477 {strides = array<i32>} : memref<400xi32, #tpu.memory_space<vmem>>, vector<16xi32>,
        %get3A_478 = arith.constant 144 : index
        %get3A_479 = tpu.vector_load %arg5[%get3A_478] {strides = array<i32>} : memref<400xi32, #tpu.memory_space<vmem>>, vector<16xi32>,
        %get3A_480 = vector.shape_cast %get3A_479 : vector<16xi32> to vector<16xi32>
        %and3A_481 = arith.constant 255 : i32
        %and3A_482 = vector.broadcast %and3A_481 : i32 to vector<16xi32>
        %and3A_483 = arith.andi %get3A_480, %and3A_482 : vector<16xi32>
        %mul3A_484 = arith.constant 24 : i32
        %mul3A_485 = vector.broadcast %mul3A_484 : i32 to vector<16xi32>
        %mul3A_486 = arith.muli %and3A_483, %mul3A_485 : vector<16xi32>
        %shift_right_arithmetic3A_487 = arith.constant 8 : i32
        %shift_right_arithmetic3A_488 = vector.broadcast %shift_right_arithmetic3A_487 : i32 to vector<16xi32>
        %shift_right_arithmetic3A_489 = arith.shrsi %get3A_480, %shift_right_arithmetic3A_488 : vector<16xi32>
        %and3A_490 = arith.constant 255 : i32
        %and3A_491 = vector.broadcast %and3A_490 : i32 to vector<16xi32>
        %and3A_492 = arith.andi %shift_right_arithmetic3A_489, %and3A_491 : vector<16xi32>
        %mul3A_493 = arith.constant 4 : i32
        %mul3A_494 = vector.broadcast %mul3A_493 : i32 to vector<16xi32>
        %mul3A_495 = arith.muli %and3A_492, %mul3A_494 : vector<16xi32>
        %add3A_496 = arith.addi %mul3A_486, %mul3A_495 : vector<16xi32>
        %shift_right_arithmetic3A_497 = arith.constant 16 : i32
        %shift_right_arithmetic3A_498 = vector.broadcast %shift_right_arithmetic3A_497 : i32 to vector<16xi32>
        %shift_right_arithmetic3A_499 = arith.shrsi %get3A_480, %shift_right_arithmetic3A_498 : vector<16xi32>
        %and3A_500 = arith.constant 255 : i32
        %and3A_501 = vector.broadcast %and3A_500 : i32 to vector<16xi32>
        %and3A_502 = arith.andi %shift_right_arithmetic3A_499, %and3A_501 : vector<16xi32>
        %mul3A_503 = arith.constant 2 : i32
        %mul3A_504 = vector.broadcast %mul3A_503 : i32 to vector<16xi32>
        %mul3A_505 = arith.muli %and3A_502, %mul3A_504 : vector<16xi32>
        %add3A_506 = arith.addi %add3A_496, %mul3A_505 : vector<16xi32>
        %shift_right_arithmetic3A_507 = arith.constant 24 : i32
        %shift_right_arithmetic3A_508 = vector.broadcast %shift_right_arithmetic3A_507 : i32 to vector<16xi32>
        %shift_right_arithmetic3A_509 = arith.shrsi %get3A_480, %shift_right_arithmetic3A_508 : vector<16xi32>
        %and3A_510 = arith.constant 255 : i32
        %and3A_511 = vector.broadcast %and3A_510 : i32 to vector<16xi32>
        %and3A_512 = arith.andi %shift_right_arithmetic3A_509, %and3A_511 : vector<16xi32>
        %add3A_513 = arith.addi %add3A_506, %and3A_512 : vector<16xi32>
        %min3A_514 = arith.constant 127 : i32
        %min3A_515 = vector.broadcast %min3A_514 : i32 to vector<16xi32>
        %min3A_516 = arith.minsi %add3A_513, %min3A_515 : vector<16xi32>
        %swap3A_517 = arith.constant 144 : index
        %swap3A_518 = tpu.vector_load %arg7[%swap3A_517] {strides = array<i32>} : memref<400xi32, #tpu.memory_space<vmem>>, vector<16xi32>,
        %swap3A_519 = vector.shape_cast %swap3A_518 : vector<16xi32> to vector<16xi32>
        %swap3A_520 = vector.shape_cast %min3A_516 : vector<16xi32> to vector<16xi32>
        tpu.vector_store %arg7[%swap3A_517], %swap3A_520 {strides = array<i32>} : memref<400xi32, #tpu.memory_space<vmem>>, vector<16xi32>,
        %get3A_521 = arith.constant 160 : index
        %get3A_522 = tpu.vector_load %arg5[%get3A_521] {strides = array<i32>} : memref<400xi32, #tpu.memory_space<vmem>>, vector<16xi32>,
        %get3A_523 = vector.shape_cast %get3A_522 : vector<16xi32> to vector<16xi32>
        %and3A_524 = arith.constant 255 : i32
        %and3A_525 = vector.broadcast %and3A_524 : i32 to vector<16xi32>
        %and3A_526 = arith.andi %get3A_523, %and3A_525 : vector<16xi32>
        %mul3A_527 = arith.constant 24 : i32
        %mul3A_528 = vector.broadcast %mul3A_527 : i32 to vector<16xi32>
        %mul3A_529 = arith.muli %and3A_526, %mul3A_528 : vector<16xi32>
        %shift_right_arithmetic3A_530 = arith.constant 8 : i32
        %shift_right_arithmetic3A_531 = vector.broadcast %shift_right_arithmetic3A_530 : i32 to vector<16xi32>
        %shift_right_arithmetic3A_532 = arith.shrsi %get3A_523, %shift_right_arithmetic3A_531 : vector<16xi32>
        %and3A_533 = arith.constant 255 : i32
        %and3A_534 = vector.broadcast %and3A_533 : i32 to vector<16xi32>
        %and3A_535 = arith.andi %shift_right_arithmetic3A_532, %and3A_534 : vector<16xi32>
        %mul3A_536 = arith.constant 4 : i32
        %mul3A_537 = vector.broadcast %mul3A_536 : i32 to vector<16xi32>
        %mul3A_538 = arith.muli %and3A_535, %mul3A_537 : vector<16xi32>
        %add3A_539 = arith.addi %mul3A_529, %mul3A_538 : vector<16xi32>
        %shift_right_arithmetic3A_540 = arith.constant 16 : i32
        %shift_right_arithmetic3A_541 = vector.broadcast %shift_right_arithmetic3A_540 : i32 to vector<16xi32>
        %shift_right_arithmetic3A_542 = arith.shrsi %get3A_523, %shift_right_arithmetic3A_541 : vector<16xi32>
        %and3A_543 = arith.constant 255 : i32
        %and3A_544 = vector.broadcast %and3A_543 : i32 to vector<16xi32>
        %and3A_545 = arith.andi %shift_right_arithmetic3A_542, %and3A_544 : vector<16xi32>
        %mul3A_546 = arith.constant 2 : i32
        %mul3A_547 = vector.broadcast %mul3A_546 : i32 to vector<16xi32>
        %mul3A_548 = arith.muli %and3A_545, %mul3A_547 : vector<16xi32>
        %add3A_549 = arith.addi %add3A_539, %mul3A_548 : vector<16xi32>
        %shift_right_arithmetic3A_550 = arith.constant 24 : i32
        %shift_right_arithmetic3A_551 = vector.broadcast %shift_right_arithmetic3A_550 : i32 to vector<16xi32>
        %shift_right_arithmetic3A_552 = arith.shrsi %get3A_523, %shift_right_arithmetic3A_551 : vector<16xi32>
        %and3A_553 = arith.constant 255 : i32
        %and3A_554 = vector.broadcast %and3A_553 : i32 to vector<16xi32>
        %and3A_555 = arith.andi %shift_right_arithmetic3A_552, %and3A_554 : vector<16xi32>
        %add3A_556 = arith.addi %add3A_549, %and3A_555 : vector<16xi32>
        %min3A_557 = arith.constant 127 : i32
        %min3A_558 = vector.broadcast %min3A_557 : i32 to vector<16xi32>
        %min3A_559 = arith.minsi %add3A_556, %min3A_558 : vector<16xi32>
        %swap3A_560 = arith.constant 160 : index
        %swap3A_561 = tpu.vector_load %arg7[%swap3A_560] {strides = array<i32>} : memref<400xi32, #tpu.memory_space<vmem>>, vector<16xi32>,
        %swap3A_562 = vector.shape_cast %swap3A_561 : vector<16xi32> to vector<16xi32>
        %swap3A_563 = vector.shape_cast %min3A_559 : vector<16xi32> to vector<16xi32>
        tpu.vector_store %arg7[%swap3A_560], %swap3A_563 {strides = array<i32>} : memref<400xi32, #tpu.memory_space<vmem>>, vector<16xi32>,
        %get3A_564 = arith.constant 176 : index
        %get3A_565 = tpu.vector_load %arg5[%get3A_564] {strides = array<i32>} : memref<400xi32, #tpu.memory_space<vmem>>, vector<16xi32>,
        %get3A_566 = vector.shape_cast %get3A_565 : vector<16xi32> to vector<16xi32>
        %and3A_567 = arith.constant 255 : i32
        %and3A_568 = vector.broadcast %and3A_567 : i32 to vector<16xi32>
        %and3A_569 = arith.andi %get3A_566, %and3A_568 : vector<16xi32>
        %mul3A_570 = arith.constant 24 : i32
        %mul3A_571 = vector.broadcast %mul3A_570 : i32 to vector<16xi32>
        %mul3A_572 = arith.muli %and3A_569, %mul3A_571 : vector<16xi32>
        %shift_right_arithmetic3A_573 = arith.constant 8 : i32
        %shift_right_arithmetic3A_574 = vector.broadcast %shift_right_arithmetic3A_573 : i32 to vector<16xi32>
        %shift_right_arithmetic3A_575 = arith.shrsi %get3A_566, %shift_right_arithmetic3A_574 : vector<16xi32>
        %and3A_576 = arith.constant 255 : i32
        %and3A_577 = vector.broadcast %and3A_576 : i32 to vector<16xi32>
        %and3A_578 = arith.andi %shift_right_arithmetic3A_575, %and3A_577 : vector<16xi32>
        %mul3A_579 = arith.constant 4 : i32
        %mul3A_580 = vector.broadcast %mul3A_579 : i32 to vector<16xi32>
        %mul3A_581 = arith.muli %and3A_578, %mul3A_580 : vector<16xi32>
        %add3A_582 = arith.addi %mul3A_572, %mul3A_581 : vector<16xi32>
        %shift_right_arithmetic3A_583 = arith.constant 16 : i32
        %shift_right_arithmetic3A_584 = vector.broadcast %shift_right_arithmetic3A_583 : i32 to vector<16xi32>
        %shift_right_arithmetic3A_585 = arith.shrsi %get3A_566, %shift_right_arithmetic3A_584 : vector<16xi32>
        %and3A_586 = arith.constant 255 : i32
        %and3A_587 = vector.broadcast %and3A_586 : i32 to vector<16xi32>
        %and3A_588 = arith.andi %shift_right_arithmetic3A_585, %and3A_587 : vector<16xi32>
        %mul3A_589 = arith.constant 2 : i32
        %mul3A_590 = vector.broadcast %mul3A_589 : i32 to vector<16xi32>
        %mul3A_591 = arith.muli %and3A_588, %mul3A_590 : vector<16xi32>
        %add3A_592 = arith.addi %add3A_582, %mul3A_591 : vector<16xi32>
        %shift_right_arithmetic3A_593 = arith.constant 24 : i32
        %shift_right_arithmetic3A_594 = vector.broadcast %shift_right_arithmetic3A_593 : i32 to vector<16xi32>
        %shift_right_arithmetic3A_595 = arith.shrsi %get3A_566, %shift_right_arithmetic3A_594 : vector<16xi32>
        %and3A_596 = arith.constant 255 : i32
        %and3A_597 = vector.broadcast %and3A_596 : i32 to vector<16xi32>
        %and3A_598 = arith.andi %shift_right_arithmetic3A_595, %and3A_597 : vector<16xi32>
        %add3A_599 = arith.addi %add3A_592, %and3A_598 : vector<16xi32>
        %min3A_600 = arith.constant 127 : i32
        %min3A_601 = vector.broadcast %min3A_600 : i32 to vector<16xi32>
        %min3A_602 = arith.minsi %add3A_599, %min3A_601 : vector<16xi32>
        %swap3A_603 = arith.constant 176 : index
        %swap3A_604 = tpu.vector_load %arg7[%swap3A_603] {strides = array<i32>} : memref<400xi32, #tpu.memory_space<vmem>>, vector<16xi32>,
        %swap3A_605 = vector.shape_cast %swap3A_604 : vector<16xi32> to vector<16xi32>
        %swap3A_606 = vector.shape_cast %min3A_602 : vector<16xi32> to vector<16xi32>
        tpu.vector_store %arg7[%swap3A_603], %swap3A_606 {strides = array<i32>} : memref<400xi32, #tpu.memory_space<vmem>>, vector<16xi32>,
        %get3A_607 = arith.constant 192 : index
        %get3A_608 = tpu.vector_load %arg5[%get3A_607] {strides = array<i32>} : memref<400xi32, #tpu.memory_space<vmem>>, vector<16xi32>,
        %get3A_609 = vector.shape_cast %get3A_608 : vector<16xi32> to vector<16xi32>
        %and3A_610 = arith.constant 255 : i32
        %and3A_611 = vector.broadcast %and3A_610 : i32 to vector<16xi32>
        %and3A_612 = arith.andi %get3A_609, %and3A_611 : vector<16xi32>
        %mul3A_613 = arith.constant 24 : i32
        %mul3A_614 = vector.broadcast %mul3A_613 : i32 to vector<16xi32>
        %mul3A_615 = arith.muli %and3A_612, %mul3A_614 : vector<16xi32>
        %shift_right_arithmetic3A_616 = arith.constant 8 : i32
        %shift_right_arithmetic3A_617 = vector.broadcast %shift_right_arithmetic3A_616 : i32 to vector<16xi32>
        %shift_right_arithmetic3A_618 = arith.shrsi %get3A_609, %shift_right_arithmetic3A_617 : vector<16xi32>
        %and3A_619 = arith.constant 255 : i32
        %and3A_620 = vector.broadcast %and3A_619 : i32 to vector<16xi32>
        %and3A_621 = arith.andi %shift_right_arithmetic3A_618, %and3A_620 : vector<16xi32>
        %mul3A_622 = arith.constant 4 : i32
        %mul3A_623 = vector.broadcast %mul3A_622 : i32 to vector<16xi32>
        %mul3A_624 = arith.muli %and3A_621, %mul3A_623 : vector<16xi32>
        %add3A_625 = arith.addi %mul3A_615, %mul3A_624 : vector<16xi32>
        %shift_right_arithmetic3A_626 = arith.constant 16 : i32
        %shift_right_arithmetic3A_627 = vector.broadcast %shift_right_arithmetic3A_626 : i32 to vector<16xi32>
        %shift_right_arithmetic3A_628 = arith.shrsi %get3A_609, %shift_right_arithmetic3A_627 : vector<16xi32>
        %and3A_629 = arith.constant 255 : i32
        %and3A_630 = vector.broadcast %and3A_629 : i32 to vector<16xi32>
        %and3A_631 = arith.andi %shift_right_arithmetic3A_628, %and3A_630 : vector<16xi32>
        %mul3A_632 = arith.constant 2 : i32
        %mul3A_633 = vector.broadcast %mul3A_632 : i32 to vector<16xi32>
        %mul3A_634 = arith.muli %and3A_631, %mul3A_633 : vector<16xi32>
        %add3A_635 = arith.addi %add3A_625, %mul3A_634 : vector<16xi32>
        %shift_right_arithmetic3A_636 = arith.constant 24 : i32
        %shift_right_arithmetic3A_637 = vector.broadcast %shift_right_arithmetic3A_636 : i32 to vector<16xi32>
        %shift_right_arithmetic3A_638 = arith.shrsi %get3A_609, %shift_right_arithmetic3A_637 : vector<16xi32>
        %and3A_639 = arith.constant 255 : i32
        %and3A_640 = vector.broadcast %and3A_639 : i32 to vector<16xi32>
        %and3A_641 = arith.andi %shift_right_arithmetic3A_638, %and3A_640 : vector<16xi32>
        %add3A_642 = arith.addi %add3A_635, %and3A_641 : vector<16xi32>
        %min3A_643 = arith.constant 127 : i32
        %min3A_644 = vector.broadcast %min3A_643 : i32 to vector<16xi32>
        %min3A_645 = arith.minsi %add3A_642, %min3A_644 : vector<16xi32>
        %swap3A_646 = arith.constant 192 : index
        %swap3A_647 = tpu.vector_load %arg7[%swap3A_646] {strides = array<i32>} : memref<400xi32, #tpu.memory_space<vmem>>, vector<16xi32>,
        %swap3A_648 = vector.shape_cast %swap3A_647 : vector<16xi32> to vector<16xi32>
        %swap3A_649 = vector.shape_cast %min3A_645 : vector<16xi32> to vector<16xi32>
        tpu.vector_store %arg7[%swap3A_646], %swap3A_649 {strides = array<i32>} : memref<400xi32, #tpu.memory_space<vmem>>, vector<16xi32>,
        %get3A_650 = arith.constant 208 : index
        %get3A_651 = tpu.vector_load %arg5[%get3A_650] {strides = array<i32>} : memref<400xi32, #tpu.memory_space<vmem>>, vector<16xi32>,
        %get3A_652 = vector.shape_cast %get3A_651 : vector<16xi32> to vector<16xi32>
        %and3A_653 = arith.constant 255 : i32
        %and3A_654 = vector.broadcast %and3A_653 : i32 to vector<16xi32>
        %and3A_655 = arith.andi %get3A_652, %and3A_654 : vector<16xi32>
        %mul3A_656 = arith.constant 24 : i32
        %mul3A_657 = vector.broadcast %mul3A_656 : i32 to vector<16xi32>
        %mul3A_658 = arith.muli %and3A_655, %mul3A_657 : vector<16xi32>
        %shift_right_arithmetic3A_659 = arith.constant 8 : i32
        %shift_right_arithmetic3A_660 = vector.broadcast %shift_right_arithmetic3A_659 : i32 to vector<16xi32>
        %shift_right_arithmetic3A_661 = arith.shrsi %get3A_652, %shift_right_arithmetic3A_660 : vector<16xi32>
        %and3A_662 = arith.constant 255 : i32
        %and3A_663 = vector.broadcast %and3A_662 : i32 to vector<16xi32>
        %and3A_664 = arith.andi %shift_right_arithmetic3A_661, %and3A_663 : vector<16xi32>
        %mul3A_665 = arith.constant 4 : i32
        %mul3A_666 = vector.broadcast %mul3A_665 : i32 to vector<16xi32>
        %mul3A_667 = arith.muli %and3A_664, %mul3A_666 : vector<16xi32>
        %add3A_668 = arith.addi %mul3A_658, %mul3A_667 : vector<16xi32>
        %shift_right_arithmetic3A_669 = arith.constant 16 : i32
        %shift_right_arithmetic3A_670 = vector.broadcast %shift_right_arithmetic3A_669 : i32 to vector<16xi32>
        %shift_right_arithmetic3A_671 = arith.shrsi %get3A_652, %shift_right_arithmetic3A_670 : vector<16xi32>
        %and3A_672 = arith.constant 255 : i32
        %and3A_673 = vector.broadcast %and3A_672 : i32 to vector<16xi32>
        %and3A_674 = arith.andi %shift_right_arithmetic3A_671, %and3A_673 : vector<16xi32>
        %mul3A_675 = arith.constant 2 : i32
        %mul3A_676 = vector.broadcast %mul3A_675 : i32 to vector<16xi32>
        %mul3A_677 = arith.muli %and3A_674, %mul3A_676 : vector<16xi32>
        %add3A_678 = arith.addi %add3A_668, %mul3A_677 : vector<16xi32>
        %shift_right_arithmetic3A_679 = arith.constant 24 : i32
        %shift_right_arithmetic3A_680 = vector.broadcast %shift_right_arithmetic3A_679 : i32 to vector<16xi32>
        %shift_right_arithmetic3A_681 = arith.shrsi %get3A_652, %shift_right_arithmetic3A_680 : vector<16xi32>
        %and3A_682 = arith.constant 255 : i32
        %and3A_683 = vector.broadcast %and3A_682 : i32 to vector<16xi32>
        %and3A_684 = arith.andi %shift_right_arithmetic3A_681, %and3A_683 : vector<16xi32>
        %add3A_685 = arith.addi %add3A_678, %and3A_684 : vector<16xi32>
        %min3A_686 = arith.constant 127 : i32
        %min3A_687 = vector.broadcast %min3A_686 : i32 to vector<16xi32>
        %min3A_688 = arith.minsi %add3A_685, %min3A_687 : vector<16xi32>
        %swap3A_689 = arith.constant 208 : index
        %swap3A_690 = tpu.vector_load %arg7[%swap3A_689] {strides = array<i32>} : memref<400xi32, #tpu.memory_space<vmem>>, vector<16xi32>,
        %swap3A_691 = vector.shape_cast %swap3A_690 : vector<16xi32> to vector<16xi32>
        %swap3A_692 = vector.shape_cast %min3A_688 : vector<16xi32> to vector<16xi32>
        tpu.vector_store %arg7[%swap3A_689], %swap3A_692 {strides = array<i32>} : memref<400xi32, #tpu.memory_space<vmem>>, vector<16xi32>,
        %get3A_693 = arith.constant 224 : index
        %get3A_694 = tpu.vector_load %arg5[%get3A_693] {strides = array<i32>} : memref<400xi32, #tpu.memory_space<vmem>>, vector<16xi32>,
        %get3A_695 = vector.shape_cast %get3A_694 : vector<16xi32> to vector<16xi32>
        %and3A_696 = arith.constant 255 : i32
        %and3A_697 = vector.broadcast %and3A_696 : i32 to vector<16xi32>
        %and3A_698 = arith.andi %get3A_695, %and3A_697 : vector<16xi32>
        %mul3A_699 = arith.constant 24 : i32
        %mul3A_700 = vector.broadcast %mul3A_699 : i32 to vector<16xi32>
        %mul3A_701 = arith.muli %and3A_698, %mul3A_700 : vector<16xi32>
        %shift_right_arithmetic3A_702 = arith.constant 8 : i32
        %shift_right_arithmetic3A_703 = vector.broadcast %shift_right_arithmetic3A_702 : i32 to vector<16xi32>
        %shift_right_arithmetic3A_704 = arith.shrsi %get3A_695, %shift_right_arithmetic3A_703 : vector<16xi32>
        %and3A_705 = arith.constant 255 : i32
        %and3A_706 = vector.broadcast %and3A_705 : i32 to vector<16xi32>
        %and3A_707 = arith.andi %shift_right_arithmetic3A_704, %and3A_706 : vector<16xi32>
        %mul3A_708 = arith.constant 4 : i32
        %mul3A_709 = vector.broadcast %mul3A_708 : i32 to vector<16xi32>
        %mul3A_710 = arith.muli %and3A_707, %mul3A_709 : vector<16xi32>
        %add3A_711 = arith.addi %mul3A_701, %mul3A_710 : vector<16xi32>
        %shift_right_arithmetic3A_712 = arith.constant 16 : i32
        %shift_right_arithmetic3A_713 = vector.broadcast %shift_right_arithmetic3A_712 : i32 to vector<16xi32>
        %shift_right_arithmetic3A_714 = arith.shrsi %get3A_695, %shift_right_arithmetic3A_713 : vector<16xi32>
        %and3A_715 = arith.constant 255 : i32
        %and3A_716 = vector.broadcast %and3A_715 : i32 to vector<16xi32>
        %and3A_717 = arith.andi %shift_right_arithmetic3A_714, %and3A_716 : vector<16xi32>
        %mul3A_718 = arith.constant 2 : i32
        %mul3A_719 = vector.broadcast %mul3A_718 : i32 to vector<16xi32>
        %mul3A_720 = arith.muli %and3A_717, %mul3A_719 : vector<16xi32>
        %add3A_721 = arith.addi %add3A_711, %mul3A_720 : vector<16xi32>
        %shift_right_arithmetic3A_722 = arith.constant 24 : i32
        %shift_right_arithmetic3A_723 = vector.broadcast %shift_right_arithmetic3A_722 : i32 to vector<16xi32>
        %shift_right_arithmetic3A_724 = arith.shrsi %get3A_695, %shift_right_arithmetic3A_723 : vector<16xi32>
        %and3A_725 = arith.constant 255 : i32
        %and3A_726 = vector.broadcast %and3A_725 : i32 to vector<16xi32>
        %and3A_727 = arith.andi %shift_right_arithmetic3A_724, %and3A_726 : vector<16xi32>
        %add3A_728 = arith.addi %add3A_721, %and3A_727 : vector<16xi32>
        %min3A_729 = arith.constant 127 : i32
        %min3A_730 = vector.broadcast %min3A_729 : i32 to vector<16xi32>
        %min3A_731 = arith.minsi %add3A_728, %min3A_730 : vector<16xi32>
        %swap3A_732 = arith.constant 224 : index
        %swap3A_733 = tpu.vector_load %arg7[%swap3A_732] {strides = array<i32>} : memref<400xi32, #tpu.memory_space<vmem>>, vector<16xi32>,
        %swap3A_734 = vector.shape_cast %swap3A_733 : vector<16xi32> to vector<16xi32>
        %swap3A_735 = vector.shape_cast %min3A_731 : vector<16xi32> to vector<16xi32>
        tpu.vector_store %arg7[%swap3A_732], %swap3A_735 {strides = array<i32>} : memref<400xi32, #tpu.memory_space<vmem>>, vector<16xi32>,
        %get3A_736 = arith.constant 240 : index
        %get3A_737 = tpu.vector_load %arg5[%get3A_736] {strides = array<i32>} : memref<400xi32, #tpu.memory_space<vmem>>, vector<16xi32>,
        %get3A_738 = vector.shape_cast %get3A_737 : vector<16xi32> to vector<16xi32>
        %and3A_739 = arith.constant 255 : i32
        %and3A_740 = vector.broadcast %and3A_739 : i32 to vector<16xi32>
        %and3A_741 = arith.andi %get3A_738, %and3A_740 : vector<16xi32>
        %mul3A_742 = arith.constant 24 : i32
        %mul3A_743 = vector.broadcast %mul3A_742 : i32 to vector<16xi32>
        %mul3A_744 = arith.muli %and3A_741, %mul3A_743 : vector<16xi32>
        %shift_right_arithmetic3A_745 = arith.constant 8 : i32
        %shift_right_arithmetic3A_746 = vector.broadcast %shift_right_arithmetic3A_745 : i32 to vector<16xi32>
        %shift_right_arithmetic3A_747 = arith.shrsi %get3A_738, %shift_right_arithmetic3A_746 : vector<16xi32>
        %and3A_748 = arith.constant 255 : i32
        %and3A_749 = vector.broadcast %and3A_748 : i32 to vector<16xi32>
        %and3A_750 = arith.andi %shift_right_arithmetic3A_747, %and3A_749 : vector<16xi32>
        %mul3A_751 = arith.constant 4 : i32
        %mul3A_752 = vector.broadcast %mul3A_751 : i32 to vector<16xi32>
        %mul3A_753 = arith.muli %and3A_750, %mul3A_752 : vector<16xi32>
        %add3A_754 = arith.addi %mul3A_744, %mul3A_753 : vector<16xi32>
        %shift_right_arithmetic3A_755 = arith.constant 16 : i32
        %shift_right_arithmetic3A_756 = vector.broadcast %shift_right_arithmetic3A_755 : i32 to vector<16xi32>
        %shift_right_arithmetic3A_757 = arith.shrsi %get3A_738, %shift_right_arithmetic3A_756 : vector<16xi32>
        %and3A_758 = arith.constant 255 : i32
        %and3A_759 = vector.broadcast %and3A_758 : i32 to vector<16xi32>
        %and3A_760 = arith.andi %shift_right_arithmetic3A_757, %and3A_759 : vector<16xi32>
        %mul3A_761 = arith.constant 2 : i32
        %mul3A_762 = vector.broadcast %mul3A_761 : i32 to vector<16xi32>
        %mul3A_763 = arith.muli %and3A_760, %mul3A_762 : vector<16xi32>
        %add3A_764 = arith.addi %add3A_754, %mul3A_763 : vector<16xi32>
        %shift_right_arithmetic3A_765 = arith.constant 24 : i32
        %shift_right_arithmetic3A_766 = vector.broadcast %shift_right_arithmetic3A_765 : i32 to vector<16xi32>
        %shift_right_arithmetic3A_767 = arith.shrsi %get3A_738, %shift_right_arithmetic3A_766 : vector<16xi32>
        %and3A_768 = arith.constant 255 : i32
        %and3A_769 = vector.broadcast %and3A_768 : i32 to vector<16xi32>
        %and3A_770 = arith.andi %shift_right_arithmetic3A_767, %and3A_769 : vector<16xi32>
        %add3A_771 = arith.addi %add3A_764, %and3A_770 : vector<16xi32>
        %min3A_772 = arith.constant 127 : i32
        %min3A_773 = vector.broadcast %min3A_772 : i32 to vector<16xi32>
        %min3A_774 = arith.minsi %add3A_771, %min3A_773 : vector<16xi32>
        %swap3A_775 = arith.constant 240 : index
        %swap3A_776 = tpu.vector_load %arg7[%swap3A_775] {strides = array<i32>} : memref<400xi32, #tpu.memory_space<vmem>>, vector<16xi32>,
        %swap3A_777 = vector.shape_cast %swap3A_776 : vector<16xi32> to vector<16xi32>
        %swap3A_778 = vector.shape_cast %min3A_774 : vector<16xi32> to vector<16xi32>
        tpu.vector_store %arg7[%swap3A_775], %swap3A_778 {strides = array<i32>} : memref<400xi32, #tpu.memory_space<vmem>>, vector<16xi32>,
        %get3A_779 = arith.constant 256 : index
        %get3A_780 = tpu.vector_load %arg5[%get3A_779] {strides = array<i32>} : memref<400xi32, #tpu.memory_space<vmem>>, vector<16xi32>,
        %get3A_781 = vector.shape_cast %get3A_780 : vector<16xi32> to vector<16xi32>
        %and3A_782 = arith.constant 255 : i32
        %and3A_783 = vector.broadcast %and3A_782 : i32 to vector<16xi32>
        %and3A_784 = arith.andi %get3A_781, %and3A_783 : vector<16xi32>
        %mul3A_785 = arith.constant 24 : i32
        %mul3A_786 = vector.broadcast %mul3A_785 : i32 to vector<16xi32>
        %mul3A_787 = arith.muli %and3A_784, %mul3A_786 : vector<16xi32>
        %shift_right_arithmetic3A_788 = arith.constant 8 : i32
        %shift_right_arithmetic3A_789 = vector.broadcast %shift_right_arithmetic3A_788 : i32 to vector<16xi32>
        %shift_right_arithmetic3A_790 = arith.shrsi %get3A_781, %shift_right_arithmetic3A_789 : vector<16xi32>
        %and3A_791 = arith.constant 255 : i32
        %and3A_792 = vector.broadcast %and3A_791 : i32 to vector<16xi32>
        %and3A_793 = arith.andi %shift_right_arithmetic3A_790, %and3A_792 : vector<16xi32>
        %mul3A_794 = arith.constant 4 : i32
        %mul3A_795 = vector.broadcast %mul3A_794 : i32 to vector<16xi32>
        %mul3A_796 = arith.muli %and3A_793, %mul3A_795 : vector<16xi32>
        %add3A_797 = arith.addi %mul3A_787, %mul3A_796 : vector<16xi32>
        %shift_right_arithmetic3A_798 = arith.constant 16 : i32
        %shift_right_arithmetic3A_799 = vector.broadcast %shift_right_arithmetic3A_798 : i32 to vector<16xi32>
        %shift_right_arithmetic3A_800 = arith.shrsi %get3A_781, %shift_right_arithmetic3A_799 : vector<16xi32>
        %and3A_801 = arith.constant 255 : i32
        %and3A_802 = vector.broadcast %and3A_801 : i32 to vector<16xi32>
        %and3A_803 = arith.andi %shift_right_arithmetic3A_800, %and3A_802 : vector<16xi32>
        %mul3A_804 = arith.constant 2 : i32
        %mul3A_805 = vector.broadcast %mul3A_804 : i32 to vector<16xi32>
        %mul3A_806 = arith.muli %and3A_803, %mul3A_805 : vector<16xi32>
        %add3A_807 = arith.addi %add3A_797, %mul3A_806 : vector<16xi32>
        %shift_right_arithmetic3A_808 = arith.constant 24 : i32
        %shift_right_arithmetic3A_809 = vector.broadcast %shift_right_arithmetic3A_808 : i32 to vector<16xi32>
        %shift_right_arithmetic3A_810 = arith.shrsi %get3A_781, %shift_right_arithmetic3A_809 : vector<16xi32>
        %and3A_811 = arith.constant 255 : i32
        %and3A_812 = vector.broadcast %and3A_811 : i32 to vector<16xi32>
        %and3A_813 = arith.andi %shift_right_arithmetic3A_810, %and3A_812 : vector<16xi32>
        %add3A_814 = arith.addi %add3A_807, %and3A_813 : vector<16xi32>
        %min3A_815 = arith.constant 127 : i32
        %min3A_816 = vector.broadcast %min3A_815 : i32 to vector<16xi32>
        %min3A_817 = arith.minsi %add3A_814, %min3A_816 : vector<16xi32>
        %swap3A_818 = arith.constant 256 : index
        %swap3A_819 = tpu.vector_load %arg7[%swap3A_818] {strides = array<i32>} : memref<400xi32, #tpu.memory_space<vmem>>, vector<16xi32>,
        %swap3A_820 = vector.shape_cast %swap3A_819 : vector<16xi32> to vector<16xi32>
        %swap3A_821 = vector.shape_cast %min3A_817 : vector<16xi32> to vector<16xi32>
        tpu.vector_store %arg7[%swap3A_818], %swap3A_821 {strides = array<i32>} : memref<400xi32, #tpu.memory_space<vmem>>, vector<16xi32>,
        %get3A_822 = arith.constant 272 : index
        %get3A_823 = tpu.vector_load %arg5[%get3A_822] {strides = array<i32>} : memref<400xi32, #tpu.memory_space<vmem>>, vector<16xi32>,
        %get3A_824 = vector.shape_cast %get3A_823 : vector<16xi32> to vector<16xi32>
        %and3A_825 = arith.constant 255 : i32
        %and3A_826 = vector.broadcast %and3A_825 : i32 to vector<16xi32>
        %and3A_827 = arith.andi %get3A_824, %and3A_826 : vector<16xi32>
        %mul3A_828 = arith.constant 24 : i32
        %mul3A_829 = vector.broadcast %mul3A_828 : i32 to vector<16xi32>
        %mul3A_830 = arith.muli %and3A_827, %mul3A_829 : vector<16xi32>
        %shift_right_arithmetic3A_831 = arith.constant 8 : i32
        %shift_right_arithmetic3A_832 = vector.broadcast %shift_right_arithmetic3A_831 : i32 to vector<16xi32>
        %shift_right_arithmetic3A_833 = arith.shrsi %get3A_824, %shift_right_arithmetic3A_832 : vector<16xi32>
        %and3A_834 = arith.constant 255 : i32
        %and3A_835 = vector.broadcast %and3A_834 : i32 to vector<16xi32>
        %and3A_836 = arith.andi %shift_right_arithmetic3A_833, %and3A_835 : vector<16xi32>
        %mul3A_837 = arith.constant 4 : i32
        %mul3A_838 = vector.broadcast %mul3A_837 : i32 to vector<16xi32>
        %mul3A_839 = arith.muli %and3A_836, %mul3A_838 : vector<16xi32>
        %add3A_840 = arith.addi %mul3A_830, %mul3A_839 : vector<16xi32>
        %shift_right_arithmetic3A_841 = arith.constant 16 : i32
        %shift_right_arithmetic3A_842 = vector.broadcast %shift_right_arithmetic3A_841 : i32 to vector<16xi32>
        %shift_right_arithmetic3A_843 = arith.shrsi %get3A_824, %shift_right_arithmetic3A_842 : vector<16xi32>
        %and3A_844 = arith.constant 255 : i32
        %and3A_845 = vector.broadcast %and3A_844 : i32 to vector<16xi32>
        %and3A_846 = arith.andi %shift_right_arithmetic3A_843, %and3A_845 : vector<16xi32>
        %mul3A_847 = arith.constant 2 : i32
        %mul3A_848 = vector.broadcast %mul3A_847 : i32 to vector<16xi32>
        %mul3A_849 = arith.muli %and3A_846, %mul3A_848 : vector<16xi32>
        %add3A_850 = arith.addi %add3A_840, %mul3A_849 : vector<16xi32>
        %shift_right_arithmetic3A_851 = arith.constant 24 : i32
        %shift_right_arithmetic3A_852 = vector.broadcast %shift_right_arithmetic3A_851 : i32 to vector<16xi32>
        %shift_right_arithmetic3A_853 = arith.shrsi %get3A_824, %shift_right_arithmetic3A_852 : vector<16xi32>
        %and3A_854 = arith.constant 255 : i32
        %and3A_855 = vector.broadcast %and3A_854 : i32 to vector<16xi32>
        %and3A_856 = arith.andi %shift_right_arithmetic3A_853, %and3A_855 : vector<16xi32>
        %add3A_857 = arith.addi %add3A_850, %and3A_856 : vector<16xi32>
        %min3A_858 = arith.constant 127 : i32
        %min3A_859 = vector.broadcast %min3A_858 : i32 to vector<16xi32>
        %min3A_860 = arith.minsi %add3A_857, %min3A_859 : vector<16xi32>
        %swap3A_861 = arith.constant 272 : index
        %swap3A_862 = tpu.vector_load %arg7[%swap3A_861] {strides = array<i32>} : memref<400xi32, #tpu.memory_space<vmem>>, vector<16xi32>,
        %swap3A_863 = vector.shape_cast %swap3A_862 : vector<16xi32> to vector<16xi32>
        %swap3A_864 = vector.shape_cast %min3A_860 : vector<16xi32> to vector<16xi32>
        tpu.vector_store %arg7[%swap3A_861], %swap3A_864 {strides = array<i32>} : memref<400xi32, #tpu.memory_space<vmem>>, vector<16xi32>,
        %get3A_865 = arith.constant 288 : index
        %get3A_866 = tpu.vector_load %arg5[%get3A_865] {strides = array<i32>} : memref<400xi32, #tpu.memory_space<vmem>>, vector<16xi32>,
        %get3A_867 = vector.shape_cast %get3A_866 : vector<16xi32> to vector<16xi32>
        %and3A_868 = arith.constant 255 : i32
        %and3A_869 = vector.broadcast %and3A_868 : i32 to vector<16xi32>
        %and3A_870 = arith.andi %get3A_867, %and3A_869 : vector<16xi32>
        %mul3A_871 = arith.constant 24 : i32
        %mul3A_872 = vector.broadcast %mul3A_871 : i32 to vector<16xi32>
        %mul3A_873 = arith.muli %and3A_870, %mul3A_872 : vector<16xi32>
        %shift_right_arithmetic3A_874 = arith.constant 8 : i32
        %shift_right_arithmetic3A_875 = vector.broadcast %shift_right_arithmetic3A_874 : i32 to vector<16xi32>
        %shift_right_arithmetic3A_876 = arith.shrsi %get3A_867, %shift_right_arithmetic3A_875 : vector<16xi32>
        %and3A_877 = arith.constant 255 : i32
        %and3A_878 = vector.broadcast %and3A_877 : i32 to vector<16xi32>
        %and3A_879 = arith.andi %shift_right_arithmetic3A_876, %and3A_878 : vector<16xi32>
        %mul3A_880 = arith.constant 4 : i32
        %mul3A_881 = vector.broadcast %mul3A_880 : i32 to vector<16xi32>
        %mul3A_882 = arith.muli %and3A_879, %mul3A_881 : vector<16xi32>
        %add3A_883 = arith.addi %mul3A_873, %mul3A_882 : vector<16xi32>
        %shift_right_arithmetic3A_884 = arith.constant 16 : i32
        %shift_right_arithmetic3A_885 = vector.broadcast %shift_right_arithmetic3A_884 : i32 to vector<16xi32>
        %shift_right_arithmetic3A_886 = arith.shrsi %get3A_867, %shift_right_arithmetic3A_885 : vector<16xi32>
        %and3A_887 = arith.constant 255 : i32
        %and3A_888 = vector.broadcast %and3A_887 : i32 to vector<16xi32>
        %and3A_889 = arith.andi %shift_right_arithmetic3A_886, %and3A_888 : vector<16xi32>
        %mul3A_890 = arith.constant 2 : i32
        %mul3A_891 = vector.broadcast %mul3A_890 : i32 to vector<16xi32>
        %mul3A_892 = arith.muli %and3A_889, %mul3A_891 : vector<16xi32>
        %add3A_893 = arith.addi %add3A_883, %mul3A_892 : vector<16xi32>
        %shift_right_arithmetic3A_894 = arith.constant 24 : i32
        %shift_right_arithmetic3A_895 = vector.broadcast %shift_right_arithmetic3A_894 : i32 to vector<16xi32>
        %shift_right_arithmetic3A_896 = arith.shrsi %get3A_867, %shift_right_arithmetic3A_895 : vector<16xi32>
        %and3A_897 = arith.constant 255 : i32
        %and3A_898 = vector.broadcast %and3A_897 : i32 to vector<16xi32>
        %and3A_899 = arith.andi %shift_right_arithmetic3A_896, %and3A_898 : vector<16xi32>
        %add3A_900 = arith.addi %add3A_893, %and3A_899 : vector<16xi32>
        %min3A_901 = arith.constant 127 : i32
        %min3A_902 = vector.broadcast %min3A_901 : i32 to vector<16xi32>
        %min3A_903 = arith.minsi %add3A_900, %min3A_902 : vector<16xi32>
        %swap3A_904 = arith.constant 288 : index
        %swap3A_905 = tpu.vector_load %arg7[%swap3A_904] {strides = array<i32>} : memref<400xi32, #tpu.memory_space<vmem>>, vector<16xi32>,
        %swap3A_906 = vector.shape_cast %swap3A_905 : vector<16xi32> to vector<16xi32>
        %swap3A_907 = vector.shape_cast %min3A_903 : vector<16xi32> to vector<16xi32>
        tpu.vector_store %arg7[%swap3A_904], %swap3A_907 {strides = array<i32>} : memref<400xi32, #tpu.memory_space<vmem>>, vector<16xi32>,
        %get3A_908 = arith.constant 304 : index
        %get3A_909 = tpu.vector_load %arg5[%get3A_908] {strides = array<i32>} : memref<400xi32, #tpu.memory_space<vmem>>, vector<16xi32>,
        %get3A_910 = vector.shape_cast %get3A_909 : vector<16xi32> to vector<16xi32>
        %and3A_911 = arith.constant 255 : i32
        %and3A_912 = vector.broadcast %and3A_911 : i32 to vector<16xi32>
        %and3A_913 = arith.andi %get3A_910, %and3A_912 : vector<16xi32>
        %mul3A_914 = arith.constant 24 : i32
        %mul3A_915 = vector.broadcast %mul3A_914 : i32 to vector<16xi32>
        %mul3A_916 = arith.muli %and3A_913, %mul3A_915 : vector<16xi32>
        %shift_right_arithmetic3A_917 = arith.constant 8 : i32
        %shift_right_arithmetic3A_918 = vector.broadcast %shift_right_arithmetic3A_917 : i32 to vector<16xi32>
        %shift_right_arithmetic3A_919 = arith.shrsi %get3A_910, %shift_right_arithmetic3A_918 : vector<16xi32>
        %and3A_920 = arith.constant 255 : i32
        %and3A_921 = vector.broadcast %and3A_920 : i32 to vector<16xi32>
        %and3A_922 = arith.andi %shift_right_arithmetic3A_919, %and3A_921 : vector<16xi32>
        %mul3A_923 = arith.constant 4 : i32
        %mul3A_924 = vector.broadcast %mul3A_923 : i32 to vector<16xi32>
        %mul3A_925 = arith.muli %and3A_922, %mul3A_924 : vector<16xi32>
        %add3A_926 = arith.addi %mul3A_916, %mul3A_925 : vector<16xi32>
        %shift_right_arithmetic3A_927 = arith.constant 16 : i32
        %shift_right_arithmetic3A_928 = vector.broadcast %shift_right_arithmetic3A_927 : i32 to vector<16xi32>
        %shift_right_arithmetic3A_929 = arith.shrsi %get3A_910, %shift_right_arithmetic3A_928 : vector<16xi32>
        %and3A_930 = arith.constant 255 : i32
        %and3A_931 = vector.broadcast %and3A_930 : i32 to vector<16xi32>
        %and3A_932 = arith.andi %shift_right_arithmetic3A_929, %and3A_931 : vector<16xi32>
        %mul3A_933 = arith.constant 2 : i32
        %mul3A_934 = vector.broadcast %mul3A_933 : i32 to vector<16xi32>
        %mul3A_935 = arith.muli %and3A_932, %mul3A_934 : vector<16xi32>
        %add3A_936 = arith.addi %add3A_926, %mul3A_935 : vector<16xi32>
        %shift_right_arithmetic3A_937 = arith.constant 24 : i32
        %shift_right_arithmetic3A_938 = vector.broadcast %shift_right_arithmetic3A_937 : i32 to vector<16xi32>
        %shift_right_arithmetic3A_939 = arith.shrsi %get3A_910, %shift_right_arithmetic3A_938 : vector<16xi32>
        %and3A_940 = arith.constant 255 : i32
        %and3A_941 = vector.broadcast %and3A_940 : i32 to vector<16xi32>
        %and3A_942 = arith.andi %shift_right_arithmetic3A_939, %and3A_941 : vector<16xi32>
        %add3A_943 = arith.addi %add3A_936, %and3A_942 : vector<16xi32>
        %min3A_944 = arith.constant 127 : i32
        %min3A_945 = vector.broadcast %min3A_944 : i32 to vector<16xi32>
        %min3A_946 = arith.minsi %add3A_943, %min3A_945 : vector<16xi32>
        %swap3A_947 = arith.constant 304 : index
        %swap3A_948 = tpu.vector_load %arg7[%swap3A_947] {strides = array<i32>} : memref<400xi32, #tpu.memory_space<vmem>>, vector<16xi32>,
        %swap3A_949 = vector.shape_cast %swap3A_948 : vector<16xi32> to vector<16xi32>
        %swap3A_950 = vector.shape_cast %min3A_946 : vector<16xi32> to vector<16xi32>
        tpu.vector_store %arg7[%swap3A_947], %swap3A_950 {strides = array<i32>} : memref<400xi32, #tpu.memory_space<vmem>>, vector<16xi32>,
        %get3A_951 = arith.constant 320 : index
        %get3A_952 = tpu.vector_load %arg5[%get3A_951] {strides = array<i32>} : memref<400xi32, #tpu.memory_space<vmem>>, vector<16xi32>,
        %get3A_953 = vector.shape_cast %get3A_952 : vector<16xi32> to vector<16xi32>
        %and3A_954 = arith.constant 255 : i32
        %and3A_955 = vector.broadcast %and3A_954 : i32 to vector<16xi32>
        %and3A_956 = arith.andi %get3A_953, %and3A_955 : vector<16xi32>
        %mul3A_957 = arith.constant 24 : i32
        %mul3A_958 = vector.broadcast %mul3A_957 : i32 to vector<16xi32>
        %mul3A_959 = arith.muli %and3A_956, %mul3A_958 : vector<16xi32>
        %shift_right_arithmetic3A_960 = arith.constant 8 : i32
        %shift_right_arithmetic3A_961 = vector.broadcast %shift_right_arithmetic3A_960 : i32 to vector<16xi32>
        %shift_right_arithmetic3A_962 = arith.shrsi %get3A_953, %shift_right_arithmetic3A_961 : vector<16xi32>
        %and3A_963 = arith.constant 255 : i32
        %and3A_964 = vector.broadcast %and3A_963 : i32 to vector<16xi32>
        %and3A_965 = arith.andi %shift_right_arithmetic3A_962, %and3A_964 : vector<16xi32>
        %mul3A_966 = arith.constant 4 : i32
        %mul3A_967 = vector.broadcast %mul3A_966 : i32 to vector<16xi32>
        %mul3A_968 = arith.muli %and3A_965, %mul3A_967 : vector<16xi32>
        %add3A_969 = arith.addi %mul3A_959, %mul3A_968 : vector<16xi32>
        %shift_right_arithmetic3A_970 = arith.constant 16 : i32
        %shift_right_arithmetic3A_971 = vector.broadcast %shift_right_arithmetic3A_970 : i32 to vector<16xi32>
        %shift_right_arithmetic3A_972 = arith.shrsi %get3A_953, %shift_right_arithmetic3A_971 : vector<16xi32>
        %and3A_973 = arith.constant 255 : i32
        %and3A_974 = vector.broadcast %and3A_973 : i32 to vector<16xi32>
        %and3A_975 = arith.andi %shift_right_arithmetic3A_972, %and3A_974 : vector<16xi32>
        %mul3A_976 = arith.constant 2 : i32
        %mul3A_977 = vector.broadcast %mul3A_976 : i32 to vector<16xi32>
        %mul3A_978 = arith.muli %and3A_975, %mul3A_977 : vector<16xi32>
        %add3A_979 = arith.addi %add3A_969, %mul3A_978 : vector<16xi32>
        %shift_right_arithmetic3A_980 = arith.constant 24 : i32
        %shift_right_arithmetic3A_981 = vector.broadcast %shift_right_arithmetic3A_980 : i32 to vector<16xi32>
        %shift_right_arithmetic3A_982 = arith.shrsi %get3A_953, %shift_right_arithmetic3A_981 : vector<16xi32>
        %and3A_983 = arith.constant 255 : i32
        %and3A_984 = vector.broadcast %and3A_983 : i32 to vector<16xi32>
        %and3A_985 = arith.andi %shift_right_arithmetic3A_982, %and3A_984 : vector<16xi32>
        %add3A_986 = arith.addi %add3A_979, %and3A_985 : vector<16xi32>
        %min3A_987 = arith.constant 127 : i32
        %min3A_988 = vector.broadcast %min3A_987 : i32 to vector<16xi32>
        %min3A_989 = arith.minsi %add3A_986, %min3A_988 : vector<16xi32>
        %swap3A_990 = arith.constant 320 : index
        %swap3A_991 = tpu.vector_load %arg7[%swap3A_990] {strides = array<i32>} : memref<400xi32, #tpu.memory_space<vmem>>, vector<16xi32>,
        %swap3A_992 = vector.shape_cast %swap3A_991 : vector<16xi32> to vector<16xi32>
        %swap3A_993 = vector.shape_cast %min3A_989 : vector<16xi32> to vector<16xi32>
        tpu.vector_store %arg7[%swap3A_990], %swap3A_993 {strides = array<i32>} : memref<400xi32, #tpu.memory_space<vmem>>, vector<16xi32>,
        %get3A_994 = arith.constant 336 : index
        %get3A_995 = tpu.vector_load %arg5[%get3A_994] {strides = array<i32>} : memref<400xi32, #tpu.memory_space<vmem>>, vector<16xi32>,
        %get3A_996 = vector.shape_cast %get3A_995 : vector<16xi32> to vector<16xi32>
        %and3A_997 = arith.constant 255 : i32
        %and3A_998 = vector.broadcast %and3A_997 : i32 to vector<16xi32>
        %and3A_999 = arith.andi %get3A_996, %and3A_998 : vector<16xi32>
        %mul3A_1000 = arith.constant 24 : i32
        %mul3A_1001 = vector.broadcast %mul3A_1000 : i32 to vector<16xi32>
        %mul3A_1002 = arith.muli %and3A_999, %mul3A_1001 : vector<16xi32>
        %shift_right_arithmetic3A_1003 = arith.constant 8 : i32
        %shift_right_arithmetic3A_1004 = vector.broadcast %shift_right_arithmetic3A_1003 : i32 to vector<16xi32>
        %shift_right_arithmetic3A_1005 = arith.shrsi %get3A_996, %shift_right_arithmetic3A_1004 : vector<16xi32>
        %and3A_1006 = arith.constant 255 : i32
        %and3A_1007 = vector.broadcast %and3A_1006 : i32 to vector<16xi32>
        %and3A_1008 = arith.andi %shift_right_arithmetic3A_1005, %and3A_1007 : vector<16xi32>
        %mul3A_1009 = arith.constant 4 : i32
        %mul3A_1010 = vector.broadcast %mul3A_1009 : i32 to vector<16xi32>
        %mul3A_1011 = arith.muli %and3A_1008, %mul3A_1010 : vector<16xi32>
        %add3A_1012 = arith.addi %mul3A_1002, %mul3A_1011 : vector<16xi32>
        %shift_right_arithmetic3A_1013 = arith.constant 16 : i32
        %shift_right_arithmetic3A_1014 = vector.broadcast %shift_right_arithmetic3A_1013 : i32 to vector<16xi32>
        %shift_right_arithmetic3A_1015 = arith.shrsi %get3A_996, %shift_right_arithmetic3A_1014 : vector<16xi32>
        %and3A_1016 = arith.constant 255 : i32
        %and3A_1017 = vector.broadcast %and3A_1016 : i32 to vector<16xi32>
        %and3A_1018 = arith.andi %shift_right_arithmetic3A_1015, %and3A_1017 : vector<16xi32>
        %mul3A_1019 = arith.constant 2 : i32
        %mul3A_1020 = vector.broadcast %mul3A_1019 : i32 to vector<16xi32>
        %mul3A_1021 = arith.muli %and3A_1018, %mul3A_1020 : vector<16xi32>
        %add3A_1022 = arith.addi %add3A_1012, %mul3A_1021 : vector<16xi32>
        %shift_right_arithmetic3A_1023 = arith.constant 24 : i32
        %shift_right_arithmetic3A_1024 = vector.broadcast %shift_right_arithmetic3A_1023 : i32 to vector<16xi32>
        %shift_right_arithmetic3A_1025 = arith.shrsi %get3A_996, %shift_right_arithmetic3A_1024 : vector<16xi32>
        %and3A_1026 = arith.constant 255 : i32
        %and3A_1027 = vector.broadcast %and3A_1026 : i32 to vector<16xi32>
        %and3A_1028 = arith.andi %shift_right_arithmetic3A_1025, %and3A_1027 : vector<16xi32>
        %add3A_1029 = arith.addi %add3A_1022, %and3A_1028 : vector<16xi32>
        %min3A_1030 = arith.constant 127 : i32
        %min3A_1031 = vector.broadcast %min3A_1030 : i32 to vector<16xi32>
        %min3A_1032 = arith.minsi %add3A_1029, %min3A_1031 : vector<16xi32>
        %swap3A_1033 = arith.constant 336 : index
        %swap3A_1034 = tpu.vector_load %arg7[%swap3A_1033] {strides = array<i32>} : memref<400xi32, #tpu.memory_space<vmem>>, vector<16xi32>,
        %swap3A_1035 = vector.shape_cast %swap3A_1034 : vector<16xi32> to vector<16xi32>
        %swap3A_1036 = vector.shape_cast %min3A_1032 : vector<16xi32> to vector<16xi32>
        tpu.vector_store %arg7[%swap3A_1033], %swap3A_1036 {strides = array<i32>} : memref<400xi32, #tpu.memory_space<vmem>>, vector<16xi32>,
        %get3A_1037 = arith.constant 352 : index
        %get3A_1038 = tpu.vector_load %arg5[%get3A_1037] {strides = array<i32>} : memref<400xi32, #tpu.memory_space<vmem>>, vector<16xi32>,
        %get3A_1039 = vector.shape_cast %get3A_1038 : vector<16xi32> to vector<16xi32>
        %and3A_1040 = arith.constant 255 : i32
        %and3A_1041 = vector.broadcast %and3A_1040 : i32 to vector<16xi32>
        %and3A_1042 = arith.andi %get3A_1039, %and3A_1041 : vector<16xi32>
        %mul3A_1043 = arith.constant 24 : i32
        %mul3A_1044 = vector.broadcast %mul3A_1043 : i32 to vector<16xi32>
        %mul3A_1045 = arith.muli %and3A_1042, %mul3A_1044 : vector<16xi32>
        %shift_right_arithmetic3A_1046 = arith.constant 8 : i32
        %shift_right_arithmetic3A_1047 = vector.broadcast %shift_right_arithmetic3A_1046 : i32 to vector<16xi32>
        %shift_right_arithmetic3A_1048 = arith.shrsi %get3A_1039, %shift_right_arithmetic3A_1047 : vector<16xi32>
        %and3A_1049 = arith.constant 255 : i32
        %and3A_1050 = vector.broadcast %and3A_1049 : i32 to vector<16xi32>
        %and3A_1051 = arith.andi %shift_right_arithmetic3A_1048, %and3A_1050 : vector<16xi32>
        %mul3A_1052 = arith.constant 4 : i32
        %mul3A_1053 = vector.broadcast %mul3A_1052 : i32 to vector<16xi32>
        %mul3A_1054 = arith.muli %and3A_1051, %mul3A_1053 : vector<16xi32>
        %add3A_1055 = arith.addi %mul3A_1045, %mul3A_1054 : vector<16xi32>
        %shift_right_arithmetic3A_1056 = arith.constant 16 : i32
        %shift_right_arithmetic3A_1057 = vector.broadcast %shift_right_arithmetic3A_1056 : i32 to vector<16xi32>
        %shift_right_arithmetic3A_1058 = arith.shrsi %get3A_1039, %shift_right_arithmetic3A_1057 : vector<16xi32>
        %and3A_1059 = arith.constant 255 : i32
        %and3A_1060 = vector.broadcast %and3A_1059 : i32 to vector<16xi32>
        %and3A_1061 = arith.andi %shift_right_arithmetic3A_1058, %and3A_1060 : vector<16xi32>
        %mul3A_1062 = arith.constant 2 : i32
        %mul3A_1063 = vector.broadcast %mul3A_1062 : i32 to vector<16xi32>
        %mul3A_1064 = arith.muli %and3A_1061, %mul3A_1063 : vector<16xi32>
        %add3A_1065 = arith.addi %add3A_1055, %mul3A_1064 : vector<16xi32>
        %shift_right_arithmetic3A_1066 = arith.constant 24 : i32
        %shift_right_arithmetic3A_1067 = vector.broadcast %shift_right_arithmetic3A_1066 : i32 to vector<16xi32>
        %shift_right_arithmetic3A_1068 = arith.shrsi %get3A_1039, %shift_right_arithmetic3A_1067 : vector<16xi32>
        %and3A_1069 = arith.constant 255 : i32
        %and3A_1070 = vector.broadcast %and3A_1069 : i32 to vector<16xi32>
        %and3A_1071 = arith.andi %shift_right_arithmetic3A_1068, %and3A_1070 : vector<16xi32>
        %add3A_1072 = arith.addi %add3A_1065, %and3A_1071 : vector<16xi32>
        %min3A_1073 = arith.constant 127 : i32
        %min3A_1074 = vector.broadcast %min3A_1073 : i32 to vector<16xi32>
        %min3A_1075 = arith.minsi %add3A_1072, %min3A_1074 : vector<16xi32>
        %swap3A_1076 = arith.constant 352 : index
        %swap3A_1077 = tpu.vector_load %arg7[%swap3A_1076] {strides = array<i32>} : memref<400xi32, #tpu.memory_space<vmem>>, vector<16xi32>,
        %swap3A_1078 = vector.shape_cast %swap3A_1077 : vector<16xi32> to vector<16xi32>
        %swap3A_1079 = vector.shape_cast %min3A_1075 : vector<16xi32> to vector<16xi32>
        tpu.vector_store %arg7[%swap3A_1076], %swap3A_1079 {strides = array<i32>} : memref<400xi32, #tpu.memory_space<vmem>>, vector<16xi32>,
        %get3A_1080 = arith.constant 368 : index
        %get3A_1081 = tpu.vector_load %arg5[%get3A_1080] {strides = array<i32>} : memref<400xi32, #tpu.memory_space<vmem>>, vector<16xi32>,
        %get3A_1082 = vector.shape_cast %get3A_1081 : vector<16xi32> to vector<16xi32>
        %and3A_1083 = arith.constant 255 : i32
        %and3A_1084 = vector.broadcast %and3A_1083 : i32 to vector<16xi32>
        %and3A_1085 = arith.andi %get3A_1082, %and3A_1084 : vector<16xi32>
        %mul3A_1086 = arith.constant 24 : i32
        %mul3A_1087 = vector.broadcast %mul3A_1086 : i32 to vector<16xi32>
        %mul3A_1088 = arith.muli %and3A_1085, %mul3A_1087 : vector<16xi32>
        %shift_right_arithmetic3A_1089 = arith.constant 8 : i32
        %shift_right_arithmetic3A_1090 = vector.broadcast %shift_right_arithmetic3A_1089 : i32 to vector<16xi32>
        %shift_right_arithmetic3A_1091 = arith.shrsi %get3A_1082, %shift_right_arithmetic3A_1090 : vector<16xi32>
        %and3A_1092 = arith.constant 255 : i32
        %and3A_1093 = vector.broadcast %and3A_1092 : i32 to vector<16xi32>
        %and3A_1094 = arith.andi %shift_right_arithmetic3A_1091, %and3A_1093 : vector<16xi32>
        %mul3A_1095 = arith.constant 4 : i32
        %mul3A_1096 = vector.broadcast %mul3A_1095 : i32 to vector<16xi32>
        %mul3A_1097 = arith.muli %and3A_1094, %mul3A_1096 : vector<16xi32>
        %add3A_1098 = arith.addi %mul3A_1088, %mul3A_1097 : vector<16xi32>
        %shift_right_arithmetic3A_1099 = arith.constant 16 : i32
        %shift_right_arithmetic3A_1100 = vector.broadcast %shift_right_arithmetic3A_1099 : i32 to vector<16xi32>
        %shift_right_arithmetic3A_1101 = arith.shrsi %get3A_1082, %shift_right_arithmetic3A_1100 : vector<16xi32>
        %and3A_1102 = arith.constant 255 : i32
        %and3A_1103 = vector.broadcast %and3A_1102 : i32 to vector<16xi32>
        %and3A_1104 = arith.andi %shift_right_arithmetic3A_1101, %and3A_1103 : vector<16xi32>
        %mul3A_1105 = arith.constant 2 : i32
        %mul3A_1106 = vector.broadcast %mul3A_1105 : i32 to vector<16xi32>
        %mul3A_1107 = arith.muli %and3A_1104, %mul3A_1106 : vector<16xi32>
        %add3A_1108 = arith.addi %add3A_1098, %mul3A_1107 : vector<16xi32>
        %shift_right_arithmetic3A_1109 = arith.constant 24 : i32
        %shift_right_arithmetic3A_1110 = vector.broadcast %shift_right_arithmetic3A_1109 : i32 to vector<16xi32>
        %shift_right_arithmetic3A_1111 = arith.shrsi %get3A_1082, %shift_right_arithmetic3A_1110 : vector<16xi32>
        %and3A_1112 = arith.constant 255 : i32
        %and3A_1113 = vector.broadcast %and3A_1112 : i32 to vector<16xi32>
        %and3A_1114 = arith.andi %shift_right_arithmetic3A_1111, %and3A_1113 : vector<16xi32>
        %add3A_1115 = arith.addi %add3A_1108, %and3A_1114 : vector<16xi32>
        %min3A_1116 = arith.constant 127 : i32
        %min3A_1117 = vector.broadcast %min3A_1116 : i32 to vector<16xi32>
        %min3A_1118 = arith.minsi %add3A_1115, %min3A_1117 : vector<16xi32>
        %swap3A_1119 = arith.constant 368 : index
        %swap3A_1120 = tpu.vector_load %arg7[%swap3A_1119] {strides = array<i32>} : memref<400xi32, #tpu.memory_space<vmem>>, vector<16xi32>,
        %swap3A_1121 = vector.shape_cast %swap3A_1120 : vector<16xi32> to vector<16xi32>
        %swap3A_1122 = vector.shape_cast %min3A_1118 : vector<16xi32> to vector<16xi32>
        tpu.vector_store %arg7[%swap3A_1119], %swap3A_1122 {strides = array<i32>} : memref<400xi32, #tpu.memory_space<vmem>>, vector<16xi32>,
        %get3A_1123 = arith.constant 384 : index
        %get3A_1124 = tpu.vector_load %arg5[%get3A_1123] {strides = array<i32>} : memref<400xi32, #tpu.memory_space<vmem>>, vector<16xi32>,
        %get3A_1125 = vector.shape_cast %get3A_1124 : vector<16xi32> to vector<16xi32>
        %and3A_1126 = arith.constant 255 : i32
        %and3A_1127 = vector.broadcast %and3A_1126 : i32 to vector<16xi32>
        %and3A_1128 = arith.andi %get3A_1125, %and3A_1127 : vector<16xi32>
        %mul3A_1129 = arith.constant 24 : i32
        %mul3A_1130 = vector.broadcast %mul3A_1129 : i32 to vector<16xi32>
        %mul3A_1131 = arith.muli %and3A_1128, %mul3A_1130 : vector<16xi32>
        %shift_right_arithmetic3A_1132 = arith.constant 8 : i32
        %shift_right_arithmetic3A_1133 = vector.broadcast %shift_right_arithmetic3A_1132 : i32 to vector<16xi32>
        %shift_right_arithmetic3A_1134 = arith.shrsi %get3A_1125, %shift_right_arithmetic3A_1133 : vector<16xi32>
        %and3A_1135 = arith.constant 255 : i32
        %and3A_1136 = vector.broadcast %and3A_1135 : i32 to vector<16xi32>
        %and3A_1137 = arith.andi %shift_right_arithmetic3A_1134, %and3A_1136 : vector<16xi32>
        %mul3A_1138 = arith.constant 4 : i32
        %mul3A_1139 = vector.broadcast %mul3A_1138 : i32 to vector<16xi32>
        %mul3A_1140 = arith.muli %and3A_1137, %mul3A_1139 : vector<16xi32>
        %add3A_1141 = arith.addi %mul3A_1131, %mul3A_1140 : vector<16xi32>
        %shift_right_arithmetic3A_1142 = arith.constant 16 : i32
        %shift_right_arithmetic3A_1143 = vector.broadcast %shift_right_arithmetic3A_1142 : i32 to vector<16xi32>
        %shift_right_arithmetic3A_1144 = arith.shrsi %get3A_1125, %shift_right_arithmetic3A_1143 : vector<16xi32>
        %and3A_1145 = arith.constant 255 : i32
        %and3A_1146 = vector.broadcast %and3A_1145 : i32 to vector<16xi32>
        %and3A_1147 = arith.andi %shift_right_arithmetic3A_1144, %and3A_1146 : vector<16xi32>
        %mul3A_1148 = arith.constant 2 : i32
        %mul3A_1149 = vector.broadcast %mul3A_1148 : i32 to vector<16xi32>
        %mul3A_1150 = arith.muli %and3A_1147, %mul3A_1149 : vector<16xi32>
        %add3A_1151 = arith.addi %add3A_1141, %mul3A_1150 : vector<16xi32>
        %shift_right_arithmetic3A_1152 = arith.constant 24 : i32
        %shift_right_arithmetic3A_1153 = vector.broadcast %shift_right_arithmetic3A_1152 : i32 to vector<16xi32>
        %shift_right_arithmetic3A_1154 = arith.shrsi %get3A_1125, %shift_right_arithmetic3A_1153 : vector<16xi32>
        %and3A_1155 = arith.constant 255 : i32
        %and3A_1156 = vector.broadcast %and3A_1155 : i32 to vector<16xi32>
        %and3A_1157 = arith.andi %shift_right_arithmetic3A_1154, %and3A_1156 : vector<16xi32>
        %add3A_1158 = arith.addi %add3A_1151, %and3A_1157 : vector<16xi32>
        %min3A_1159 = arith.constant 127 : i32
        %min3A_1160 = vector.broadcast %min3A_1159 : i32 to vector<16xi32>
        %min3A_1161 = arith.minsi %add3A_1158, %min3A_1160 : vector<16xi32>
        %swap3A_1162 = arith.constant 384 : index
        %swap3A_1163 = tpu.vector_load %arg7[%swap3A_1162] {strides = array<i32>} : memref<400xi32, #tpu.memory_space<vmem>>, vector<16xi32>,
        %swap3A_1164 = vector.shape_cast %swap3A_1163 : vector<16xi32> to vector<16xi32>
        %swap3A_1165 = vector.shape_cast %min3A_1161 : vector<16xi32> to vector<16xi32>
        tpu.vector_store %arg7[%swap3A_1162], %swap3A_1165 {strides = array<i32>} : memref<400xi32, #tpu.memory_space<vmem>>, vector<16xi32>,
        %dma_start3A = arith.constant 0 : i32
        %dma_start3A_1166 = arith.constant 0 : i32
        %dma_start3A_1167 = tpu.memref_slice %arg9[%dma_start3A, %dma_start3A_1166] : memref<400x128xf32, #tpu.memory_space<vmem>> -> memref<80x128xf32, #tpu.memory_space<vmem>>
        %dma_start3A_1168 = arith.constant 0 : i32
        %dma_start3A_1169 = tpu.memref_slice %arg7[%dma_start3A_1168] : memref<400xi32, #tpu.memory_space<vmem>> -> memref<80xi32, #tpu.memory_space<vmem>>
        %dma_start3A_1170 = arith.constant 0 : i32
        %dma_start3A_1171 = arith.constant 0 : i32
        %dma_start3A_1172 = tpu.memref_slice %arg11[%dma_start3A_1170, %dma_start3A_1171] : memref<128x128xf32, #tpu.memory_space<vmem_shared>> -> memref<128x128xf32, #tpu.memory_space<vmem_shared>>
        tpu.enqueue_indirect_dma source(%dma_start3A_1172 : memref<128x128xf32, #tpu.memory_space<vmem_shared>>) target(%dma_start3A_1167 : memref<80x128xf32, #tpu.memory_space<vmem>>) offsets(%dma_start3A_1169 : memref<80xi32, #tpu.memory_space<vmem>>) semaphore(%arg12 : memref<!tpu.dma_semaphore, #tpu.memory_space<semaphore_mem>>)
        %dma_start3A_1173 = arith.constant 80 : i32
        %dma_start3A_1174 = arith.constant 0 : i32
        %dma_start3A_1175 = tpu.memref_slice %arg9[%dma_start3A_1173, %dma_start3A_1174] : memref<400x128xf32, #tpu.memory_space<vmem>> -> memref<80x128xf32, #tpu.memory_space<vmem>>
        %dma_start3A_1176 = arith.constant 80 : i32
        %dma_start3A_1177 = tpu.memref_slice %arg7[%dma_start3A_1176] : memref<400xi32, #tpu.memory_space<vmem>> -> memref<80xi32, #tpu.memory_space<vmem>>
        %dma_start3A_1178 = arith.constant 0 : i32
        %dma_start3A_1179 = arith.constant 0 : i32
        %dma_start3A_1180 = tpu.memref_slice %arg11[%dma_start3A_1178, %dma_start3A_1179] : memref<128x128xf32, #tpu.memory_space<vmem_shared>> -> memref<128x128xf32, #tpu.memory_space<vmem_shared>>
        tpu.enqueue_indirect_dma source(%dma_start3A_1180 : memref<128x128xf32, #tpu.memory_space<vmem_shared>>) target(%dma_start3A_1175 : memref<80x128xf32, #tpu.memory_space<vmem>>) offsets(%dma_start3A_1177 : memref<80xi32, #tpu.memory_space<vmem>>) semaphore(%arg12 : memref<!tpu.dma_semaphore, #tpu.memory_space<semaphore_mem>>)
        %dma_start3A_1181 = arith.constant 160 : i32
        %dma_start3A_1182 = arith.constant 0 : i32
        %dma_start3A_1183 = tpu.memref_slice %arg9[%dma_start3A_1181, %dma_start3A_1182] : memref<400x128xf32, #tpu.memory_space<vmem>> -> memref<80x128xf32, #tpu.memory_space<vmem>>
        %dma_start3A_1184 = arith.constant 160 : i32
        %dma_start3A_1185 = tpu.memref_slice %arg7[%dma_start3A_1184] : memref<400xi32, #tpu.memory_space<vmem>> -> memref<80xi32, #tpu.memory_space<vmem>>
        %dma_start3A_1186 = arith.constant 0 : i32
        %dma_start3A_1187 = arith.constant 0 : i32
        %dma_start3A_1188 = tpu.memref_slice %arg11[%dma_start3A_1186, %dma_start3A_1187] : memref<128x128xf32, #tpu.memory_space<vmem_shared>> -> memref<128x128xf32, #tpu.memory_space<vmem_shared>>
        tpu.enqueue_indirect_dma source(%dma_start3A_1188 : memref<128x128xf32, #tpu.memory_space<vmem_shared>>) target(%dma_start3A_1183 : memref<80x128xf32, #tpu.memory_space<vmem>>) offsets(%dma_start3A_1185 : memref<80xi32, #tpu.memory_space<vmem>>) semaphore(%arg12 : memref<!tpu.dma_semaphore, #tpu.memory_space<semaphore_mem>>)
        %dma_start3A_1189 = arith.constant 240 : i32
        %dma_start3A_1190 = arith.constant 0 : i32
        %dma_start3A_1191 = tpu.memref_slice %arg9[%dma_start3A_1189, %dma_start3A_1190] : memref<400x128xf32, #tpu.memory_space<vmem>> -> memref<80x128xf32, #tpu.memory_space<vmem>>
        %dma_start3A_1192 = arith.constant 240 : i32
        %dma_start3A_1193 = tpu.memref_slice %arg7[%dma_start3A_1192] : memref<400xi32, #tpu.memory_space<vmem>> -> memref<80xi32, #tpu.memory_space<vmem>>
        %dma_start3A_1194 = arith.constant 0 : i32
        %dma_start3A_1195 = arith.constant 0 : i32
        %dma_start3A_1196 = tpu.memref_slice %arg11[%dma_start3A_1194, %dma_start3A_1195] : memref<128x128xf32, #tpu.memory_space<vmem_shared>> -> memref<128x128xf32, #tpu.memory_space<vmem_shared>>
        tpu.enqueue_indirect_dma source(%dma_start3A_1196 : memref<128x128xf32, #tpu.memory_space<vmem_shared>>) target(%dma_start3A_1191 : memref<80x128xf32, #tpu.memory_space<vmem>>) offsets(%dma_start3A_1193 : memref<80xi32, #tpu.memory_space<vmem>>) semaphore(%arg12 : memref<!tpu.dma_semaphore, #tpu.memory_space<semaphore_mem>>)
        %dma_start3A_1197 = arith.constant 320 : i32
        %dma_start3A_1198 = arith.constant 0 : i32
        %dma_start3A_1199 = tpu.memref_slice %arg9[%dma_start3A_1197, %dma_start3A_1198] : memref<400x128xf32, #tpu.memory_space<vmem>> -> memref<80x128xf32, #tpu.memory_space<vmem>>
        %dma_start3A_1200 = arith.constant 320 : i32
        %dma_start3A_1201 = tpu.memref_slice %arg7[%dma_start3A_1200] : memref<400xi32, #tpu.memory_space<vmem>> -> memref<80xi32, #tpu.memory_space<vmem>>
        %dma_start3A_1202 = arith.constant 0 : i32
        %dma_start3A_1203 = arith.constant 0 : i32
        %dma_start3A_1204 = tpu.memref_slice %arg11[%dma_start3A_1202, %dma_start3A_1203] : memref<128x128xf32, #tpu.memory_space<vmem_shared>> -> memref<128x128xf32, #tpu.memory_space<vmem_shared>>
        tpu.enqueue_indirect_dma source(%dma_start3A_1204 : memref<128x128xf32, #tpu.memory_space<vmem_shared>>) target(%dma_start3A_1199 : memref<80x128xf32, #tpu.memory_space<vmem>>) offsets(%dma_start3A_1201 : memref<80xi32, #tpu.memory_space<vmem>>) semaphore(%arg12 : memref<!tpu.dma_semaphore, #tpu.memory_space<semaphore_mem>>)
        %dma_wait3A = arith.constant 0 : i32
        %dma_wait3A_1205 = arith.constant 0 : i32
        %dma_wait3A_1206 = tpu.memref_slice %arg9[%dma_wait3A, %dma_wait3A_1205] : memref<400x128xf32, #tpu.memory_space<vmem>> -> memref<80x128xf32, #tpu.memory_space<vmem>>
        %dma_wait3A_1207 = arith.constant 0 : i32
        %dma_wait3A_1208 = tpu.memref_slice %arg7[%dma_wait3A_1207] : memref<400xi32, #tpu.memory_space<vmem>> -> memref<80xi32, #tpu.memory_space<vmem>>
        %dma_wait3A_1209 = arith.constant 0 : i32
        %dma_wait3A_1210 = arith.constant 0 : i32
        %dma_wait3A_1211 = tpu.memref_slice %arg11[%dma_wait3A_1209, %dma_wait3A_1210] : memref<128x128xf32, #tpu.memory_space<vmem_shared>> -> memref<128x128xf32, #tpu.memory_space<vmem_shared>>
        tpu.wait_indirect_dma semaphore(%arg12 : memref<!tpu.dma_semaphore, #tpu.memory_space<semaphore_mem>>) src(%dma_wait3A_1211 : memref<128x128xf32, #tpu.memory_space<vmem_shared>>) dst(%dma_wait3A_1206 : memref<80x128xf32, #tpu.memory_space<vmem>>)
        %dma_wait3A_1212 = arith.constant 80 : i32
        %dma_wait3A_1213 = arith.constant 0 : i32
        %dma_wait3A_1214 = tpu.memref_slice %arg9[%dma_wait3A_1212, %dma_wait3A_1213] : memref<400x128xf32, #tpu.memory_space<vmem>> -> memref<80x128xf32, #tpu.memory_space<vmem>>
        %dma_wait3A_1215 = arith.constant 80 : i32
        %dma_wait3A_1216 = tpu.memref_slice %arg7[%dma_wait3A_1215] : memref<400xi32, #tpu.memory_space<vmem>> -> memref<80xi32, #tpu.memory_space<vmem>>
        %dma_wait3A_1217 = arith.constant 0 : i32
        %dma_wait3A_1218 = arith.constant 0 : i32
        %dma_wait3A_1219 = tpu.memref_slice %arg11[%dma_wait3A_1217, %dma_wait3A_1218] : memref<128x128xf32, #tpu.memory_space<vmem_shared>> -> memref<128x128xf32, #tpu.memory_space<vmem_shared>>
        tpu.wait_indirect_dma semaphore(%arg12 : memref<!tpu.dma_semaphore, #tpu.memory_space<semaphore_mem>>) src(%dma_wait3A_1219 : memref<128x128xf32, #tpu.memory_space<vmem_shared>>) dst(%dma_wait3A_1214 : memref<80x128xf32, #tpu.memory_space<vmem>>)
        %dma_wait3A_1220 = arith.constant 160 : i32
        %dma_wait3A_1221 = arith.constant 0 : i32
        %dma_wait3A_1222 = tpu.memref_slice %arg9[%dma_wait3A_1220, %dma_wait3A_1221] : memref<400x128xf32, #tpu.memory_space<vmem>> -> memref<80x128xf32, #tpu.memory_space<vmem>>
        %dma_wait3A_1223 = arith.constant 160 : i32
        %dma_wait3A_1224 = tpu.memref_slice %arg7[%dma_wait3A_1223] : memref<400xi32, #tpu.memory_space<vmem>> -> memref<80xi32, #tpu.memory_space<vmem>>
        %dma_wait3A_1225 = arith.constant 0 : i32
        %dma_wait3A_1226 = arith.constant 0 : i32
        %dma_wait3A_1227 = tpu.memref_slice %arg11[%dma_wait3A_1225, %dma_wait3A_1226] : memref<128x128xf32, #tpu.memory_space<vmem_shared>> -> memref<128x128xf32, #tpu.memory_space<vmem_shared>>
        tpu.wait_indirect_dma semaphore(%arg12 : memref<!tpu.dma_semaphore, #tpu.memory_space<semaphore_mem>>) src(%dma_wait3A_1227 : memref<128x128xf32, #tpu.memory_space<vmem_shared>>) dst(%dma_wait3A_1222 : memref<80x128xf32, #tpu.memory_space<vmem>>)
        %dma_wait3A_1228 = arith.constant 240 : i32
        %dma_wait3A_1229 = arith.constant 0 : i32
        %dma_wait3A_1230 = tpu.memref_slice %arg9[%dma_wait3A_1228, %dma_wait3A_1229] : memref<400x128xf32, #tpu.memory_space<vmem>> -> memref<80x128xf32, #tpu.memory_space<vmem>>
        %dma_wait3A_1231 = arith.constant 240 : i32
        %dma_wait3A_1232 = tpu.memref_slice %arg7[%dma_wait3A_1231] : memref<400xi32, #tpu.memory_space<vmem>> -> memref<80xi32, #tpu.memory_space<vmem>>
        %dma_wait3A_1233 = arith.constant 0 : i32
        %dma_wait3A_1234 = arith.constant 0 : i32
        %dma_wait3A_1235 = tpu.memref_slice %arg11[%dma_wait3A_1233, %dma_wait3A_1234] : memref<128x128xf32, #tpu.memory_space<vmem_shared>> -> memref<128x128xf32, #tpu.memory_space<vmem_shared>>
        tpu.wait_indirect_dma semaphore(%arg12 : memref<!tpu.dma_semaphore, #tpu.memory_space<semaphore_mem>>) src(%dma_wait3A_1235 : memref<128x128xf32, #tpu.memory_space<vmem_shared>>) dst(%dma_wait3A_1230 : memref<80x128xf32, #tpu.memory_space<vmem>>)
        %dma_wait3A_1236 = arith.constant 320 : i32
        %dma_wait3A_1237 = arith.constant 0 : i32
        %dma_wait3A_1238 = tpu.memref_slice %arg9[%dma_wait3A_1236, %dma_wait3A_1237] : memref<400x128xf32, #tpu.memory_space<vmem>> -> memref<80x128xf32, #tpu.memory_space<vmem>>
        %dma_wait3A_1239 = arith.constant 320 : i32
        %dma_wait3A_1240 = tpu.memref_slice %arg7[%dma_wait3A_1239] : memref<400xi32, #tpu.memory_space<vmem>> -> memref<80xi32, #tpu.memory_space<vmem>>
        %dma_wait3A_1241 = arith.constant 0 : i32
        %dma_wait3A_1242 = arith.constant 0 : i32
        %dma_wait3A_1243 = tpu.memref_slice %arg11[%dma_wait3A_1241, %dma_wait3A_1242] : memref<128x128xf32, #tpu.memory_space<vmem_shared>> -> memref<128x128xf32, #tpu.memory_space<vmem_shared>>
        tpu.wait_indirect_dma semaphore(%arg12 : memref<!tpu.dma_semaphore, #tpu.memory_space<semaphore_mem>>) src(%dma_wait3A_1243 : memref<128x128xf32, #tpu.memory_space<vmem_shared>>) dst(%dma_wait3A_1238 : memref<80x128xf32, #tpu.memory_space<vmem>>)
        %dma_start3A_1244 = arith.constant 0 : i32
        %dma_start3A_1245 = tpu.memref_slice %arg4[%mul3A_94, %dma_start3A_1244] : memref<800000x128xf32, #tpu.memory_space<hbm>> -> memref<400x128xf32, #tpu.memory_space<hbm>>
        %dma_start3A_1246 = arith.constant 0 : i32
        %dma_start3A_1247 = tpu.memref_slice %arg4[%mul3A_94, %dma_start3A_1246] : memref<800000x128xf32, #tpu.memory_space<hbm>> -> memref<400x128xf32, #tpu.memory_space<hbm>>
        tpu.enqueue_dma source(%arg9 : memref<400x128xf32, #tpu.memory_space<vmem>>) target(%dma_start3A_1247 : memref<400x128xf32, #tpu.memory_space<hbm>>) target_semaphore(%arg13 : memref<!tpu.dma_semaphore, #tpu.memory_space<semaphore_mem>>)
      } else {
      }
      %jit3A_64 = arith.constant 2 : i32
      %eq3A_65 = arith.constant 0 : i32
      %eq3A_66 = arith.cmpi eq, %jit3A_64, %eq3A_65 : i32
      %jit3A_67 = arith.constant 1 : i32
      %select_n3A_68 = arith.select %eq3A_66, %jit3A_67, %jit3A_64 : i32
      %rem3A_69 = arith.remsi %while3A_43, %select_n3A_68 : i32
      %ne3A_70 = arith.constant 0 : i32
      %ne3A_71 = arith.cmpi ne, %rem3A_69, %ne3A_70 : i32
      %lt3A_72 = arith.constant 0 : i32
      %lt3A_73 = arith.cmpi slt, %rem3A_69, %lt3A_72 : i32
      %lt3A_74 = arith.constant 0 : i32
      %lt3A_75 = arith.cmpi slt, %select_n3A_68, %lt3A_74 : i32
      %ne3A_76 = arith.xori %lt3A_73, %lt3A_75 : i1
      %and3A_77 = arith.andi %ne3A_76, %ne3A_71 : i1
      %add3A_78 = arith.addi %rem3A_69, %select_n3A_68 : i32
      %select_n3A_79 = arith.select %and3A_77, %add3A_78, %rem3A_69 : i32
      %eq3A_80 = arith.constant 1 : i32
      %eq3A_81 = arith.cmpi eq, %select_n3A_79, %eq3A_80 : i32
      %convert_element_type3A_82 = arith.extui %eq3A_81 : i1 to i32
      %cond3A_83 = arith.constant 0 : i32
      %cond3A_84 = arith.cmpi ne, %convert_element_type3A_82, %cond3A_83 : i32
      scf.if %cond3A_84 {
        %ge3A_85 = arith.constant 2 : i32
        %ge3A_86 = arith.cmpi sge, %while3A_43, %ge3A_85 : i32
        %convert_element_type3A_87 = arith.extui %ge3A_86 : i1 to i32
        %cond3A_88 = arith.constant 0 : i32
        %cond3A_89 = arith.cmpi ne, %convert_element_type3A_87, %cond3A_88 : i32
        scf.if %cond3A_89 {
          %dma_wait3A_1248 = arith.constant 0 : i32
          %dma_wait3A_1249 = arith.constant 0 : i32
          %dma_wait3A_1250 = tpu.memref_slice %arg4[%dma_wait3A_1248, %dma_wait3A_1249] : memref<800000x128xf32, #tpu.memory_space<hbm>> -> memref<400x128xf32, #tpu.memory_space<hbm>>
          %dma_wait3A_1251 = arith.constant 0 : i32
          %dma_wait3A_1252 = arith.constant 0 : i32
          %dma_wait3A_1253 = tpu.memref_slice %arg4[%dma_wait3A_1251, %dma_wait3A_1252] : memref<800000x128xf32, #tpu.memory_space<hbm>> -> memref<400x128xf32, #tpu.memory_space<hbm>>
          tpu.wait_dma2 semaphore(%arg14 : memref<!tpu.dma_semaphore, #tpu.memory_space<semaphore_mem>>) src(%arg10 : memref<400x128xf32, #tpu.memory_space<vmem>>) dst(%dma_wait3A_1253 : memref<400x128xf32, #tpu.memory_space<hbm>>)
        } else {
        }
        %mul3A_90 = arith.constant 32 : i32
        %mul3A_91 = arith.muli %while3A_43, %mul3A_90 : i32
        %add3A_92 = arith.addi %add3A, %mul3A_91 : i32
        %mul3A_93 = arith.constant 400 : i32
        %mul3A_94 = arith.muli %add3A_92, %mul3A_93 : i32
        "tpu.region"() ({
          %run_scoped3A = tpu.sem_alloc : memref<!tpu.dma_semaphore, #tpu.memory_space<semaphore_mem>>
          %dma_start3A_1248 = tpu.memref_slice %arg2[%mul3A_94] : memref<800000xi32, #tpu.memory_space<hbm>> -> memref<400xi32, #tpu.memory_space<hbm>>
          %dma_start3A_1249 = tpu.memref_slice %arg2[%mul3A_94] : memref<800000xi32, #tpu.memory_space<hbm>> -> memref<400xi32, #tpu.memory_space<hbm>>
          tpu.enqueue_dma source(%dma_start3A_1249 : memref<400xi32, #tpu.memory_space<hbm>>) target(%arg6 : memref<400xi32, #tpu.memory_space<vmem>>) target_semaphore(%run_scoped3A : memref<!tpu.dma_semaphore, #tpu.memory_space<semaphore_mem>>)
          %dma_wait3A_1250 = tpu.memref_slice %arg2[%mul3A_94] : memref<800000xi32, #tpu.memory_space<hbm>> -> memref<400xi32, #tpu.memory_space<hbm>>
          %dma_wait3A_1251 = tpu.memref_slice %arg2[%mul3A_94] : memref<800000xi32, #tpu.memory_space<hbm>> -> memref<400xi32, #tpu.memory_space<hbm>>
          tpu.wait_dma2 semaphore(%run_scoped3A : memref<!tpu.dma_semaphore, #tpu.memory_space<semaphore_mem>>) src(%dma_wait3A_1251 : memref<400xi32, #tpu.memory_space<hbm>>) dst(%arg6 : memref<400xi32, #tpu.memory_space<vmem>>)
          tpu.yield
        }) : () -> ()
        %get3A = arith.constant 0 : index
        %get3A_95 = tpu.vector_load %arg6[%get3A] {strides = array<i32>} : memref<400xi32, #tpu.memory_space<vmem>>, vector<16xi32>,
        %get3A_96 = vector.shape_cast %get3A_95 : vector<16xi32> to vector<16xi32>
        %and3A_97 = arith.constant 255 : i32
        %and3A_98 = vector.broadcast %and3A_97 : i32 to vector<16xi32>
        %and3A_99 = arith.andi %get3A_96, %and3A_98 : vector<16xi32>
        %mul3A_100 = arith.constant 24 : i32
        %mul3A_101 = vector.broadcast %mul3A_100 : i32 to vector<16xi32>
        %mul3A_102 = arith.muli %and3A_99, %mul3A_101 : vector<16xi32>
        %shift_right_arithmetic3A = arith.constant 8 : i32
        %shift_right_arithmetic3A_103 = vector.broadcast %shift_right_arithmetic3A : i32 to vector<16xi32>
        %shift_right_arithmetic3A_104 = arith.shrsi %get3A_96, %shift_right_arithmetic3A_103 : vector<16xi32>
        %and3A_105 = arith.constant 255 : i32
        %and3A_106 = vector.broadcast %and3A_105 : i32 to vector<16xi32>
        %and3A_107 = arith.andi %shift_right_arithmetic3A_104, %and3A_106 : vector<16xi32>
        %mul3A_108 = arith.constant 4 : i32
        %mul3A_109 = vector.broadcast %mul3A_108 : i32 to vector<16xi32>
        %mul3A_110 = arith.muli %and3A_107, %mul3A_109 : vector<16xi32>
        %add3A_111 = arith.addi %mul3A_102, %mul3A_110 : vector<16xi32>
        %shift_right_arithmetic3A_112 = arith.constant 16 : i32
        %shift_right_arithmetic3A_113 = vector.broadcast %shift_right_arithmetic3A_112 : i32 to vector<16xi32>
        %shift_right_arithmetic3A_114 = arith.shrsi %get3A_96, %shift_right_arithmetic3A_113 : vector<16xi32>
        %and3A_115 = arith.constant 255 : i32
        %and3A_116 = vector.broadcast %and3A_115 : i32 to vector<16xi32>
        %and3A_117 = arith.andi %shift_right_arithmetic3A_114, %and3A_116 : vector<16xi32>
        %mul3A_118 = arith.constant 2 : i32
        %mul3A_119 = vector.broadcast %mul3A_118 : i32 to vector<16xi32>
        %mul3A_120 = arith.muli %and3A_117, %mul3A_119 : vector<16xi32>
        %add3A_121 = arith.addi %add3A_111, %mul3A_120 : vector<16xi32>
        %shift_right_arithmetic3A_122 = arith.constant 24 : i32
        %shift_right_arithmetic3A_123 = vector.broadcast %shift_right_arithmetic3A_122 : i32 to vector<16xi32>
        %shift_right_arithmetic3A_124 = arith.shrsi %get3A_96, %shift_right_arithmetic3A_123 : vector<16xi32>
        %and3A_125 = arith.constant 255 : i32
        %and3A_126 = vector.broadcast %and3A_125 : i32 to vector<16xi32>
        %and3A_127 = arith.andi %shift_right_arithmetic3A_124, %and3A_126 : vector<16xi32>
        %add3A_128 = arith.addi %add3A_121, %and3A_127 : vector<16xi32>
        %min3A = arith.constant 127 : i32
        %min3A_129 = vector.broadcast %min3A : i32 to vector<16xi32>
        %min3A_130 = arith.minsi %add3A_128, %min3A_129 : vector<16xi32>
        %swap3A = arith.constant 0 : index
        %swap3A_131 = tpu.vector_load %arg8[%swap3A] {strides = array<i32>} : memref<400xi32, #tpu.memory_space<vmem>>, vector<16xi32>,
        %swap3A_132 = vector.shape_cast %swap3A_131 : vector<16xi32> to vector<16xi32>
        %swap3A_133 = vector.shape_cast %min3A_130 : vector<16xi32> to vector<16xi32>
        tpu.vector_store %arg8[%swap3A], %swap3A_133 {strides = array<i32>} : memref<400xi32, #tpu.memory_space<vmem>>, vector<16xi32>,
        %get3A_134 = arith.constant 16 : index
        %get3A_135 = tpu.vector_load %arg6[%get3A_134] {strides = array<i32>} : memref<400xi32, #tpu.memory_space<vmem>>, vector<16xi32>,
        %get3A_136 = vector.shape_cast %get3A_135 : vector<16xi32> to vector<16xi32>
        %and3A_137 = arith.constant 255 : i32
        %and3A_138 = vector.broadcast %and3A_137 : i32 to vector<16xi32>
        %and3A_139 = arith.andi %get3A_136, %and3A_138 : vector<16xi32>
        %mul3A_140 = arith.constant 24 : i32
        %mul3A_141 = vector.broadcast %mul3A_140 : i32 to vector<16xi32>
        %mul3A_142 = arith.muli %and3A_139, %mul3A_141 : vector<16xi32>
        %shift_right_arithmetic3A_143 = arith.constant 8 : i32
        %shift_right_arithmetic3A_144 = vector.broadcast %shift_right_arithmetic3A_143 : i32 to vector<16xi32>
        %shift_right_arithmetic3A_145 = arith.shrsi %get3A_136, %shift_right_arithmetic3A_144 : vector<16xi32>
        %and3A_146 = arith.constant 255 : i32
        %and3A_147 = vector.broadcast %and3A_146 : i32 to vector<16xi32>
        %and3A_148 = arith.andi %shift_right_arithmetic3A_145, %and3A_147 : vector<16xi32>
        %mul3A_149 = arith.constant 4 : i32
        %mul3A_150 = vector.broadcast %mul3A_149 : i32 to vector<16xi32>
        %mul3A_151 = arith.muli %and3A_148, %mul3A_150 : vector<16xi32>
        %add3A_152 = arith.addi %mul3A_142, %mul3A_151 : vector<16xi32>
        %shift_right_arithmetic3A_153 = arith.constant 16 : i32
        %shift_right_arithmetic3A_154 = vector.broadcast %shift_right_arithmetic3A_153 : i32 to vector<16xi32>
        %shift_right_arithmetic3A_155 = arith.shrsi %get3A_136, %shift_right_arithmetic3A_154 : vector<16xi32>
        %and3A_156 = arith.constant 255 : i32
        %and3A_157 = vector.broadcast %and3A_156 : i32 to vector<16xi32>
        %and3A_158 = arith.andi %shift_right_arithmetic3A_155, %and3A_157 : vector<16xi32>
        %mul3A_159 = arith.constant 2 : i32
        %mul3A_160 = vector.broadcast %mul3A_159 : i32 to vector<16xi32>
        %mul3A_161 = arith.muli %and3A_158, %mul3A_160 : vector<16xi32>
        %add3A_162 = arith.addi %add3A_152, %mul3A_161 : vector<16xi32>
        %shift_right_arithmetic3A_163 = arith.constant 24 : i32
        %shift_right_arithmetic3A_164 = vector.broadcast %shift_right_arithmetic3A_163 : i32 to vector<16xi32>
        %shift_right_arithmetic3A_165 = arith.shrsi %get3A_136, %shift_right_arithmetic3A_164 : vector<16xi32>
        %and3A_166 = arith.constant 255 : i32
        %and3A_167 = vector.broadcast %and3A_166 : i32 to vector<16xi32>
        %and3A_168 = arith.andi %shift_right_arithmetic3A_165, %and3A_167 : vector<16xi32>
        %add3A_169 = arith.addi %add3A_162, %and3A_168 : vector<16xi32>
        %min3A_170 = arith.constant 127 : i32
        %min3A_171 = vector.broadcast %min3A_170 : i32 to vector<16xi32>
        %min3A_172 = arith.minsi %add3A_169, %min3A_171 : vector<16xi32>
        %swap3A_173 = arith.constant 16 : index
        %swap3A_174 = tpu.vector_load %arg8[%swap3A_173] {strides = array<i32>} : memref<400xi32, #tpu.memory_space<vmem>>, vector<16xi32>,
        %swap3A_175 = vector.shape_cast %swap3A_174 : vector<16xi32> to vector<16xi32>
        %swap3A_176 = vector.shape_cast %min3A_172 : vector<16xi32> to vector<16xi32>
        tpu.vector_store %arg8[%swap3A_173], %swap3A_176 {strides = array<i32>} : memref<400xi32, #tpu.memory_space<vmem>>, vector<16xi32>,
        %get3A_177 = arith.constant 32 : index
        %get3A_178 = tpu.vector_load %arg6[%get3A_177] {strides = array<i32>} : memref<400xi32, #tpu.memory_space<vmem>>, vector<16xi32>,
        %get3A_179 = vector.shape_cast %get3A_178 : vector<16xi32> to vector<16xi32>
        %and3A_180 = arith.constant 255 : i32
        %and3A_181 = vector.broadcast %and3A_180 : i32 to vector<16xi32>
        %and3A_182 = arith.andi %get3A_179, %and3A_181 : vector<16xi32>
        %mul3A_183 = arith.constant 24 : i32
        %mul3A_184 = vector.broadcast %mul3A_183 : i32 to vector<16xi32>
        %mul3A_185 = arith.muli %and3A_182, %mul3A_184 : vector<16xi32>
        %shift_right_arithmetic3A_186 = arith.constant 8 : i32
        %shift_right_arithmetic3A_187 = vector.broadcast %shift_right_arithmetic3A_186 : i32 to vector<16xi32>
        %shift_right_arithmetic3A_188 = arith.shrsi %get3A_179, %shift_right_arithmetic3A_187 : vector<16xi32>
        %and3A_189 = arith.constant 255 : i32
        %and3A_190 = vector.broadcast %and3A_189 : i32 to vector<16xi32>
        %and3A_191 = arith.andi %shift_right_arithmetic3A_188, %and3A_190 : vector<16xi32>
        %mul3A_192 = arith.constant 4 : i32
        %mul3A_193 = vector.broadcast %mul3A_192 : i32 to vector<16xi32>
        %mul3A_194 = arith.muli %and3A_191, %mul3A_193 : vector<16xi32>
        %add3A_195 = arith.addi %mul3A_185, %mul3A_194 : vector<16xi32>
        %shift_right_arithmetic3A_196 = arith.constant 16 : i32
        %shift_right_arithmetic3A_197 = vector.broadcast %shift_right_arithmetic3A_196 : i32 to vector<16xi32>
        %shift_right_arithmetic3A_198 = arith.shrsi %get3A_179, %shift_right_arithmetic3A_197 : vector<16xi32>
        %and3A_199 = arith.constant 255 : i32
        %and3A_200 = vector.broadcast %and3A_199 : i32 to vector<16xi32>
        %and3A_201 = arith.andi %shift_right_arithmetic3A_198, %and3A_200 : vector<16xi32>
        %mul3A_202 = arith.constant 2 : i32
        %mul3A_203 = vector.broadcast %mul3A_202 : i32 to vector<16xi32>
        %mul3A_204 = arith.muli %and3A_201, %mul3A_203 : vector<16xi32>
        %add3A_205 = arith.addi %add3A_195, %mul3A_204 : vector<16xi32>
        %shift_right_arithmetic3A_206 = arith.constant 24 : i32
        %shift_right_arithmetic3A_207 = vector.broadcast %shift_right_arithmetic3A_206 : i32 to vector<16xi32>
        %shift_right_arithmetic3A_208 = arith.shrsi %get3A_179, %shift_right_arithmetic3A_207 : vector<16xi32>
        %and3A_209 = arith.constant 255 : i32
        %and3A_210 = vector.broadcast %and3A_209 : i32 to vector<16xi32>
        %and3A_211 = arith.andi %shift_right_arithmetic3A_208, %and3A_210 : vector<16xi32>
        %add3A_212 = arith.addi %add3A_205, %and3A_211 : vector<16xi32>
        %min3A_213 = arith.constant 127 : i32
        %min3A_214 = vector.broadcast %min3A_213 : i32 to vector<16xi32>
        %min3A_215 = arith.minsi %add3A_212, %min3A_214 : vector<16xi32>
        %swap3A_216 = arith.constant 32 : index
        %swap3A_217 = tpu.vector_load %arg8[%swap3A_216] {strides = array<i32>} : memref<400xi32, #tpu.memory_space<vmem>>, vector<16xi32>,
        %swap3A_218 = vector.shape_cast %swap3A_217 : vector<16xi32> to vector<16xi32>
        %swap3A_219 = vector.shape_cast %min3A_215 : vector<16xi32> to vector<16xi32>
        tpu.vector_store %arg8[%swap3A_216], %swap3A_219 {strides = array<i32>} : memref<400xi32, #tpu.memory_space<vmem>>, vector<16xi32>,
        %get3A_220 = arith.constant 48 : index
        %get3A_221 = tpu.vector_load %arg6[%get3A_220] {strides = array<i32>} : memref<400xi32, #tpu.memory_space<vmem>>, vector<16xi32>,
        %get3A_222 = vector.shape_cast %get3A_221 : vector<16xi32> to vector<16xi32>
        %and3A_223 = arith.constant 255 : i32
        %and3A_224 = vector.broadcast %and3A_223 : i32 to vector<16xi32>
        %and3A_225 = arith.andi %get3A_222, %and3A_224 : vector<16xi32>
        %mul3A_226 = arith.constant 24 : i32
        %mul3A_227 = vector.broadcast %mul3A_226 : i32 to vector<16xi32>
        %mul3A_228 = arith.muli %and3A_225, %mul3A_227 : vector<16xi32>
        %shift_right_arithmetic3A_229 = arith.constant 8 : i32
        %shift_right_arithmetic3A_230 = vector.broadcast %shift_right_arithmetic3A_229 : i32 to vector<16xi32>
        %shift_right_arithmetic3A_231 = arith.shrsi %get3A_222, %shift_right_arithmetic3A_230 : vector<16xi32>
        %and3A_232 = arith.constant 255 : i32
        %and3A_233 = vector.broadcast %and3A_232 : i32 to vector<16xi32>
        %and3A_234 = arith.andi %shift_right_arithmetic3A_231, %and3A_233 : vector<16xi32>
        %mul3A_235 = arith.constant 4 : i32
        %mul3A_236 = vector.broadcast %mul3A_235 : i32 to vector<16xi32>
        %mul3A_237 = arith.muli %and3A_234, %mul3A_236 : vector<16xi32>
        %add3A_238 = arith.addi %mul3A_228, %mul3A_237 : vector<16xi32>
        %shift_right_arithmetic3A_239 = arith.constant 16 : i32
        %shift_right_arithmetic3A_240 = vector.broadcast %shift_right_arithmetic3A_239 : i32 to vector<16xi32>
        %shift_right_arithmetic3A_241 = arith.shrsi %get3A_222, %shift_right_arithmetic3A_240 : vector<16xi32>
        %and3A_242 = arith.constant 255 : i32
        %and3A_243 = vector.broadcast %and3A_242 : i32 to vector<16xi32>
        %and3A_244 = arith.andi %shift_right_arithmetic3A_241, %and3A_243 : vector<16xi32>
        %mul3A_245 = arith.constant 2 : i32
        %mul3A_246 = vector.broadcast %mul3A_245 : i32 to vector<16xi32>
        %mul3A_247 = arith.muli %and3A_244, %mul3A_246 : vector<16xi32>
        %add3A_248 = arith.addi %add3A_238, %mul3A_247 : vector<16xi32>
        %shift_right_arithmetic3A_249 = arith.constant 24 : i32
        %shift_right_arithmetic3A_250 = vector.broadcast %shift_right_arithmetic3A_249 : i32 to vector<16xi32>
        %shift_right_arithmetic3A_251 = arith.shrsi %get3A_222, %shift_right_arithmetic3A_250 : vector<16xi32>
        %and3A_252 = arith.constant 255 : i32
        %and3A_253 = vector.broadcast %and3A_252 : i32 to vector<16xi32>
        %and3A_254 = arith.andi %shift_right_arithmetic3A_251, %and3A_253 : vector<16xi32>
        %add3A_255 = arith.addi %add3A_248, %and3A_254 : vector<16xi32>
        %min3A_256 = arith.constant 127 : i32
        %min3A_257 = vector.broadcast %min3A_256 : i32 to vector<16xi32>
        %min3A_258 = arith.minsi %add3A_255, %min3A_257 : vector<16xi32>
        %swap3A_259 = arith.constant 48 : index
        %swap3A_260 = tpu.vector_load %arg8[%swap3A_259] {strides = array<i32>} : memref<400xi32, #tpu.memory_space<vmem>>, vector<16xi32>,
        %swap3A_261 = vector.shape_cast %swap3A_260 : vector<16xi32> to vector<16xi32>
        %swap3A_262 = vector.shape_cast %min3A_258 : vector<16xi32> to vector<16xi32>
        tpu.vector_store %arg8[%swap3A_259], %swap3A_262 {strides = array<i32>} : memref<400xi32, #tpu.memory_space<vmem>>, vector<16xi32>,
        %get3A_263 = arith.constant 64 : index
        %get3A_264 = tpu.vector_load %arg6[%get3A_263] {strides = array<i32>} : memref<400xi32, #tpu.memory_space<vmem>>, vector<16xi32>,
        %get3A_265 = vector.shape_cast %get3A_264 : vector<16xi32> to vector<16xi32>
        %and3A_266 = arith.constant 255 : i32
        %and3A_267 = vector.broadcast %and3A_266 : i32 to vector<16xi32>
        %and3A_268 = arith.andi %get3A_265, %and3A_267 : vector<16xi32>
        %mul3A_269 = arith.constant 24 : i32
        %mul3A_270 = vector.broadcast %mul3A_269 : i32 to vector<16xi32>
        %mul3A_271 = arith.muli %and3A_268, %mul3A_270 : vector<16xi32>
        %shift_right_arithmetic3A_272 = arith.constant 8 : i32
        %shift_right_arithmetic3A_273 = vector.broadcast %shift_right_arithmetic3A_272 : i32 to vector<16xi32>
        %shift_right_arithmetic3A_274 = arith.shrsi %get3A_265, %shift_right_arithmetic3A_273 : vector<16xi32>
        %and3A_275 = arith.constant 255 : i32
        %and3A_276 = vector.broadcast %and3A_275 : i32 to vector<16xi32>
        %and3A_277 = arith.andi %shift_right_arithmetic3A_274, %and3A_276 : vector<16xi32>
        %mul3A_278 = arith.constant 4 : i32
        %mul3A_279 = vector.broadcast %mul3A_278 : i32 to vector<16xi32>
        %mul3A_280 = arith.muli %and3A_277, %mul3A_279 : vector<16xi32>
        %add3A_281 = arith.addi %mul3A_271, %mul3A_280 : vector<16xi32>
        %shift_right_arithmetic3A_282 = arith.constant 16 : i32
        %shift_right_arithmetic3A_283 = vector.broadcast %shift_right_arithmetic3A_282 : i32 to vector<16xi32>
        %shift_right_arithmetic3A_284 = arith.shrsi %get3A_265, %shift_right_arithmetic3A_283 : vector<16xi32>
        %and3A_285 = arith.constant 255 : i32
        %and3A_286 = vector.broadcast %and3A_285 : i32 to vector<16xi32>
        %and3A_287 = arith.andi %shift_right_arithmetic3A_284, %and3A_286 : vector<16xi32>
        %mul3A_288 = arith.constant 2 : i32
        %mul3A_289 = vector.broadcast %mul3A_288 : i32 to vector<16xi32>
        %mul3A_290 = arith.muli %and3A_287, %mul3A_289 : vector<16xi32>
        %add3A_291 = arith.addi %add3A_281, %mul3A_290 : vector<16xi32>
        %shift_right_arithmetic3A_292 = arith.constant 24 : i32
        %shift_right_arithmetic3A_293 = vector.broadcast %shift_right_arithmetic3A_292 : i32 to vector<16xi32>
        %shift_right_arithmetic3A_294 = arith.shrsi %get3A_265, %shift_right_arithmetic3A_293 : vector<16xi32>
        %and3A_295 = arith.constant 255 : i32
        %and3A_296 = vector.broadcast %and3A_295 : i32 to vector<16xi32>
        %and3A_297 = arith.andi %shift_right_arithmetic3A_294, %and3A_296 : vector<16xi32>
        %add3A_298 = arith.addi %add3A_291, %and3A_297 : vector<16xi32>
        %min3A_299 = arith.constant 127 : i32
        %min3A_300 = vector.broadcast %min3A_299 : i32 to vector<16xi32>
        %min3A_301 = arith.minsi %add3A_298, %min3A_300 : vector<16xi32>
        %swap3A_302 = arith.constant 64 : index
        %swap3A_303 = tpu.vector_load %arg8[%swap3A_302] {strides = array<i32>} : memref<400xi32, #tpu.memory_space<vmem>>, vector<16xi32>,
        %swap3A_304 = vector.shape_cast %swap3A_303 : vector<16xi32> to vector<16xi32>
        %swap3A_305 = vector.shape_cast %min3A_301 : vector<16xi32> to vector<16xi32>
        tpu.vector_store %arg8[%swap3A_302], %swap3A_305 {strides = array<i32>} : memref<400xi32, #tpu.memory_space<vmem>>, vector<16xi32>,
        %get3A_306 = arith.constant 80 : index
        %get3A_307 = tpu.vector_load %arg6[%get3A_306] {strides = array<i32>} : memref<400xi32, #tpu.memory_space<vmem>>, vector<16xi32>,
        %get3A_308 = vector.shape_cast %get3A_307 : vector<16xi32> to vector<16xi32>
        %and3A_309 = arith.constant 255 : i32
        %and3A_310 = vector.broadcast %and3A_309 : i32 to vector<16xi32>
        %and3A_311 = arith.andi %get3A_308, %and3A_310 : vector<16xi32>
        %mul3A_312 = arith.constant 24 : i32
        %mul3A_313 = vector.broadcast %mul3A_312 : i32 to vector<16xi32>
        %mul3A_314 = arith.muli %and3A_311, %mul3A_313 : vector<16xi32>
        %shift_right_arithmetic3A_315 = arith.constant 8 : i32
        %shift_right_arithmetic3A_316 = vector.broadcast %shift_right_arithmetic3A_315 : i32 to vector<16xi32>
        %shift_right_arithmetic3A_317 = arith.shrsi %get3A_308, %shift_right_arithmetic3A_316 : vector<16xi32>
        %and3A_318 = arith.constant 255 : i32
        %and3A_319 = vector.broadcast %and3A_318 : i32 to vector<16xi32>
        %and3A_320 = arith.andi %shift_right_arithmetic3A_317, %and3A_319 : vector<16xi32>
        %mul3A_321 = arith.constant 4 : i32
        %mul3A_322 = vector.broadcast %mul3A_321 : i32 to vector<16xi32>
        %mul3A_323 = arith.muli %and3A_320, %mul3A_322 : vector<16xi32>
        %add3A_324 = arith.addi %mul3A_314, %mul3A_323 : vector<16xi32>
        %shift_right_arithmetic3A_325 = arith.constant 16 : i32
        %shift_right_arithmetic3A_326 = vector.broadcast %shift_right_arithmetic3A_325 : i32 to vector<16xi32>
        %shift_right_arithmetic3A_327 = arith.shrsi %get3A_308, %shift_right_arithmetic3A_326 : vector<16xi32>
        %and3A_328 = arith.constant 255 : i32
        %and3A_329 = vector.broadcast %and3A_328 : i32 to vector<16xi32>
        %and3A_330 = arith.andi %shift_right_arithmetic3A_327, %and3A_329 : vector<16xi32>
        %mul3A_331 = arith.constant 2 : i32
        %mul3A_332 = vector.broadcast %mul3A_331 : i32 to vector<16xi32>
        %mul3A_333 = arith.muli %and3A_330, %mul3A_332 : vector<16xi32>
        %add3A_334 = arith.addi %add3A_324, %mul3A_333 : vector<16xi32>
        %shift_right_arithmetic3A_335 = arith.constant 24 : i32
        %shift_right_arithmetic3A_336 = vector.broadcast %shift_right_arithmetic3A_335 : i32 to vector<16xi32>
        %shift_right_arithmetic3A_337 = arith.shrsi %get3A_308, %shift_right_arithmetic3A_336 : vector<16xi32>
        %and3A_338 = arith.constant 255 : i32
        %and3A_339 = vector.broadcast %and3A_338 : i32 to vector<16xi32>
        %and3A_340 = arith.andi %shift_right_arithmetic3A_337, %and3A_339 : vector<16xi32>
        %add3A_341 = arith.addi %add3A_334, %and3A_340 : vector<16xi32>
        %min3A_342 = arith.constant 127 : i32
        %min3A_343 = vector.broadcast %min3A_342 : i32 to vector<16xi32>
        %min3A_344 = arith.minsi %add3A_341, %min3A_343 : vector<16xi32>
        %swap3A_345 = arith.constant 80 : index
        %swap3A_346 = tpu.vector_load %arg8[%swap3A_345] {strides = array<i32>} : memref<400xi32, #tpu.memory_space<vmem>>, vector<16xi32>,
        %swap3A_347 = vector.shape_cast %swap3A_346 : vector<16xi32> to vector<16xi32>
        %swap3A_348 = vector.shape_cast %min3A_344 : vector<16xi32> to vector<16xi32>
        tpu.vector_store %arg8[%swap3A_345], %swap3A_348 {strides = array<i32>} : memref<400xi32, #tpu.memory_space<vmem>>, vector<16xi32>,
        %get3A_349 = arith.constant 96 : index
        %get3A_350 = tpu.vector_load %arg6[%get3A_349] {strides = array<i32>} : memref<400xi32, #tpu.memory_space<vmem>>, vector<16xi32>,
        %get3A_351 = vector.shape_cast %get3A_350 : vector<16xi32> to vector<16xi32>
        %and3A_352 = arith.constant 255 : i32
        %and3A_353 = vector.broadcast %and3A_352 : i32 to vector<16xi32>
        %and3A_354 = arith.andi %get3A_351, %and3A_353 : vector<16xi32>
        %mul3A_355 = arith.constant 24 : i32
        %mul3A_356 = vector.broadcast %mul3A_355 : i32 to vector<16xi32>
        %mul3A_357 = arith.muli %and3A_354, %mul3A_356 : vector<16xi32>
        %shift_right_arithmetic3A_358 = arith.constant 8 : i32
        %shift_right_arithmetic3A_359 = vector.broadcast %shift_right_arithmetic3A_358 : i32 to vector<16xi32>
        %shift_right_arithmetic3A_360 = arith.shrsi %get3A_351, %shift_right_arithmetic3A_359 : vector<16xi32>
        %and3A_361 = arith.constant 255 : i32
        %and3A_362 = vector.broadcast %and3A_361 : i32 to vector<16xi32>
        %and3A_363 = arith.andi %shift_right_arithmetic3A_360, %and3A_362 : vector<16xi32>
        %mul3A_364 = arith.constant 4 : i32
        %mul3A_365 = vector.broadcast %mul3A_364 : i32 to vector<16xi32>
        %mul3A_366 = arith.muli %and3A_363, %mul3A_365 : vector<16xi32>
        %add3A_367 = arith.addi %mul3A_357, %mul3A_366 : vector<16xi32>
        %shift_right_arithmetic3A_368 = arith.constant 16 : i32
        %shift_right_arithmetic3A_369 = vector.broadcast %shift_right_arithmetic3A_368 : i32 to vector<16xi32>
        %shift_right_arithmetic3A_370 = arith.shrsi %get3A_351, %shift_right_arithmetic3A_369 : vector<16xi32>
        %and3A_371 = arith.constant 255 : i32
        %and3A_372 = vector.broadcast %and3A_371 : i32 to vector<16xi32>
        %and3A_373 = arith.andi %shift_right_arithmetic3A_370, %and3A_372 : vector<16xi32>
        %mul3A_374 = arith.constant 2 : i32
        %mul3A_375 = vector.broadcast %mul3A_374 : i32 to vector<16xi32>
        %mul3A_376 = arith.muli %and3A_373, %mul3A_375 : vector<16xi32>
        %add3A_377 = arith.addi %add3A_367, %mul3A_376 : vector<16xi32>
        %shift_right_arithmetic3A_378 = arith.constant 24 : i32
        %shift_right_arithmetic3A_379 = vector.broadcast %shift_right_arithmetic3A_378 : i32 to vector<16xi32>
        %shift_right_arithmetic3A_380 = arith.shrsi %get3A_351, %shift_right_arithmetic3A_379 : vector<16xi32>
        %and3A_381 = arith.constant 255 : i32
        %and3A_382 = vector.broadcast %and3A_381 : i32 to vector<16xi32>
        %and3A_383 = arith.andi %shift_right_arithmetic3A_380, %and3A_382 : vector<16xi32>
        %add3A_384 = arith.addi %add3A_377, %and3A_383 : vector<16xi32>
        %min3A_385 = arith.constant 127 : i32
        %min3A_386 = vector.broadcast %min3A_385 : i32 to vector<16xi32>
        %min3A_387 = arith.minsi %add3A_384, %min3A_386 : vector<16xi32>
        %swap3A_388 = arith.constant 96 : index
        %swap3A_389 = tpu.vector_load %arg8[%swap3A_388] {strides = array<i32>} : memref<400xi32, #tpu.memory_space<vmem>>, vector<16xi32>,
        %swap3A_390 = vector.shape_cast %swap3A_389 : vector<16xi32> to vector<16xi32>
        %swap3A_391 = vector.shape_cast %min3A_387 : vector<16xi32> to vector<16xi32>
        tpu.vector_store %arg8[%swap3A_388], %swap3A_391 {strides = array<i32>} : memref<400xi32, #tpu.memory_space<vmem>>, vector<16xi32>,
        %get3A_392 = arith.constant 112 : index
        %get3A_393 = tpu.vector_load %arg6[%get3A_392] {strides = array<i32>} : memref<400xi32, #tpu.memory_space<vmem>>, vector<16xi32>,
        %get3A_394 = vector.shape_cast %get3A_393 : vector<16xi32> to vector<16xi32>
        %and3A_395 = arith.constant 255 : i32
        %and3A_396 = vector.broadcast %and3A_395 : i32 to vector<16xi32>
        %and3A_397 = arith.andi %get3A_394, %and3A_396 : vector<16xi32>
        %mul3A_398 = arith.constant 24 : i32
        %mul3A_399 = vector.broadcast %mul3A_398 : i32 to vector<16xi32>
        %mul3A_400 = arith.muli %and3A_397, %mul3A_399 : vector<16xi32>
        %shift_right_arithmetic3A_401 = arith.constant 8 : i32
        %shift_right_arithmetic3A_402 = vector.broadcast %shift_right_arithmetic3A_401 : i32 to vector<16xi32>
        %shift_right_arithmetic3A_403 = arith.shrsi %get3A_394, %shift_right_arithmetic3A_402 : vector<16xi32>
        %and3A_404 = arith.constant 255 : i32
        %and3A_405 = vector.broadcast %and3A_404 : i32 to vector<16xi32>
        %and3A_406 = arith.andi %shift_right_arithmetic3A_403, %and3A_405 : vector<16xi32>
        %mul3A_407 = arith.constant 4 : i32
        %mul3A_408 = vector.broadcast %mul3A_407 : i32 to vector<16xi32>
        %mul3A_409 = arith.muli %and3A_406, %mul3A_408 : vector<16xi32>
        %add3A_410 = arith.addi %mul3A_400, %mul3A_409 : vector<16xi32>
        %shift_right_arithmetic3A_411 = arith.constant 16 : i32
        %shift_right_arithmetic3A_412 = vector.broadcast %shift_right_arithmetic3A_411 : i32 to vector<16xi32>
        %shift_right_arithmetic3A_413 = arith.shrsi %get3A_394, %shift_right_arithmetic3A_412 : vector<16xi32>
        %and3A_414 = arith.constant 255 : i32
        %and3A_415 = vector.broadcast %and3A_414 : i32 to vector<16xi32>
        %and3A_416 = arith.andi %shift_right_arithmetic3A_413, %and3A_415 : vector<16xi32>
        %mul3A_417 = arith.constant 2 : i32
        %mul3A_418 = vector.broadcast %mul3A_417 : i32 to vector<16xi32>
        %mul3A_419 = arith.muli %and3A_416, %mul3A_418 : vector<16xi32>
        %add3A_420 = arith.addi %add3A_410, %mul3A_419 : vector<16xi32>
        %shift_right_arithmetic3A_421 = arith.constant 24 : i32
        %shift_right_arithmetic3A_422 = vector.broadcast %shift_right_arithmetic3A_421 : i32 to vector<16xi32>
        %shift_right_arithmetic3A_423 = arith.shrsi %get3A_394, %shift_right_arithmetic3A_422 : vector<16xi32>
        %and3A_424 = arith.constant 255 : i32
        %and3A_425 = vector.broadcast %and3A_424 : i32 to vector<16xi32>
        %and3A_426 = arith.andi %shift_right_arithmetic3A_423, %and3A_425 : vector<16xi32>
        %add3A_427 = arith.addi %add3A_420, %and3A_426 : vector<16xi32>
        %min3A_428 = arith.constant 127 : i32
        %min3A_429 = vector.broadcast %min3A_428 : i32 to vector<16xi32>
        %min3A_430 = arith.minsi %add3A_427, %min3A_429 : vector<16xi32>
        %swap3A_431 = arith.constant 112 : index
        %swap3A_432 = tpu.vector_load %arg8[%swap3A_431] {strides = array<i32>} : memref<400xi32, #tpu.memory_space<vmem>>, vector<16xi32>,
        %swap3A_433 = vector.shape_cast %swap3A_432 : vector<16xi32> to vector<16xi32>
        %swap3A_434 = vector.shape_cast %min3A_430 : vector<16xi32> to vector<16xi32>
        tpu.vector_store %arg8[%swap3A_431], %swap3A_434 {strides = array<i32>} : memref<400xi32, #tpu.memory_space<vmem>>, vector<16xi32>,
        %get3A_435 = arith.constant 128 : index
        %get3A_436 = tpu.vector_load %arg6[%get3A_435] {strides = array<i32>} : memref<400xi32, #tpu.memory_space<vmem>>, vector<16xi32>,
        %get3A_437 = vector.shape_cast %get3A_436 : vector<16xi32> to vector<16xi32>
        %and3A_438 = arith.constant 255 : i32
        %and3A_439 = vector.broadcast %and3A_438 : i32 to vector<16xi32>
        %and3A_440 = arith.andi %get3A_437, %and3A_439 : vector<16xi32>
        %mul3A_441 = arith.constant 24 : i32
        %mul3A_442 = vector.broadcast %mul3A_441 : i32 to vector<16xi32>
        %mul3A_443 = arith.muli %and3A_440, %mul3A_442 : vector<16xi32>
        %shift_right_arithmetic3A_444 = arith.constant 8 : i32
        %shift_right_arithmetic3A_445 = vector.broadcast %shift_right_arithmetic3A_444 : i32 to vector<16xi32>
        %shift_right_arithmetic3A_446 = arith.shrsi %get3A_437, %shift_right_arithmetic3A_445 : vector<16xi32>
        %and3A_447 = arith.constant 255 : i32
        %and3A_448 = vector.broadcast %and3A_447 : i32 to vector<16xi32>
        %and3A_449 = arith.andi %shift_right_arithmetic3A_446, %and3A_448 : vector<16xi32>
        %mul3A_450 = arith.constant 4 : i32
        %mul3A_451 = vector.broadcast %mul3A_450 : i32 to vector<16xi32>
        %mul3A_452 = arith.muli %and3A_449, %mul3A_451 : vector<16xi32>
        %add3A_453 = arith.addi %mul3A_443, %mul3A_452 : vector<16xi32>
        %shift_right_arithmetic3A_454 = arith.constant 16 : i32
        %shift_right_arithmetic3A_455 = vector.broadcast %shift_right_arithmetic3A_454 : i32 to vector<16xi32>
        %shift_right_arithmetic3A_456 = arith.shrsi %get3A_437, %shift_right_arithmetic3A_455 : vector<16xi32>
        %and3A_457 = arith.constant 255 : i32
        %and3A_458 = vector.broadcast %and3A_457 : i32 to vector<16xi32>
        %and3A_459 = arith.andi %shift_right_arithmetic3A_456, %and3A_458 : vector<16xi32>
        %mul3A_460 = arith.constant 2 : i32
        %mul3A_461 = vector.broadcast %mul3A_460 : i32 to vector<16xi32>
        %mul3A_462 = arith.muli %and3A_459, %mul3A_461 : vector<16xi32>
        %add3A_463 = arith.addi %add3A_453, %mul3A_462 : vector<16xi32>
        %shift_right_arithmetic3A_464 = arith.constant 24 : i32
        %shift_right_arithmetic3A_465 = vector.broadcast %shift_right_arithmetic3A_464 : i32 to vector<16xi32>
        %shift_right_arithmetic3A_466 = arith.shrsi %get3A_437, %shift_right_arithmetic3A_465 : vector<16xi32>
        %and3A_467 = arith.constant 255 : i32
        %and3A_468 = vector.broadcast %and3A_467 : i32 to vector<16xi32>
        %and3A_469 = arith.andi %shift_right_arithmetic3A_466, %and3A_468 : vector<16xi32>
        %add3A_470 = arith.addi %add3A_463, %and3A_469 : vector<16xi32>
        %min3A_471 = arith.constant 127 : i32
        %min3A_472 = vector.broadcast %min3A_471 : i32 to vector<16xi32>
        %min3A_473 = arith.minsi %add3A_470, %min3A_472 : vector<16xi32>
        %swap3A_474 = arith.constant 128 : index
        %swap3A_475 = tpu.vector_load %arg8[%swap3A_474] {strides = array<i32>} : memref<400xi32, #tpu.memory_space<vmem>>, vector<16xi32>,
        %swap3A_476 = vector.shape_cast %swap3A_475 : vector<16xi32> to vector<16xi32>
        %swap3A_477 = vector.shape_cast %min3A_473 : vector<16xi32> to vector<16xi32>
        tpu.vector_store %arg8[%swap3A_474], %swap3A_477 {strides = array<i32>} : memref<400xi32, #tpu.memory_space<vmem>>, vector<16xi32>,
        %get3A_478 = arith.constant 144 : index
        %get3A_479 = tpu.vector_load %arg6[%get3A_478] {strides = array<i32>} : memref<400xi32, #tpu.memory_space<vmem>>, vector<16xi32>,
        %get3A_480 = vector.shape_cast %get3A_479 : vector<16xi32> to vector<16xi32>
        %and3A_481 = arith.constant 255 : i32
        %and3A_482 = vector.broadcast %and3A_481 : i32 to vector<16xi32>
        %and3A_483 = arith.andi %get3A_480, %and3A_482 : vector<16xi32>
        %mul3A_484 = arith.constant 24 : i32
        %mul3A_485 = vector.broadcast %mul3A_484 : i32 to vector<16xi32>
        %mul3A_486 = arith.muli %and3A_483, %mul3A_485 : vector<16xi32>
        %shift_right_arithmetic3A_487 = arith.constant 8 : i32
        %shift_right_arithmetic3A_488 = vector.broadcast %shift_right_arithmetic3A_487 : i32 to vector<16xi32>
        %shift_right_arithmetic3A_489 = arith.shrsi %get3A_480, %shift_right_arithmetic3A_488 : vector<16xi32>
        %and3A_490 = arith.constant 255 : i32
        %and3A_491 = vector.broadcast %and3A_490 : i32 to vector<16xi32>
        %and3A_492 = arith.andi %shift_right_arithmetic3A_489, %and3A_491 : vector<16xi32>
        %mul3A_493 = arith.constant 4 : i32
        %mul3A_494 = vector.broadcast %mul3A_493 : i32 to vector<16xi32>
        %mul3A_495 = arith.muli %and3A_492, %mul3A_494 : vector<16xi32>
        %add3A_496 = arith.addi %mul3A_486, %mul3A_495 : vector<16xi32>
        %shift_right_arithmetic3A_497 = arith.constant 16 : i32
        %shift_right_arithmetic3A_498 = vector.broadcast %shift_right_arithmetic3A_497 : i32 to vector<16xi32>
        %shift_right_arithmetic3A_499 = arith.shrsi %get3A_480, %shift_right_arithmetic3A_498 : vector<16xi32>
        %and3A_500 = arith.constant 255 : i32
        %and3A_501 = vector.broadcast %and3A_500 : i32 to vector<16xi32>
        %and3A_502 = arith.andi %shift_right_arithmetic3A_499, %and3A_501 : vector<16xi32>
        %mul3A_503 = arith.constant 2 : i32
        %mul3A_504 = vector.broadcast %mul3A_503 : i32 to vector<16xi32>
        %mul3A_505 = arith.muli %and3A_502, %mul3A_504 : vector<16xi32>
        %add3A_506 = arith.addi %add3A_496, %mul3A_505 : vector<16xi32>
        %shift_right_arithmetic3A_507 = arith.constant 24 : i32
        %shift_right_arithmetic3A_508 = vector.broadcast %shift_right_arithmetic3A_507 : i32 to vector<16xi32>
        %shift_right_arithmetic3A_509 = arith.shrsi %get3A_480, %shift_right_arithmetic3A_508 : vector<16xi32>
        %and3A_510 = arith.constant 255 : i32
        %and3A_511 = vector.broadcast %and3A_510 : i32 to vector<16xi32>
        %and3A_512 = arith.andi %shift_right_arithmetic3A_509, %and3A_511 : vector<16xi32>
        %add3A_513 = arith.addi %add3A_506, %and3A_512 : vector<16xi32>
        %min3A_514 = arith.constant 127 : i32
        %min3A_515 = vector.broadcast %min3A_514 : i32 to vector<16xi32>
        %min3A_516 = arith.minsi %add3A_513, %min3A_515 : vector<16xi32>
        %swap3A_517 = arith.constant 144 : index
        %swap3A_518 = tpu.vector_load %arg8[%swap3A_517] {strides = array<i32>} : memref<400xi32, #tpu.memory_space<vmem>>, vector<16xi32>,
        %swap3A_519 = vector.shape_cast %swap3A_518 : vector<16xi32> to vector<16xi32>
        %swap3A_520 = vector.shape_cast %min3A_516 : vector<16xi32> to vector<16xi32>
        tpu.vector_store %arg8[%swap3A_517], %swap3A_520 {strides = array<i32>} : memref<400xi32, #tpu.memory_space<vmem>>, vector<16xi32>,
        %get3A_521 = arith.constant 160 : index
        %get3A_522 = tpu.vector_load %arg6[%get3A_521] {strides = array<i32>} : memref<400xi32, #tpu.memory_space<vmem>>, vector<16xi32>,
        %get3A_523 = vector.shape_cast %get3A_522 : vector<16xi32> to vector<16xi32>
        %and3A_524 = arith.constant 255 : i32
        %and3A_525 = vector.broadcast %and3A_524 : i32 to vector<16xi32>
        %and3A_526 = arith.andi %get3A_523, %and3A_525 : vector<16xi32>
        %mul3A_527 = arith.constant 24 : i32
        %mul3A_528 = vector.broadcast %mul3A_527 : i32 to vector<16xi32>
        %mul3A_529 = arith.muli %and3A_526, %mul3A_528 : vector<16xi32>
        %shift_right_arithmetic3A_530 = arith.constant 8 : i32
        %shift_right_arithmetic3A_531 = vector.broadcast %shift_right_arithmetic3A_530 : i32 to vector<16xi32>
        %shift_right_arithmetic3A_532 = arith.shrsi %get3A_523, %shift_right_arithmetic3A_531 : vector<16xi32>
        %and3A_533 = arith.constant 255 : i32
        %and3A_534 = vector.broadcast %and3A_533 : i32 to vector<16xi32>
        %and3A_535 = arith.andi %shift_right_arithmetic3A_532, %and3A_534 : vector<16xi32>
        %mul3A_536 = arith.constant 4 : i32
        %mul3A_537 = vector.broadcast %mul3A_536 : i32 to vector<16xi32>
        %mul3A_538 = arith.muli %and3A_535, %mul3A_537 : vector<16xi32>
        %add3A_539 = arith.addi %mul3A_529, %mul3A_538 : vector<16xi32>
        %shift_right_arithmetic3A_540 = arith.constant 16 : i32
        %shift_right_arithmetic3A_541 = vector.broadcast %shift_right_arithmetic3A_540 : i32 to vector<16xi32>
        %shift_right_arithmetic3A_542 = arith.shrsi %get3A_523, %shift_right_arithmetic3A_541 : vector<16xi32>
        %and3A_543 = arith.constant 255 : i32
        %and3A_544 = vector.broadcast %and3A_543 : i32 to vector<16xi32>
        %and3A_545 = arith.andi %shift_right_arithmetic3A_542, %and3A_544 : vector<16xi32>
        %mul3A_546 = arith.constant 2 : i32
        %mul3A_547 = vector.broadcast %mul3A_546 : i32 to vector<16xi32>
        %mul3A_548 = arith.muli %and3A_545, %mul3A_547 : vector<16xi32>
        %add3A_549 = arith.addi %add3A_539, %mul3A_548 : vector<16xi32>
        %shift_right_arithmetic3A_550 = arith.constant 24 : i32
        %shift_right_arithmetic3A_551 = vector.broadcast %shift_right_arithmetic3A_550 : i32 to vector<16xi32>
        %shift_right_arithmetic3A_552 = arith.shrsi %get3A_523, %shift_right_arithmetic3A_551 : vector<16xi32>
        %and3A_553 = arith.constant 255 : i32
        %and3A_554 = vector.broadcast %and3A_553 : i32 to vector<16xi32>
        %and3A_555 = arith.andi %shift_right_arithmetic3A_552, %and3A_554 : vector<16xi32>
        %add3A_556 = arith.addi %add3A_549, %and3A_555 : vector<16xi32>
        %min3A_557 = arith.constant 127 : i32
        %min3A_558 = vector.broadcast %min3A_557 : i32 to vector<16xi32>
        %min3A_559 = arith.minsi %add3A_556, %min3A_558 : vector<16xi32>
        %swap3A_560 = arith.constant 160 : index
        %swap3A_561 = tpu.vector_load %arg8[%swap3A_560] {strides = array<i32>} : memref<400xi32, #tpu.memory_space<vmem>>, vector<16xi32>,
        %swap3A_562 = vector.shape_cast %swap3A_561 : vector<16xi32> to vector<16xi32>
        %swap3A_563 = vector.shape_cast %min3A_559 : vector<16xi32> to vector<16xi32>
        tpu.vector_store %arg8[%swap3A_560], %swap3A_563 {strides = array<i32>} : memref<400xi32, #tpu.memory_space<vmem>>, vector<16xi32>,
        %get3A_564 = arith.constant 176 : index
        %get3A_565 = tpu.vector_load %arg6[%get3A_564] {strides = array<i32>} : memref<400xi32, #tpu.memory_space<vmem>>, vector<16xi32>,
        %get3A_566 = vector.shape_cast %get3A_565 : vector<16xi32> to vector<16xi32>
        %and3A_567 = arith.constant 255 : i32
        %and3A_568 = vector.broadcast %and3A_567 : i32 to vector<16xi32>
        %and3A_569 = arith.andi %get3A_566, %and3A_568 : vector<16xi32>
        %mul3A_570 = arith.constant 24 : i32
        %mul3A_571 = vector.broadcast %mul3A_570 : i32 to vector<16xi32>
        %mul3A_572 = arith.muli %and3A_569, %mul3A_571 : vector<16xi32>
        %shift_right_arithmetic3A_573 = arith.constant 8 : i32
        %shift_right_arithmetic3A_574 = vector.broadcast %shift_right_arithmetic3A_573 : i32 to vector<16xi32>
        %shift_right_arithmetic3A_575 = arith.shrsi %get3A_566, %shift_right_arithmetic3A_574 : vector<16xi32>
        %and3A_576 = arith.constant 255 : i32
        %and3A_577 = vector.broadcast %and3A_576 : i32 to vector<16xi32>
        %and3A_578 = arith.andi %shift_right_arithmetic3A_575, %and3A_577 : vector<16xi32>
        %mul3A_579 = arith.constant 4 : i32
        %mul3A_580 = vector.broadcast %mul3A_579 : i32 to vector<16xi32>
        %mul3A_581 = arith.muli %and3A_578, %mul3A_580 : vector<16xi32>
        %add3A_582 = arith.addi %mul3A_572, %mul3A_581 : vector<16xi32>
        %shift_right_arithmetic3A_583 = arith.constant 16 : i32
        %shift_right_arithmetic3A_584 = vector.broadcast %shift_right_arithmetic3A_583 : i32 to vector<16xi32>
        %shift_right_arithmetic3A_585 = arith.shrsi %get3A_566, %shift_right_arithmetic3A_584 : vector<16xi32>
        %and3A_586 = arith.constant 255 : i32
        %and3A_587 = vector.broadcast %and3A_586 : i32 to vector<16xi32>
        %and3A_588 = arith.andi %shift_right_arithmetic3A_585, %and3A_587 : vector<16xi32>
        %mul3A_589 = arith.constant 2 : i32
        %mul3A_590 = vector.broadcast %mul3A_589 : i32 to vector<16xi32>
        %mul3A_591 = arith.muli %and3A_588, %mul3A_590 : vector<16xi32>
        %add3A_592 = arith.addi %add3A_582, %mul3A_591 : vector<16xi32>
        %shift_right_arithmetic3A_593 = arith.constant 24 : i32
        %shift_right_arithmetic3A_594 = vector.broadcast %shift_right_arithmetic3A_593 : i32 to vector<16xi32>
        %shift_right_arithmetic3A_595 = arith.shrsi %get3A_566, %shift_right_arithmetic3A_594 : vector<16xi32>
        %and3A_596 = arith.constant 255 : i32
        %and3A_597 = vector.broadcast %and3A_596 : i32 to vector<16xi32>
        %and3A_598 = arith.andi %shift_right_arithmetic3A_595, %and3A_597 : vector<16xi32>
        %add3A_599 = arith.addi %add3A_592, %and3A_598 : vector<16xi32>
        %min3A_600 = arith.constant 127 : i32
        %min3A_601 = vector.broadcast %min3A_600 : i32 to vector<16xi32>
        %min3A_602 = arith.minsi %add3A_599, %min3A_601 : vector<16xi32>
        %swap3A_603 = arith.constant 176 : index
        %swap3A_604 = tpu.vector_load %arg8[%swap3A_603] {strides = array<i32>} : memref<400xi32, #tpu.memory_space<vmem>>, vector<16xi32>,
        %swap3A_605 = vector.shape_cast %swap3A_604 : vector<16xi32> to vector<16xi32>
        %swap3A_606 = vector.shape_cast %min3A_602 : vector<16xi32> to vector<16xi32>
        tpu.vector_store %arg8[%swap3A_603], %swap3A_606 {strides = array<i32>} : memref<400xi32, #tpu.memory_space<vmem>>, vector<16xi32>,
        %get3A_607 = arith.constant 192 : index
        %get3A_608 = tpu.vector_load %arg6[%get3A_607] {strides = array<i32>} : memref<400xi32, #tpu.memory_space<vmem>>, vector<16xi32>,
        %get3A_609 = vector.shape_cast %get3A_608 : vector<16xi32> to vector<16xi32>
        %and3A_610 = arith.constant 255 : i32
        %and3A_611 = vector.broadcast %and3A_610 : i32 to vector<16xi32>
        %and3A_612 = arith.andi %get3A_609, %and3A_611 : vector<16xi32>
        %mul3A_613 = arith.constant 24 : i32
        %mul3A_614 = vector.broadcast %mul3A_613 : i32 to vector<16xi32>
        %mul3A_615 = arith.muli %and3A_612, %mul3A_614 : vector<16xi32>
        %shift_right_arithmetic3A_616 = arith.constant 8 : i32
        %shift_right_arithmetic3A_617 = vector.broadcast %shift_right_arithmetic3A_616 : i32 to vector<16xi32>
        %shift_right_arithmetic3A_618 = arith.shrsi %get3A_609, %shift_right_arithmetic3A_617 : vector<16xi32>
        %and3A_619 = arith.constant 255 : i32
        %and3A_620 = vector.broadcast %and3A_619 : i32 to vector<16xi32>
        %and3A_621 = arith.andi %shift_right_arithmetic3A_618, %and3A_620 : vector<16xi32>
        %mul3A_622 = arith.constant 4 : i32
        %mul3A_623 = vector.broadcast %mul3A_622 : i32 to vector<16xi32>
        %mul3A_624 = arith.muli %and3A_621, %mul3A_623 : vector<16xi32>
        %add3A_625 = arith.addi %mul3A_615, %mul3A_624 : vector<16xi32>
        %shift_right_arithmetic3A_626 = arith.constant 16 : i32
        %shift_right_arithmetic3A_627 = vector.broadcast %shift_right_arithmetic3A_626 : i32 to vector<16xi32>
        %shift_right_arithmetic3A_628 = arith.shrsi %get3A_609, %shift_right_arithmetic3A_627 : vector<16xi32>
        %and3A_629 = arith.constant 255 : i32
        %and3A_630 = vector.broadcast %and3A_629 : i32 to vector<16xi32>
        %and3A_631 = arith.andi %shift_right_arithmetic3A_628, %and3A_630 : vector<16xi32>
        %mul3A_632 = arith.constant 2 : i32
        %mul3A_633 = vector.broadcast %mul3A_632 : i32 to vector<16xi32>
        %mul3A_634 = arith.muli %and3A_631, %mul3A_633 : vector<16xi32>
        %add3A_635 = arith.addi %add3A_625, %mul3A_634 : vector<16xi32>
        %shift_right_arithmetic3A_636 = arith.constant 24 : i32
        %shift_right_arithmetic3A_637 = vector.broadcast %shift_right_arithmetic3A_636 : i32 to vector<16xi32>
        %shift_right_arithmetic3A_638 = arith.shrsi %get3A_609, %shift_right_arithmetic3A_637 : vector<16xi32>
        %and3A_639 = arith.constant 255 : i32
        %and3A_640 = vector.broadcast %and3A_639 : i32 to vector<16xi32>
        %and3A_641 = arith.andi %shift_right_arithmetic3A_638, %and3A_640 : vector<16xi32>
        %add3A_642 = arith.addi %add3A_635, %and3A_641 : vector<16xi32>
        %min3A_643 = arith.constant 127 : i32
        %min3A_644 = vector.broadcast %min3A_643 : i32 to vector<16xi32>
        %min3A_645 = arith.minsi %add3A_642, %min3A_644 : vector<16xi32>
        %swap3A_646 = arith.constant 192 : index
        %swap3A_647 = tpu.vector_load %arg8[%swap3A_646] {strides = array<i32>} : memref<400xi32, #tpu.memory_space<vmem>>, vector<16xi32>,
        %swap3A_648 = vector.shape_cast %swap3A_647 : vector<16xi32> to vector<16xi32>
        %swap3A_649 = vector.shape_cast %min3A_645 : vector<16xi32> to vector<16xi32>
        tpu.vector_store %arg8[%swap3A_646], %swap3A_649 {strides = array<i32>} : memref<400xi32, #tpu.memory_space<vmem>>, vector<16xi32>,
        %get3A_650 = arith.constant 208 : index
        %get3A_651 = tpu.vector_load %arg6[%get3A_650] {strides = array<i32>} : memref<400xi32, #tpu.memory_space<vmem>>, vector<16xi32>,
        %get3A_652 = vector.shape_cast %get3A_651 : vector<16xi32> to vector<16xi32>
        %and3A_653 = arith.constant 255 : i32
        %and3A_654 = vector.broadcast %and3A_653 : i32 to vector<16xi32>
        %and3A_655 = arith.andi %get3A_652, %and3A_654 : vector<16xi32>
        %mul3A_656 = arith.constant 24 : i32
        %mul3A_657 = vector.broadcast %mul3A_656 : i32 to vector<16xi32>
        %mul3A_658 = arith.muli %and3A_655, %mul3A_657 : vector<16xi32>
        %shift_right_arithmetic3A_659 = arith.constant 8 : i32
        %shift_right_arithmetic3A_660 = vector.broadcast %shift_right_arithmetic3A_659 : i32 to vector<16xi32>
        %shift_right_arithmetic3A_661 = arith.shrsi %get3A_652, %shift_right_arithmetic3A_660 : vector<16xi32>
        %and3A_662 = arith.constant 255 : i32
        %and3A_663 = vector.broadcast %and3A_662 : i32 to vector<16xi32>
        %and3A_664 = arith.andi %shift_right_arithmetic3A_661, %and3A_663 : vector<16xi32>
        %mul3A_665 = arith.constant 4 : i32
        %mul3A_666 = vector.broadcast %mul3A_665 : i32 to vector<16xi32>
        %mul3A_667 = arith.muli %and3A_664, %mul3A_666 : vector<16xi32>
        %add3A_668 = arith.addi %mul3A_658, %mul3A_667 : vector<16xi32>
        %shift_right_arithmetic3A_669 = arith.constant 16 : i32
        %shift_right_arithmetic3A_670 = vector.broadcast %shift_right_arithmetic3A_669 : i32 to vector<16xi32>
        %shift_right_arithmetic3A_671 = arith.shrsi %get3A_652, %shift_right_arithmetic3A_670 : vector<16xi32>
        %and3A_672 = arith.constant 255 : i32
        %and3A_673 = vector.broadcast %and3A_672 : i32 to vector<16xi32>
        %and3A_674 = arith.andi %shift_right_arithmetic3A_671, %and3A_673 : vector<16xi32>
        %mul3A_675 = arith.constant 2 : i32
        %mul3A_676 = vector.broadcast %mul3A_675 : i32 to vector<16xi32>
        %mul3A_677 = arith.muli %and3A_674, %mul3A_676 : vector<16xi32>
        %add3A_678 = arith.addi %add3A_668, %mul3A_677 : vector<16xi32>
        %shift_right_arithmetic3A_679 = arith.constant 24 : i32
        %shift_right_arithmetic3A_680 = vector.broadcast %shift_right_arithmetic3A_679 : i32 to vector<16xi32>
        %shift_right_arithmetic3A_681 = arith.shrsi %get3A_652, %shift_right_arithmetic3A_680 : vector<16xi32>
        %and3A_682 = arith.constant 255 : i32
        %and3A_683 = vector.broadcast %and3A_682 : i32 to vector<16xi32>
        %and3A_684 = arith.andi %shift_right_arithmetic3A_681, %and3A_683 : vector<16xi32>
        %add3A_685 = arith.addi %add3A_678, %and3A_684 : vector<16xi32>
        %min3A_686 = arith.constant 127 : i32
        %min3A_687 = vector.broadcast %min3A_686 : i32 to vector<16xi32>
        %min3A_688 = arith.minsi %add3A_685, %min3A_687 : vector<16xi32>
        %swap3A_689 = arith.constant 208 : index
        %swap3A_690 = tpu.vector_load %arg8[%swap3A_689] {strides = array<i32>} : memref<400xi32, #tpu.memory_space<vmem>>, vector<16xi32>,
        %swap3A_691 = vector.shape_cast %swap3A_690 : vector<16xi32> to vector<16xi32>
        %swap3A_692 = vector.shape_cast %min3A_688 : vector<16xi32> to vector<16xi32>
        tpu.vector_store %arg8[%swap3A_689], %swap3A_692 {strides = array<i32>} : memref<400xi32, #tpu.memory_space<vmem>>, vector<16xi32>,
        %get3A_693 = arith.constant 224 : index
        %get3A_694 = tpu.vector_load %arg6[%get3A_693] {strides = array<i32>} : memref<400xi32, #tpu.memory_space<vmem>>, vector<16xi32>,
        %get3A_695 = vector.shape_cast %get3A_694 : vector<16xi32> to vector<16xi32>
        %and3A_696 = arith.constant 255 : i32
        %and3A_697 = vector.broadcast %and3A_696 : i32 to vector<16xi32>
        %and3A_698 = arith.andi %get3A_695, %and3A_697 : vector<16xi32>
        %mul3A_699 = arith.constant 24 : i32
        %mul3A_700 = vector.broadcast %mul3A_699 : i32 to vector<16xi32>
        %mul3A_701 = arith.muli %and3A_698, %mul3A_700 : vector<16xi32>
        %shift_right_arithmetic3A_702 = arith.constant 8 : i32
        %shift_right_arithmetic3A_703 = vector.broadcast %shift_right_arithmetic3A_702 : i32 to vector<16xi32>
        %shift_right_arithmetic3A_704 = arith.shrsi %get3A_695, %shift_right_arithmetic3A_703 : vector<16xi32>
        %and3A_705 = arith.constant 255 : i32
        %and3A_706 = vector.broadcast %and3A_705 : i32 to vector<16xi32>
        %and3A_707 = arith.andi %shift_right_arithmetic3A_704, %and3A_706 : vector<16xi32>
        %mul3A_708 = arith.constant 4 : i32
        %mul3A_709 = vector.broadcast %mul3A_708 : i32 to vector<16xi32>
        %mul3A_710 = arith.muli %and3A_707, %mul3A_709 : vector<16xi32>
        %add3A_711 = arith.addi %mul3A_701, %mul3A_710 : vector<16xi32>
        %shift_right_arithmetic3A_712 = arith.constant 16 : i32
        %shift_right_arithmetic3A_713 = vector.broadcast %shift_right_arithmetic3A_712 : i32 to vector<16xi32>
        %shift_right_arithmetic3A_714 = arith.shrsi %get3A_695, %shift_right_arithmetic3A_713 : vector<16xi32>
        %and3A_715 = arith.constant 255 : i32
        %and3A_716 = vector.broadcast %and3A_715 : i32 to vector<16xi32>
        %and3A_717 = arith.andi %shift_right_arithmetic3A_714, %and3A_716 : vector<16xi32>
        %mul3A_718 = arith.constant 2 : i32
        %mul3A_719 = vector.broadcast %mul3A_718 : i32 to vector<16xi32>
        %mul3A_720 = arith.muli %and3A_717, %mul3A_719 : vector<16xi32>
        %add3A_721 = arith.addi %add3A_711, %mul3A_720 : vector<16xi32>
        %shift_right_arithmetic3A_722 = arith.constant 24 : i32
        %shift_right_arithmetic3A_723 = vector.broadcast %shift_right_arithmetic3A_722 : i32 to vector<16xi32>
        %shift_right_arithmetic3A_724 = arith.shrsi %get3A_695, %shift_right_arithmetic3A_723 : vector<16xi32>
        %and3A_725 = arith.constant 255 : i32
        %and3A_726 = vector.broadcast %and3A_725 : i32 to vector<16xi32>
        %and3A_727 = arith.andi %shift_right_arithmetic3A_724, %and3A_726 : vector<16xi32>
        %add3A_728 = arith.addi %add3A_721, %and3A_727 : vector<16xi32>
        %min3A_729 = arith.constant 127 : i32
        %min3A_730 = vector.broadcast %min3A_729 : i32 to vector<16xi32>
        %min3A_731 = arith.minsi %add3A_728, %min3A_730 : vector<16xi32>
        %swap3A_732 = arith.constant 224 : index
        %swap3A_733 = tpu.vector_load %arg8[%swap3A_732] {strides = array<i32>} : memref<400xi32, #tpu.memory_space<vmem>>, vector<16xi32>,
        %swap3A_734 = vector.shape_cast %swap3A_733 : vector<16xi32> to vector<16xi32>
        %swap3A_735 = vector.shape_cast %min3A_731 : vector<16xi32> to vector<16xi32>
        tpu.vector_store %arg8[%swap3A_732], %swap3A_735 {strides = array<i32>} : memref<400xi32, #tpu.memory_space<vmem>>, vector<16xi32>,
        %get3A_736 = arith.constant 240 : index
        %get3A_737 = tpu.vector_load %arg6[%get3A_736] {strides = array<i32>} : memref<400xi32, #tpu.memory_space<vmem>>, vector<16xi32>,
        %get3A_738 = vector.shape_cast %get3A_737 : vector<16xi32> to vector<16xi32>
        %and3A_739 = arith.constant 255 : i32
        %and3A_740 = vector.broadcast %and3A_739 : i32 to vector<16xi32>
        %and3A_741 = arith.andi %get3A_738, %and3A_740 : vector<16xi32>
        %mul3A_742 = arith.constant 24 : i32
        %mul3A_743 = vector.broadcast %mul3A_742 : i32 to vector<16xi32>
        %mul3A_744 = arith.muli %and3A_741, %mul3A_743 : vector<16xi32>
        %shift_right_arithmetic3A_745 = arith.constant 8 : i32
        %shift_right_arithmetic3A_746 = vector.broadcast %shift_right_arithmetic3A_745 : i32 to vector<16xi32>
        %shift_right_arithmetic3A_747 = arith.shrsi %get3A_738, %shift_right_arithmetic3A_746 : vector<16xi32>
        %and3A_748 = arith.constant 255 : i32
        %and3A_749 = vector.broadcast %and3A_748 : i32 to vector<16xi32>
        %and3A_750 = arith.andi %shift_right_arithmetic3A_747, %and3A_749 : vector<16xi32>
        %mul3A_751 = arith.constant 4 : i32
        %mul3A_752 = vector.broadcast %mul3A_751 : i32 to vector<16xi32>
        %mul3A_753 = arith.muli %and3A_750, %mul3A_752 : vector<16xi32>
        %add3A_754 = arith.addi %mul3A_744, %mul3A_753 : vector<16xi32>
        %shift_right_arithmetic3A_755 = arith.constant 16 : i32
        %shift_right_arithmetic3A_756 = vector.broadcast %shift_right_arithmetic3A_755 : i32 to vector<16xi32>
        %shift_right_arithmetic3A_757 = arith.shrsi %get3A_738, %shift_right_arithmetic3A_756 : vector<16xi32>
        %and3A_758 = arith.constant 255 : i32
        %and3A_759 = vector.broadcast %and3A_758 : i32 to vector<16xi32>
        %and3A_760 = arith.andi %shift_right_arithmetic3A_757, %and3A_759 : vector<16xi32>
        %mul3A_761 = arith.constant 2 : i32
        %mul3A_762 = vector.broadcast %mul3A_761 : i32 to vector<16xi32>
        %mul3A_763 = arith.muli %and3A_760, %mul3A_762 : vector<16xi32>
        %add3A_764 = arith.addi %add3A_754, %mul3A_763 : vector<16xi32>
        %shift_right_arithmetic3A_765 = arith.constant 24 : i32
        %shift_right_arithmetic3A_766 = vector.broadcast %shift_right_arithmetic3A_765 : i32 to vector<16xi32>
        %shift_right_arithmetic3A_767 = arith.shrsi %get3A_738, %shift_right_arithmetic3A_766 : vector<16xi32>
        %and3A_768 = arith.constant 255 : i32
        %and3A_769 = vector.broadcast %and3A_768 : i32 to vector<16xi32>
        %and3A_770 = arith.andi %shift_right_arithmetic3A_767, %and3A_769 : vector<16xi32>
        %add3A_771 = arith.addi %add3A_764, %and3A_770 : vector<16xi32>
        %min3A_772 = arith.constant 127 : i32
        %min3A_773 = vector.broadcast %min3A_772 : i32 to vector<16xi32>
        %min3A_774 = arith.minsi %add3A_771, %min3A_773 : vector<16xi32>
        %swap3A_775 = arith.constant 240 : index
        %swap3A_776 = tpu.vector_load %arg8[%swap3A_775] {strides = array<i32>} : memref<400xi32, #tpu.memory_space<vmem>>, vector<16xi32>,
        %swap3A_777 = vector.shape_cast %swap3A_776 : vector<16xi32> to vector<16xi32>
        %swap3A_778 = vector.shape_cast %min3A_774 : vector<16xi32> to vector<16xi32>
        tpu.vector_store %arg8[%swap3A_775], %swap3A_778 {strides = array<i32>} : memref<400xi32, #tpu.memory_space<vmem>>, vector<16xi32>,
        %get3A_779 = arith.constant 256 : index
        %get3A_780 = tpu.vector_load %arg6[%get3A_779] {strides = array<i32>} : memref<400xi32, #tpu.memory_space<vmem>>, vector<16xi32>,
        %get3A_781 = vector.shape_cast %get3A_780 : vector<16xi32> to vector<16xi32>
        %and3A_782 = arith.constant 255 : i32
        %and3A_783 = vector.broadcast %and3A_782 : i32 to vector<16xi32>
        %and3A_784 = arith.andi %get3A_781, %and3A_783 : vector<16xi32>
        %mul3A_785 = arith.constant 24 : i32
        %mul3A_786 = vector.broadcast %mul3A_785 : i32 to vector<16xi32>
        %mul3A_787 = arith.muli %and3A_784, %mul3A_786 : vector<16xi32>
        %shift_right_arithmetic3A_788 = arith.constant 8 : i32
        %shift_right_arithmetic3A_789 = vector.broadcast %shift_right_arithmetic3A_788 : i32 to vector<16xi32>
        %shift_right_arithmetic3A_790 = arith.shrsi %get3A_781, %shift_right_arithmetic3A_789 : vector<16xi32>
        %and3A_791 = arith.constant 255 : i32
        %and3A_792 = vector.broadcast %and3A_791 : i32 to vector<16xi32>
        %and3A_793 = arith.andi %shift_right_arithmetic3A_790, %and3A_792 : vector<16xi32>
        %mul3A_794 = arith.constant 4 : i32
        %mul3A_795 = vector.broadcast %mul3A_794 : i32 to vector<16xi32>
        %mul3A_796 = arith.muli %and3A_793, %mul3A_795 : vector<16xi32>
        %add3A_797 = arith.addi %mul3A_787, %mul3A_796 : vector<16xi32>
        %shift_right_arithmetic3A_798 = arith.constant 16 : i32
        %shift_right_arithmetic3A_799 = vector.broadcast %shift_right_arithmetic3A_798 : i32 to vector<16xi32>
        %shift_right_arithmetic3A_800 = arith.shrsi %get3A_781, %shift_right_arithmetic3A_799 : vector<16xi32>
        %and3A_801 = arith.constant 255 : i32
        %and3A_802 = vector.broadcast %and3A_801 : i32 to vector<16xi32>
        %and3A_803 = arith.andi %shift_right_arithmetic3A_800, %and3A_802 : vector<16xi32>
        %mul3A_804 = arith.constant 2 : i32
        %mul3A_805 = vector.broadcast %mul3A_804 : i32 to vector<16xi32>
        %mul3A_806 = arith.muli %and3A_803, %mul3A_805 : vector<16xi32>
        %add3A_807 = arith.addi %add3A_797, %mul3A_806 : vector<16xi32>
        %shift_right_arithmetic3A_808 = arith.constant 24 : i32
        %shift_right_arithmetic3A_809 = vector.broadcast %shift_right_arithmetic3A_808 : i32 to vector<16xi32>
        %shift_right_arithmetic3A_810 = arith.shrsi %get3A_781, %shift_right_arithmetic3A_809 : vector<16xi32>
        %and3A_811 = arith.constant 255 : i32
        %and3A_812 = vector.broadcast %and3A_811 : i32 to vector<16xi32>
        %and3A_813 = arith.andi %shift_right_arithmetic3A_810, %and3A_812 : vector<16xi32>
        %add3A_814 = arith.addi %add3A_807, %and3A_813 : vector<16xi32>
        %min3A_815 = arith.constant 127 : i32
        %min3A_816 = vector.broadcast %min3A_815 : i32 to vector<16xi32>
        %min3A_817 = arith.minsi %add3A_814, %min3A_816 : vector<16xi32>
        %swap3A_818 = arith.constant 256 : index
        %swap3A_819 = tpu.vector_load %arg8[%swap3A_818] {strides = array<i32>} : memref<400xi32, #tpu.memory_space<vmem>>, vector<16xi32>,
        %swap3A_820 = vector.shape_cast %swap3A_819 : vector<16xi32> to vector<16xi32>
        %swap3A_821 = vector.shape_cast %min3A_817 : vector<16xi32> to vector<16xi32>
        tpu.vector_store %arg8[%swap3A_818], %swap3A_821 {strides = array<i32>} : memref<400xi32, #tpu.memory_space<vmem>>, vector<16xi32>,
        %get3A_822 = arith.constant 272 : index
        %get3A_823 = tpu.vector_load %arg6[%get3A_822] {strides = array<i32>} : memref<400xi32, #tpu.memory_space<vmem>>, vector<16xi32>,
        %get3A_824 = vector.shape_cast %get3A_823 : vector<16xi32> to vector<16xi32>
        %and3A_825 = arith.constant 255 : i32
        %and3A_826 = vector.broadcast %and3A_825 : i32 to vector<16xi32>
        %and3A_827 = arith.andi %get3A_824, %and3A_826 : vector<16xi32>
        %mul3A_828 = arith.constant 24 : i32
        %mul3A_829 = vector.broadcast %mul3A_828 : i32 to vector<16xi32>
        %mul3A_830 = arith.muli %and3A_827, %mul3A_829 : vector<16xi32>
        %shift_right_arithmetic3A_831 = arith.constant 8 : i32
        %shift_right_arithmetic3A_832 = vector.broadcast %shift_right_arithmetic3A_831 : i32 to vector<16xi32>
        %shift_right_arithmetic3A_833 = arith.shrsi %get3A_824, %shift_right_arithmetic3A_832 : vector<16xi32>
        %and3A_834 = arith.constant 255 : i32
        %and3A_835 = vector.broadcast %and3A_834 : i32 to vector<16xi32>
        %and3A_836 = arith.andi %shift_right_arithmetic3A_833, %and3A_835 : vector<16xi32>
        %mul3A_837 = arith.constant 4 : i32
        %mul3A_838 = vector.broadcast %mul3A_837 : i32 to vector<16xi32>
        %mul3A_839 = arith.muli %and3A_836, %mul3A_838 : vector<16xi32>
        %add3A_840 = arith.addi %mul3A_830, %mul3A_839 : vector<16xi32>
        %shift_right_arithmetic3A_841 = arith.constant 16 : i32
        %shift_right_arithmetic3A_842 = vector.broadcast %shift_right_arithmetic3A_841 : i32 to vector<16xi32>
        %shift_right_arithmetic3A_843 = arith.shrsi %get3A_824, %shift_right_arithmetic3A_842 : vector<16xi32>
        %and3A_844 = arith.constant 255 : i32
        %and3A_845 = vector.broadcast %and3A_844 : i32 to vector<16xi32>
        %and3A_846 = arith.andi %shift_right_arithmetic3A_843, %and3A_845 : vector<16xi32>
        %mul3A_847 = arith.constant 2 : i32
        %mul3A_848 = vector.broadcast %mul3A_847 : i32 to vector<16xi32>
        %mul3A_849 = arith.muli %and3A_846, %mul3A_848 : vector<16xi32>
        %add3A_850 = arith.addi %add3A_840, %mul3A_849 : vector<16xi32>
        %shift_right_arithmetic3A_851 = arith.constant 24 : i32
        %shift_right_arithmetic3A_852 = vector.broadcast %shift_right_arithmetic3A_851 : i32 to vector<16xi32>
        %shift_right_arithmetic3A_853 = arith.shrsi %get3A_824, %shift_right_arithmetic3A_852 : vector<16xi32>
        %and3A_854 = arith.constant 255 : i32
        %and3A_855 = vector.broadcast %and3A_854 : i32 to vector<16xi32>
        %and3A_856 = arith.andi %shift_right_arithmetic3A_853, %and3A_855 : vector<16xi32>
        %add3A_857 = arith.addi %add3A_850, %and3A_856 : vector<16xi32>
        %min3A_858 = arith.constant 127 : i32
        %min3A_859 = vector.broadcast %min3A_858 : i32 to vector<16xi32>
        %min3A_860 = arith.minsi %add3A_857, %min3A_859 : vector<16xi32>
        %swap3A_861 = arith.constant 272 : index
        %swap3A_862 = tpu.vector_load %arg8[%swap3A_861] {strides = array<i32>} : memref<400xi32, #tpu.memory_space<vmem>>, vector<16xi32>,
        %swap3A_863 = vector.shape_cast %swap3A_862 : vector<16xi32> to vector<16xi32>
        %swap3A_864 = vector.shape_cast %min3A_860 : vector<16xi32> to vector<16xi32>
        tpu.vector_store %arg8[%swap3A_861], %swap3A_864 {strides = array<i32>} : memref<400xi32, #tpu.memory_space<vmem>>, vector<16xi32>,
        %get3A_865 = arith.constant 288 : index
        %get3A_866 = tpu.vector_load %arg6[%get3A_865] {strides = array<i32>} : memref<400xi32, #tpu.memory_space<vmem>>, vector<16xi32>,
        %get3A_867 = vector.shape_cast %get3A_866 : vector<16xi32> to vector<16xi32>
        %and3A_868 = arith.constant 255 : i32
        %and3A_869 = vector.broadcast %and3A_868 : i32 to vector<16xi32>
        %and3A_870 = arith.andi %get3A_867, %and3A_869 : vector<16xi32>
        %mul3A_871 = arith.constant 24 : i32
        %mul3A_872 = vector.broadcast %mul3A_871 : i32 to vector<16xi32>
        %mul3A_873 = arith.muli %and3A_870, %mul3A_872 : vector<16xi32>
        %shift_right_arithmetic3A_874 = arith.constant 8 : i32
        %shift_right_arithmetic3A_875 = vector.broadcast %shift_right_arithmetic3A_874 : i32 to vector<16xi32>
        %shift_right_arithmetic3A_876 = arith.shrsi %get3A_867, %shift_right_arithmetic3A_875 : vector<16xi32>
        %and3A_877 = arith.constant 255 : i32
        %and3A_878 = vector.broadcast %and3A_877 : i32 to vector<16xi32>
        %and3A_879 = arith.andi %shift_right_arithmetic3A_876, %and3A_878 : vector<16xi32>
        %mul3A_880 = arith.constant 4 : i32
        %mul3A_881 = vector.broadcast %mul3A_880 : i32 to vector<16xi32>
        %mul3A_882 = arith.muli %and3A_879, %mul3A_881 : vector<16xi32>
        %add3A_883 = arith.addi %mul3A_873, %mul3A_882 : vector<16xi32>
        %shift_right_arithmetic3A_884 = arith.constant 16 : i32
        %shift_right_arithmetic3A_885 = vector.broadcast %shift_right_arithmetic3A_884 : i32 to vector<16xi32>
        %shift_right_arithmetic3A_886 = arith.shrsi %get3A_867, %shift_right_arithmetic3A_885 : vector<16xi32>
        %and3A_887 = arith.constant 255 : i32
        %and3A_888 = vector.broadcast %and3A_887 : i32 to vector<16xi32>
        %and3A_889 = arith.andi %shift_right_arithmetic3A_886, %and3A_888 : vector<16xi32>
        %mul3A_890 = arith.constant 2 : i32
        %mul3A_891 = vector.broadcast %mul3A_890 : i32 to vector<16xi32>
        %mul3A_892 = arith.muli %and3A_889, %mul3A_891 : vector<16xi32>
        %add3A_893 = arith.addi %add3A_883, %mul3A_892 : vector<16xi32>
        %shift_right_arithmetic3A_894 = arith.constant 24 : i32
        %shift_right_arithmetic3A_895 = vector.broadcast %shift_right_arithmetic3A_894 : i32 to vector<16xi32>
        %shift_right_arithmetic3A_896 = arith.shrsi %get3A_867, %shift_right_arithmetic3A_895 : vector<16xi32>
        %and3A_897 = arith.constant 255 : i32
        %and3A_898 = vector.broadcast %and3A_897 : i32 to vector<16xi32>
        %and3A_899 = arith.andi %shift_right_arithmetic3A_896, %and3A_898 : vector<16xi32>
        %add3A_900 = arith.addi %add3A_893, %and3A_899 : vector<16xi32>
        %min3A_901 = arith.constant 127 : i32
        %min3A_902 = vector.broadcast %min3A_901 : i32 to vector<16xi32>
        %min3A_903 = arith.minsi %add3A_900, %min3A_902 : vector<16xi32>
        %swap3A_904 = arith.constant 288 : index
        %swap3A_905 = tpu.vector_load %arg8[%swap3A_904] {strides = array<i32>} : memref<400xi32, #tpu.memory_space<vmem>>, vector<16xi32>,
        %swap3A_906 = vector.shape_cast %swap3A_905 : vector<16xi32> to vector<16xi32>
        %swap3A_907 = vector.shape_cast %min3A_903 : vector<16xi32> to vector<16xi32>
        tpu.vector_store %arg8[%swap3A_904], %swap3A_907 {strides = array<i32>} : memref<400xi32, #tpu.memory_space<vmem>>, vector<16xi32>,
        %get3A_908 = arith.constant 304 : index
        %get3A_909 = tpu.vector_load %arg6[%get3A_908] {strides = array<i32>} : memref<400xi32, #tpu.memory_space<vmem>>, vector<16xi32>,
        %get3A_910 = vector.shape_cast %get3A_909 : vector<16xi32> to vector<16xi32>
        %and3A_911 = arith.constant 255 : i32
        %and3A_912 = vector.broadcast %and3A_911 : i32 to vector<16xi32>
        %and3A_913 = arith.andi %get3A_910, %and3A_912 : vector<16xi32>
        %mul3A_914 = arith.constant 24 : i32
        %mul3A_915 = vector.broadcast %mul3A_914 : i32 to vector<16xi32>
        %mul3A_916 = arith.muli %and3A_913, %mul3A_915 : vector<16xi32>
        %shift_right_arithmetic3A_917 = arith.constant 8 : i32
        %shift_right_arithmetic3A_918 = vector.broadcast %shift_right_arithmetic3A_917 : i32 to vector<16xi32>
        %shift_right_arithmetic3A_919 = arith.shrsi %get3A_910, %shift_right_arithmetic3A_918 : vector<16xi32>
        %and3A_920 = arith.constant 255 : i32
        %and3A_921 = vector.broadcast %and3A_920 : i32 to vector<16xi32>
        %and3A_922 = arith.andi %shift_right_arithmetic3A_919, %and3A_921 : vector<16xi32>
        %mul3A_923 = arith.constant 4 : i32
        %mul3A_924 = vector.broadcast %mul3A_923 : i32 to vector<16xi32>
        %mul3A_925 = arith.muli %and3A_922, %mul3A_924 : vector<16xi32>
        %add3A_926 = arith.addi %mul3A_916, %mul3A_925 : vector<16xi32>
        %shift_right_arithmetic3A_927 = arith.constant 16 : i32
        %shift_right_arithmetic3A_928 = vector.broadcast %shift_right_arithmetic3A_927 : i32 to vector<16xi32>
        %shift_right_arithmetic3A_929 = arith.shrsi %get3A_910, %shift_right_arithmetic3A_928 : vector<16xi32>
        %and3A_930 = arith.constant 255 : i32
        %and3A_931 = vector.broadcast %and3A_930 : i32 to vector<16xi32>
        %and3A_932 = arith.andi %shift_right_arithmetic3A_929, %and3A_931 : vector<16xi32>
        %mul3A_933 = arith.constant 2 : i32
        %mul3A_934 = vector.broadcast %mul3A_933 : i32 to vector<16xi32>
        %mul3A_935 = arith.muli %and3A_932, %mul3A_934 : vector<16xi32>
        %add3A_936 = arith.addi %add3A_926, %mul3A_935 : vector<16xi32>
        %shift_right_arithmetic3A_937 = arith.constant 24 : i32
        %shift_right_arithmetic3A_938 = vector.broadcast %shift_right_arithmetic3A_937 : i32 to vector<16xi32>
        %shift_right_arithmetic3A_939 = arith.shrsi %get3A_910, %shift_right_arithmetic3A_938 : vector<16xi32>
        %and3A_940 = arith.constant 255 : i32
        %and3A_941 = vector.broadcast %and3A_940 : i32 to vector<16xi32>
        %and3A_942 = arith.andi %shift_right_arithmetic3A_939, %and3A_941 : vector<16xi32>
        %add3A_943 = arith.addi %add3A_936, %and3A_942 : vector<16xi32>
        %min3A_944 = arith.constant 127 : i32
        %min3A_945 = vector.broadcast %min3A_944 : i32 to vector<16xi32>
        %min3A_946 = arith.minsi %add3A_943, %min3A_945 : vector<16xi32>
        %swap3A_947 = arith.constant 304 : index
        %swap3A_948 = tpu.vector_load %arg8[%swap3A_947] {strides = array<i32>} : memref<400xi32, #tpu.memory_space<vmem>>, vector<16xi32>,
        %swap3A_949 = vector.shape_cast %swap3A_948 : vector<16xi32> to vector<16xi32>
        %swap3A_950 = vector.shape_cast %min3A_946 : vector<16xi32> to vector<16xi32>
        tpu.vector_store %arg8[%swap3A_947], %swap3A_950 {strides = array<i32>} : memref<400xi32, #tpu.memory_space<vmem>>, vector<16xi32>,
        %get3A_951 = arith.constant 320 : index
        %get3A_952 = tpu.vector_load %arg6[%get3A_951] {strides = array<i32>} : memref<400xi32, #tpu.memory_space<vmem>>, vector<16xi32>,
        %get3A_953 = vector.shape_cast %get3A_952 : vector<16xi32> to vector<16xi32>
        %and3A_954 = arith.constant 255 : i32
        %and3A_955 = vector.broadcast %and3A_954 : i32 to vector<16xi32>
        %and3A_956 = arith.andi %get3A_953, %and3A_955 : vector<16xi32>
        %mul3A_957 = arith.constant 24 : i32
        %mul3A_958 = vector.broadcast %mul3A_957 : i32 to vector<16xi32>
        %mul3A_959 = arith.muli %and3A_956, %mul3A_958 : vector<16xi32>
        %shift_right_arithmetic3A_960 = arith.constant 8 : i32
        %shift_right_arithmetic3A_961 = vector.broadcast %shift_right_arithmetic3A_960 : i32 to vector<16xi32>
        %shift_right_arithmetic3A_962 = arith.shrsi %get3A_953, %shift_right_arithmetic3A_961 : vector<16xi32>
        %and3A_963 = arith.constant 255 : i32
        %and3A_964 = vector.broadcast %and3A_963 : i32 to vector<16xi32>
        %and3A_965 = arith.andi %shift_right_arithmetic3A_962, %and3A_964 : vector<16xi32>
        %mul3A_966 = arith.constant 4 : i32
        %mul3A_967 = vector.broadcast %mul3A_966 : i32 to vector<16xi32>
        %mul3A_968 = arith.muli %and3A_965, %mul3A_967 : vector<16xi32>
        %add3A_969 = arith.addi %mul3A_959, %mul3A_968 : vector<16xi32>
        %shift_right_arithmetic3A_970 = arith.constant 16 : i32
        %shift_right_arithmetic3A_971 = vector.broadcast %shift_right_arithmetic3A_970 : i32 to vector<16xi32>
        %shift_right_arithmetic3A_972 = arith.shrsi %get3A_953, %shift_right_arithmetic3A_971 : vector<16xi32>
        %and3A_973 = arith.constant 255 : i32
        %and3A_974 = vector.broadcast %and3A_973 : i32 to vector<16xi32>
        %and3A_975 = arith.andi %shift_right_arithmetic3A_972, %and3A_974 : vector<16xi32>
        %mul3A_976 = arith.constant 2 : i32
        %mul3A_977 = vector.broadcast %mul3A_976 : i32 to vector<16xi32>
        %mul3A_978 = arith.muli %and3A_975, %mul3A_977 : vector<16xi32>
        %add3A_979 = arith.addi %add3A_969, %mul3A_978 : vector<16xi32>
        %shift_right_arithmetic3A_980 = arith.constant 24 : i32
        %shift_right_arithmetic3A_981 = vector.broadcast %shift_right_arithmetic3A_980 : i32 to vector<16xi32>
        %shift_right_arithmetic3A_982 = arith.shrsi %get3A_953, %shift_right_arithmetic3A_981 : vector<16xi32>
        %and3A_983 = arith.constant 255 : i32
        %and3A_984 = vector.broadcast %and3A_983 : i32 to vector<16xi32>
        %and3A_985 = arith.andi %shift_right_arithmetic3A_982, %and3A_984 : vector<16xi32>
        %add3A_986 = arith.addi %add3A_979, %and3A_985 : vector<16xi32>
        %min3A_987 = arith.constant 127 : i32
        %min3A_988 = vector.broadcast %min3A_987 : i32 to vector<16xi32>
        %min3A_989 = arith.minsi %add3A_986, %min3A_988 : vector<16xi32>
        %swap3A_990 = arith.constant 320 : index
        %swap3A_991 = tpu.vector_load %arg8[%swap3A_990] {strides = array<i32>} : memref<400xi32, #tpu.memory_space<vmem>>, vector<16xi32>,
        %swap3A_992 = vector.shape_cast %swap3A_991 : vector<16xi32> to vector<16xi32>
        %swap3A_993 = vector.shape_cast %min3A_989 : vector<16xi32> to vector<16xi32>
        tpu.vector_store %arg8[%swap3A_990], %swap3A_993 {strides = array<i32>} : memref<400xi32, #tpu.memory_space<vmem>>, vector<16xi32>,
        %get3A_994 = arith.constant 336 : index
        %get3A_995 = tpu.vector_load %arg6[%get3A_994] {strides = array<i32>} : memref<400xi32, #tpu.memory_space<vmem>>, vector<16xi32>,
        %get3A_996 = vector.shape_cast %get3A_995 : vector<16xi32> to vector<16xi32>
        %and3A_997 = arith.constant 255 : i32
        %and3A_998 = vector.broadcast %and3A_997 : i32 to vector<16xi32>
        %and3A_999 = arith.andi %get3A_996, %and3A_998 : vector<16xi32>
        %mul3A_1000 = arith.constant 24 : i32
        %mul3A_1001 = vector.broadcast %mul3A_1000 : i32 to vector<16xi32>
        %mul3A_1002 = arith.muli %and3A_999, %mul3A_1001 : vector<16xi32>
        %shift_right_arithmetic3A_1003 = arith.constant 8 : i32
        %shift_right_arithmetic3A_1004 = vector.broadcast %shift_right_arithmetic3A_1003 : i32 to vector<16xi32>
        %shift_right_arithmetic3A_1005 = arith.shrsi %get3A_996, %shift_right_arithmetic3A_1004 : vector<16xi32>
        %and3A_1006 = arith.constant 255 : i32
        %and3A_1007 = vector.broadcast %and3A_1006 : i32 to vector<16xi32>
        %and3A_1008 = arith.andi %shift_right_arithmetic3A_1005, %and3A_1007 : vector<16xi32>
        %mul3A_1009 = arith.constant 4 : i32
        %mul3A_1010 = vector.broadcast %mul3A_1009 : i32 to vector<16xi32>
        %mul3A_1011 = arith.muli %and3A_1008, %mul3A_1010 : vector<16xi32>
        %add3A_1012 = arith.addi %mul3A_1002, %mul3A_1011 : vector<16xi32>
        %shift_right_arithmetic3A_1013 = arith.constant 16 : i32
        %shift_right_arithmetic3A_1014 = vector.broadcast %shift_right_arithmetic3A_1013 : i32 to vector<16xi32>
        %shift_right_arithmetic3A_1015 = arith.shrsi %get3A_996, %shift_right_arithmetic3A_1014 : vector<16xi32>
        %and3A_1016 = arith.constant 255 : i32
        %and3A_1017 = vector.broadcast %and3A_1016 : i32 to vector<16xi32>
        %and3A_1018 = arith.andi %shift_right_arithmetic3A_1015, %and3A_1017 : vector<16xi32>
        %mul3A_1019 = arith.constant 2 : i32
        %mul3A_1020 = vector.broadcast %mul3A_1019 : i32 to vector<16xi32>
        %mul3A_1021 = arith.muli %and3A_1018, %mul3A_1020 : vector<16xi32>
        %add3A_1022 = arith.addi %add3A_1012, %mul3A_1021 : vector<16xi32>
        %shift_right_arithmetic3A_1023 = arith.constant 24 : i32
        %shift_right_arithmetic3A_1024 = vector.broadcast %shift_right_arithmetic3A_1023 : i32 to vector<16xi32>
        %shift_right_arithmetic3A_1025 = arith.shrsi %get3A_996, %shift_right_arithmetic3A_1024 : vector<16xi32>
        %and3A_1026 = arith.constant 255 : i32
        %and3A_1027 = vector.broadcast %and3A_1026 : i32 to vector<16xi32>
        %and3A_1028 = arith.andi %shift_right_arithmetic3A_1025, %and3A_1027 : vector<16xi32>
        %add3A_1029 = arith.addi %add3A_1022, %and3A_1028 : vector<16xi32>
        %min3A_1030 = arith.constant 127 : i32
        %min3A_1031 = vector.broadcast %min3A_1030 : i32 to vector<16xi32>
        %min3A_1032 = arith.minsi %add3A_1029, %min3A_1031 : vector<16xi32>
        %swap3A_1033 = arith.constant 336 : index
        %swap3A_1034 = tpu.vector_load %arg8[%swap3A_1033] {strides = array<i32>} : memref<400xi32, #tpu.memory_space<vmem>>, vector<16xi32>,
        %swap3A_1035 = vector.shape_cast %swap3A_1034 : vector<16xi32> to vector<16xi32>
        %swap3A_1036 = vector.shape_cast %min3A_1032 : vector<16xi32> to vector<16xi32>
        tpu.vector_store %arg8[%swap3A_1033], %swap3A_1036 {strides = array<i32>} : memref<400xi32, #tpu.memory_space<vmem>>, vector<16xi32>,
        %get3A_1037 = arith.constant 352 : index
        %get3A_1038 = tpu.vector_load %arg6[%get3A_1037] {strides = array<i32>} : memref<400xi32, #tpu.memory_space<vmem>>, vector<16xi32>,
        %get3A_1039 = vector.shape_cast %get3A_1038 : vector<16xi32> to vector<16xi32>
        %and3A_1040 = arith.constant 255 : i32
        %and3A_1041 = vector.broadcast %and3A_1040 : i32 to vector<16xi32>
        %and3A_1042 = arith.andi %get3A_1039, %and3A_1041 : vector<16xi32>
        %mul3A_1043 = arith.constant 24 : i32
        %mul3A_1044 = vector.broadcast %mul3A_1043 : i32 to vector<16xi32>
        %mul3A_1045 = arith.muli %and3A_1042, %mul3A_1044 : vector<16xi32>
        %shift_right_arithmetic3A_1046 = arith.constant 8 : i32
        %shift_right_arithmetic3A_1047 = vector.broadcast %shift_right_arithmetic3A_1046 : i32 to vector<16xi32>
        %shift_right_arithmetic3A_1048 = arith.shrsi %get3A_1039, %shift_right_arithmetic3A_1047 : vector<16xi32>
        %and3A_1049 = arith.constant 255 : i32
        %and3A_1050 = vector.broadcast %and3A_1049 : i32 to vector<16xi32>
        %and3A_1051 = arith.andi %shift_right_arithmetic3A_1048, %and3A_1050 : vector<16xi32>
        %mul3A_1052 = arith.constant 4 : i32
        %mul3A_1053 = vector.broadcast %mul3A_1052 : i32 to vector<16xi32>
        %mul3A_1054 = arith.muli %and3A_1051, %mul3A_1053 : vector<16xi32>
        %add3A_1055 = arith.addi %mul3A_1045, %mul3A_1054 : vector<16xi32>
        %shift_right_arithmetic3A_1056 = arith.constant 16 : i32
        %shift_right_arithmetic3A_1057 = vector.broadcast %shift_right_arithmetic3A_1056 : i32 to vector<16xi32>
        %shift_right_arithmetic3A_1058 = arith.shrsi %get3A_1039, %shift_right_arithmetic3A_1057 : vector<16xi32>
        %and3A_1059 = arith.constant 255 : i32
        %and3A_1060 = vector.broadcast %and3A_1059 : i32 to vector<16xi32>
        %and3A_1061 = arith.andi %shift_right_arithmetic3A_1058, %and3A_1060 : vector<16xi32>
        %mul3A_1062 = arith.constant 2 : i32
        %mul3A_1063 = vector.broadcast %mul3A_1062 : i32 to vector<16xi32>
        %mul3A_1064 = arith.muli %and3A_1061, %mul3A_1063 : vector<16xi32>
        %add3A_1065 = arith.addi %add3A_1055, %mul3A_1064 : vector<16xi32>
        %shift_right_arithmetic3A_1066 = arith.constant 24 : i32
        %shift_right_arithmetic3A_1067 = vector.broadcast %shift_right_arithmetic3A_1066 : i32 to vector<16xi32>
        %shift_right_arithmetic3A_1068 = arith.shrsi %get3A_1039, %shift_right_arithmetic3A_1067 : vector<16xi32>
        %and3A_1069 = arith.constant 255 : i32
        %and3A_1070 = vector.broadcast %and3A_1069 : i32 to vector<16xi32>
        %and3A_1071 = arith.andi %shift_right_arithmetic3A_1068, %and3A_1070 : vector<16xi32>
        %add3A_1072 = arith.addi %add3A_1065, %and3A_1071 : vector<16xi32>
        %min3A_1073 = arith.constant 127 : i32
        %min3A_1074 = vector.broadcast %min3A_1073 : i32 to vector<16xi32>
        %min3A_1075 = arith.minsi %add3A_1072, %min3A_1074 : vector<16xi32>
        %swap3A_1076 = arith.constant 352 : index
        %swap3A_1077 = tpu.vector_load %arg8[%swap3A_1076] {strides = array<i32>} : memref<400xi32, #tpu.memory_space<vmem>>, vector<16xi32>,
        %swap3A_1078 = vector.shape_cast %swap3A_1077 : vector<16xi32> to vector<16xi32>
        %swap3A_1079 = vector.shape_cast %min3A_1075 : vector<16xi32> to vector<16xi32>
        tpu.vector_store %arg8[%swap3A_1076], %swap3A_1079 {strides = array<i32>} : memref<400xi32, #tpu.memory_space<vmem>>, vector<16xi32>,
        %get3A_1080 = arith.constant 368 : index
        %get3A_1081 = tpu.vector_load %arg6[%get3A_1080] {strides = array<i32>} : memref<400xi32, #tpu.memory_space<vmem>>, vector<16xi32>,
        %get3A_1082 = vector.shape_cast %get3A_1081 : vector<16xi32> to vector<16xi32>
        %and3A_1083 = arith.constant 255 : i32
        %and3A_1084 = vector.broadcast %and3A_1083 : i32 to vector<16xi32>
        %and3A_1085 = arith.andi %get3A_1082, %and3A_1084 : vector<16xi32>
        %mul3A_1086 = arith.constant 24 : i32
        %mul3A_1087 = vector.broadcast %mul3A_1086 : i32 to vector<16xi32>
        %mul3A_1088 = arith.muli %and3A_1085, %mul3A_1087 : vector<16xi32>
        %shift_right_arithmetic3A_1089 = arith.constant 8 : i32
        %shift_right_arithmetic3A_1090 = vector.broadcast %shift_right_arithmetic3A_1089 : i32 to vector<16xi32>
        %shift_right_arithmetic3A_1091 = arith.shrsi %get3A_1082, %shift_right_arithmetic3A_1090 : vector<16xi32>
        %and3A_1092 = arith.constant 255 : i32
        %and3A_1093 = vector.broadcast %and3A_1092 : i32 to vector<16xi32>
        %and3A_1094 = arith.andi %shift_right_arithmetic3A_1091, %and3A_1093 : vector<16xi32>
        %mul3A_1095 = arith.constant 4 : i32
        %mul3A_1096 = vector.broadcast %mul3A_1095 : i32 to vector<16xi32>
        %mul3A_1097 = arith.muli %and3A_1094, %mul3A_1096 : vector<16xi32>
        %add3A_1098 = arith.addi %mul3A_1088, %mul3A_1097 : vector<16xi32>
        %shift_right_arithmetic3A_1099 = arith.constant 16 : i32
        %shift_right_arithmetic3A_1100 = vector.broadcast %shift_right_arithmetic3A_1099 : i32 to vector<16xi32>
        %shift_right_arithmetic3A_1101 = arith.shrsi %get3A_1082, %shift_right_arithmetic3A_1100 : vector<16xi32>
        %and3A_1102 = arith.constant 255 : i32
        %and3A_1103 = vector.broadcast %and3A_1102 : i32 to vector<16xi32>
        %and3A_1104 = arith.andi %shift_right_arithmetic3A_1101, %and3A_1103 : vector<16xi32>
        %mul3A_1105 = arith.constant 2 : i32
        %mul3A_1106 = vector.broadcast %mul3A_1105 : i32 to vector<16xi32>
        %mul3A_1107 = arith.muli %and3A_1104, %mul3A_1106 : vector<16xi32>
        %add3A_1108 = arith.addi %add3A_1098, %mul3A_1107 : vector<16xi32>
        %shift_right_arithmetic3A_1109 = arith.constant 24 : i32
        %shift_right_arithmetic3A_1110 = vector.broadcast %shift_right_arithmetic3A_1109 : i32 to vector<16xi32>
        %shift_right_arithmetic3A_1111 = arith.shrsi %get3A_1082, %shift_right_arithmetic3A_1110 : vector<16xi32>
        %and3A_1112 = arith.constant 255 : i32
        %and3A_1113 = vector.broadcast %and3A_1112 : i32 to vector<16xi32>
        %and3A_1114 = arith.andi %shift_right_arithmetic3A_1111, %and3A_1113 : vector<16xi32>
        %add3A_1115 = arith.addi %add3A_1108, %and3A_1114 : vector<16xi32>
        %min3A_1116 = arith.constant 127 : i32
        %min3A_1117 = vector.broadcast %min3A_1116 : i32 to vector<16xi32>
        %min3A_1118 = arith.minsi %add3A_1115, %min3A_1117 : vector<16xi32>
        %swap3A_1119 = arith.constant 368 : index
        %swap3A_1120 = tpu.vector_load %arg8[%swap3A_1119] {strides = array<i32>} : memref<400xi32, #tpu.memory_space<vmem>>, vector<16xi32>,
        %swap3A_1121 = vector.shape_cast %swap3A_1120 : vector<16xi32> to vector<16xi32>
        %swap3A_1122 = vector.shape_cast %min3A_1118 : vector<16xi32> to vector<16xi32>
        tpu.vector_store %arg8[%swap3A_1119], %swap3A_1122 {strides = array<i32>} : memref<400xi32, #tpu.memory_space<vmem>>, vector<16xi32>,
        %get3A_1123 = arith.constant 384 : index
        %get3A_1124 = tpu.vector_load %arg6[%get3A_1123] {strides = array<i32>} : memref<400xi32, #tpu.memory_space<vmem>>, vector<16xi32>,
        %get3A_1125 = vector.shape_cast %get3A_1124 : vector<16xi32> to vector<16xi32>
        %and3A_1126 = arith.constant 255 : i32
        %and3A_1127 = vector.broadcast %and3A_1126 : i32 to vector<16xi32>
        %and3A_1128 = arith.andi %get3A_1125, %and3A_1127 : vector<16xi32>
        %mul3A_1129 = arith.constant 24 : i32
        %mul3A_1130 = vector.broadcast %mul3A_1129 : i32 to vector<16xi32>
        %mul3A_1131 = arith.muli %and3A_1128, %mul3A_1130 : vector<16xi32>
        %shift_right_arithmetic3A_1132 = arith.constant 8 : i32
        %shift_right_arithmetic3A_1133 = vector.broadcast %shift_right_arithmetic3A_1132 : i32 to vector<16xi32>
        %shift_right_arithmetic3A_1134 = arith.shrsi %get3A_1125, %shift_right_arithmetic3A_1133 : vector<16xi32>
        %and3A_1135 = arith.constant 255 : i32
        %and3A_1136 = vector.broadcast %and3A_1135 : i32 to vector<16xi32>
        %and3A_1137 = arith.andi %shift_right_arithmetic3A_1134, %and3A_1136 : vector<16xi32>
        %mul3A_1138 = arith.constant 4 : i32
        %mul3A_1139 = vector.broadcast %mul3A_1138 : i32 to vector<16xi32>
        %mul3A_1140 = arith.muli %and3A_1137, %mul3A_1139 : vector<16xi32>
        %add3A_1141 = arith.addi %mul3A_1131, %mul3A_1140 : vector<16xi32>
        %shift_right_arithmetic3A_1142 = arith.constant 16 : i32
        %shift_right_arithmetic3A_1143 = vector.broadcast %shift_right_arithmetic3A_1142 : i32 to vector<16xi32>
        %shift_right_arithmetic3A_1144 = arith.shrsi %get3A_1125, %shift_right_arithmetic3A_1143 : vector<16xi32>
        %and3A_1145 = arith.constant 255 : i32
        %and3A_1146 = vector.broadcast %and3A_1145 : i32 to vector<16xi32>
        %and3A_1147 = arith.andi %shift_right_arithmetic3A_1144, %and3A_1146 : vector<16xi32>
        %mul3A_1148 = arith.constant 2 : i32
        %mul3A_1149 = vector.broadcast %mul3A_1148 : i32 to vector<16xi32>
        %mul3A_1150 = arith.muli %and3A_1147, %mul3A_1149 : vector<16xi32>
        %add3A_1151 = arith.addi %add3A_1141, %mul3A_1150 : vector<16xi32>
        %shift_right_arithmetic3A_1152 = arith.constant 24 : i32
        %shift_right_arithmetic3A_1153 = vector.broadcast %shift_right_arithmetic3A_1152 : i32 to vector<16xi32>
        %shift_right_arithmetic3A_1154 = arith.shrsi %get3A_1125, %shift_right_arithmetic3A_1153 : vector<16xi32>
        %and3A_1155 = arith.constant 255 : i32
        %and3A_1156 = vector.broadcast %and3A_1155 : i32 to vector<16xi32>
        %and3A_1157 = arith.andi %shift_right_arithmetic3A_1154, %and3A_1156 : vector<16xi32>
        %add3A_1158 = arith.addi %add3A_1151, %and3A_1157 : vector<16xi32>
        %min3A_1159 = arith.constant 127 : i32
        %min3A_1160 = vector.broadcast %min3A_1159 : i32 to vector<16xi32>
        %min3A_1161 = arith.minsi %add3A_1158, %min3A_1160 : vector<16xi32>
        %swap3A_1162 = arith.constant 384 : index
        %swap3A_1163 = tpu.vector_load %arg8[%swap3A_1162] {strides = array<i32>} : memref<400xi32, #tpu.memory_space<vmem>>, vector<16xi32>,
        %swap3A_1164 = vector.shape_cast %swap3A_1163 : vector<16xi32> to vector<16xi32>
        %swap3A_1165 = vector.shape_cast %min3A_1161 : vector<16xi32> to vector<16xi32>
        tpu.vector_store %arg8[%swap3A_1162], %swap3A_1165 {strides = array<i32>} : memref<400xi32, #tpu.memory_space<vmem>>, vector<16xi32>,
        %dma_start3A = arith.constant 0 : i32
        %dma_start3A_1166 = arith.constant 0 : i32
        %dma_start3A_1167 = tpu.memref_slice %arg10[%dma_start3A, %dma_start3A_1166] : memref<400x128xf32, #tpu.memory_space<vmem>> -> memref<80x128xf32, #tpu.memory_space<vmem>>
        %dma_start3A_1168 = arith.constant 0 : i32
        %dma_start3A_1169 = tpu.memref_slice %arg8[%dma_start3A_1168] : memref<400xi32, #tpu.memory_space<vmem>> -> memref<80xi32, #tpu.memory_space<vmem>>
        %dma_start3A_1170 = arith.constant 0 : i32
        %dma_start3A_1171 = arith.constant 0 : i32
        %dma_start3A_1172 = tpu.memref_slice %arg11[%dma_start3A_1170, %dma_start3A_1171] : memref<128x128xf32, #tpu.memory_space<vmem_shared>> -> memref<128x128xf32, #tpu.memory_space<vmem_shared>>
        tpu.enqueue_indirect_dma source(%dma_start3A_1172 : memref<128x128xf32, #tpu.memory_space<vmem_shared>>) target(%dma_start3A_1167 : memref<80x128xf32, #tpu.memory_space<vmem>>) offsets(%dma_start3A_1169 : memref<80xi32, #tpu.memory_space<vmem>>) semaphore(%arg12 : memref<!tpu.dma_semaphore, #tpu.memory_space<semaphore_mem>>)
        %dma_start3A_1173 = arith.constant 80 : i32
        %dma_start3A_1174 = arith.constant 0 : i32
        %dma_start3A_1175 = tpu.memref_slice %arg10[%dma_start3A_1173, %dma_start3A_1174] : memref<400x128xf32, #tpu.memory_space<vmem>> -> memref<80x128xf32, #tpu.memory_space<vmem>>
        %dma_start3A_1176 = arith.constant 80 : i32
        %dma_start3A_1177 = tpu.memref_slice %arg8[%dma_start3A_1176] : memref<400xi32, #tpu.memory_space<vmem>> -> memref<80xi32, #tpu.memory_space<vmem>>
        %dma_start3A_1178 = arith.constant 0 : i32
        %dma_start3A_1179 = arith.constant 0 : i32
        %dma_start3A_1180 = tpu.memref_slice %arg11[%dma_start3A_1178, %dma_start3A_1179] : memref<128x128xf32, #tpu.memory_space<vmem_shared>> -> memref<128x128xf32, #tpu.memory_space<vmem_shared>>
        tpu.enqueue_indirect_dma source(%dma_start3A_1180 : memref<128x128xf32, #tpu.memory_space<vmem_shared>>) target(%dma_start3A_1175 : memref<80x128xf32, #tpu.memory_space<vmem>>) offsets(%dma_start3A_1177 : memref<80xi32, #tpu.memory_space<vmem>>) semaphore(%arg12 : memref<!tpu.dma_semaphore, #tpu.memory_space<semaphore_mem>>)
        %dma_start3A_1181 = arith.constant 160 : i32
        %dma_start3A_1182 = arith.constant 0 : i32
        %dma_start3A_1183 = tpu.memref_slice %arg10[%dma_start3A_1181, %dma_start3A_1182] : memref<400x128xf32, #tpu.memory_space<vmem>> -> memref<80x128xf32, #tpu.memory_space<vmem>>
        %dma_start3A_1184 = arith.constant 160 : i32
        %dma_start3A_1185 = tpu.memref_slice %arg8[%dma_start3A_1184] : memref<400xi32, #tpu.memory_space<vmem>> -> memref<80xi32, #tpu.memory_space<vmem>>
        %dma_start3A_1186 = arith.constant 0 : i32
        %dma_start3A_1187 = arith.constant 0 : i32
        %dma_start3A_1188 = tpu.memref_slice %arg11[%dma_start3A_1186, %dma_start3A_1187] : memref<128x128xf32, #tpu.memory_space<vmem_shared>> -> memref<128x128xf32, #tpu.memory_space<vmem_shared>>
        tpu.enqueue_indirect_dma source(%dma_start3A_1188 : memref<128x128xf32, #tpu.memory_space<vmem_shared>>) target(%dma_start3A_1183 : memref<80x128xf32, #tpu.memory_space<vmem>>) offsets(%dma_start3A_1185 : memref<80xi32, #tpu.memory_space<vmem>>) semaphore(%arg12 : memref<!tpu.dma_semaphore, #tpu.memory_space<semaphore_mem>>)
        %dma_start3A_1189 = arith.constant 240 : i32
        %dma_start3A_1190 = arith.constant 0 : i32
        %dma_start3A_1191 = tpu.memref_slice %arg10[%dma_start3A_1189, %dma_start3A_1190] : memref<400x128xf32, #tpu.memory_space<vmem>> -> memref<80x128xf32, #tpu.memory_space<vmem>>
        %dma_start3A_1192 = arith.constant 240 : i32
        %dma_start3A_1193 = tpu.memref_slice %arg8[%dma_start3A_1192] : memref<400xi32, #tpu.memory_space<vmem>> -> memref<80xi32, #tpu.memory_space<vmem>>
        %dma_start3A_1194 = arith.constant 0 : i32
        %dma_start3A_1195 = arith.constant 0 : i32
        %dma_start3A_1196 = tpu.memref_slice %arg11[%dma_start3A_1194, %dma_start3A_1195] : memref<128x128xf32, #tpu.memory_space<vmem_shared>> -> memref<128x128xf32, #tpu.memory_space<vmem_shared>>
        tpu.enqueue_indirect_dma source(%dma_start3A_1196 : memref<128x128xf32, #tpu.memory_space<vmem_shared>>) target(%dma_start3A_1191 : memref<80x128xf32, #tpu.memory_space<vmem>>) offsets(%dma_start3A_1193 : memref<80xi32, #tpu.memory_space<vmem>>) semaphore(%arg12 : memref<!tpu.dma_semaphore, #tpu.memory_space<semaphore_mem>>)
        %dma_start3A_1197 = arith.constant 320 : i32
        %dma_start3A_1198 = arith.constant 0 : i32
        %dma_start3A_1199 = tpu.memref_slice %arg10[%dma_start3A_1197, %dma_start3A_1198] : memref<400x128xf32, #tpu.memory_space<vmem>> -> memref<80x128xf32, #tpu.memory_space<vmem>>
        %dma_start3A_1200 = arith.constant 320 : i32
        %dma_start3A_1201 = tpu.memref_slice %arg8[%dma_start3A_1200] : memref<400xi32, #tpu.memory_space<vmem>> -> memref<80xi32, #tpu.memory_space<vmem>>
        %dma_start3A_1202 = arith.constant 0 : i32
        %dma_start3A_1203 = arith.constant 0 : i32
        %dma_start3A_1204 = tpu.memref_slice %arg11[%dma_start3A_1202, %dma_start3A_1203] : memref<128x128xf32, #tpu.memory_space<vmem_shared>> -> memref<128x128xf32, #tpu.memory_space<vmem_shared>>
        tpu.enqueue_indirect_dma source(%dma_start3A_1204 : memref<128x128xf32, #tpu.memory_space<vmem_shared>>) target(%dma_start3A_1199 : memref<80x128xf32, #tpu.memory_space<vmem>>) offsets(%dma_start3A_1201 : memref<80xi32, #tpu.memory_space<vmem>>) semaphore(%arg12 : memref<!tpu.dma_semaphore, #tpu.memory_space<semaphore_mem>>)
        %dma_wait3A = arith.constant 0 : i32
        %dma_wait3A_1205 = arith.constant 0 : i32
        %dma_wait3A_1206 = tpu.memref_slice %arg10[%dma_wait3A, %dma_wait3A_1205] : memref<400x128xf32, #tpu.memory_space<vmem>> -> memref<80x128xf32, #tpu.memory_space<vmem>>
        %dma_wait3A_1207 = arith.constant 0 : i32
        %dma_wait3A_1208 = tpu.memref_slice %arg8[%dma_wait3A_1207] : memref<400xi32, #tpu.memory_space<vmem>> -> memref<80xi32, #tpu.memory_space<vmem>>
        %dma_wait3A_1209 = arith.constant 0 : i32
        %dma_wait3A_1210 = arith.constant 0 : i32
        %dma_wait3A_1211 = tpu.memref_slice %arg11[%dma_wait3A_1209, %dma_wait3A_1210] : memref<128x128xf32, #tpu.memory_space<vmem_shared>> -> memref<128x128xf32, #tpu.memory_space<vmem_shared>>
        tpu.wait_indirect_dma semaphore(%arg12 : memref<!tpu.dma_semaphore, #tpu.memory_space<semaphore_mem>>) src(%dma_wait3A_1211 : memref<128x128xf32, #tpu.memory_space<vmem_shared>>) dst(%dma_wait3A_1206 : memref<80x128xf32, #tpu.memory_space<vmem>>)
        %dma_wait3A_1212 = arith.constant 80 : i32
        %dma_wait3A_1213 = arith.constant 0 : i32
        %dma_wait3A_1214 = tpu.memref_slice %arg10[%dma_wait3A_1212, %dma_wait3A_1213] : memref<400x128xf32, #tpu.memory_space<vmem>> -> memref<80x128xf32, #tpu.memory_space<vmem>>
        %dma_wait3A_1215 = arith.constant 80 : i32
        %dma_wait3A_1216 = tpu.memref_slice %arg8[%dma_wait3A_1215] : memref<400xi32, #tpu.memory_space<vmem>> -> memref<80xi32, #tpu.memory_space<vmem>>
        %dma_wait3A_1217 = arith.constant 0 : i32
        %dma_wait3A_1218 = arith.constant 0 : i32
        %dma_wait3A_1219 = tpu.memref_slice %arg11[%dma_wait3A_1217, %dma_wait3A_1218] : memref<128x128xf32, #tpu.memory_space<vmem_shared>> -> memref<128x128xf32, #tpu.memory_space<vmem_shared>>
        tpu.wait_indirect_dma semaphore(%arg12 : memref<!tpu.dma_semaphore, #tpu.memory_space<semaphore_mem>>) src(%dma_wait3A_1219 : memref<128x128xf32, #tpu.memory_space<vmem_shared>>) dst(%dma_wait3A_1214 : memref<80x128xf32, #tpu.memory_space<vmem>>)
        %dma_wait3A_1220 = arith.constant 160 : i32
        %dma_wait3A_1221 = arith.constant 0 : i32
        %dma_wait3A_1222 = tpu.memref_slice %arg10[%dma_wait3A_1220, %dma_wait3A_1221] : memref<400x128xf32, #tpu.memory_space<vmem>> -> memref<80x128xf32, #tpu.memory_space<vmem>>
        %dma_wait3A_1223 = arith.constant 160 : i32
        %dma_wait3A_1224 = tpu.memref_slice %arg8[%dma_wait3A_1223] : memref<400xi32, #tpu.memory_space<vmem>> -> memref<80xi32, #tpu.memory_space<vmem>>
        %dma_wait3A_1225 = arith.constant 0 : i32
        %dma_wait3A_1226 = arith.constant 0 : i32
        %dma_wait3A_1227 = tpu.memref_slice %arg11[%dma_wait3A_1225, %dma_wait3A_1226] : memref<128x128xf32, #tpu.memory_space<vmem_shared>> -> memref<128x128xf32, #tpu.memory_space<vmem_shared>>
        tpu.wait_indirect_dma semaphore(%arg12 : memref<!tpu.dma_semaphore, #tpu.memory_space<semaphore_mem>>) src(%dma_wait3A_1227 : memref<128x128xf32, #tpu.memory_space<vmem_shared>>) dst(%dma_wait3A_1222 : memref<80x128xf32, #tpu.memory_space<vmem>>)
        %dma_wait3A_1228 = arith.constant 240 : i32
        %dma_wait3A_1229 = arith.constant 0 : i32
        %dma_wait3A_1230 = tpu.memref_slice %arg10[%dma_wait3A_1228, %dma_wait3A_1229] : memref<400x128xf32, #tpu.memory_space<vmem>> -> memref<80x128xf32, #tpu.memory_space<vmem>>
        %dma_wait3A_1231 = arith.constant 240 : i32
        %dma_wait3A_1232 = tpu.memref_slice %arg8[%dma_wait3A_1231] : memref<400xi32, #tpu.memory_space<vmem>> -> memref<80xi32, #tpu.memory_space<vmem>>
        %dma_wait3A_1233 = arith.constant 0 : i32
        %dma_wait3A_1234 = arith.constant 0 : i32
        %dma_wait3A_1235 = tpu.memref_slice %arg11[%dma_wait3A_1233, %dma_wait3A_1234] : memref<128x128xf32, #tpu.memory_space<vmem_shared>> -> memref<128x128xf32, #tpu.memory_space<vmem_shared>>
        tpu.wait_indirect_dma semaphore(%arg12 : memref<!tpu.dma_semaphore, #tpu.memory_space<semaphore_mem>>) src(%dma_wait3A_1235 : memref<128x128xf32, #tpu.memory_space<vmem_shared>>) dst(%dma_wait3A_1230 : memref<80x128xf32, #tpu.memory_space<vmem>>)
        %dma_wait3A_1236 = arith.constant 320 : i32
        %dma_wait3A_1237 = arith.constant 0 : i32
        %dma_wait3A_1238 = tpu.memref_slice %arg10[%dma_wait3A_1236, %dma_wait3A_1237] : memref<400x128xf32, #tpu.memory_space<vmem>> -> memref<80x128xf32, #tpu.memory_space<vmem>>
        %dma_wait3A_1239 = arith.constant 320 : i32
        %dma_wait3A_1240 = tpu.memref_slice %arg8[%dma_wait3A_1239] : memref<400xi32, #tpu.memory_space<vmem>> -> memref<80xi32, #tpu.memory_space<vmem>>
        %dma_wait3A_1241 = arith.constant 0 : i32
        %dma_wait3A_1242 = arith.constant 0 : i32
        %dma_wait3A_1243 = tpu.memref_slice %arg11[%dma_wait3A_1241, %dma_wait3A_1242] : memref<128x128xf32, #tpu.memory_space<vmem_shared>> -> memref<128x128xf32, #tpu.memory_space<vmem_shared>>
        tpu.wait_indirect_dma semaphore(%arg12 : memref<!tpu.dma_semaphore, #tpu.memory_space<semaphore_mem>>) src(%dma_wait3A_1243 : memref<128x128xf32, #tpu.memory_space<vmem_shared>>) dst(%dma_wait3A_1238 : memref<80x128xf32, #tpu.memory_space<vmem>>)
        %dma_start3A_1244 = arith.constant 0 : i32
        %dma_start3A_1245 = tpu.memref_slice %arg4[%mul3A_94, %dma_start3A_1244] : memref<800000x128xf32, #tpu.memory_space<hbm>> -> memref<400x128xf32, #tpu.memory_space<hbm>>
        %dma_start3A_1246 = arith.constant 0 : i32
        %dma_start3A_1247 = tpu.memref_slice %arg4[%mul3A_94, %dma_start3A_1246] : memref<800000x128xf32, #tpu.memory_space<hbm>> -> memref<400x128xf32, #tpu.memory_space<hbm>>
        tpu.enqueue_dma source(%arg10 : memref<400x128xf32, #tpu.memory_space<vmem>>) target(%dma_start3A_1247 : memref<400x128xf32, #tpu.memory_space<hbm>>) target_semaphore(%arg14 : memref<!tpu.dma_semaphore, #tpu.memory_space<semaphore_mem>>)
      } else {
      }
    }
    %while3A_33 = arith.constant 1 : i32
    scf.for %while3A_43 = %while3A_31 to %while3A_27 step %while3A_33  : i32 {
      %jit3A_44 = arith.constant 2 : i32
      %eq3A_45 = arith.constant 0 : i32
      %eq3A_46 = arith.cmpi eq, %jit3A_44, %eq3A_45 : i32
      %jit3A_47 = arith.constant 1 : i32
      %select_n3A_48 = arith.select %eq3A_46, %jit3A_47, %jit3A_44 : i32
      %rem3A_49 = arith.remsi %while3A_43, %select_n3A_48 : i32
      %ne3A_50 = arith.constant 0 : i32
      %ne3A_51 = arith.cmpi ne, %rem3A_49, %ne3A_50 : i32
      %lt3A = arith.constant 0 : i32
      %lt3A_52 = arith.cmpi slt, %rem3A_49, %lt3A : i32
      %lt3A_53 = arith.constant 0 : i32
      %lt3A_54 = arith.cmpi slt, %select_n3A_48, %lt3A_53 : i32
      %ne3A_55 = arith.xori %lt3A_52, %lt3A_54 : i1
      %and3A_56 = arith.andi %ne3A_55, %ne3A_51 : i1
      %add3A_57 = arith.addi %rem3A_49, %select_n3A_48 : i32
      %select_n3A_58 = arith.select %and3A_56, %add3A_57, %rem3A_49 : i32
      %eq3A_59 = arith.constant 0 : i32
      %eq3A_60 = arith.cmpi eq, %select_n3A_58, %eq3A_59 : i32
      %convert_element_type3A_61 = arith.extui %eq3A_60 : i1 to i32
      %cond3A_62 = arith.constant 0 : i32
      %cond3A_63 = arith.cmpi ne, %convert_element_type3A_61, %cond3A_62 : i32
      scf.if %cond3A_63 {
        %ge3A_85 = arith.constant 2 : i32
        %ge3A_86 = arith.cmpi sge, %while3A_43, %ge3A_85 : i32
        %convert_element_type3A_87 = arith.extui %ge3A_86 : i1 to i32
        %cond3A_88 = arith.constant 0 : i32
        %cond3A_89 = arith.cmpi ne, %convert_element_type3A_87, %cond3A_88 : i32
        scf.if %cond3A_89 {
          %dma_wait3A_1248 = arith.constant 0 : i32
          %dma_wait3A_1249 = arith.constant 0 : i32
          %dma_wait3A_1250 = tpu.memref_slice %arg4[%dma_wait3A_1248, %dma_wait3A_1249] : memref<800000x128xf32, #tpu.memory_space<hbm>> -> memref<400x128xf32, #tpu.memory_space<hbm>>
          %dma_wait3A_1251 = arith.constant 0 : i32
          %dma_wait3A_1252 = arith.constant 0 : i32
          %dma_wait3A_1253 = tpu.memref_slice %arg4[%dma_wait3A_1251, %dma_wait3A_1252] : memref<800000x128xf32, #tpu.memory_space<hbm>> -> memref<400x128xf32, #tpu.memory_space<hbm>>
          tpu.wait_dma2 semaphore(%arg13 : memref<!tpu.dma_semaphore, #tpu.memory_space<semaphore_mem>>) src(%arg9 : memref<400x128xf32, #tpu.memory_space<vmem>>) dst(%dma_wait3A_1253 : memref<400x128xf32, #tpu.memory_space<hbm>>)
        } else {
        }
        %mul3A_90 = arith.constant 32 : i32
        %mul3A_91 = arith.muli %while3A_43, %mul3A_90 : i32
        %add3A_92 = arith.addi %add3A, %mul3A_91 : i32
        %mul3A_93 = arith.constant 400 : i32
        %mul3A_94 = arith.muli %add3A_92, %mul3A_93 : i32
        "tpu.region"() ({
          %run_scoped3A = tpu.sem_alloc : memref<!tpu.dma_semaphore, #tpu.memory_space<semaphore_mem>>
          %dma_start3A_1248 = tpu.memref_slice %arg2[%mul3A_94] : memref<800000xi32, #tpu.memory_space<hbm>> -> memref<400xi32, #tpu.memory_space<hbm>>
          %dma_start3A_1249 = tpu.memref_slice %arg2[%mul3A_94] : memref<800000xi32, #tpu.memory_space<hbm>> -> memref<400xi32, #tpu.memory_space<hbm>>
          tpu.enqueue_dma source(%dma_start3A_1249 : memref<400xi32, #tpu.memory_space<hbm>>) target(%arg5 : memref<400xi32, #tpu.memory_space<vmem>>) target_semaphore(%run_scoped3A : memref<!tpu.dma_semaphore, #tpu.memory_space<semaphore_mem>>)
          %dma_wait3A_1250 = tpu.memref_slice %arg2[%mul3A_94] : memref<800000xi32, #tpu.memory_space<hbm>> -> memref<400xi32, #tpu.memory_space<hbm>>
          %dma_wait3A_1251 = tpu.memref_slice %arg2[%mul3A_94] : memref<800000xi32, #tpu.memory_space<hbm>> -> memref<400xi32, #tpu.memory_space<hbm>>
          tpu.wait_dma2 semaphore(%run_scoped3A : memref<!tpu.dma_semaphore, #tpu.memory_space<semaphore_mem>>) src(%dma_wait3A_1251 : memref<400xi32, #tpu.memory_space<hbm>>) dst(%arg5 : memref<400xi32, #tpu.memory_space<vmem>>)
          tpu.yield
        }) : () -> ()
        %get3A = arith.constant 0 : index
        %get3A_95 = tpu.vector_load %arg5[%get3A] {strides = array<i32>} : memref<400xi32, #tpu.memory_space<vmem>>, vector<16xi32>,
        %get3A_96 = vector.shape_cast %get3A_95 : vector<16xi32> to vector<16xi32>
        %and3A_97 = arith.constant 255 : i32
        %and3A_98 = vector.broadcast %and3A_97 : i32 to vector<16xi32>
        %and3A_99 = arith.andi %get3A_96, %and3A_98 : vector<16xi32>
        %mul3A_100 = arith.constant 24 : i32
        %mul3A_101 = vector.broadcast %mul3A_100 : i32 to vector<16xi32>
        %mul3A_102 = arith.muli %and3A_99, %mul3A_101 : vector<16xi32>
        %shift_right_arithmetic3A = arith.constant 8 : i32
        %shift_right_arithmetic3A_103 = vector.broadcast %shift_right_arithmetic3A : i32 to vector<16xi32>
        %shift_right_arithmetic3A_104 = arith.shrsi %get3A_96, %shift_right_arithmetic3A_103 : vector<16xi32>
        %and3A_105 = arith.constant 255 : i32
        %and3A_106 = vector.broadcast %and3A_105 : i32 to vector<16xi32>
        %and3A_107 = arith.andi %shift_right_arithmetic3A_104, %and3A_106 : vector<16xi32>
        %mul3A_108 = arith.constant 4 : i32
        %mul3A_109 = vector.broadcast %mul3A_108 : i32 to vector<16xi32>
        %mul3A_110 = arith.muli %and3A_107, %mul3A_109 : vector<16xi32>
        %add3A_111 = arith.addi %mul3A_102, %mul3A_110 : vector<16xi32>
        %shift_right_arithmetic3A_112 = arith.constant 16 : i32
        %shift_right_arithmetic3A_113 = vector.broadcast %shift_right_arithmetic3A_112 : i32 to vector<16xi32>
        %shift_right_arithmetic3A_114 = arith.shrsi %get3A_96, %shift_right_arithmetic3A_113 : vector<16xi32>
        %and3A_115 = arith.constant 255 : i32
        %and3A_116 = vector.broadcast %and3A_115 : i32 to vector<16xi32>
        %and3A_117 = arith.andi %shift_right_arithmetic3A_114, %and3A_116 : vector<16xi32>
        %mul3A_118 = arith.constant 2 : i32
        %mul3A_119 = vector.broadcast %mul3A_118 : i32 to vector<16xi32>
        %mul3A_120 = arith.muli %and3A_117, %mul3A_119 : vector<16xi32>
        %add3A_121 = arith.addi %add3A_111, %mul3A_120 : vector<16xi32>
        %shift_right_arithmetic3A_122 = arith.constant 24 : i32
        %shift_right_arithmetic3A_123 = vector.broadcast %shift_right_arithmetic3A_122 : i32 to vector<16xi32>
        %shift_right_arithmetic3A_124 = arith.shrsi %get3A_96, %shift_right_arithmetic3A_123 : vector<16xi32>
        %and3A_125 = arith.constant 255 : i32
        %and3A_126 = vector.broadcast %and3A_125 : i32 to vector<16xi32>
        %and3A_127 = arith.andi %shift_right_arithmetic3A_124, %and3A_126 : vector<16xi32>
        %add3A_128 = arith.addi %add3A_121, %and3A_127 : vector<16xi32>
        %min3A = arith.constant 127 : i32
        %min3A_129 = vector.broadcast %min3A : i32 to vector<16xi32>
        %min3A_130 = arith.minsi %add3A_128, %min3A_129 : vector<16xi32>
        %swap3A = arith.constant 0 : index
        %swap3A_131 = tpu.vector_load %arg7[%swap3A] {strides = array<i32>} : memref<400xi32, #tpu.memory_space<vmem>>, vector<16xi32>,
        %swap3A_132 = vector.shape_cast %swap3A_131 : vector<16xi32> to vector<16xi32>
        %swap3A_133 = vector.shape_cast %min3A_130 : vector<16xi32> to vector<16xi32>
        tpu.vector_store %arg7[%swap3A], %swap3A_133 {strides = array<i32>} : memref<400xi32, #tpu.memory_space<vmem>>, vector<16xi32>,
        %get3A_134 = arith.constant 16 : index
        %get3A_135 = tpu.vector_load %arg5[%get3A_134] {strides = array<i32>} : memref<400xi32, #tpu.memory_space<vmem>>, vector<16xi32>,
        %get3A_136 = vector.shape_cast %get3A_135 : vector<16xi32> to vector<16xi32>
        %and3A_137 = arith.constant 255 : i32
        %and3A_138 = vector.broadcast %and3A_137 : i32 to vector<16xi32>
        %and3A_139 = arith.andi %get3A_136, %and3A_138 : vector<16xi32>
        %mul3A_140 = arith.constant 24 : i32
        %mul3A_141 = vector.broadcast %mul3A_140 : i32 to vector<16xi32>
        %mul3A_142 = arith.muli %and3A_139, %mul3A_141 : vector<16xi32>
        %shift_right_arithmetic3A_143 = arith.constant 8 : i32
        %shift_right_arithmetic3A_144 = vector.broadcast %shift_right_arithmetic3A_143 : i32 to vector<16xi32>
        %shift_right_arithmetic3A_145 = arith.shrsi %get3A_136, %shift_right_arithmetic3A_144 : vector<16xi32>
        %and3A_146 = arith.constant 255 : i32
        %and3A_147 = vector.broadcast %and3A_146 : i32 to vector<16xi32>
        %and3A_148 = arith.andi %shift_right_arithmetic3A_145, %and3A_147 : vector<16xi32>
        %mul3A_149 = arith.constant 4 : i32
        %mul3A_150 = vector.broadcast %mul3A_149 : i32 to vector<16xi32>
        %mul3A_151 = arith.muli %and3A_148, %mul3A_150 : vector<16xi32>
        %add3A_152 = arith.addi %mul3A_142, %mul3A_151 : vector<16xi32>
        %shift_right_arithmetic3A_153 = arith.constant 16 : i32
        %shift_right_arithmetic3A_154 = vector.broadcast %shift_right_arithmetic3A_153 : i32 to vector<16xi32>
        %shift_right_arithmetic3A_155 = arith.shrsi %get3A_136, %shift_right_arithmetic3A_154 : vector<16xi32>
        %and3A_156 = arith.constant 255 : i32
        %and3A_157 = vector.broadcast %and3A_156 : i32 to vector<16xi32>
        %and3A_158 = arith.andi %shift_right_arithmetic3A_155, %and3A_157 : vector<16xi32>
        %mul3A_159 = arith.constant 2 : i32
        %mul3A_160 = vector.broadcast %mul3A_159 : i32 to vector<16xi32>
        %mul3A_161 = arith.muli %and3A_158, %mul3A_160 : vector<16xi32>
        %add3A_162 = arith.addi %add3A_152, %mul3A_161 : vector<16xi32>
        %shift_right_arithmetic3A_163 = arith.constant 24 : i32
        %shift_right_arithmetic3A_164 = vector.broadcast %shift_right_arithmetic3A_163 : i32 to vector<16xi32>
        %shift_right_arithmetic3A_165 = arith.shrsi %get3A_136, %shift_right_arithmetic3A_164 : vector<16xi32>
        %and3A_166 = arith.constant 255 : i32
        %and3A_167 = vector.broadcast %and3A_166 : i32 to vector<16xi32>
        %and3A_168 = arith.andi %shift_right_arithmetic3A_165, %and3A_167 : vector<16xi32>
        %add3A_169 = arith.addi %add3A_162, %and3A_168 : vector<16xi32>
        %min3A_170 = arith.constant 127 : i32
        %min3A_171 = vector.broadcast %min3A_170 : i32 to vector<16xi32>
        %min3A_172 = arith.minsi %add3A_169, %min3A_171 : vector<16xi32>
        %swap3A_173 = arith.constant 16 : index
        %swap3A_174 = tpu.vector_load %arg7[%swap3A_173] {strides = array<i32>} : memref<400xi32, #tpu.memory_space<vmem>>, vector<16xi32>,
        %swap3A_175 = vector.shape_cast %swap3A_174 : vector<16xi32> to vector<16xi32>
        %swap3A_176 = vector.shape_cast %min3A_172 : vector<16xi32> to vector<16xi32>
        tpu.vector_store %arg7[%swap3A_173], %swap3A_176 {strides = array<i32>} : memref<400xi32, #tpu.memory_space<vmem>>, vector<16xi32>,
        %get3A_177 = arith.constant 32 : index
        %get3A_178 = tpu.vector_load %arg5[%get3A_177] {strides = array<i32>} : memref<400xi32, #tpu.memory_space<vmem>>, vector<16xi32>,
        %get3A_179 = vector.shape_cast %get3A_178 : vector<16xi32> to vector<16xi32>
        %and3A_180 = arith.constant 255 : i32
        %and3A_181 = vector.broadcast %and3A_180 : i32 to vector<16xi32>
        %and3A_182 = arith.andi %get3A_179, %and3A_181 : vector<16xi32>
        %mul3A_183 = arith.constant 24 : i32
        %mul3A_184 = vector.broadcast %mul3A_183 : i32 to vector<16xi32>
        %mul3A_185 = arith.muli %and3A_182, %mul3A_184 : vector<16xi32>
        %shift_right_arithmetic3A_186 = arith.constant 8 : i32
        %shift_right_arithmetic3A_187 = vector.broadcast %shift_right_arithmetic3A_186 : i32 to vector<16xi32>
        %shift_right_arithmetic3A_188 = arith.shrsi %get3A_179, %shift_right_arithmetic3A_187 : vector<16xi32>
        %and3A_189 = arith.constant 255 : i32
        %and3A_190 = vector.broadcast %and3A_189 : i32 to vector<16xi32>
        %and3A_191 = arith.andi %shift_right_arithmetic3A_188, %and3A_190 : vector<16xi32>
        %mul3A_192 = arith.constant 4 : i32
        %mul3A_193 = vector.broadcast %mul3A_192 : i32 to vector<16xi32>
        %mul3A_194 = arith.muli %and3A_191, %mul3A_193 : vector<16xi32>
        %add3A_195 = arith.addi %mul3A_185, %mul3A_194 : vector<16xi32>
        %shift_right_arithmetic3A_196 = arith.constant 16 : i32
        %shift_right_arithmetic3A_197 = vector.broadcast %shift_right_arithmetic3A_196 : i32 to vector<16xi32>
        %shift_right_arithmetic3A_198 = arith.shrsi %get3A_179, %shift_right_arithmetic3A_197 : vector<16xi32>
        %and3A_199 = arith.constant 255 : i32
        %and3A_200 = vector.broadcast %and3A_199 : i32 to vector<16xi32>
        %and3A_201 = arith.andi %shift_right_arithmetic3A_198, %and3A_200 : vector<16xi32>
        %mul3A_202 = arith.constant 2 : i32
        %mul3A_203 = vector.broadcast %mul3A_202 : i32 to vector<16xi32>
        %mul3A_204 = arith.muli %and3A_201, %mul3A_203 : vector<16xi32>
        %add3A_205 = arith.addi %add3A_195, %mul3A_204 : vector<16xi32>
        %shift_right_arithmetic3A_206 = arith.constant 24 : i32
        %shift_right_arithmetic3A_207 = vector.broadcast %shift_right_arithmetic3A_206 : i32 to vector<16xi32>
        %shift_right_arithmetic3A_208 = arith.shrsi %get3A_179, %shift_right_arithmetic3A_207 : vector<16xi32>
        %and3A_209 = arith.constant 255 : i32
        %and3A_210 = vector.broadcast %and3A_209 : i32 to vector<16xi32>
        %and3A_211 = arith.andi %shift_right_arithmetic3A_208, %and3A_210 : vector<16xi32>
        %add3A_212 = arith.addi %add3A_205, %and3A_211 : vector<16xi32>
        %min3A_213 = arith.constant 127 : i32
        %min3A_214 = vector.broadcast %min3A_213 : i32 to vector<16xi32>
        %min3A_215 = arith.minsi %add3A_212, %min3A_214 : vector<16xi32>
        %swap3A_216 = arith.constant 32 : index
        %swap3A_217 = tpu.vector_load %arg7[%swap3A_216] {strides = array<i32>} : memref<400xi32, #tpu.memory_space<vmem>>, vector<16xi32>,
        %swap3A_218 = vector.shape_cast %swap3A_217 : vector<16xi32> to vector<16xi32>
        %swap3A_219 = vector.shape_cast %min3A_215 : vector<16xi32> to vector<16xi32>
        tpu.vector_store %arg7[%swap3A_216], %swap3A_219 {strides = array<i32>} : memref<400xi32, #tpu.memory_space<vmem>>, vector<16xi32>,
        %get3A_220 = arith.constant 48 : index
        %get3A_221 = tpu.vector_load %arg5[%get3A_220] {strides = array<i32>} : memref<400xi32, #tpu.memory_space<vmem>>, vector<16xi32>,
        %get3A_222 = vector.shape_cast %get3A_221 : vector<16xi32> to vector<16xi32>
        %and3A_223 = arith.constant 255 : i32
        %and3A_224 = vector.broadcast %and3A_223 : i32 to vector<16xi32>
        %and3A_225 = arith.andi %get3A_222, %and3A_224 : vector<16xi32>
        %mul3A_226 = arith.constant 24 : i32
        %mul3A_227 = vector.broadcast %mul3A_226 : i32 to vector<16xi32>
        %mul3A_228 = arith.muli %and3A_225, %mul3A_227 : vector<16xi32>
        %shift_right_arithmetic3A_229 = arith.constant 8 : i32
        %shift_right_arithmetic3A_230 = vector.broadcast %shift_right_arithmetic3A_229 : i32 to vector<16xi32>
        %shift_right_arithmetic3A_231 = arith.shrsi %get3A_222, %shift_right_arithmetic3A_230 : vector<16xi32>
        %and3A_232 = arith.constant 255 : i32
        %and3A_233 = vector.broadcast %and3A_232 : i32 to vector<16xi32>
        %and3A_234 = arith.andi %shift_right_arithmetic3A_231, %and3A_233 : vector<16xi32>
        %mul3A_235 = arith.constant 4 : i32
        %mul3A_236 = vector.broadcast %mul3A_235 : i32 to vector<16xi32>
        %mul3A_237 = arith.muli %and3A_234, %mul3A_236 : vector<16xi32>
        %add3A_238 = arith.addi %mul3A_228, %mul3A_237 : vector<16xi32>
        %shift_right_arithmetic3A_239 = arith.constant 16 : i32
        %shift_right_arithmetic3A_240 = vector.broadcast %shift_right_arithmetic3A_239 : i32 to vector<16xi32>
        %shift_right_arithmetic3A_241 = arith.shrsi %get3A_222, %shift_right_arithmetic3A_240 : vector<16xi32>
        %and3A_242 = arith.constant 255 : i32
        %and3A_243 = vector.broadcast %and3A_242 : i32 to vector<16xi32>
        %and3A_244 = arith.andi %shift_right_arithmetic3A_241, %and3A_243 : vector<16xi32>
        %mul3A_245 = arith.constant 2 : i32
        %mul3A_246 = vector.broadcast %mul3A_245 : i32 to vector<16xi32>
        %mul3A_247 = arith.muli %and3A_244, %mul3A_246 : vector<16xi32>
        %add3A_248 = arith.addi %add3A_238, %mul3A_247 : vector<16xi32>
        %shift_right_arithmetic3A_249 = arith.constant 24 : i32
        %shift_right_arithmetic3A_250 = vector.broadcast %shift_right_arithmetic3A_249 : i32 to vector<16xi32>
        %shift_right_arithmetic3A_251 = arith.shrsi %get3A_222, %shift_right_arithmetic3A_250 : vector<16xi32>
        %and3A_252 = arith.constant 255 : i32
        %and3A_253 = vector.broadcast %and3A_252 : i32 to vector<16xi32>
        %and3A_254 = arith.andi %shift_right_arithmetic3A_251, %and3A_253 : vector<16xi32>
        %add3A_255 = arith.addi %add3A_248, %and3A_254 : vector<16xi32>
        %min3A_256 = arith.constant 127 : i32
        %min3A_257 = vector.broadcast %min3A_256 : i32 to vector<16xi32>
        %min3A_258 = arith.minsi %add3A_255, %min3A_257 : vector<16xi32>
        %swap3A_259 = arith.constant 48 : index
        %swap3A_260 = tpu.vector_load %arg7[%swap3A_259] {strides = array<i32>} : memref<400xi32, #tpu.memory_space<vmem>>, vector<16xi32>,
        %swap3A_261 = vector.shape_cast %swap3A_260 : vector<16xi32> to vector<16xi32>
        %swap3A_262 = vector.shape_cast %min3A_258 : vector<16xi32> to vector<16xi32>
        tpu.vector_store %arg7[%swap3A_259], %swap3A_262 {strides = array<i32>} : memref<400xi32, #tpu.memory_space<vmem>>, vector<16xi32>,
        %get3A_263 = arith.constant 64 : index
        %get3A_264 = tpu.vector_load %arg5[%get3A_263] {strides = array<i32>} : memref<400xi32, #tpu.memory_space<vmem>>, vector<16xi32>,
        %get3A_265 = vector.shape_cast %get3A_264 : vector<16xi32> to vector<16xi32>
        %and3A_266 = arith.constant 255 : i32
        %and3A_267 = vector.broadcast %and3A_266 : i32 to vector<16xi32>
        %and3A_268 = arith.andi %get3A_265, %and3A_267 : vector<16xi32>
        %mul3A_269 = arith.constant 24 : i32
        %mul3A_270 = vector.broadcast %mul3A_269 : i32 to vector<16xi32>
        %mul3A_271 = arith.muli %and3A_268, %mul3A_270 : vector<16xi32>
        %shift_right_arithmetic3A_272 = arith.constant 8 : i32
        %shift_right_arithmetic3A_273 = vector.broadcast %shift_right_arithmetic3A_272 : i32 to vector<16xi32>
        %shift_right_arithmetic3A_274 = arith.shrsi %get3A_265, %shift_right_arithmetic3A_273 : vector<16xi32>
        %and3A_275 = arith.constant 255 : i32
        %and3A_276 = vector.broadcast %and3A_275 : i32 to vector<16xi32>
        %and3A_277 = arith.andi %shift_right_arithmetic3A_274, %and3A_276 : vector<16xi32>
        %mul3A_278 = arith.constant 4 : i32
        %mul3A_279 = vector.broadcast %mul3A_278 : i32 to vector<16xi32>
        %mul3A_280 = arith.muli %and3A_277, %mul3A_279 : vector<16xi32>
        %add3A_281 = arith.addi %mul3A_271, %mul3A_280 : vector<16xi32>
        %shift_right_arithmetic3A_282 = arith.constant 16 : i32
        %shift_right_arithmetic3A_283 = vector.broadcast %shift_right_arithmetic3A_282 : i32 to vector<16xi32>
        %shift_right_arithmetic3A_284 = arith.shrsi %get3A_265, %shift_right_arithmetic3A_283 : vector<16xi32>
        %and3A_285 = arith.constant 255 : i32
        %and3A_286 = vector.broadcast %and3A_285 : i32 to vector<16xi32>
        %and3A_287 = arith.andi %shift_right_arithmetic3A_284, %and3A_286 : vector<16xi32>
        %mul3A_288 = arith.constant 2 : i32
        %mul3A_289 = vector.broadcast %mul3A_288 : i32 to vector<16xi32>
        %mul3A_290 = arith.muli %and3A_287, %mul3A_289 : vector<16xi32>
        %add3A_291 = arith.addi %add3A_281, %mul3A_290 : vector<16xi32>
        %shift_right_arithmetic3A_292 = arith.constant 24 : i32
        %shift_right_arithmetic3A_293 = vector.broadcast %shift_right_arithmetic3A_292 : i32 to vector<16xi32>
        %shift_right_arithmetic3A_294 = arith.shrsi %get3A_265, %shift_right_arithmetic3A_293 : vector<16xi32>
        %and3A_295 = arith.constant 255 : i32
        %and3A_296 = vector.broadcast %and3A_295 : i32 to vector<16xi32>
        %and3A_297 = arith.andi %shift_right_arithmetic3A_294, %and3A_296 : vector<16xi32>
        %add3A_298 = arith.addi %add3A_291, %and3A_297 : vector<16xi32>
        %min3A_299 = arith.constant 127 : i32
        %min3A_300 = vector.broadcast %min3A_299 : i32 to vector<16xi32>
        %min3A_301 = arith.minsi %add3A_298, %min3A_300 : vector<16xi32>
        %swap3A_302 = arith.constant 64 : index
        %swap3A_303 = tpu.vector_load %arg7[%swap3A_302] {strides = array<i32>} : memref<400xi32, #tpu.memory_space<vmem>>, vector<16xi32>,
        %swap3A_304 = vector.shape_cast %swap3A_303 : vector<16xi32> to vector<16xi32>
        %swap3A_305 = vector.shape_cast %min3A_301 : vector<16xi32> to vector<16xi32>
        tpu.vector_store %arg7[%swap3A_302], %swap3A_305 {strides = array<i32>} : memref<400xi32, #tpu.memory_space<vmem>>, vector<16xi32>,
        %get3A_306 = arith.constant 80 : index
        %get3A_307 = tpu.vector_load %arg5[%get3A_306] {strides = array<i32>} : memref<400xi32, #tpu.memory_space<vmem>>, vector<16xi32>,
        %get3A_308 = vector.shape_cast %get3A_307 : vector<16xi32> to vector<16xi32>
        %and3A_309 = arith.constant 255 : i32
        %and3A_310 = vector.broadcast %and3A_309 : i32 to vector<16xi32>
        %and3A_311 = arith.andi %get3A_308, %and3A_310 : vector<16xi32>
        %mul3A_312 = arith.constant 24 : i32
        %mul3A_313 = vector.broadcast %mul3A_312 : i32 to vector<16xi32>
        %mul3A_314 = arith.muli %and3A_311, %mul3A_313 : vector<16xi32>
        %shift_right_arithmetic3A_315 = arith.constant 8 : i32
        %shift_right_arithmetic3A_316 = vector.broadcast %shift_right_arithmetic3A_315 : i32 to vector<16xi32>
        %shift_right_arithmetic3A_317 = arith.shrsi %get3A_308, %shift_right_arithmetic3A_316 : vector<16xi32>
        %and3A_318 = arith.constant 255 : i32
        %and3A_319 = vector.broadcast %and3A_318 : i32 to vector<16xi32>
        %and3A_320 = arith.andi %shift_right_arithmetic3A_317, %and3A_319 : vector<16xi32>
        %mul3A_321 = arith.constant 4 : i32
        %mul3A_322 = vector.broadcast %mul3A_321 : i32 to vector<16xi32>
        %mul3A_323 = arith.muli %and3A_320, %mul3A_322 : vector<16xi32>
        %add3A_324 = arith.addi %mul3A_314, %mul3A_323 : vector<16xi32>
        %shift_right_arithmetic3A_325 = arith.constant 16 : i32
        %shift_right_arithmetic3A_326 = vector.broadcast %shift_right_arithmetic3A_325 : i32 to vector<16xi32>
        %shift_right_arithmetic3A_327 = arith.shrsi %get3A_308, %shift_right_arithmetic3A_326 : vector<16xi32>
        %and3A_328 = arith.constant 255 : i32
        %and3A_329 = vector.broadcast %and3A_328 : i32 to vector<16xi32>
        %and3A_330 = arith.andi %shift_right_arithmetic3A_327, %and3A_329 : vector<16xi32>
        %mul3A_331 = arith.constant 2 : i32
        %mul3A_332 = vector.broadcast %mul3A_331 : i32 to vector<16xi32>
        %mul3A_333 = arith.muli %and3A_330, %mul3A_332 : vector<16xi32>
        %add3A_334 = arith.addi %add3A_324, %mul3A_333 : vector<16xi32>
        %shift_right_arithmetic3A_335 = arith.constant 24 : i32
        %shift_right_arithmetic3A_336 = vector.broadcast %shift_right_arithmetic3A_335 : i32 to vector<16xi32>
        %shift_right_arithmetic3A_337 = arith.shrsi %get3A_308, %shift_right_arithmetic3A_336 : vector<16xi32>
        %and3A_338 = arith.constant 255 : i32
        %and3A_339 = vector.broadcast %and3A_338 : i32 to vector<16xi32>
        %and3A_340 = arith.andi %shift_right_arithmetic3A_337, %and3A_339 : vector<16xi32>
        %add3A_341 = arith.addi %add3A_334, %and3A_340 : vector<16xi32>
        %min3A_342 = arith.constant 127 : i32
        %min3A_343 = vector.broadcast %min3A_342 : i32 to vector<16xi32>
        %min3A_344 = arith.minsi %add3A_341, %min3A_343 : vector<16xi32>
        %swap3A_345 = arith.constant 80 : index
        %swap3A_346 = tpu.vector_load %arg7[%swap3A_345] {strides = array<i32>} : memref<400xi32, #tpu.memory_space<vmem>>, vector<16xi32>,
        %swap3A_347 = vector.shape_cast %swap3A_346 : vector<16xi32> to vector<16xi32>
        %swap3A_348 = vector.shape_cast %min3A_344 : vector<16xi32> to vector<16xi32>
        tpu.vector_store %arg7[%swap3A_345], %swap3A_348 {strides = array<i32>} : memref<400xi32, #tpu.memory_space<vmem>>, vector<16xi32>,
        %get3A_349 = arith.constant 96 : index
        %get3A_350 = tpu.vector_load %arg5[%get3A_349] {strides = array<i32>} : memref<400xi32, #tpu.memory_space<vmem>>, vector<16xi32>,
        %get3A_351 = vector.shape_cast %get3A_350 : vector<16xi32> to vector<16xi32>
        %and3A_352 = arith.constant 255 : i32
        %and3A_353 = vector.broadcast %and3A_352 : i32 to vector<16xi32>
        %and3A_354 = arith.andi %get3A_351, %and3A_353 : vector<16xi32>
        %mul3A_355 = arith.constant 24 : i32
        %mul3A_356 = vector.broadcast %mul3A_355 : i32 to vector<16xi32>
        %mul3A_357 = arith.muli %and3A_354, %mul3A_356 : vector<16xi32>
        %shift_right_arithmetic3A_358 = arith.constant 8 : i32
        %shift_right_arithmetic3A_359 = vector.broadcast %shift_right_arithmetic3A_358 : i32 to vector<16xi32>
        %shift_right_arithmetic3A_360 = arith.shrsi %get3A_351, %shift_right_arithmetic3A_359 : vector<16xi32>
        %and3A_361 = arith.constant 255 : i32
        %and3A_362 = vector.broadcast %and3A_361 : i32 to vector<16xi32>
        %and3A_363 = arith.andi %shift_right_arithmetic3A_360, %and3A_362 : vector<16xi32>
        %mul3A_364 = arith.constant 4 : i32
        %mul3A_365 = vector.broadcast %mul3A_364 : i32 to vector<16xi32>
        %mul3A_366 = arith.muli %and3A_363, %mul3A_365 : vector<16xi32>
        %add3A_367 = arith.addi %mul3A_357, %mul3A_366 : vector<16xi32>
        %shift_right_arithmetic3A_368 = arith.constant 16 : i32
        %shift_right_arithmetic3A_369 = vector.broadcast %shift_right_arithmetic3A_368 : i32 to vector<16xi32>
        %shift_right_arithmetic3A_370 = arith.shrsi %get3A_351, %shift_right_arithmetic3A_369 : vector<16xi32>
        %and3A_371 = arith.constant 255 : i32
        %and3A_372 = vector.broadcast %and3A_371 : i32 to vector<16xi32>
        %and3A_373 = arith.andi %shift_right_arithmetic3A_370, %and3A_372 : vector<16xi32>
        %mul3A_374 = arith.constant 2 : i32
        %mul3A_375 = vector.broadcast %mul3A_374 : i32 to vector<16xi32>
        %mul3A_376 = arith.muli %and3A_373, %mul3A_375 : vector<16xi32>
        %add3A_377 = arith.addi %add3A_367, %mul3A_376 : vector<16xi32>
        %shift_right_arithmetic3A_378 = arith.constant 24 : i32
        %shift_right_arithmetic3A_379 = vector.broadcast %shift_right_arithmetic3A_378 : i32 to vector<16xi32>
        %shift_right_arithmetic3A_380 = arith.shrsi %get3A_351, %shift_right_arithmetic3A_379 : vector<16xi32>
        %and3A_381 = arith.constant 255 : i32
        %and3A_382 = vector.broadcast %and3A_381 : i32 to vector<16xi32>
        %and3A_383 = arith.andi %shift_right_arithmetic3A_380, %and3A_382 : vector<16xi32>
        %add3A_384 = arith.addi %add3A_377, %and3A_383 : vector<16xi32>
        %min3A_385 = arith.constant 127 : i32
        %min3A_386 = vector.broadcast %min3A_385 : i32 to vector<16xi32>
        %min3A_387 = arith.minsi %add3A_384, %min3A_386 : vector<16xi32>
        %swap3A_388 = arith.constant 96 : index
        %swap3A_389 = tpu.vector_load %arg7[%swap3A_388] {strides = array<i32>} : memref<400xi32, #tpu.memory_space<vmem>>, vector<16xi32>,
        %swap3A_390 = vector.shape_cast %swap3A_389 : vector<16xi32> to vector<16xi32>
        %swap3A_391 = vector.shape_cast %min3A_387 : vector<16xi32> to vector<16xi32>
        tpu.vector_store %arg7[%swap3A_388], %swap3A_391 {strides = array<i32>} : memref<400xi32, #tpu.memory_space<vmem>>, vector<16xi32>,
        %get3A_392 = arith.constant 112 : index
        %get3A_393 = tpu.vector_load %arg5[%get3A_392] {strides = array<i32>} : memref<400xi32, #tpu.memory_space<vmem>>, vector<16xi32>,
        %get3A_394 = vector.shape_cast %get3A_393 : vector<16xi32> to vector<16xi32>
        %and3A_395 = arith.constant 255 : i32
        %and3A_396 = vector.broadcast %and3A_395 : i32 to vector<16xi32>
        %and3A_397 = arith.andi %get3A_394, %and3A_396 : vector<16xi32>
        %mul3A_398 = arith.constant 24 : i32
        %mul3A_399 = vector.broadcast %mul3A_398 : i32 to vector<16xi32>
        %mul3A_400 = arith.muli %and3A_397, %mul3A_399 : vector<16xi32>
        %shift_right_arithmetic3A_401 = arith.constant 8 : i32
        %shift_right_arithmetic3A_402 = vector.broadcast %shift_right_arithmetic3A_401 : i32 to vector<16xi32>
        %shift_right_arithmetic3A_403 = arith.shrsi %get3A_394, %shift_right_arithmetic3A_402 : vector<16xi32>
        %and3A_404 = arith.constant 255 : i32
        %and3A_405 = vector.broadcast %and3A_404 : i32 to vector<16xi32>
        %and3A_406 = arith.andi %shift_right_arithmetic3A_403, %and3A_405 : vector<16xi32>
        %mul3A_407 = arith.constant 4 : i32
        %mul3A_408 = vector.broadcast %mul3A_407 : i32 to vector<16xi32>
        %mul3A_409 = arith.muli %and3A_406, %mul3A_408 : vector<16xi32>
        %add3A_410 = arith.addi %mul3A_400, %mul3A_409 : vector<16xi32>
        %shift_right_arithmetic3A_411 = arith.constant 16 : i32
        %shift_right_arithmetic3A_412 = vector.broadcast %shift_right_arithmetic3A_411 : i32 to vector<16xi32>
        %shift_right_arithmetic3A_413 = arith.shrsi %get3A_394, %shift_right_arithmetic3A_412 : vector<16xi32>
        %and3A_414 = arith.constant 255 : i32
        %and3A_415 = vector.broadcast %and3A_414 : i32 to vector<16xi32>
        %and3A_416 = arith.andi %shift_right_arithmetic3A_413, %and3A_415 : vector<16xi32>
        %mul3A_417 = arith.constant 2 : i32
        %mul3A_418 = vector.broadcast %mul3A_417 : i32 to vector<16xi32>
        %mul3A_419 = arith.muli %and3A_416, %mul3A_418 : vector<16xi32>
        %add3A_420 = arith.addi %add3A_410, %mul3A_419 : vector<16xi32>
        %shift_right_arithmetic3A_421 = arith.constant 24 : i32
        %shift_right_arithmetic3A_422 = vector.broadcast %shift_right_arithmetic3A_421 : i32 to vector<16xi32>
        %shift_right_arithmetic3A_423 = arith.shrsi %get3A_394, %shift_right_arithmetic3A_422 : vector<16xi32>
        %and3A_424 = arith.constant 255 : i32
        %and3A_425 = vector.broadcast %and3A_424 : i32 to vector<16xi32>
        %and3A_426 = arith.andi %shift_right_arithmetic3A_423, %and3A_425 : vector<16xi32>
        %add3A_427 = arith.addi %add3A_420, %and3A_426 : vector<16xi32>
        %min3A_428 = arith.constant 127 : i32
        %min3A_429 = vector.broadcast %min3A_428 : i32 to vector<16xi32>
        %min3A_430 = arith.minsi %add3A_427, %min3A_429 : vector<16xi32>
        %swap3A_431 = arith.constant 112 : index
        %swap3A_432 = tpu.vector_load %arg7[%swap3A_431] {strides = array<i32>} : memref<400xi32, #tpu.memory_space<vmem>>, vector<16xi32>,
        %swap3A_433 = vector.shape_cast %swap3A_432 : vector<16xi32> to vector<16xi32>
        %swap3A_434 = vector.shape_cast %min3A_430 : vector<16xi32> to vector<16xi32>
        tpu.vector_store %arg7[%swap3A_431], %swap3A_434 {strides = array<i32>} : memref<400xi32, #tpu.memory_space<vmem>>, vector<16xi32>,
        %get3A_435 = arith.constant 128 : index
        %get3A_436 = tpu.vector_load %arg5[%get3A_435] {strides = array<i32>} : memref<400xi32, #tpu.memory_space<vmem>>, vector<16xi32>,
        %get3A_437 = vector.shape_cast %get3A_436 : vector<16xi32> to vector<16xi32>
        %and3A_438 = arith.constant 255 : i32
        %and3A_439 = vector.broadcast %and3A_438 : i32 to vector<16xi32>
        %and3A_440 = arith.andi %get3A_437, %and3A_439 : vector<16xi32>
        %mul3A_441 = arith.constant 24 : i32
        %mul3A_442 = vector.broadcast %mul3A_441 : i32 to vector<16xi32>
        %mul3A_443 = arith.muli %and3A_440, %mul3A_442 : vector<16xi32>
        %shift_right_arithmetic3A_444 = arith.constant 8 : i32
        %shift_right_arithmetic3A_445 = vector.broadcast %shift_right_arithmetic3A_444 : i32 to vector<16xi32>
        %shift_right_arithmetic3A_446 = arith.shrsi %get3A_437, %shift_right_arithmetic3A_445 : vector<16xi32>
        %and3A_447 = arith.constant 255 : i32
        %and3A_448 = vector.broadcast %and3A_447 : i32 to vector<16xi32>
        %and3A_449 = arith.andi %shift_right_arithmetic3A_446, %and3A_448 : vector<16xi32>
        %mul3A_450 = arith.constant 4 : i32
        %mul3A_451 = vector.broadcast %mul3A_450 : i32 to vector<16xi32>
        %mul3A_452 = arith.muli %and3A_449, %mul3A_451 : vector<16xi32>
        %add3A_453 = arith.addi %mul3A_443, %mul3A_452 : vector<16xi32>
        %shift_right_arithmetic3A_454 = arith.constant 16 : i32
        %shift_right_arithmetic3A_455 = vector.broadcast %shift_right_arithmetic3A_454 : i32 to vector<16xi32>
        %shift_right_arithmetic3A_456 = arith.shrsi %get3A_437, %shift_right_arithmetic3A_455 : vector<16xi32>
        %and3A_457 = arith.constant 255 : i32
        %and3A_458 = vector.broadcast %and3A_457 : i32 to vector<16xi32>
        %and3A_459 = arith.andi %shift_right_arithmetic3A_456, %and3A_458 : vector<16xi32>
        %mul3A_460 = arith.constant 2 : i32
        %mul3A_461 = vector.broadcast %mul3A_460 : i32 to vector<16xi32>
        %mul3A_462 = arith.muli %and3A_459, %mul3A_461 : vector<16xi32>
        %add3A_463 = arith.addi %add3A_453, %mul3A_462 : vector<16xi32>
        %shift_right_arithmetic3A_464 = arith.constant 24 : i32
        %shift_right_arithmetic3A_465 = vector.broadcast %shift_right_arithmetic3A_464 : i32 to vector<16xi32>
        %shift_right_arithmetic3A_466 = arith.shrsi %get3A_437, %shift_right_arithmetic3A_465 : vector<16xi32>
        %and3A_467 = arith.constant 255 : i32
        %and3A_468 = vector.broadcast %and3A_467 : i32 to vector<16xi32>
        %and3A_469 = arith.andi %shift_right_arithmetic3A_466, %and3A_468 : vector<16xi32>
        %add3A_470 = arith.addi %add3A_463, %and3A_469 : vector<16xi32>
        %min3A_471 = arith.constant 127 : i32
        %min3A_472 = vector.broadcast %min3A_471 : i32 to vector<16xi32>
        %min3A_473 = arith.minsi %add3A_470, %min3A_472 : vector<16xi32>
        %swap3A_474 = arith.constant 128 : index
        %swap3A_475 = tpu.vector_load %arg7[%swap3A_474] {strides = array<i32>} : memref<400xi32, #tpu.memory_space<vmem>>, vector<16xi32>,
        %swap3A_476 = vector.shape_cast %swap3A_475 : vector<16xi32> to vector<16xi32>
        %swap3A_477 = vector.shape_cast %min3A_473 : vector<16xi32> to vector<16xi32>
        tpu.vector_store %arg7[%swap3A_474], %swap3A_477 {strides = array<i32>} : memref<400xi32, #tpu.memory_space<vmem>>, vector<16xi32>,
        %get3A_478 = arith.constant 144 : index
        %get3A_479 = tpu.vector_load %arg5[%get3A_478] {strides = array<i32>} : memref<400xi32, #tpu.memory_space<vmem>>, vector<16xi32>,
        %get3A_480 = vector.shape_cast %get3A_479 : vector<16xi32> to vector<16xi32>
        %and3A_481 = arith.constant 255 : i32
        %and3A_482 = vector.broadcast %and3A_481 : i32 to vector<16xi32>
        %and3A_483 = arith.andi %get3A_480, %and3A_482 : vector<16xi32>
        %mul3A_484 = arith.constant 24 : i32
        %mul3A_485 = vector.broadcast %mul3A_484 : i32 to vector<16xi32>
        %mul3A_486 = arith.muli %and3A_483, %mul3A_485 : vector<16xi32>
        %shift_right_arithmetic3A_487 = arith.constant 8 : i32
        %shift_right_arithmetic3A_488 = vector.broadcast %shift_right_arithmetic3A_487 : i32 to vector<16xi32>
        %shift_right_arithmetic3A_489 = arith.shrsi %get3A_480, %shift_right_arithmetic3A_488 : vector<16xi32>
        %and3A_490 = arith.constant 255 : i32
        %and3A_491 = vector.broadcast %and3A_490 : i32 to vector<16xi32>
        %and3A_492 = arith.andi %shift_right_arithmetic3A_489, %and3A_491 : vector<16xi32>
        %mul3A_493 = arith.constant 4 : i32
        %mul3A_494 = vector.broadcast %mul3A_493 : i32 to vector<16xi32>
        %mul3A_495 = arith.muli %and3A_492, %mul3A_494 : vector<16xi32>
        %add3A_496 = arith.addi %mul3A_486, %mul3A_495 : vector<16xi32>
        %shift_right_arithmetic3A_497 = arith.constant 16 : i32
        %shift_right_arithmetic3A_498 = vector.broadcast %shift_right_arithmetic3A_497 : i32 to vector<16xi32>
        %shift_right_arithmetic3A_499 = arith.shrsi %get3A_480, %shift_right_arithmetic3A_498 : vector<16xi32>
        %and3A_500 = arith.constant 255 : i32
        %and3A_501 = vector.broadcast %and3A_500 : i32 to vector<16xi32>
        %and3A_502 = arith.andi %shift_right_arithmetic3A_499, %and3A_501 : vector<16xi32>
        %mul3A_503 = arith.constant 2 : i32
        %mul3A_504 = vector.broadcast %mul3A_503 : i32 to vector<16xi32>
        %mul3A_505 = arith.muli %and3A_502, %mul3A_504 : vector<16xi32>
        %add3A_506 = arith.addi %add3A_496, %mul3A_505 : vector<16xi32>
        %shift_right_arithmetic3A_507 = arith.constant 24 : i32
        %shift_right_arithmetic3A_508 = vector.broadcast %shift_right_arithmetic3A_507 : i32 to vector<16xi32>
        %shift_right_arithmetic3A_509 = arith.shrsi %get3A_480, %shift_right_arithmetic3A_508 : vector<16xi32>
        %and3A_510 = arith.constant 255 : i32
        %and3A_511 = vector.broadcast %and3A_510 : i32 to vector<16xi32>
        %and3A_512 = arith.andi %shift_right_arithmetic3A_509, %and3A_511 : vector<16xi32>
        %add3A_513 = arith.addi %add3A_506, %and3A_512 : vector<16xi32>
        %min3A_514 = arith.constant 127 : i32
        %min3A_515 = vector.broadcast %min3A_514 : i32 to vector<16xi32>
        %min3A_516 = arith.minsi %add3A_513, %min3A_515 : vector<16xi32>
        %swap3A_517 = arith.constant 144 : index
        %swap3A_518 = tpu.vector_load %arg7[%swap3A_517] {strides = array<i32>} : memref<400xi32, #tpu.memory_space<vmem>>, vector<16xi32>,
        %swap3A_519 = vector.shape_cast %swap3A_518 : vector<16xi32> to vector<16xi32>
        %swap3A_520 = vector.shape_cast %min3A_516 : vector<16xi32> to vector<16xi32>
        tpu.vector_store %arg7[%swap3A_517], %swap3A_520 {strides = array<i32>} : memref<400xi32, #tpu.memory_space<vmem>>, vector<16xi32>,
        %get3A_521 = arith.constant 160 : index
        %get3A_522 = tpu.vector_load %arg5[%get3A_521] {strides = array<i32>} : memref<400xi32, #tpu.memory_space<vmem>>, vector<16xi32>,
        %get3A_523 = vector.shape_cast %get3A_522 : vector<16xi32> to vector<16xi32>
        %and3A_524 = arith.constant 255 : i32
        %and3A_525 = vector.broadcast %and3A_524 : i32 to vector<16xi32>
        %and3A_526 = arith.andi %get3A_523, %and3A_525 : vector<16xi32>
        %mul3A_527 = arith.constant 24 : i32
        %mul3A_528 = vector.broadcast %mul3A_527 : i32 to vector<16xi32>
        %mul3A_529 = arith.muli %and3A_526, %mul3A_528 : vector<16xi32>
        %shift_right_arithmetic3A_530 = arith.constant 8 : i32
        %shift_right_arithmetic3A_531 = vector.broadcast %shift_right_arithmetic3A_530 : i32 to vector<16xi32>
        %shift_right_arithmetic3A_532 = arith.shrsi %get3A_523, %shift_right_arithmetic3A_531 : vector<16xi32>
        %and3A_533 = arith.constant 255 : i32
        %and3A_534 = vector.broadcast %and3A_533 : i32 to vector<16xi32>
        %and3A_535 = arith.andi %shift_right_arithmetic3A_532, %and3A_534 : vector<16xi32>
        %mul3A_536 = arith.constant 4 : i32
        %mul3A_537 = vector.broadcast %mul3A_536 : i32 to vector<16xi32>
        %mul3A_538 = arith.muli %and3A_535, %mul3A_537 : vector<16xi32>
        %add3A_539 = arith.addi %mul3A_529, %mul3A_538 : vector<16xi32>
        %shift_right_arithmetic3A_540 = arith.constant 16 : i32
        %shift_right_arithmetic3A_541 = vector.broadcast %shift_right_arithmetic3A_540 : i32 to vector<16xi32>
        %shift_right_arithmetic3A_542 = arith.shrsi %get3A_523, %shift_right_arithmetic3A_541 : vector<16xi32>
        %and3A_543 = arith.constant 255 : i32
        %and3A_544 = vector.broadcast %and3A_543 : i32 to vector<16xi32>
        %and3A_545 = arith.andi %shift_right_arithmetic3A_542, %and3A_544 : vector<16xi32>
        %mul3A_546 = arith.constant 2 : i32
        %mul3A_547 = vector.broadcast %mul3A_546 : i32 to vector<16xi32>
        %mul3A_548 = arith.muli %and3A_545, %mul3A_547 : vector<16xi32>
        %add3A_549 = arith.addi %add3A_539, %mul3A_548 : vector<16xi32>
        %shift_right_arithmetic3A_550 = arith.constant 24 : i32
        %shift_right_arithmetic3A_551 = vector.broadcast %shift_right_arithmetic3A_550 : i32 to vector<16xi32>
        %shift_right_arithmetic3A_552 = arith.shrsi %get3A_523, %shift_right_arithmetic3A_551 : vector<16xi32>
        %and3A_553 = arith.constant 255 : i32
        %and3A_554 = vector.broadcast %and3A_553 : i32 to vector<16xi32>
        %and3A_555 = arith.andi %shift_right_arithmetic3A_552, %and3A_554 : vector<16xi32>
        %add3A_556 = arith.addi %add3A_549, %and3A_555 : vector<16xi32>
        %min3A_557 = arith.constant 127 : i32
        %min3A_558 = vector.broadcast %min3A_557 : i32 to vector<16xi32>
        %min3A_559 = arith.minsi %add3A_556, %min3A_558 : vector<16xi32>
        %swap3A_560 = arith.constant 160 : index
        %swap3A_561 = tpu.vector_load %arg7[%swap3A_560] {strides = array<i32>} : memref<400xi32, #tpu.memory_space<vmem>>, vector<16xi32>,
        %swap3A_562 = vector.shape_cast %swap3A_561 : vector<16xi32> to vector<16xi32>
        %swap3A_563 = vector.shape_cast %min3A_559 : vector<16xi32> to vector<16xi32>
        tpu.vector_store %arg7[%swap3A_560], %swap3A_563 {strides = array<i32>} : memref<400xi32, #tpu.memory_space<vmem>>, vector<16xi32>,
        %get3A_564 = arith.constant 176 : index
        %get3A_565 = tpu.vector_load %arg5[%get3A_564] {strides = array<i32>} : memref<400xi32, #tpu.memory_space<vmem>>, vector<16xi32>,
        %get3A_566 = vector.shape_cast %get3A_565 : vector<16xi32> to vector<16xi32>
        %and3A_567 = arith.constant 255 : i32
        %and3A_568 = vector.broadcast %and3A_567 : i32 to vector<16xi32>
        %and3A_569 = arith.andi %get3A_566, %and3A_568 : vector<16xi32>
        %mul3A_570 = arith.constant 24 : i32
        %mul3A_571 = vector.broadcast %mul3A_570 : i32 to vector<16xi32>
        %mul3A_572 = arith.muli %and3A_569, %mul3A_571 : vector<16xi32>
        %shift_right_arithmetic3A_573 = arith.constant 8 : i32
        %shift_right_arithmetic3A_574 = vector.broadcast %shift_right_arithmetic3A_573 : i32 to vector<16xi32>
        %shift_right_arithmetic3A_575 = arith.shrsi %get3A_566, %shift_right_arithmetic3A_574 : vector<16xi32>
        %and3A_576 = arith.constant 255 : i32
        %and3A_577 = vector.broadcast %and3A_576 : i32 to vector<16xi32>
        %and3A_578 = arith.andi %shift_right_arithmetic3A_575, %and3A_577 : vector<16xi32>
        %mul3A_579 = arith.constant 4 : i32
        %mul3A_580 = vector.broadcast %mul3A_579 : i32 to vector<16xi32>
        %mul3A_581 = arith.muli %and3A_578, %mul3A_580 : vector<16xi32>
        %add3A_582 = arith.addi %mul3A_572, %mul3A_581 : vector<16xi32>
        %shift_right_arithmetic3A_583 = arith.constant 16 : i32
        %shift_right_arithmetic3A_584 = vector.broadcast %shift_right_arithmetic3A_583 : i32 to vector<16xi32>
        %shift_right_arithmetic3A_585 = arith.shrsi %get3A_566, %shift_right_arithmetic3A_584 : vector<16xi32>
        %and3A_586 = arith.constant 255 : i32
        %and3A_587 = vector.broadcast %and3A_586 : i32 to vector<16xi32>
        %and3A_588 = arith.andi %shift_right_arithmetic3A_585, %and3A_587 : vector<16xi32>
        %mul3A_589 = arith.constant 2 : i32
        %mul3A_590 = vector.broadcast %mul3A_589 : i32 to vector<16xi32>
        %mul3A_591 = arith.muli %and3A_588, %mul3A_590 : vector<16xi32>
        %add3A_592 = arith.addi %add3A_582, %mul3A_591 : vector<16xi32>
        %shift_right_arithmetic3A_593 = arith.constant 24 : i32
        %shift_right_arithmetic3A_594 = vector.broadcast %shift_right_arithmetic3A_593 : i32 to vector<16xi32>
        %shift_right_arithmetic3A_595 = arith.shrsi %get3A_566, %shift_right_arithmetic3A_594 : vector<16xi32>
        %and3A_596 = arith.constant 255 : i32
        %and3A_597 = vector.broadcast %and3A_596 : i32 to vector<16xi32>
        %and3A_598 = arith.andi %shift_right_arithmetic3A_595, %and3A_597 : vector<16xi32>
        %add3A_599 = arith.addi %add3A_592, %and3A_598 : vector<16xi32>
        %min3A_600 = arith.constant 127 : i32
        %min3A_601 = vector.broadcast %min3A_600 : i32 to vector<16xi32>
        %min3A_602 = arith.minsi %add3A_599, %min3A_601 : vector<16xi32>
        %swap3A_603 = arith.constant 176 : index
        %swap3A_604 = tpu.vector_load %arg7[%swap3A_603] {strides = array<i32>} : memref<400xi32, #tpu.memory_space<vmem>>, vector<16xi32>,
        %swap3A_605 = vector.shape_cast %swap3A_604 : vector<16xi32> to vector<16xi32>
        %swap3A_606 = vector.shape_cast %min3A_602 : vector<16xi32> to vector<16xi32>
        tpu.vector_store %arg7[%swap3A_603], %swap3A_606 {strides = array<i32>} : memref<400xi32, #tpu.memory_space<vmem>>, vector<16xi32>,
        %get3A_607 = arith.constant 192 : index
        %get3A_608 = tpu.vector_load %arg5[%get3A_607] {strides = array<i32>} : memref<400xi32, #tpu.memory_space<vmem>>, vector<16xi32>,
        %get3A_609 = vector.shape_cast %get3A_608 : vector<16xi32> to vector<16xi32>
        %and3A_610 = arith.constant 255 : i32
        %and3A_611 = vector.broadcast %and3A_610 : i32 to vector<16xi32>
        %and3A_612 = arith.andi %get3A_609, %and3A_611 : vector<16xi32>
        %mul3A_613 = arith.constant 24 : i32
        %mul3A_614 = vector.broadcast %mul3A_613 : i32 to vector<16xi32>
        %mul3A_615 = arith.muli %and3A_612, %mul3A_614 : vector<16xi32>
        %shift_right_arithmetic3A_616 = arith.constant 8 : i32
        %shift_right_arithmetic3A_617 = vector.broadcast %shift_right_arithmetic3A_616 : i32 to vector<16xi32>
        %shift_right_arithmetic3A_618 = arith.shrsi %get3A_609, %shift_right_arithmetic3A_617 : vector<16xi32>
        %and3A_619 = arith.constant 255 : i32
        %and3A_620 = vector.broadcast %and3A_619 : i32 to vector<16xi32>
        %and3A_621 = arith.andi %shift_right_arithmetic3A_618, %and3A_620 : vector<16xi32>
        %mul3A_622 = arith.constant 4 : i32
        %mul3A_623 = vector.broadcast %mul3A_622 : i32 to vector<16xi32>
        %mul3A_624 = arith.muli %and3A_621, %mul3A_623 : vector<16xi32>
        %add3A_625 = arith.addi %mul3A_615, %mul3A_624 : vector<16xi32>
        %shift_right_arithmetic3A_626 = arith.constant 16 : i32
        %shift_right_arithmetic3A_627 = vector.broadcast %shift_right_arithmetic3A_626 : i32 to vector<16xi32>
        %shift_right_arithmetic3A_628 = arith.shrsi %get3A_609, %shift_right_arithmetic3A_627 : vector<16xi32>
        %and3A_629 = arith.constant 255 : i32
        %and3A_630 = vector.broadcast %and3A_629 : i32 to vector<16xi32>
        %and3A_631 = arith.andi %shift_right_arithmetic3A_628, %and3A_630 : vector<16xi32>
        %mul3A_632 = arith.constant 2 : i32
        %mul3A_633 = vector.broadcast %mul3A_632 : i32 to vector<16xi32>
        %mul3A_634 = arith.muli %and3A_631, %mul3A_633 : vector<16xi32>
        %add3A_635 = arith.addi %add3A_625, %mul3A_634 : vector<16xi32>
        %shift_right_arithmetic3A_636 = arith.constant 24 : i32
        %shift_right_arithmetic3A_637 = vector.broadcast %shift_right_arithmetic3A_636 : i32 to vector<16xi32>
        %shift_right_arithmetic3A_638 = arith.shrsi %get3A_609, %shift_right_arithmetic3A_637 : vector<16xi32>
        %and3A_639 = arith.constant 255 : i32
        %and3A_640 = vector.broadcast %and3A_639 : i32 to vector<16xi32>
        %and3A_641 = arith.andi %shift_right_arithmetic3A_638, %and3A_640 : vector<16xi32>
        %add3A_642 = arith.addi %add3A_635, %and3A_641 : vector<16xi32>
        %min3A_643 = arith.constant 127 : i32
        %min3A_644 = vector.broadcast %min3A_643 : i32 to vector<16xi32>
        %min3A_645 = arith.minsi %add3A_642, %min3A_644 : vector<16xi32>
        %swap3A_646 = arith.constant 192 : index
        %swap3A_647 = tpu.vector_load %arg7[%swap3A_646] {strides = array<i32>} : memref<400xi32, #tpu.memory_space<vmem>>, vector<16xi32>,
        %swap3A_648 = vector.shape_cast %swap3A_647 : vector<16xi32> to vector<16xi32>
        %swap3A_649 = vector.shape_cast %min3A_645 : vector<16xi32> to vector<16xi32>
        tpu.vector_store %arg7[%swap3A_646], %swap3A_649 {strides = array<i32>} : memref<400xi32, #tpu.memory_space<vmem>>, vector<16xi32>,
        %get3A_650 = arith.constant 208 : index
        %get3A_651 = tpu.vector_load %arg5[%get3A_650] {strides = array<i32>} : memref<400xi32, #tpu.memory_space<vmem>>, vector<16xi32>,
        %get3A_652 = vector.shape_cast %get3A_651 : vector<16xi32> to vector<16xi32>
        %and3A_653 = arith.constant 255 : i32
        %and3A_654 = vector.broadcast %and3A_653 : i32 to vector<16xi32>
        %and3A_655 = arith.andi %get3A_652, %and3A_654 : vector<16xi32>
        %mul3A_656 = arith.constant 24 : i32
        %mul3A_657 = vector.broadcast %mul3A_656 : i32 to vector<16xi32>
        %mul3A_658 = arith.muli %and3A_655, %mul3A_657 : vector<16xi32>
        %shift_right_arithmetic3A_659 = arith.constant 8 : i32
        %shift_right_arithmetic3A_660 = vector.broadcast %shift_right_arithmetic3A_659 : i32 to vector<16xi32>
        %shift_right_arithmetic3A_661 = arith.shrsi %get3A_652, %shift_right_arithmetic3A_660 : vector<16xi32>
        %and3A_662 = arith.constant 255 : i32
        %and3A_663 = vector.broadcast %and3A_662 : i32 to vector<16xi32>
        %and3A_664 = arith.andi %shift_right_arithmetic3A_661, %and3A_663 : vector<16xi32>
        %mul3A_665 = arith.constant 4 : i32
        %mul3A_666 = vector.broadcast %mul3A_665 : i32 to vector<16xi32>
        %mul3A_667 = arith.muli %and3A_664, %mul3A_666 : vector<16xi32>
        %add3A_668 = arith.addi %mul3A_658, %mul3A_667 : vector<16xi32>
        %shift_right_arithmetic3A_669 = arith.constant 16 : i32
        %shift_right_arithmetic3A_670 = vector.broadcast %shift_right_arithmetic3A_669 : i32 to vector<16xi32>
        %shift_right_arithmetic3A_671 = arith.shrsi %get3A_652, %shift_right_arithmetic3A_670 : vector<16xi32>
        %and3A_672 = arith.constant 255 : i32
        %and3A_673 = vector.broadcast %and3A_672 : i32 to vector<16xi32>
        %and3A_674 = arith.andi %shift_right_arithmetic3A_671, %and3A_673 : vector<16xi32>
        %mul3A_675 = arith.constant 2 : i32
        %mul3A_676 = vector.broadcast %mul3A_675 : i32 to vector<16xi32>
        %mul3A_677 = arith.muli %and3A_674, %mul3A_676 : vector<16xi32>
        %add3A_678 = arith.addi %add3A_668, %mul3A_677 : vector<16xi32>
        %shift_right_arithmetic3A_679 = arith.constant 24 : i32
        %shift_right_arithmetic3A_680 = vector.broadcast %shift_right_arithmetic3A_679 : i32 to vector<16xi32>
        %shift_right_arithmetic3A_681 = arith.shrsi %get3A_652, %shift_right_arithmetic3A_680 : vector<16xi32>
        %and3A_682 = arith.constant 255 : i32
        %and3A_683 = vector.broadcast %and3A_682 : i32 to vector<16xi32>
        %and3A_684 = arith.andi %shift_right_arithmetic3A_681, %and3A_683 : vector<16xi32>
        %add3A_685 = arith.addi %add3A_678, %and3A_684 : vector<16xi32>
        %min3A_686 = arith.constant 127 : i32
        %min3A_687 = vector.broadcast %min3A_686 : i32 to vector<16xi32>
        %min3A_688 = arith.minsi %add3A_685, %min3A_687 : vector<16xi32>
        %swap3A_689 = arith.constant 208 : index
        %swap3A_690 = tpu.vector_load %arg7[%swap3A_689] {strides = array<i32>} : memref<400xi32, #tpu.memory_space<vmem>>, vector<16xi32>,
        %swap3A_691 = vector.shape_cast %swap3A_690 : vector<16xi32> to vector<16xi32>
        %swap3A_692 = vector.shape_cast %min3A_688 : vector<16xi32> to vector<16xi32>
        tpu.vector_store %arg7[%swap3A_689], %swap3A_692 {strides = array<i32>} : memref<400xi32, #tpu.memory_space<vmem>>, vector<16xi32>,
        %get3A_693 = arith.constant 224 : index
        %get3A_694 = tpu.vector_load %arg5[%get3A_693] {strides = array<i32>} : memref<400xi32, #tpu.memory_space<vmem>>, vector<16xi32>,
        %get3A_695 = vector.shape_cast %get3A_694 : vector<16xi32> to vector<16xi32>
        %and3A_696 = arith.constant 255 : i32
        %and3A_697 = vector.broadcast %and3A_696 : i32 to vector<16xi32>
        %and3A_698 = arith.andi %get3A_695, %and3A_697 : vector<16xi32>
        %mul3A_699 = arith.constant 24 : i32
        %mul3A_700 = vector.broadcast %mul3A_699 : i32 to vector<16xi32>
        %mul3A_701 = arith.muli %and3A_698, %mul3A_700 : vector<16xi32>
        %shift_right_arithmetic3A_702 = arith.constant 8 : i32
        %shift_right_arithmetic3A_703 = vector.broadcast %shift_right_arithmetic3A_702 : i32 to vector<16xi32>
        %shift_right_arithmetic3A_704 = arith.shrsi %get3A_695, %shift_right_arithmetic3A_703 : vector<16xi32>
        %and3A_705 = arith.constant 255 : i32
        %and3A_706 = vector.broadcast %and3A_705 : i32 to vector<16xi32>
        %and3A_707 = arith.andi %shift_right_arithmetic3A_704, %and3A_706 : vector<16xi32>
        %mul3A_708 = arith.constant 4 : i32
        %mul3A_709 = vector.broadcast %mul3A_708 : i32 to vector<16xi32>
        %mul3A_710 = arith.muli %and3A_707, %mul3A_709 : vector<16xi32>
        %add3A_711 = arith.addi %mul3A_701, %mul3A_710 : vector<16xi32>
        %shift_right_arithmetic3A_712 = arith.constant 16 : i32
        %shift_right_arithmetic3A_713 = vector.broadcast %shift_right_arithmetic3A_712 : i32 to vector<16xi32>
        %shift_right_arithmetic3A_714 = arith.shrsi %get3A_695, %shift_right_arithmetic3A_713 : vector<16xi32>
        %and3A_715 = arith.constant 255 : i32
        %and3A_716 = vector.broadcast %and3A_715 : i32 to vector<16xi32>
        %and3A_717 = arith.andi %shift_right_arithmetic3A_714, %and3A_716 : vector<16xi32>
        %mul3A_718 = arith.constant 2 : i32
        %mul3A_719 = vector.broadcast %mul3A_718 : i32 to vector<16xi32>
        %mul3A_720 = arith.muli %and3A_717, %mul3A_719 : vector<16xi32>
        %add3A_721 = arith.addi %add3A_711, %mul3A_720 : vector<16xi32>
        %shift_right_arithmetic3A_722 = arith.constant 24 : i32
        %shift_right_arithmetic3A_723 = vector.broadcast %shift_right_arithmetic3A_722 : i32 to vector<16xi32>
        %shift_right_arithmetic3A_724 = arith.shrsi %get3A_695, %shift_right_arithmetic3A_723 : vector<16xi32>
        %and3A_725 = arith.constant 255 : i32
        %and3A_726 = vector.broadcast %and3A_725 : i32 to vector<16xi32>
        %and3A_727 = arith.andi %shift_right_arithmetic3A_724, %and3A_726 : vector<16xi32>
        %add3A_728 = arith.addi %add3A_721, %and3A_727 : vector<16xi32>
        %min3A_729 = arith.constant 127 : i32
        %min3A_730 = vector.broadcast %min3A_729 : i32 to vector<16xi32>
        %min3A_731 = arith.minsi %add3A_728, %min3A_730 : vector<16xi32>
        %swap3A_732 = arith.constant 224 : index
        %swap3A_733 = tpu.vector_load %arg7[%swap3A_732] {strides = array<i32>} : memref<400xi32, #tpu.memory_space<vmem>>, vector<16xi32>,
        %swap3A_734 = vector.shape_cast %swap3A_733 : vector<16xi32> to vector<16xi32>
        %swap3A_735 = vector.shape_cast %min3A_731 : vector<16xi32> to vector<16xi32>
        tpu.vector_store %arg7[%swap3A_732], %swap3A_735 {strides = array<i32>} : memref<400xi32, #tpu.memory_space<vmem>>, vector<16xi32>,
        %get3A_736 = arith.constant 240 : index
        %get3A_737 = tpu.vector_load %arg5[%get3A_736] {strides = array<i32>} : memref<400xi32, #tpu.memory_space<vmem>>, vector<16xi32>,
        %get3A_738 = vector.shape_cast %get3A_737 : vector<16xi32> to vector<16xi32>
        %and3A_739 = arith.constant 255 : i32
        %and3A_740 = vector.broadcast %and3A_739 : i32 to vector<16xi32>
        %and3A_741 = arith.andi %get3A_738, %and3A_740 : vector<16xi32>
        %mul3A_742 = arith.constant 24 : i32
        %mul3A_743 = vector.broadcast %mul3A_742 : i32 to vector<16xi32>
        %mul3A_744 = arith.muli %and3A_741, %mul3A_743 : vector<16xi32>
        %shift_right_arithmetic3A_745 = arith.constant 8 : i32
        %shift_right_arithmetic3A_746 = vector.broadcast %shift_right_arithmetic3A_745 : i32 to vector<16xi32>
        %shift_right_arithmetic3A_747 = arith.shrsi %get3A_738, %shift_right_arithmetic3A_746 : vector<16xi32>
        %and3A_748 = arith.constant 255 : i32
        %and3A_749 = vector.broadcast %and3A_748 : i32 to vector<16xi32>
        %and3A_750 = arith.andi %shift_right_arithmetic3A_747, %and3A_749 : vector<16xi32>
        %mul3A_751 = arith.constant 4 : i32
        %mul3A_752 = vector.broadcast %mul3A_751 : i32 to vector<16xi32>
        %mul3A_753 = arith.muli %and3A_750, %mul3A_752 : vector<16xi32>
        %add3A_754 = arith.addi %mul3A_744, %mul3A_753 : vector<16xi32>
        %shift_right_arithmetic3A_755 = arith.constant 16 : i32
        %shift_right_arithmetic3A_756 = vector.broadcast %shift_right_arithmetic3A_755 : i32 to vector<16xi32>
        %shift_right_arithmetic3A_757 = arith.shrsi %get3A_738, %shift_right_arithmetic3A_756 : vector<16xi32>
        %and3A_758 = arith.constant 255 : i32
        %and3A_759 = vector.broadcast %and3A_758 : i32 to vector<16xi32>
        %and3A_760 = arith.andi %shift_right_arithmetic3A_757, %and3A_759 : vector<16xi32>
        %mul3A_761 = arith.constant 2 : i32
        %mul3A_762 = vector.broadcast %mul3A_761 : i32 to vector<16xi32>
        %mul3A_763 = arith.muli %and3A_760, %mul3A_762 : vector<16xi32>
        %add3A_764 = arith.addi %add3A_754, %mul3A_763 : vector<16xi32>
        %shift_right_arithmetic3A_765 = arith.constant 24 : i32
        %shift_right_arithmetic3A_766 = vector.broadcast %shift_right_arithmetic3A_765 : i32 to vector<16xi32>
        %shift_right_arithmetic3A_767 = arith.shrsi %get3A_738, %shift_right_arithmetic3A_766 : vector<16xi32>
        %and3A_768 = arith.constant 255 : i32
        %and3A_769 = vector.broadcast %and3A_768 : i32 to vector<16xi32>
        %and3A_770 = arith.andi %shift_right_arithmetic3A_767, %and3A_769 : vector<16xi32>
        %add3A_771 = arith.addi %add3A_764, %and3A_770 : vector<16xi32>
        %min3A_772 = arith.constant 127 : i32
        %min3A_773 = vector.broadcast %min3A_772 : i32 to vector<16xi32>
        %min3A_774 = arith.minsi %add3A_771, %min3A_773 : vector<16xi32>
        %swap3A_775 = arith.constant 240 : index
        %swap3A_776 = tpu.vector_load %arg7[%swap3A_775] {strides = array<i32>} : memref<400xi32, #tpu.memory_space<vmem>>, vector<16xi32>,
        %swap3A_777 = vector.shape_cast %swap3A_776 : vector<16xi32> to vector<16xi32>
        %swap3A_778 = vector.shape_cast %min3A_774 : vector<16xi32> to vector<16xi32>
        tpu.vector_store %arg7[%swap3A_775], %swap3A_778 {strides = array<i32>} : memref<400xi32, #tpu.memory_space<vmem>>, vector<16xi32>,
        %get3A_779 = arith.constant 256 : index
        %get3A_780 = tpu.vector_load %arg5[%get3A_779] {strides = array<i32>} : memref<400xi32, #tpu.memory_space<vmem>>, vector<16xi32>,
        %get3A_781 = vector.shape_cast %get3A_780 : vector<16xi32> to vector<16xi32>
        %and3A_782 = arith.constant 255 : i32
        %and3A_783 = vector.broadcast %and3A_782 : i32 to vector<16xi32>
        %and3A_784 = arith.andi %get3A_781, %and3A_783 : vector<16xi32>
        %mul3A_785 = arith.constant 24 : i32
        %mul3A_786 = vector.broadcast %mul3A_785 : i32 to vector<16xi32>
        %mul3A_787 = arith.muli %and3A_784, %mul3A_786 : vector<16xi32>
        %shift_right_arithmetic3A_788 = arith.constant 8 : i32
        %shift_right_arithmetic3A_789 = vector.broadcast %shift_right_arithmetic3A_788 : i32 to vector<16xi32>
        %shift_right_arithmetic3A_790 = arith.shrsi %get3A_781, %shift_right_arithmetic3A_789 : vector<16xi32>
        %and3A_791 = arith.constant 255 : i32
        %and3A_792 = vector.broadcast %and3A_791 : i32 to vector<16xi32>
        %and3A_793 = arith.andi %shift_right_arithmetic3A_790, %and3A_792 : vector<16xi32>
        %mul3A_794 = arith.constant 4 : i32
        %mul3A_795 = vector.broadcast %mul3A_794 : i32 to vector<16xi32>
        %mul3A_796 = arith.muli %and3A_793, %mul3A_795 : vector<16xi32>
        %add3A_797 = arith.addi %mul3A_787, %mul3A_796 : vector<16xi32>
        %shift_right_arithmetic3A_798 = arith.constant 16 : i32
        %shift_right_arithmetic3A_799 = vector.broadcast %shift_right_arithmetic3A_798 : i32 to vector<16xi32>
        %shift_right_arithmetic3A_800 = arith.shrsi %get3A_781, %shift_right_arithmetic3A_799 : vector<16xi32>
        %and3A_801 = arith.constant 255 : i32
        %and3A_802 = vector.broadcast %and3A_801 : i32 to vector<16xi32>
        %and3A_803 = arith.andi %shift_right_arithmetic3A_800, %and3A_802 : vector<16xi32>
        %mul3A_804 = arith.constant 2 : i32
        %mul3A_805 = vector.broadcast %mul3A_804 : i32 to vector<16xi32>
        %mul3A_806 = arith.muli %and3A_803, %mul3A_805 : vector<16xi32>
        %add3A_807 = arith.addi %add3A_797, %mul3A_806 : vector<16xi32>
        %shift_right_arithmetic3A_808 = arith.constant 24 : i32
        %shift_right_arithmetic3A_809 = vector.broadcast %shift_right_arithmetic3A_808 : i32 to vector<16xi32>
        %shift_right_arithmetic3A_810 = arith.shrsi %get3A_781, %shift_right_arithmetic3A_809 : vector<16xi32>
        %and3A_811 = arith.constant 255 : i32
        %and3A_812 = vector.broadcast %and3A_811 : i32 to vector<16xi32>
        %and3A_813 = arith.andi %shift_right_arithmetic3A_810, %and3A_812 : vector<16xi32>
        %add3A_814 = arith.addi %add3A_807, %and3A_813 : vector<16xi32>
        %min3A_815 = arith.constant 127 : i32
        %min3A_816 = vector.broadcast %min3A_815 : i32 to vector<16xi32>
        %min3A_817 = arith.minsi %add3A_814, %min3A_816 : vector<16xi32>
        %swap3A_818 = arith.constant 256 : index
        %swap3A_819 = tpu.vector_load %arg7[%swap3A_818] {strides = array<i32>} : memref<400xi32, #tpu.memory_space<vmem>>, vector<16xi32>,
        %swap3A_820 = vector.shape_cast %swap3A_819 : vector<16xi32> to vector<16xi32>
        %swap3A_821 = vector.shape_cast %min3A_817 : vector<16xi32> to vector<16xi32>
        tpu.vector_store %arg7[%swap3A_818], %swap3A_821 {strides = array<i32>} : memref<400xi32, #tpu.memory_space<vmem>>, vector<16xi32>,
        %get3A_822 = arith.constant 272 : index
        %get3A_823 = tpu.vector_load %arg5[%get3A_822] {strides = array<i32>} : memref<400xi32, #tpu.memory_space<vmem>>, vector<16xi32>,
        %get3A_824 = vector.shape_cast %get3A_823 : vector<16xi32> to vector<16xi32>
        %and3A_825 = arith.constant 255 : i32
        %and3A_826 = vector.broadcast %and3A_825 : i32 to vector<16xi32>
        %and3A_827 = arith.andi %get3A_824, %and3A_826 : vector<16xi32>
        %mul3A_828 = arith.constant 24 : i32
        %mul3A_829 = vector.broadcast %mul3A_828 : i32 to vector<16xi32>
        %mul3A_830 = arith.muli %and3A_827, %mul3A_829 : vector<16xi32>
        %shift_right_arithmetic3A_831 = arith.constant 8 : i32
        %shift_right_arithmetic3A_832 = vector.broadcast %shift_right_arithmetic3A_831 : i32 to vector<16xi32>
        %shift_right_arithmetic3A_833 = arith.shrsi %get3A_824, %shift_right_arithmetic3A_832 : vector<16xi32>
        %and3A_834 = arith.constant 255 : i32
        %and3A_835 = vector.broadcast %and3A_834 : i32 to vector<16xi32>
        %and3A_836 = arith.andi %shift_right_arithmetic3A_833, %and3A_835 : vector<16xi32>
        %mul3A_837 = arith.constant 4 : i32
        %mul3A_838 = vector.broadcast %mul3A_837 : i32 to vector<16xi32>
        %mul3A_839 = arith.muli %and3A_836, %mul3A_838 : vector<16xi32>
        %add3A_840 = arith.addi %mul3A_830, %mul3A_839 : vector<16xi32>
        %shift_right_arithmetic3A_841 = arith.constant 16 : i32
        %shift_right_arithmetic3A_842 = vector.broadcast %shift_right_arithmetic3A_841 : i32 to vector<16xi32>
        %shift_right_arithmetic3A_843 = arith.shrsi %get3A_824, %shift_right_arithmetic3A_842 : vector<16xi32>
        %and3A_844 = arith.constant 255 : i32
        %and3A_845 = vector.broadcast %and3A_844 : i32 to vector<16xi32>
        %and3A_846 = arith.andi %shift_right_arithmetic3A_843, %and3A_845 : vector<16xi32>
        %mul3A_847 = arith.constant 2 : i32
        %mul3A_848 = vector.broadcast %mul3A_847 : i32 to vector<16xi32>
        %mul3A_849 = arith.muli %and3A_846, %mul3A_848 : vector<16xi32>
        %add3A_850 = arith.addi %add3A_840, %mul3A_849 : vector<16xi32>
        %shift_right_arithmetic3A_851 = arith.constant 24 : i32
        %shift_right_arithmetic3A_852 = vector.broadcast %shift_right_arithmetic3A_851 : i32 to vector<16xi32>
        %shift_right_arithmetic3A_853 = arith.shrsi %get3A_824, %shift_right_arithmetic3A_852 : vector<16xi32>
        %and3A_854 = arith.constant 255 : i32
        %and3A_855 = vector.broadcast %and3A_854 : i32 to vector<16xi32>
        %and3A_856 = arith.andi %shift_right_arithmetic3A_853, %and3A_855 : vector<16xi32>
        %add3A_857 = arith.addi %add3A_850, %and3A_856 : vector<16xi32>
        %min3A_858 = arith.constant 127 : i32
        %min3A_859 = vector.broadcast %min3A_858 : i32 to vector<16xi32>
        %min3A_860 = arith.minsi %add3A_857, %min3A_859 : vector<16xi32>
        %swap3A_861 = arith.constant 272 : index
        %swap3A_862 = tpu.vector_load %arg7[%swap3A_861] {strides = array<i32>} : memref<400xi32, #tpu.memory_space<vmem>>, vector<16xi32>,
        %swap3A_863 = vector.shape_cast %swap3A_862 : vector<16xi32> to vector<16xi32>
        %swap3A_864 = vector.shape_cast %min3A_860 : vector<16xi32> to vector<16xi32>
        tpu.vector_store %arg7[%swap3A_861], %swap3A_864 {strides = array<i32>} : memref<400xi32, #tpu.memory_space<vmem>>, vector<16xi32>,
        %get3A_865 = arith.constant 288 : index
        %get3A_866 = tpu.vector_load %arg5[%get3A_865] {strides = array<i32>} : memref<400xi32, #tpu.memory_space<vmem>>, vector<16xi32>,
        %get3A_867 = vector.shape_cast %get3A_866 : vector<16xi32> to vector<16xi32>
        %and3A_868 = arith.constant 255 : i32
        %and3A_869 = vector.broadcast %and3A_868 : i32 to vector<16xi32>
        %and3A_870 = arith.andi %get3A_867, %and3A_869 : vector<16xi32>
        %mul3A_871 = arith.constant 24 : i32
        %mul3A_872 = vector.broadcast %mul3A_871 : i32 to vector<16xi32>
        %mul3A_873 = arith.muli %and3A_870, %mul3A_872 : vector<16xi32>
        %shift_right_arithmetic3A_874 = arith.constant 8 : i32
        %shift_right_arithmetic3A_875 = vector.broadcast %shift_right_arithmetic3A_874 : i32 to vector<16xi32>
        %shift_right_arithmetic3A_876 = arith.shrsi %get3A_867, %shift_right_arithmetic3A_875 : vector<16xi32>
        %and3A_877 = arith.constant 255 : i32
        %and3A_878 = vector.broadcast %and3A_877 : i32 to vector<16xi32>
        %and3A_879 = arith.andi %shift_right_arithmetic3A_876, %and3A_878 : vector<16xi32>
        %mul3A_880 = arith.constant 4 : i32
        %mul3A_881 = vector.broadcast %mul3A_880 : i32 to vector<16xi32>
        %mul3A_882 = arith.muli %and3A_879, %mul3A_881 : vector<16xi32>
        %add3A_883 = arith.addi %mul3A_873, %mul3A_882 : vector<16xi32>
        %shift_right_arithmetic3A_884 = arith.constant 16 : i32
        %shift_right_arithmetic3A_885 = vector.broadcast %shift_right_arithmetic3A_884 : i32 to vector<16xi32>
        %shift_right_arithmetic3A_886 = arith.shrsi %get3A_867, %shift_right_arithmetic3A_885 : vector<16xi32>
        %and3A_887 = arith.constant 255 : i32
        %and3A_888 = vector.broadcast %and3A_887 : i32 to vector<16xi32>
        %and3A_889 = arith.andi %shift_right_arithmetic3A_886, %and3A_888 : vector<16xi32>
        %mul3A_890 = arith.constant 2 : i32
        %mul3A_891 = vector.broadcast %mul3A_890 : i32 to vector<16xi32>
        %mul3A_892 = arith.muli %and3A_889, %mul3A_891 : vector<16xi32>
        %add3A_893 = arith.addi %add3A_883, %mul3A_892 : vector<16xi32>
        %shift_right_arithmetic3A_894 = arith.constant 24 : i32
        %shift_right_arithmetic3A_895 = vector.broadcast %shift_right_arithmetic3A_894 : i32 to vector<16xi32>
        %shift_right_arithmetic3A_896 = arith.shrsi %get3A_867, %shift_right_arithmetic3A_895 : vector<16xi32>
        %and3A_897 = arith.constant 255 : i32
        %and3A_898 = vector.broadcast %and3A_897 : i32 to vector<16xi32>
        %and3A_899 = arith.andi %shift_right_arithmetic3A_896, %and3A_898 : vector<16xi32>
        %add3A_900 = arith.addi %add3A_893, %and3A_899 : vector<16xi32>
        %min3A_901 = arith.constant 127 : i32
        %min3A_902 = vector.broadcast %min3A_901 : i32 to vector<16xi32>
        %min3A_903 = arith.minsi %add3A_900, %min3A_902 : vector<16xi32>
        %swap3A_904 = arith.constant 288 : index
        %swap3A_905 = tpu.vector_load %arg7[%swap3A_904] {strides = array<i32>} : memref<400xi32, #tpu.memory_space<vmem>>, vector<16xi32>,
        %swap3A_906 = vector.shape_cast %swap3A_905 : vector<16xi32> to vector<16xi32>
        %swap3A_907 = vector.shape_cast %min3A_903 : vector<16xi32> to vector<16xi32>
        tpu.vector_store %arg7[%swap3A_904], %swap3A_907 {strides = array<i32>} : memref<400xi32, #tpu.memory_space<vmem>>, vector<16xi32>,
        %get3A_908 = arith.constant 304 : index
        %get3A_909 = tpu.vector_load %arg5[%get3A_908] {strides = array<i32>} : memref<400xi32, #tpu.memory_space<vmem>>, vector<16xi32>,
        %get3A_910 = vector.shape_cast %get3A_909 : vector<16xi32> to vector<16xi32>
        %and3A_911 = arith.constant 255 : i32
        %and3A_912 = vector.broadcast %and3A_911 : i32 to vector<16xi32>
        %and3A_913 = arith.andi %get3A_910, %and3A_912 : vector<16xi32>
        %mul3A_914 = arith.constant 24 : i32
        %mul3A_915 = vector.broadcast %mul3A_914 : i32 to vector<16xi32>
        %mul3A_916 = arith.muli %and3A_913, %mul3A_915 : vector<16xi32>
        %shift_right_arithmetic3A_917 = arith.constant 8 : i32
        %shift_right_arithmetic3A_918 = vector.broadcast %shift_right_arithmetic3A_917 : i32 to vector<16xi32>
        %shift_right_arithmetic3A_919 = arith.shrsi %get3A_910, %shift_right_arithmetic3A_918 : vector<16xi32>
        %and3A_920 = arith.constant 255 : i32
        %and3A_921 = vector.broadcast %and3A_920 : i32 to vector<16xi32>
        %and3A_922 = arith.andi %shift_right_arithmetic3A_919, %and3A_921 : vector<16xi32>
        %mul3A_923 = arith.constant 4 : i32
        %mul3A_924 = vector.broadcast %mul3A_923 : i32 to vector<16xi32>
        %mul3A_925 = arith.muli %and3A_922, %mul3A_924 : vector<16xi32>
        %add3A_926 = arith.addi %mul3A_916, %mul3A_925 : vector<16xi32>
        %shift_right_arithmetic3A_927 = arith.constant 16 : i32
        %shift_right_arithmetic3A_928 = vector.broadcast %shift_right_arithmetic3A_927 : i32 to vector<16xi32>
        %shift_right_arithmetic3A_929 = arith.shrsi %get3A_910, %shift_right_arithmetic3A_928 : vector<16xi32>
        %and3A_930 = arith.constant 255 : i32
        %and3A_931 = vector.broadcast %and3A_930 : i32 to vector<16xi32>
        %and3A_932 = arith.andi %shift_right_arithmetic3A_929, %and3A_931 : vector<16xi32>
        %mul3A_933 = arith.constant 2 : i32
        %mul3A_934 = vector.broadcast %mul3A_933 : i32 to vector<16xi32>
        %mul3A_935 = arith.muli %and3A_932, %mul3A_934 : vector<16xi32>
        %add3A_936 = arith.addi %add3A_926, %mul3A_935 : vector<16xi32>
        %shift_right_arithmetic3A_937 = arith.constant 24 : i32
        %shift_right_arithmetic3A_938 = vector.broadcast %shift_right_arithmetic3A_937 : i32 to vector<16xi32>
        %shift_right_arithmetic3A_939 = arith.shrsi %get3A_910, %shift_right_arithmetic3A_938 : vector<16xi32>
        %and3A_940 = arith.constant 255 : i32
        %and3A_941 = vector.broadcast %and3A_940 : i32 to vector<16xi32>
        %and3A_942 = arith.andi %shift_right_arithmetic3A_939, %and3A_941 : vector<16xi32>
        %add3A_943 = arith.addi %add3A_936, %and3A_942 : vector<16xi32>
        %min3A_944 = arith.constant 127 : i32
        %min3A_945 = vector.broadcast %min3A_944 : i32 to vector<16xi32>
        %min3A_946 = arith.minsi %add3A_943, %min3A_945 : vector<16xi32>
        %swap3A_947 = arith.constant 304 : index
        %swap3A_948 = tpu.vector_load %arg7[%swap3A_947] {strides = array<i32>} : memref<400xi32, #tpu.memory_space<vmem>>, vector<16xi32>,
        %swap3A_949 = vector.shape_cast %swap3A_948 : vector<16xi32> to vector<16xi32>
        %swap3A_950 = vector.shape_cast %min3A_946 : vector<16xi32> to vector<16xi32>
        tpu.vector_store %arg7[%swap3A_947], %swap3A_950 {strides = array<i32>} : memref<400xi32, #tpu.memory_space<vmem>>, vector<16xi32>,
        %get3A_951 = arith.constant 320 : index
        %get3A_952 = tpu.vector_load %arg5[%get3A_951] {strides = array<i32>} : memref<400xi32, #tpu.memory_space<vmem>>, vector<16xi32>,
        %get3A_953 = vector.shape_cast %get3A_952 : vector<16xi32> to vector<16xi32>
        %and3A_954 = arith.constant 255 : i32
        %and3A_955 = vector.broadcast %and3A_954 : i32 to vector<16xi32>
        %and3A_956 = arith.andi %get3A_953, %and3A_955 : vector<16xi32>
        %mul3A_957 = arith.constant 24 : i32
        %mul3A_958 = vector.broadcast %mul3A_957 : i32 to vector<16xi32>
        %mul3A_959 = arith.muli %and3A_956, %mul3A_958 : vector<16xi32>
        %shift_right_arithmetic3A_960 = arith.constant 8 : i32
        %shift_right_arithmetic3A_961 = vector.broadcast %shift_right_arithmetic3A_960 : i32 to vector<16xi32>
        %shift_right_arithmetic3A_962 = arith.shrsi %get3A_953, %shift_right_arithmetic3A_961 : vector<16xi32>
        %and3A_963 = arith.constant 255 : i32
        %and3A_964 = vector.broadcast %and3A_963 : i32 to vector<16xi32>
        %and3A_965 = arith.andi %shift_right_arithmetic3A_962, %and3A_964 : vector<16xi32>
        %mul3A_966 = arith.constant 4 : i32
        %mul3A_967 = vector.broadcast %mul3A_966 : i32 to vector<16xi32>
        %mul3A_968 = arith.muli %and3A_965, %mul3A_967 : vector<16xi32>
        %add3A_969 = arith.addi %mul3A_959, %mul3A_968 : vector<16xi32>
        %shift_right_arithmetic3A_970 = arith.constant 16 : i32
        %shift_right_arithmetic3A_971 = vector.broadcast %shift_right_arithmetic3A_970 : i32 to vector<16xi32>
        %shift_right_arithmetic3A_972 = arith.shrsi %get3A_953, %shift_right_arithmetic3A_971 : vector<16xi32>
        %and3A_973 = arith.constant 255 : i32
        %and3A_974 = vector.broadcast %and3A_973 : i32 to vector<16xi32>
        %and3A_975 = arith.andi %shift_right_arithmetic3A_972, %and3A_974 : vector<16xi32>
        %mul3A_976 = arith.constant 2 : i32
        %mul3A_977 = vector.broadcast %mul3A_976 : i32 to vector<16xi32>
        %mul3A_978 = arith.muli %and3A_975, %mul3A_977 : vector<16xi32>
        %add3A_979 = arith.addi %add3A_969, %mul3A_978 : vector<16xi32>
        %shift_right_arithmetic3A_980 = arith.constant 24 : i32
        %shift_right_arithmetic3A_981 = vector.broadcast %shift_right_arithmetic3A_980 : i32 to vector<16xi32>
        %shift_right_arithmetic3A_982 = arith.shrsi %get3A_953, %shift_right_arithmetic3A_981 : vector<16xi32>
        %and3A_983 = arith.constant 255 : i32
        %and3A_984 = vector.broadcast %and3A_983 : i32 to vector<16xi32>
        %and3A_985 = arith.andi %shift_right_arithmetic3A_982, %and3A_984 : vector<16xi32>
        %add3A_986 = arith.addi %add3A_979, %and3A_985 : vector<16xi32>
        %min3A_987 = arith.constant 127 : i32
        %min3A_988 = vector.broadcast %min3A_987 : i32 to vector<16xi32>
        %min3A_989 = arith.minsi %add3A_986, %min3A_988 : vector<16xi32>
        %swap3A_990 = arith.constant 320 : index
        %swap3A_991 = tpu.vector_load %arg7[%swap3A_990] {strides = array<i32>} : memref<400xi32, #tpu.memory_space<vmem>>, vector<16xi32>,
        %swap3A_992 = vector.shape_cast %swap3A_991 : vector<16xi32> to vector<16xi32>
        %swap3A_993 = vector.shape_cast %min3A_989 : vector<16xi32> to vector<16xi32>
        tpu.vector_store %arg7[%swap3A_990], %swap3A_993 {strides = array<i32>} : memref<400xi32, #tpu.memory_space<vmem>>, vector<16xi32>,
        %get3A_994 = arith.constant 336 : index
        %get3A_995 = tpu.vector_load %arg5[%get3A_994] {strides = array<i32>} : memref<400xi32, #tpu.memory_space<vmem>>, vector<16xi32>,
        %get3A_996 = vector.shape_cast %get3A_995 : vector<16xi32> to vector<16xi32>
        %and3A_997 = arith.constant 255 : i32
        %and3A_998 = vector.broadcast %and3A_997 : i32 to vector<16xi32>
        %and3A_999 = arith.andi %get3A_996, %and3A_998 : vector<16xi32>
        %mul3A_1000 = arith.constant 24 : i32
        %mul3A_1001 = vector.broadcast %mul3A_1000 : i32 to vector<16xi32>
        %mul3A_1002 = arith.muli %and3A_999, %mul3A_1001 : vector<16xi32>
        %shift_right_arithmetic3A_1003 = arith.constant 8 : i32
        %shift_right_arithmetic3A_1004 = vector.broadcast %shift_right_arithmetic3A_1003 : i32 to vector<16xi32>
        %shift_right_arithmetic3A_1005 = arith.shrsi %get3A_996, %shift_right_arithmetic3A_1004 : vector<16xi32>
        %and3A_1006 = arith.constant 255 : i32
        %and3A_1007 = vector.broadcast %and3A_1006 : i32 to vector<16xi32>
        %and3A_1008 = arith.andi %shift_right_arithmetic3A_1005, %and3A_1007 : vector<16xi32>
        %mul3A_1009 = arith.constant 4 : i32
        %mul3A_1010 = vector.broadcast %mul3A_1009 : i32 to vector<16xi32>
        %mul3A_1011 = arith.muli %and3A_1008, %mul3A_1010 : vector<16xi32>
        %add3A_1012 = arith.addi %mul3A_1002, %mul3A_1011 : vector<16xi32>
        %shift_right_arithmetic3A_1013 = arith.constant 16 : i32
        %shift_right_arithmetic3A_1014 = vector.broadcast %shift_right_arithmetic3A_1013 : i32 to vector<16xi32>
        %shift_right_arithmetic3A_1015 = arith.shrsi %get3A_996, %shift_right_arithmetic3A_1014 : vector<16xi32>
        %and3A_1016 = arith.constant 255 : i32
        %and3A_1017 = vector.broadcast %and3A_1016 : i32 to vector<16xi32>
        %and3A_1018 = arith.andi %shift_right_arithmetic3A_1015, %and3A_1017 : vector<16xi32>
        %mul3A_1019 = arith.constant 2 : i32
        %mul3A_1020 = vector.broadcast %mul3A_1019 : i32 to vector<16xi32>
        %mul3A_1021 = arith.muli %and3A_1018, %mul3A_1020 : vector<16xi32>
        %add3A_1022 = arith.addi %add3A_1012, %mul3A_1021 : vector<16xi32>
        %shift_right_arithmetic3A_1023 = arith.constant 24 : i32
        %shift_right_arithmetic3A_1024 = vector.broadcast %shift_right_arithmetic3A_1023 : i32 to vector<16xi32>
        %shift_right_arithmetic3A_1025 = arith.shrsi %get3A_996, %shift_right_arithmetic3A_1024 : vector<16xi32>
        %and3A_1026 = arith.constant 255 : i32
        %and3A_1027 = vector.broadcast %and3A_1026 : i32 to vector<16xi32>
        %and3A_1028 = arith.andi %shift_right_arithmetic3A_1025, %and3A_1027 : vector<16xi32>
        %add3A_1029 = arith.addi %add3A_1022, %and3A_1028 : vector<16xi32>
        %min3A_1030 = arith.constant 127 : i32
        %min3A_1031 = vector.broadcast %min3A_1030 : i32 to vector<16xi32>
        %min3A_1032 = arith.minsi %add3A_1029, %min3A_1031 : vector<16xi32>
        %swap3A_1033 = arith.constant 336 : index
        %swap3A_1034 = tpu.vector_load %arg7[%swap3A_1033] {strides = array<i32>} : memref<400xi32, #tpu.memory_space<vmem>>, vector<16xi32>,
        %swap3A_1035 = vector.shape_cast %swap3A_1034 : vector<16xi32> to vector<16xi32>
        %swap3A_1036 = vector.shape_cast %min3A_1032 : vector<16xi32> to vector<16xi32>
        tpu.vector_store %arg7[%swap3A_1033], %swap3A_1036 {strides = array<i32>} : memref<400xi32, #tpu.memory_space<vmem>>, vector<16xi32>,
        %get3A_1037 = arith.constant 352 : index
        %get3A_1038 = tpu.vector_load %arg5[%get3A_1037] {strides = array<i32>} : memref<400xi32, #tpu.memory_space<vmem>>, vector<16xi32>,
        %get3A_1039 = vector.shape_cast %get3A_1038 : vector<16xi32> to vector<16xi32>
        %and3A_1040 = arith.constant 255 : i32
        %and3A_1041 = vector.broadcast %and3A_1040 : i32 to vector<16xi32>
        %and3A_1042 = arith.andi %get3A_1039, %and3A_1041 : vector<16xi32>
        %mul3A_1043 = arith.constant 24 : i32
        %mul3A_1044 = vector.broadcast %mul3A_1043 : i32 to vector<16xi32>
        %mul3A_1045 = arith.muli %and3A_1042, %mul3A_1044 : vector<16xi32>
        %shift_right_arithmetic3A_1046 = arith.constant 8 : i32
        %shift_right_arithmetic3A_1047 = vector.broadcast %shift_right_arithmetic3A_1046 : i32 to vector<16xi32>
        %shift_right_arithmetic3A_1048 = arith.shrsi %get3A_1039, %shift_right_arithmetic3A_1047 : vector<16xi32>
        %and3A_1049 = arith.constant 255 : i32
        %and3A_1050 = vector.broadcast %and3A_1049 : i32 to vector<16xi32>
        %and3A_1051 = arith.andi %shift_right_arithmetic3A_1048, %and3A_1050 : vector<16xi32>
        %mul3A_1052 = arith.constant 4 : i32
        %mul3A_1053 = vector.broadcast %mul3A_1052 : i32 to vector<16xi32>
        %mul3A_1054 = arith.muli %and3A_1051, %mul3A_1053 : vector<16xi32>
        %add3A_1055 = arith.addi %mul3A_1045, %mul3A_1054 : vector<16xi32>
        %shift_right_arithmetic3A_1056 = arith.constant 16 : i32
        %shift_right_arithmetic3A_1057 = vector.broadcast %shift_right_arithmetic3A_1056 : i32 to vector<16xi32>
        %shift_right_arithmetic3A_1058 = arith.shrsi %get3A_1039, %shift_right_arithmetic3A_1057 : vector<16xi32>
        %and3A_1059 = arith.constant 255 : i32
        %and3A_1060 = vector.broadcast %and3A_1059 : i32 to vector<16xi32>
        %and3A_1061 = arith.andi %shift_right_arithmetic3A_1058, %and3A_1060 : vector<16xi32>
        %mul3A_1062 = arith.constant 2 : i32
        %mul3A_1063 = vector.broadcast %mul3A_1062 : i32 to vector<16xi32>
        %mul3A_1064 = arith.muli %and3A_1061, %mul3A_1063 : vector<16xi32>
        %add3A_1065 = arith.addi %add3A_1055, %mul3A_1064 : vector<16xi32>
        %shift_right_arithmetic3A_1066 = arith.constant 24 : i32
        %shift_right_arithmetic3A_1067 = vector.broadcast %shift_right_arithmetic3A_1066 : i32 to vector<16xi32>
        %shift_right_arithmetic3A_1068 = arith.shrsi %get3A_1039, %shift_right_arithmetic3A_1067 : vector<16xi32>
        %and3A_1069 = arith.constant 255 : i32
        %and3A_1070 = vector.broadcast %and3A_1069 : i32 to vector<16xi32>
        %and3A_1071 = arith.andi %shift_right_arithmetic3A_1068, %and3A_1070 : vector<16xi32>
        %add3A_1072 = arith.addi %add3A_1065, %and3A_1071 : vector<16xi32>
        %min3A_1073 = arith.constant 127 : i32
        %min3A_1074 = vector.broadcast %min3A_1073 : i32 to vector<16xi32>
        %min3A_1075 = arith.minsi %add3A_1072, %min3A_1074 : vector<16xi32>
        %swap3A_1076 = arith.constant 352 : index
        %swap3A_1077 = tpu.vector_load %arg7[%swap3A_1076] {strides = array<i32>} : memref<400xi32, #tpu.memory_space<vmem>>, vector<16xi32>,
        %swap3A_1078 = vector.shape_cast %swap3A_1077 : vector<16xi32> to vector<16xi32>
        %swap3A_1079 = vector.shape_cast %min3A_1075 : vector<16xi32> to vector<16xi32>
        tpu.vector_store %arg7[%swap3A_1076], %swap3A_1079 {strides = array<i32>} : memref<400xi32, #tpu.memory_space<vmem>>, vector<16xi32>,
        %get3A_1080 = arith.constant 368 : index
        %get3A_1081 = tpu.vector_load %arg5[%get3A_1080] {strides = array<i32>} : memref<400xi32, #tpu.memory_space<vmem>>, vector<16xi32>,
        %get3A_1082 = vector.shape_cast %get3A_1081 : vector<16xi32> to vector<16xi32>
        %and3A_1083 = arith.constant 255 : i32
        %and3A_1084 = vector.broadcast %and3A_1083 : i32 to vector<16xi32>
        %and3A_1085 = arith.andi %get3A_1082, %and3A_1084 : vector<16xi32>
        %mul3A_1086 = arith.constant 24 : i32
        %mul3A_1087 = vector.broadcast %mul3A_1086 : i32 to vector<16xi32>
        %mul3A_1088 = arith.muli %and3A_1085, %mul3A_1087 : vector<16xi32>
        %shift_right_arithmetic3A_1089 = arith.constant 8 : i32
        %shift_right_arithmetic3A_1090 = vector.broadcast %shift_right_arithmetic3A_1089 : i32 to vector<16xi32>
        %shift_right_arithmetic3A_1091 = arith.shrsi %get3A_1082, %shift_right_arithmetic3A_1090 : vector<16xi32>
        %and3A_1092 = arith.constant 255 : i32
        %and3A_1093 = vector.broadcast %and3A_1092 : i32 to vector<16xi32>
        %and3A_1094 = arith.andi %shift_right_arithmetic3A_1091, %and3A_1093 : vector<16xi32>
        %mul3A_1095 = arith.constant 4 : i32
        %mul3A_1096 = vector.broadcast %mul3A_1095 : i32 to vector<16xi32>
        %mul3A_1097 = arith.muli %and3A_1094, %mul3A_1096 : vector<16xi32>
        %add3A_1098 = arith.addi %mul3A_1088, %mul3A_1097 : vector<16xi32>
        %shift_right_arithmetic3A_1099 = arith.constant 16 : i32
        %shift_right_arithmetic3A_1100 = vector.broadcast %shift_right_arithmetic3A_1099 : i32 to vector<16xi32>
        %shift_right_arithmetic3A_1101 = arith.shrsi %get3A_1082, %shift_right_arithmetic3A_1100 : vector<16xi32>
        %and3A_1102 = arith.constant 255 : i32
        %and3A_1103 = vector.broadcast %and3A_1102 : i32 to vector<16xi32>
        %and3A_1104 = arith.andi %shift_right_arithmetic3A_1101, %and3A_1103 : vector<16xi32>
        %mul3A_1105 = arith.constant 2 : i32
        %mul3A_1106 = vector.broadcast %mul3A_1105 : i32 to vector<16xi32>
        %mul3A_1107 = arith.muli %and3A_1104, %mul3A_1106 : vector<16xi32>
        %add3A_1108 = arith.addi %add3A_1098, %mul3A_1107 : vector<16xi32>
        %shift_right_arithmetic3A_1109 = arith.constant 24 : i32
        %shift_right_arithmetic3A_1110 = vector.broadcast %shift_right_arithmetic3A_1109 : i32 to vector<16xi32>
        %shift_right_arithmetic3A_1111 = arith.shrsi %get3A_1082, %shift_right_arithmetic3A_1110 : vector<16xi32>
        %and3A_1112 = arith.constant 255 : i32
        %and3A_1113 = vector.broadcast %and3A_1112 : i32 to vector<16xi32>
        %and3A_1114 = arith.andi %shift_right_arithmetic3A_1111, %and3A_1113 : vector<16xi32>
        %add3A_1115 = arith.addi %add3A_1108, %and3A_1114 : vector<16xi32>
        %min3A_1116 = arith.constant 127 : i32
        %min3A_1117 = vector.broadcast %min3A_1116 : i32 to vector<16xi32>
        %min3A_1118 = arith.minsi %add3A_1115, %min3A_1117 : vector<16xi32>
        %swap3A_1119 = arith.constant 368 : index
        %swap3A_1120 = tpu.vector_load %arg7[%swap3A_1119] {strides = array<i32>} : memref<400xi32, #tpu.memory_space<vmem>>, vector<16xi32>,
        %swap3A_1121 = vector.shape_cast %swap3A_1120 : vector<16xi32> to vector<16xi32>
        %swap3A_1122 = vector.shape_cast %min3A_1118 : vector<16xi32> to vector<16xi32>
        tpu.vector_store %arg7[%swap3A_1119], %swap3A_1122 {strides = array<i32>} : memref<400xi32, #tpu.memory_space<vmem>>, vector<16xi32>,
        %get3A_1123 = arith.constant 384 : index
        %get3A_1124 = tpu.vector_load %arg5[%get3A_1123] {strides = array<i32>} : memref<400xi32, #tpu.memory_space<vmem>>, vector<16xi32>,
        %get3A_1125 = vector.shape_cast %get3A_1124 : vector<16xi32> to vector<16xi32>
        %and3A_1126 = arith.constant 255 : i32
        %and3A_1127 = vector.broadcast %and3A_1126 : i32 to vector<16xi32>
        %and3A_1128 = arith.andi %get3A_1125, %and3A_1127 : vector<16xi32>
        %mul3A_1129 = arith.constant 24 : i32
        %mul3A_1130 = vector.broadcast %mul3A_1129 : i32 to vector<16xi32>
        %mul3A_1131 = arith.muli %and3A_1128, %mul3A_1130 : vector<16xi32>
        %shift_right_arithmetic3A_1132 = arith.constant 8 : i32
        %shift_right_arithmetic3A_1133 = vector.broadcast %shift_right_arithmetic3A_1132 : i32 to vector<16xi32>
        %shift_right_arithmetic3A_1134 = arith.shrsi %get3A_1125, %shift_right_arithmetic3A_1133 : vector<16xi32>
        %and3A_1135 = arith.constant 255 : i32
        %and3A_1136 = vector.broadcast %and3A_1135 : i32 to vector<16xi32>
        %and3A_1137 = arith.andi %shift_right_arithmetic3A_1134, %and3A_1136 : vector<16xi32>
        %mul3A_1138 = arith.constant 4 : i32
        %mul3A_1139 = vector.broadcast %mul3A_1138 : i32 to vector<16xi32>
        %mul3A_1140 = arith.muli %and3A_1137, %mul3A_1139 : vector<16xi32>
        %add3A_1141 = arith.addi %mul3A_1131, %mul3A_1140 : vector<16xi32>
        %shift_right_arithmetic3A_1142 = arith.constant 16 : i32
        %shift_right_arithmetic3A_1143 = vector.broadcast %shift_right_arithmetic3A_1142 : i32 to vector<16xi32>
        %shift_right_arithmetic3A_1144 = arith.shrsi %get3A_1125, %shift_right_arithmetic3A_1143 : vector<16xi32>
        %and3A_1145 = arith.constant 255 : i32
        %and3A_1146 = vector.broadcast %and3A_1145 : i32 to vector<16xi32>
        %and3A_1147 = arith.andi %shift_right_arithmetic3A_1144, %and3A_1146 : vector<16xi32>
        %mul3A_1148 = arith.constant 2 : i32
        %mul3A_1149 = vector.broadcast %mul3A_1148 : i32 to vector<16xi32>
        %mul3A_1150 = arith.muli %and3A_1147, %mul3A_1149 : vector<16xi32>
        %add3A_1151 = arith.addi %add3A_1141, %mul3A_1150 : vector<16xi32>
        %shift_right_arithmetic3A_1152 = arith.constant 24 : i32
        %shift_right_arithmetic3A_1153 = vector.broadcast %shift_right_arithmetic3A_1152 : i32 to vector<16xi32>
        %shift_right_arithmetic3A_1154 = arith.shrsi %get3A_1125, %shift_right_arithmetic3A_1153 : vector<16xi32>
        %and3A_1155 = arith.constant 255 : i32
        %and3A_1156 = vector.broadcast %and3A_1155 : i32 to vector<16xi32>
        %and3A_1157 = arith.andi %shift_right_arithmetic3A_1154, %and3A_1156 : vector<16xi32>
        %add3A_1158 = arith.addi %add3A_1151, %and3A_1157 : vector<16xi32>
        %min3A_1159 = arith.constant 127 : i32
        %min3A_1160 = vector.broadcast %min3A_1159 : i32 to vector<16xi32>
        %min3A_1161 = arith.minsi %add3A_1158, %min3A_1160 : vector<16xi32>
        %swap3A_1162 = arith.constant 384 : index
        %swap3A_1163 = tpu.vector_load %arg7[%swap3A_1162] {strides = array<i32>} : memref<400xi32, #tpu.memory_space<vmem>>, vector<16xi32>,
        %swap3A_1164 = vector.shape_cast %swap3A_1163 : vector<16xi32> to vector<16xi32>
        %swap3A_1165 = vector.shape_cast %min3A_1161 : vector<16xi32> to vector<16xi32>
        tpu.vector_store %arg7[%swap3A_1162], %swap3A_1165 {strides = array<i32>} : memref<400xi32, #tpu.memory_space<vmem>>, vector<16xi32>,
        %dma_start3A = arith.constant 0 : i32
        %dma_start3A_1166 = arith.constant 0 : i32
        %dma_start3A_1167 = tpu.memref_slice %arg9[%dma_start3A, %dma_start3A_1166] : memref<400x128xf32, #tpu.memory_space<vmem>> -> memref<80x128xf32, #tpu.memory_space<vmem>>
        %dma_start3A_1168 = arith.constant 0 : i32
        %dma_start3A_1169 = tpu.memref_slice %arg7[%dma_start3A_1168] : memref<400xi32, #tpu.memory_space<vmem>> -> memref<80xi32, #tpu.memory_space<vmem>>
        %dma_start3A_1170 = arith.constant 0 : i32
        %dma_start3A_1171 = arith.constant 0 : i32
        %dma_start3A_1172 = tpu.memref_slice %arg11[%dma_start3A_1170, %dma_start3A_1171] : memref<128x128xf32, #tpu.memory_space<vmem_shared>> -> memref<128x128xf32, #tpu.memory_space<vmem_shared>>
        tpu.enqueue_indirect_dma source(%dma_start3A_1172 : memref<128x128xf32, #tpu.memory_space<vmem_shared>>) target(%dma_start3A_1167 : memref<80x128xf32, #tpu.memory_space<vmem>>) offsets(%dma_start3A_1169 : memref<80xi32, #tpu.memory_space<vmem>>) semaphore(%arg12 : memref<!tpu.dma_semaphore, #tpu.memory_space<semaphore_mem>>)
        %dma_start3A_1173 = arith.constant 80 : i32
        %dma_start3A_1174 = arith.constant 0 : i32
        %dma_start3A_1175 = tpu.memref_slice %arg9[%dma_start3A_1173, %dma_start3A_1174] : memref<400x128xf32, #tpu.memory_space<vmem>> -> memref<80x128xf32, #tpu.memory_space<vmem>>
        %dma_start3A_1176 = arith.constant 80 : i32
        %dma_start3A_1177 = tpu.memref_slice %arg7[%dma_start3A_1176] : memref<400xi32, #tpu.memory_space<vmem>> -> memref<80xi32, #tpu.memory_space<vmem>>
        %dma_start3A_1178 = arith.constant 0 : i32
        %dma_start3A_1179 = arith.constant 0 : i32
        %dma_start3A_1180 = tpu.memref_slice %arg11[%dma_start3A_1178, %dma_start3A_1179] : memref<128x128xf32, #tpu.memory_space<vmem_shared>> -> memref<128x128xf32, #tpu.memory_space<vmem_shared>>
        tpu.enqueue_indirect_dma source(%dma_start3A_1180 : memref<128x128xf32, #tpu.memory_space<vmem_shared>>) target(%dma_start3A_1175 : memref<80x128xf32, #tpu.memory_space<vmem>>) offsets(%dma_start3A_1177 : memref<80xi32, #tpu.memory_space<vmem>>) semaphore(%arg12 : memref<!tpu.dma_semaphore, #tpu.memory_space<semaphore_mem>>)
        %dma_start3A_1181 = arith.constant 160 : i32
        %dma_start3A_1182 = arith.constant 0 : i32
        %dma_start3A_1183 = tpu.memref_slice %arg9[%dma_start3A_1181, %dma_start3A_1182] : memref<400x128xf32, #tpu.memory_space<vmem>> -> memref<80x128xf32, #tpu.memory_space<vmem>>
        %dma_start3A_1184 = arith.constant 160 : i32
        %dma_start3A_1185 = tpu.memref_slice %arg7[%dma_start3A_1184] : memref<400xi32, #tpu.memory_space<vmem>> -> memref<80xi32, #tpu.memory_space<vmem>>
        %dma_start3A_1186 = arith.constant 0 : i32
        %dma_start3A_1187 = arith.constant 0 : i32
        %dma_start3A_1188 = tpu.memref_slice %arg11[%dma_start3A_1186, %dma_start3A_1187] : memref<128x128xf32, #tpu.memory_space<vmem_shared>> -> memref<128x128xf32, #tpu.memory_space<vmem_shared>>
        tpu.enqueue_indirect_dma source(%dma_start3A_1188 : memref<128x128xf32, #tpu.memory_space<vmem_shared>>) target(%dma_start3A_1183 : memref<80x128xf32, #tpu.memory_space<vmem>>) offsets(%dma_start3A_1185 : memref<80xi32, #tpu.memory_space<vmem>>) semaphore(%arg12 : memref<!tpu.dma_semaphore, #tpu.memory_space<semaphore_mem>>)
        %dma_start3A_1189 = arith.constant 240 : i32
        %dma_start3A_1190 = arith.constant 0 : i32
        %dma_start3A_1191 = tpu.memref_slice %arg9[%dma_start3A_1189, %dma_start3A_1190] : memref<400x128xf32, #tpu.memory_space<vmem>> -> memref<80x128xf32, #tpu.memory_space<vmem>>
        %dma_start3A_1192 = arith.constant 240 : i32
        %dma_start3A_1193 = tpu.memref_slice %arg7[%dma_start3A_1192] : memref<400xi32, #tpu.memory_space<vmem>> -> memref<80xi32, #tpu.memory_space<vmem>>
        %dma_start3A_1194 = arith.constant 0 : i32
        %dma_start3A_1195 = arith.constant 0 : i32
        %dma_start3A_1196 = tpu.memref_slice %arg11[%dma_start3A_1194, %dma_start3A_1195] : memref<128x128xf32, #tpu.memory_space<vmem_shared>> -> memref<128x128xf32, #tpu.memory_space<vmem_shared>>
        tpu.enqueue_indirect_dma source(%dma_start3A_1196 : memref<128x128xf32, #tpu.memory_space<vmem_shared>>) target(%dma_start3A_1191 : memref<80x128xf32, #tpu.memory_space<vmem>>) offsets(%dma_start3A_1193 : memref<80xi32, #tpu.memory_space<vmem>>) semaphore(%arg12 : memref<!tpu.dma_semaphore, #tpu.memory_space<semaphore_mem>>)
        %dma_start3A_1197 = arith.constant 320 : i32
        %dma_start3A_1198 = arith.constant 0 : i32
        %dma_start3A_1199 = tpu.memref_slice %arg9[%dma_start3A_1197, %dma_start3A_1198] : memref<400x128xf32, #tpu.memory_space<vmem>> -> memref<80x128xf32, #tpu.memory_space<vmem>>
        %dma_start3A_1200 = arith.constant 320 : i32
        %dma_start3A_1201 = tpu.memref_slice %arg7[%dma_start3A_1200] : memref<400xi32, #tpu.memory_space<vmem>> -> memref<80xi32, #tpu.memory_space<vmem>>
        %dma_start3A_1202 = arith.constant 0 : i32
        %dma_start3A_1203 = arith.constant 0 : i32
        %dma_start3A_1204 = tpu.memref_slice %arg11[%dma_start3A_1202, %dma_start3A_1203] : memref<128x128xf32, #tpu.memory_space<vmem_shared>> -> memref<128x128xf32, #tpu.memory_space<vmem_shared>>
        tpu.enqueue_indirect_dma source(%dma_start3A_1204 : memref<128x128xf32, #tpu.memory_space<vmem_shared>>) target(%dma_start3A_1199 : memref<80x128xf32, #tpu.memory_space<vmem>>) offsets(%dma_start3A_1201 : memref<80xi32, #tpu.memory_space<vmem>>) semaphore(%arg12 : memref<!tpu.dma_semaphore, #tpu.memory_space<semaphore_mem>>)
        %dma_wait3A = arith.constant 0 : i32
        %dma_wait3A_1205 = arith.constant 0 : i32
        %dma_wait3A_1206 = tpu.memref_slice %arg9[%dma_wait3A, %dma_wait3A_1205] : memref<400x128xf32, #tpu.memory_space<vmem>> -> memref<80x128xf32, #tpu.memory_space<vmem>>
        %dma_wait3A_1207 = arith.constant 0 : i32
        %dma_wait3A_1208 = tpu.memref_slice %arg7[%dma_wait3A_1207] : memref<400xi32, #tpu.memory_space<vmem>> -> memref<80xi32, #tpu.memory_space<vmem>>
        %dma_wait3A_1209 = arith.constant 0 : i32
        %dma_wait3A_1210 = arith.constant 0 : i32
        %dma_wait3A_1211 = tpu.memref_slice %arg11[%dma_wait3A_1209, %dma_wait3A_1210] : memref<128x128xf32, #tpu.memory_space<vmem_shared>> -> memref<128x128xf32, #tpu.memory_space<vmem_shared>>
        tpu.wait_indirect_dma semaphore(%arg12 : memref<!tpu.dma_semaphore, #tpu.memory_space<semaphore_mem>>) src(%dma_wait3A_1211 : memref<128x128xf32, #tpu.memory_space<vmem_shared>>) dst(%dma_wait3A_1206 : memref<80x128xf32, #tpu.memory_space<vmem>>)
        %dma_wait3A_1212 = arith.constant 80 : i32
        %dma_wait3A_1213 = arith.constant 0 : i32
        %dma_wait3A_1214 = tpu.memref_slice %arg9[%dma_wait3A_1212, %dma_wait3A_1213] : memref<400x128xf32, #tpu.memory_space<vmem>> -> memref<80x128xf32, #tpu.memory_space<vmem>>
        %dma_wait3A_1215 = arith.constant 80 : i32
        %dma_wait3A_1216 = tpu.memref_slice %arg7[%dma_wait3A_1215] : memref<400xi32, #tpu.memory_space<vmem>> -> memref<80xi32, #tpu.memory_space<vmem>>
        %dma_wait3A_1217 = arith.constant 0 : i32
        %dma_wait3A_1218 = arith.constant 0 : i32
        %dma_wait3A_1219 = tpu.memref_slice %arg11[%dma_wait3A_1217, %dma_wait3A_1218] : memref<128x128xf32, #tpu.memory_space<vmem_shared>> -> memref<128x128xf32, #tpu.memory_space<vmem_shared>>
        tpu.wait_indirect_dma semaphore(%arg12 : memref<!tpu.dma_semaphore, #tpu.memory_space<semaphore_mem>>) src(%dma_wait3A_1219 : memref<128x128xf32, #tpu.memory_space<vmem_shared>>) dst(%dma_wait3A_1214 : memref<80x128xf32, #tpu.memory_space<vmem>>)
        %dma_wait3A_1220 = arith.constant 160 : i32
        %dma_wait3A_1221 = arith.constant 0 : i32
        %dma_wait3A_1222 = tpu.memref_slice %arg9[%dma_wait3A_1220, %dma_wait3A_1221] : memref<400x128xf32, #tpu.memory_space<vmem>> -> memref<80x128xf32, #tpu.memory_space<vmem>>
        %dma_wait3A_1223 = arith.constant 160 : i32
        %dma_wait3A_1224 = tpu.memref_slice %arg7[%dma_wait3A_1223] : memref<400xi32, #tpu.memory_space<vmem>> -> memref<80xi32, #tpu.memory_space<vmem>>
        %dma_wait3A_1225 = arith.constant 0 : i32
        %dma_wait3A_1226 = arith.constant 0 : i32
        %dma_wait3A_1227 = tpu.memref_slice %arg11[%dma_wait3A_1225, %dma_wait3A_1226] : memref<128x128xf32, #tpu.memory_space<vmem_shared>> -> memref<128x128xf32, #tpu.memory_space<vmem_shared>>
        tpu.wait_indirect_dma semaphore(%arg12 : memref<!tpu.dma_semaphore, #tpu.memory_space<semaphore_mem>>) src(%dma_wait3A_1227 : memref<128x128xf32, #tpu.memory_space<vmem_shared>>) dst(%dma_wait3A_1222 : memref<80x128xf32, #tpu.memory_space<vmem>>)
        %dma_wait3A_1228 = arith.constant 240 : i32
        %dma_wait3A_1229 = arith.constant 0 : i32
        %dma_wait3A_1230 = tpu.memref_slice %arg9[%dma_wait3A_1228, %dma_wait3A_1229] : memref<400x128xf32, #tpu.memory_space<vmem>> -> memref<80x128xf32, #tpu.memory_space<vmem>>
        %dma_wait3A_1231 = arith.constant 240 : i32
        %dma_wait3A_1232 = tpu.memref_slice %arg7[%dma_wait3A_1231] : memref<400xi32, #tpu.memory_space<vmem>> -> memref<80xi32, #tpu.memory_space<vmem>>
        %dma_wait3A_1233 = arith.constant 0 : i32
        %dma_wait3A_1234 = arith.constant 0 : i32
        %dma_wait3A_1235 = tpu.memref_slice %arg11[%dma_wait3A_1233, %dma_wait3A_1234] : memref<128x128xf32, #tpu.memory_space<vmem_shared>> -> memref<128x128xf32, #tpu.memory_space<vmem_shared>>
        tpu.wait_indirect_dma semaphore(%arg12 : memref<!tpu.dma_semaphore, #tpu.memory_space<semaphore_mem>>) src(%dma_wait3A_1235 : memref<128x128xf32, #tpu.memory_space<vmem_shared>>) dst(%dma_wait3A_1230 : memref<80x128xf32, #tpu.memory_space<vmem>>)
        %dma_wait3A_1236 = arith.constant 320 : i32
        %dma_wait3A_1237 = arith.constant 0 : i32
        %dma_wait3A_1238 = tpu.memref_slice %arg9[%dma_wait3A_1236, %dma_wait3A_1237] : memref<400x128xf32, #tpu.memory_space<vmem>> -> memref<80x128xf32, #tpu.memory_space<vmem>>
        %dma_wait3A_1239 = arith.constant 320 : i32
        %dma_wait3A_1240 = tpu.memref_slice %arg7[%dma_wait3A_1239] : memref<400xi32, #tpu.memory_space<vmem>> -> memref<80xi32, #tpu.memory_space<vmem>>
        %dma_wait3A_1241 = arith.constant 0 : i32
        %dma_wait3A_1242 = arith.constant 0 : i32
        %dma_wait3A_1243 = tpu.memref_slice %arg11[%dma_wait3A_1241, %dma_wait3A_1242] : memref<128x128xf32, #tpu.memory_space<vmem_shared>> -> memref<128x128xf32, #tpu.memory_space<vmem_shared>>
        tpu.wait_indirect_dma semaphore(%arg12 : memref<!tpu.dma_semaphore, #tpu.memory_space<semaphore_mem>>) src(%dma_wait3A_1243 : memref<128x128xf32, #tpu.memory_space<vmem_shared>>) dst(%dma_wait3A_1238 : memref<80x128xf32, #tpu.memory_space<vmem>>)
        %dma_start3A_1244 = arith.constant 0 : i32
        %dma_start3A_1245 = tpu.memref_slice %arg4[%mul3A_94, %dma_start3A_1244] : memref<800000x128xf32, #tpu.memory_space<hbm>> -> memref<400x128xf32, #tpu.memory_space<hbm>>
        %dma_start3A_1246 = arith.constant 0 : i32
        %dma_start3A_1247 = tpu.memref_slice %arg4[%mul3A_94, %dma_start3A_1246] : memref<800000x128xf32, #tpu.memory_space<hbm>> -> memref<400x128xf32, #tpu.memory_space<hbm>>
        tpu.enqueue_dma source(%arg9 : memref<400x128xf32, #tpu.memory_space<vmem>>) target(%dma_start3A_1247 : memref<400x128xf32, #tpu.memory_space<hbm>>) target_semaphore(%arg13 : memref<!tpu.dma_semaphore, #tpu.memory_space<semaphore_mem>>)
      } else {
      }
      %jit3A_64 = arith.constant 2 : i32
      %eq3A_65 = arith.constant 0 : i32
      %eq3A_66 = arith.cmpi eq, %jit3A_64, %eq3A_65 : i32
      %jit3A_67 = arith.constant 1 : i32
      %select_n3A_68 = arith.select %eq3A_66, %jit3A_67, %jit3A_64 : i32
      %rem3A_69 = arith.remsi %while3A_43, %select_n3A_68 : i32
      %ne3A_70 = arith.constant 0 : i32
      %ne3A_71 = arith.cmpi ne, %rem3A_69, %ne3A_70 : i32
      %lt3A_72 = arith.constant 0 : i32
      %lt3A_73 = arith.cmpi slt, %rem3A_69, %lt3A_72 : i32
      %lt3A_74 = arith.constant 0 : i32
      %lt3A_75 = arith.cmpi slt, %select_n3A_68, %lt3A_74 : i32
      %ne3A_76 = arith.xori %lt3A_73, %lt3A_75 : i1
      %and3A_77 = arith.andi %ne3A_76, %ne3A_71 : i1
      %add3A_78 = arith.addi %rem3A_69, %select_n3A_68 : i32
      %select_n3A_79 = arith.select %and3A_77, %add3A_78, %rem3A_69 : i32
      %eq3A_80 = arith.constant 1 : i32
      %eq3A_81 = arith.cmpi eq, %select_n3A_79, %eq3A_80 : i32
      %convert_element_type3A_82 = arith.extui %eq3A_81 : i1 to i32
      %cond3A_83 = arith.constant 0 : i32
      %cond3A_84 = arith.cmpi ne, %convert_element_type3A_82, %cond3A_83 : i32
      scf.if %cond3A_84 {
        %ge3A_85 = arith.constant 2 : i32
        %ge3A_86 = arith.cmpi sge, %while3A_43, %ge3A_85 : i32
        %convert_element_type3A_87 = arith.extui %ge3A_86 : i1 to i32
        %cond3A_88 = arith.constant 0 : i32
        %cond3A_89 = arith.cmpi ne, %convert_element_type3A_87, %cond3A_88 : i32
        scf.if %cond3A_89 {
          %dma_wait3A_1248 = arith.constant 0 : i32
          %dma_wait3A_1249 = arith.constant 0 : i32
          %dma_wait3A_1250 = tpu.memref_slice %arg4[%dma_wait3A_1248, %dma_wait3A_1249] : memref<800000x128xf32, #tpu.memory_space<hbm>> -> memref<400x128xf32, #tpu.memory_space<hbm>>
          %dma_wait3A_1251 = arith.constant 0 : i32
          %dma_wait3A_1252 = arith.constant 0 : i32
          %dma_wait3A_1253 = tpu.memref_slice %arg4[%dma_wait3A_1251, %dma_wait3A_1252] : memref<800000x128xf32, #tpu.memory_space<hbm>> -> memref<400x128xf32, #tpu.memory_space<hbm>>
          tpu.wait_dma2 semaphore(%arg14 : memref<!tpu.dma_semaphore, #tpu.memory_space<semaphore_mem>>) src(%arg10 : memref<400x128xf32, #tpu.memory_space<vmem>>) dst(%dma_wait3A_1253 : memref<400x128xf32, #tpu.memory_space<hbm>>)
        } else {
        }
        %mul3A_90 = arith.constant 32 : i32
        %mul3A_91 = arith.muli %while3A_43, %mul3A_90 : i32
        %add3A_92 = arith.addi %add3A, %mul3A_91 : i32
        %mul3A_93 = arith.constant 400 : i32
        %mul3A_94 = arith.muli %add3A_92, %mul3A_93 : i32
        "tpu.region"() ({
          %run_scoped3A = tpu.sem_alloc : memref<!tpu.dma_semaphore, #tpu.memory_space<semaphore_mem>>
          %dma_start3A_1248 = tpu.memref_slice %arg2[%mul3A_94] : memref<800000xi32, #tpu.memory_space<hbm>> -> memref<400xi32, #tpu.memory_space<hbm>>
          %dma_start3A_1249 = tpu.memref_slice %arg2[%mul3A_94] : memref<800000xi32, #tpu.memory_space<hbm>> -> memref<400xi32, #tpu.memory_space<hbm>>
          tpu.enqueue_dma source(%dma_start3A_1249 : memref<400xi32, #tpu.memory_space<hbm>>) target(%arg6 : memref<400xi32, #tpu.memory_space<vmem>>) target_semaphore(%run_scoped3A : memref<!tpu.dma_semaphore, #tpu.memory_space<semaphore_mem>>)
          %dma_wait3A_1250 = tpu.memref_slice %arg2[%mul3A_94] : memref<800000xi32, #tpu.memory_space<hbm>> -> memref<400xi32, #tpu.memory_space<hbm>>
          %dma_wait3A_1251 = tpu.memref_slice %arg2[%mul3A_94] : memref<800000xi32, #tpu.memory_space<hbm>> -> memref<400xi32, #tpu.memory_space<hbm>>
          tpu.wait_dma2 semaphore(%run_scoped3A : memref<!tpu.dma_semaphore, #tpu.memory_space<semaphore_mem>>) src(%dma_wait3A_1251 : memref<400xi32, #tpu.memory_space<hbm>>) dst(%arg6 : memref<400xi32, #tpu.memory_space<vmem>>)
          tpu.yield
        }) : () -> ()
        %get3A = arith.constant 0 : index
        %get3A_95 = tpu.vector_load %arg6[%get3A] {strides = array<i32>} : memref<400xi32, #tpu.memory_space<vmem>>, vector<16xi32>,
        %get3A_96 = vector.shape_cast %get3A_95 : vector<16xi32> to vector<16xi32>
        %and3A_97 = arith.constant 255 : i32
        %and3A_98 = vector.broadcast %and3A_97 : i32 to vector<16xi32>
        %and3A_99 = arith.andi %get3A_96, %and3A_98 : vector<16xi32>
        %mul3A_100 = arith.constant 24 : i32
        %mul3A_101 = vector.broadcast %mul3A_100 : i32 to vector<16xi32>
        %mul3A_102 = arith.muli %and3A_99, %mul3A_101 : vector<16xi32>
        %shift_right_arithmetic3A = arith.constant 8 : i32
        %shift_right_arithmetic3A_103 = vector.broadcast %shift_right_arithmetic3A : i32 to vector<16xi32>
        %shift_right_arithmetic3A_104 = arith.shrsi %get3A_96, %shift_right_arithmetic3A_103 : vector<16xi32>
        %and3A_105 = arith.constant 255 : i32
        %and3A_106 = vector.broadcast %and3A_105 : i32 to vector<16xi32>
        %and3A_107 = arith.andi %shift_right_arithmetic3A_104, %and3A_106 : vector<16xi32>
        %mul3A_108 = arith.constant 4 : i32
        %mul3A_109 = vector.broadcast %mul3A_108 : i32 to vector<16xi32>
        %mul3A_110 = arith.muli %and3A_107, %mul3A_109 : vector<16xi32>
        %add3A_111 = arith.addi %mul3A_102, %mul3A_110 : vector<16xi32>
        %shift_right_arithmetic3A_112 = arith.constant 16 : i32
        %shift_right_arithmetic3A_113 = vector.broadcast %shift_right_arithmetic3A_112 : i32 to vector<16xi32>
        %shift_right_arithmetic3A_114 = arith.shrsi %get3A_96, %shift_right_arithmetic3A_113 : vector<16xi32>
        %and3A_115 = arith.constant 255 : i32
        %and3A_116 = vector.broadcast %and3A_115 : i32 to vector<16xi32>
        %and3A_117 = arith.andi %shift_right_arithmetic3A_114, %and3A_116 : vector<16xi32>
        %mul3A_118 = arith.constant 2 : i32
        %mul3A_119 = vector.broadcast %mul3A_118 : i32 to vector<16xi32>
        %mul3A_120 = arith.muli %and3A_117, %mul3A_119 : vector<16xi32>
        %add3A_121 = arith.addi %add3A_111, %mul3A_120 : vector<16xi32>
        %shift_right_arithmetic3A_122 = arith.constant 24 : i32
        %shift_right_arithmetic3A_123 = vector.broadcast %shift_right_arithmetic3A_122 : i32 to vector<16xi32>
        %shift_right_arithmetic3A_124 = arith.shrsi %get3A_96, %shift_right_arithmetic3A_123 : vector<16xi32>
        %and3A_125 = arith.constant 255 : i32
        %and3A_126 = vector.broadcast %and3A_125 : i32 to vector<16xi32>
        %and3A_127 = arith.andi %shift_right_arithmetic3A_124, %and3A_126 : vector<16xi32>
        %add3A_128 = arith.addi %add3A_121, %and3A_127 : vector<16xi32>
        %min3A = arith.constant 127 : i32
        %min3A_129 = vector.broadcast %min3A : i32 to vector<16xi32>
        %min3A_130 = arith.minsi %add3A_128, %min3A_129 : vector<16xi32>
        %swap3A = arith.constant 0 : index
        %swap3A_131 = tpu.vector_load %arg8[%swap3A] {strides = array<i32>} : memref<400xi32, #tpu.memory_space<vmem>>, vector<16xi32>,
        %swap3A_132 = vector.shape_cast %swap3A_131 : vector<16xi32> to vector<16xi32>
        %swap3A_133 = vector.shape_cast %min3A_130 : vector<16xi32> to vector<16xi32>
        tpu.vector_store %arg8[%swap3A], %swap3A_133 {strides = array<i32>} : memref<400xi32, #tpu.memory_space<vmem>>, vector<16xi32>,
        %get3A_134 = arith.constant 16 : index
        %get3A_135 = tpu.vector_load %arg6[%get3A_134] {strides = array<i32>} : memref<400xi32, #tpu.memory_space<vmem>>, vector<16xi32>,
        %get3A_136 = vector.shape_cast %get3A_135 : vector<16xi32> to vector<16xi32>
        %and3A_137 = arith.constant 255 : i32
        %and3A_138 = vector.broadcast %and3A_137 : i32 to vector<16xi32>
        %and3A_139 = arith.andi %get3A_136, %and3A_138 : vector<16xi32>
        %mul3A_140 = arith.constant 24 : i32
        %mul3A_141 = vector.broadcast %mul3A_140 : i32 to vector<16xi32>
        %mul3A_142 = arith.muli %and3A_139, %mul3A_141 : vector<16xi32>
        %shift_right_arithmetic3A_143 = arith.constant 8 : i32
        %shift_right_arithmetic3A_144 = vector.broadcast %shift_right_arithmetic3A_143 : i32 to vector<16xi32>
        %shift_right_arithmetic3A_145 = arith.shrsi %get3A_136, %shift_right_arithmetic3A_144 : vector<16xi32>
        %and3A_146 = arith.constant 255 : i32
        %and3A_147 = vector.broadcast %and3A_146 : i32 to vector<16xi32>
        %and3A_148 = arith.andi %shift_right_arithmetic3A_145, %and3A_147 : vector<16xi32>
        %mul3A_149 = arith.constant 4 : i32
        %mul3A_150 = vector.broadcast %mul3A_149 : i32 to vector<16xi32>
        %mul3A_151 = arith.muli %and3A_148, %mul3A_150 : vector<16xi32>
        %add3A_152 = arith.addi %mul3A_142, %mul3A_151 : vector<16xi32>
        %shift_right_arithmetic3A_153 = arith.constant 16 : i32
        %shift_right_arithmetic3A_154 = vector.broadcast %shift_right_arithmetic3A_153 : i32 to vector<16xi32>
        %shift_right_arithmetic3A_155 = arith.shrsi %get3A_136, %shift_right_arithmetic3A_154 : vector<16xi32>
        %and3A_156 = arith.constant 255 : i32
        %and3A_157 = vector.broadcast %and3A_156 : i32 to vector<16xi32>
        %and3A_158 = arith.andi %shift_right_arithmetic3A_155, %and3A_157 : vector<16xi32>
        %mul3A_159 = arith.constant 2 : i32
        %mul3A_160 = vector.broadcast %mul3A_159 : i32 to vector<16xi32>
        %mul3A_161 = arith.muli %and3A_158, %mul3A_160 : vector<16xi32>
        %add3A_162 = arith.addi %add3A_152, %mul3A_161 : vector<16xi32>
        %shift_right_arithmetic3A_163 = arith.constant 24 : i32
        %shift_right_arithmetic3A_164 = vector.broadcast %shift_right_arithmetic3A_163 : i32 to vector<16xi32>
        %shift_right_arithmetic3A_165 = arith.shrsi %get3A_136, %shift_right_arithmetic3A_164 : vector<16xi32>
        %and3A_166 = arith.constant 255 : i32
        %and3A_167 = vector.broadcast %and3A_166 : i32 to vector<16xi32>
        %and3A_168 = arith.andi %shift_right_arithmetic3A_165, %and3A_167 : vector<16xi32>
        %add3A_169 = arith.addi %add3A_162, %and3A_168 : vector<16xi32>
        %min3A_170 = arith.constant 127 : i32
        %min3A_171 = vector.broadcast %min3A_170 : i32 to vector<16xi32>
        %min3A_172 = arith.minsi %add3A_169, %min3A_171 : vector<16xi32>
        %swap3A_173 = arith.constant 16 : index
        %swap3A_174 = tpu.vector_load %arg8[%swap3A_173] {strides = array<i32>} : memref<400xi32, #tpu.memory_space<vmem>>, vector<16xi32>,
        %swap3A_175 = vector.shape_cast %swap3A_174 : vector<16xi32> to vector<16xi32>
        %swap3A_176 = vector.shape_cast %min3A_172 : vector<16xi32> to vector<16xi32>
        tpu.vector_store %arg8[%swap3A_173], %swap3A_176 {strides = array<i32>} : memref<400xi32, #tpu.memory_space<vmem>>, vector<16xi32>,
        %get3A_177 = arith.constant 32 : index
        %get3A_178 = tpu.vector_load %arg6[%get3A_177] {strides = array<i32>} : memref<400xi32, #tpu.memory_space<vmem>>, vector<16xi32>,
        %get3A_179 = vector.shape_cast %get3A_178 : vector<16xi32> to vector<16xi32>
        %and3A_180 = arith.constant 255 : i32
        %and3A_181 = vector.broadcast %and3A_180 : i32 to vector<16xi32>
        %and3A_182 = arith.andi %get3A_179, %and3A_181 : vector<16xi32>
        %mul3A_183 = arith.constant 24 : i32
        %mul3A_184 = vector.broadcast %mul3A_183 : i32 to vector<16xi32>
        %mul3A_185 = arith.muli %and3A_182, %mul3A_184 : vector<16xi32>
        %shift_right_arithmetic3A_186 = arith.constant 8 : i32
        %shift_right_arithmetic3A_187 = vector.broadcast %shift_right_arithmetic3A_186 : i32 to vector<16xi32>
        %shift_right_arithmetic3A_188 = arith.shrsi %get3A_179, %shift_right_arithmetic3A_187 : vector<16xi32>
        %and3A_189 = arith.constant 255 : i32
        %and3A_190 = vector.broadcast %and3A_189 : i32 to vector<16xi32>
        %and3A_191 = arith.andi %shift_right_arithmetic3A_188, %and3A_190 : vector<16xi32>
        %mul3A_192 = arith.constant 4 : i32
        %mul3A_193 = vector.broadcast %mul3A_192 : i32 to vector<16xi32>
        %mul3A_194 = arith.muli %and3A_191, %mul3A_193 : vector<16xi32>
        %add3A_195 = arith.addi %mul3A_185, %mul3A_194 : vector<16xi32>
        %shift_right_arithmetic3A_196 = arith.constant 16 : i32
        %shift_right_arithmetic3A_197 = vector.broadcast %shift_right_arithmetic3A_196 : i32 to vector<16xi32>
        %shift_right_arithmetic3A_198 = arith.shrsi %get3A_179, %shift_right_arithmetic3A_197 : vector<16xi32>
        %and3A_199 = arith.constant 255 : i32
        %and3A_200 = vector.broadcast %and3A_199 : i32 to vector<16xi32>
        %and3A_201 = arith.andi %shift_right_arithmetic3A_198, %and3A_200 : vector<16xi32>
        %mul3A_202 = arith.constant 2 : i32
        %mul3A_203 = vector.broadcast %mul3A_202 : i32 to vector<16xi32>
        %mul3A_204 = arith.muli %and3A_201, %mul3A_203 : vector<16xi32>
        %add3A_205 = arith.addi %add3A_195, %mul3A_204 : vector<16xi32>
        %shift_right_arithmetic3A_206 = arith.constant 24 : i32
        %shift_right_arithmetic3A_207 = vector.broadcast %shift_right_arithmetic3A_206 : i32 to vector<16xi32>
        %shift_right_arithmetic3A_208 = arith.shrsi %get3A_179, %shift_right_arithmetic3A_207 : vector<16xi32>
        %and3A_209 = arith.constant 255 : i32
        %and3A_210 = vector.broadcast %and3A_209 : i32 to vector<16xi32>
        %and3A_211 = arith.andi %shift_right_arithmetic3A_208, %and3A_210 : vector<16xi32>
        %add3A_212 = arith.addi %add3A_205, %and3A_211 : vector<16xi32>
        %min3A_213 = arith.constant 127 : i32
        %min3A_214 = vector.broadcast %min3A_213 : i32 to vector<16xi32>
        %min3A_215 = arith.minsi %add3A_212, %min3A_214 : vector<16xi32>
        %swap3A_216 = arith.constant 32 : index
        %swap3A_217 = tpu.vector_load %arg8[%swap3A_216] {strides = array<i32>} : memref<400xi32, #tpu.memory_space<vmem>>, vector<16xi32>,
        %swap3A_218 = vector.shape_cast %swap3A_217 : vector<16xi32> to vector<16xi32>
        %swap3A_219 = vector.shape_cast %min3A_215 : vector<16xi32> to vector<16xi32>
        tpu.vector_store %arg8[%swap3A_216], %swap3A_219 {strides = array<i32>} : memref<400xi32, #tpu.memory_space<vmem>>, vector<16xi32>,
        %get3A_220 = arith.constant 48 : index
        %get3A_221 = tpu.vector_load %arg6[%get3A_220] {strides = array<i32>} : memref<400xi32, #tpu.memory_space<vmem>>, vector<16xi32>,
        %get3A_222 = vector.shape_cast %get3A_221 : vector<16xi32> to vector<16xi32>
        %and3A_223 = arith.constant 255 : i32
        %and3A_224 = vector.broadcast %and3A_223 : i32 to vector<16xi32>
        %and3A_225 = arith.andi %get3A_222, %and3A_224 : vector<16xi32>
        %mul3A_226 = arith.constant 24 : i32
        %mul3A_227 = vector.broadcast %mul3A_226 : i32 to vector<16xi32>
        %mul3A_228 = arith.muli %and3A_225, %mul3A_227 : vector<16xi32>
        %shift_right_arithmetic3A_229 = arith.constant 8 : i32
        %shift_right_arithmetic3A_230 = vector.broadcast %shift_right_arithmetic3A_229 : i32 to vector<16xi32>
        %shift_right_arithmetic3A_231 = arith.shrsi %get3A_222, %shift_right_arithmetic3A_230 : vector<16xi32>
        %and3A_232 = arith.constant 255 : i32
        %and3A_233 = vector.broadcast %and3A_232 : i32 to vector<16xi32>
        %and3A_234 = arith.andi %shift_right_arithmetic3A_231, %and3A_233 : vector<16xi32>
        %mul3A_235 = arith.constant 4 : i32
        %mul3A_236 = vector.broadcast %mul3A_235 : i32 to vector<16xi32>
        %mul3A_237 = arith.muli %and3A_234, %mul3A_236 : vector<16xi32>
        %add3A_238 = arith.addi %mul3A_228, %mul3A_237 : vector<16xi32>
        %shift_right_arithmetic3A_239 = arith.constant 16 : i32
        %shift_right_arithmetic3A_240 = vector.broadcast %shift_right_arithmetic3A_239 : i32 to vector<16xi32>
        %shift_right_arithmetic3A_241 = arith.shrsi %get3A_222, %shift_right_arithmetic3A_240 : vector<16xi32>
        %and3A_242 = arith.constant 255 : i32
        %and3A_243 = vector.broadcast %and3A_242 : i32 to vector<16xi32>
        %and3A_244 = arith.andi %shift_right_arithmetic3A_241, %and3A_243 : vector<16xi32>
        %mul3A_245 = arith.constant 2 : i32
        %mul3A_246 = vector.broadcast %mul3A_245 : i32 to vector<16xi32>
        %mul3A_247 = arith.muli %and3A_244, %mul3A_246 : vector<16xi32>
        %add3A_248 = arith.addi %add3A_238, %mul3A_247 : vector<16xi32>
        %shift_right_arithmetic3A_249 = arith.constant 24 : i32
        %shift_right_arithmetic3A_250 = vector.broadcast %shift_right_arithmetic3A_249 : i32 to vector<16xi32>
        %shift_right_arithmetic3A_251 = arith.shrsi %get3A_222, %shift_right_arithmetic3A_250 : vector<16xi32>
        %and3A_252 = arith.constant 255 : i32
        %and3A_253 = vector.broadcast %and3A_252 : i32 to vector<16xi32>
        %and3A_254 = arith.andi %shift_right_arithmetic3A_251, %and3A_253 : vector<16xi32>
        %add3A_255 = arith.addi %add3A_248, %and3A_254 : vector<16xi32>
        %min3A_256 = arith.constant 127 : i32
        %min3A_257 = vector.broadcast %min3A_256 : i32 to vector<16xi32>
        %min3A_258 = arith.minsi %add3A_255, %min3A_257 : vector<16xi32>
        %swap3A_259 = arith.constant 48 : index
        %swap3A_260 = tpu.vector_load %arg8[%swap3A_259] {strides = array<i32>} : memref<400xi32, #tpu.memory_space<vmem>>, vector<16xi32>,
        %swap3A_261 = vector.shape_cast %swap3A_260 : vector<16xi32> to vector<16xi32>
        %swap3A_262 = vector.shape_cast %min3A_258 : vector<16xi32> to vector<16xi32>
        tpu.vector_store %arg8[%swap3A_259], %swap3A_262 {strides = array<i32>} : memref<400xi32, #tpu.memory_space<vmem>>, vector<16xi32>,
        %get3A_263 = arith.constant 64 : index
        %get3A_264 = tpu.vector_load %arg6[%get3A_263] {strides = array<i32>} : memref<400xi32, #tpu.memory_space<vmem>>, vector<16xi32>,
        %get3A_265 = vector.shape_cast %get3A_264 : vector<16xi32> to vector<16xi32>
        %and3A_266 = arith.constant 255 : i32
        %and3A_267 = vector.broadcast %and3A_266 : i32 to vector<16xi32>
        %and3A_268 = arith.andi %get3A_265, %and3A_267 : vector<16xi32>
        %mul3A_269 = arith.constant 24 : i32
        %mul3A_270 = vector.broadcast %mul3A_269 : i32 to vector<16xi32>
        %mul3A_271 = arith.muli %and3A_268, %mul3A_270 : vector<16xi32>
        %shift_right_arithmetic3A_272 = arith.constant 8 : i32
        %shift_right_arithmetic3A_273 = vector.broadcast %shift_right_arithmetic3A_272 : i32 to vector<16xi32>
        %shift_right_arithmetic3A_274 = arith.shrsi %get3A_265, %shift_right_arithmetic3A_273 : vector<16xi32>
        %and3A_275 = arith.constant 255 : i32
        %and3A_276 = vector.broadcast %and3A_275 : i32 to vector<16xi32>
        %and3A_277 = arith.andi %shift_right_arithmetic3A_274, %and3A_276 : vector<16xi32>
        %mul3A_278 = arith.constant 4 : i32
        %mul3A_279 = vector.broadcast %mul3A_278 : i32 to vector<16xi32>
        %mul3A_280 = arith.muli %and3A_277, %mul3A_279 : vector<16xi32>
        %add3A_281 = arith.addi %mul3A_271, %mul3A_280 : vector<16xi32>
        %shift_right_arithmetic3A_282 = arith.constant 16 : i32
        %shift_right_arithmetic3A_283 = vector.broadcast %shift_right_arithmetic3A_282 : i32 to vector<16xi32>
        %shift_right_arithmetic3A_284 = arith.shrsi %get3A_265, %shift_right_arithmetic3A_283 : vector<16xi32>
        %and3A_285 = arith.constant 255 : i32
        %and3A_286 = vector.broadcast %and3A_285 : i32 to vector<16xi32>
        %and3A_287 = arith.andi %shift_right_arithmetic3A_284, %and3A_286 : vector<16xi32>
        %mul3A_288 = arith.constant 2 : i32
        %mul3A_289 = vector.broadcast %mul3A_288 : i32 to vector<16xi32>
        %mul3A_290 = arith.muli %and3A_287, %mul3A_289 : vector<16xi32>
        %add3A_291 = arith.addi %add3A_281, %mul3A_290 : vector<16xi32>
        %shift_right_arithmetic3A_292 = arith.constant 24 : i32
        %shift_right_arithmetic3A_293 = vector.broadcast %shift_right_arithmetic3A_292 : i32 to vector<16xi32>
        %shift_right_arithmetic3A_294 = arith.shrsi %get3A_265, %shift_right_arithmetic3A_293 : vector<16xi32>
        %and3A_295 = arith.constant 255 : i32
        %and3A_296 = vector.broadcast %and3A_295 : i32 to vector<16xi32>
        %and3A_297 = arith.andi %shift_right_arithmetic3A_294, %and3A_296 : vector<16xi32>
        %add3A_298 = arith.addi %add3A_291, %and3A_297 : vector<16xi32>
        %min3A_299 = arith.constant 127 : i32
        %min3A_300 = vector.broadcast %min3A_299 : i32 to vector<16xi32>
        %min3A_301 = arith.minsi %add3A_298, %min3A_300 : vector<16xi32>
        %swap3A_302 = arith.constant 64 : index
        %swap3A_303 = tpu.vector_load %arg8[%swap3A_302] {strides = array<i32>} : memref<400xi32, #tpu.memory_space<vmem>>, vector<16xi32>,
        %swap3A_304 = vector.shape_cast %swap3A_303 : vector<16xi32> to vector<16xi32>
        %swap3A_305 = vector.shape_cast %min3A_301 : vector<16xi32> to vector<16xi32>
        tpu.vector_store %arg8[%swap3A_302], %swap3A_305 {strides = array<i32>} : memref<400xi32, #tpu.memory_space<vmem>>, vector<16xi32>,
        %get3A_306 = arith.constant 80 : index
        %get3A_307 = tpu.vector_load %arg6[%get3A_306] {strides = array<i32>} : memref<400xi32, #tpu.memory_space<vmem>>, vector<16xi32>,
        %get3A_308 = vector.shape_cast %get3A_307 : vector<16xi32> to vector<16xi32>
        %and3A_309 = arith.constant 255 : i32
        %and3A_310 = vector.broadcast %and3A_309 : i32 to vector<16xi32>
        %and3A_311 = arith.andi %get3A_308, %and3A_310 : vector<16xi32>
        %mul3A_312 = arith.constant 24 : i32
        %mul3A_313 = vector.broadcast %mul3A_312 : i32 to vector<16xi32>
        %mul3A_314 = arith.muli %and3A_311, %mul3A_313 : vector<16xi32>
        %shift_right_arithmetic3A_315 = arith.constant 8 : i32
        %shift_right_arithmetic3A_316 = vector.broadcast %shift_right_arithmetic3A_315 : i32 to vector<16xi32>
        %shift_right_arithmetic3A_317 = arith.shrsi %get3A_308, %shift_right_arithmetic3A_316 : vector<16xi32>
        %and3A_318 = arith.constant 255 : i32
        %and3A_319 = vector.broadcast %and3A_318 : i32 to vector<16xi32>
        %and3A_320 = arith.andi %shift_right_arithmetic3A_317, %and3A_319 : vector<16xi32>
        %mul3A_321 = arith.constant 4 : i32
        %mul3A_322 = vector.broadcast %mul3A_321 : i32 to vector<16xi32>
        %mul3A_323 = arith.muli %and3A_320, %mul3A_322 : vector<16xi32>
        %add3A_324 = arith.addi %mul3A_314, %mul3A_323 : vector<16xi32>
        %shift_right_arithmetic3A_325 = arith.constant 16 : i32
        %shift_right_arithmetic3A_326 = vector.broadcast %shift_right_arithmetic3A_325 : i32 to vector<16xi32>
        %shift_right_arithmetic3A_327 = arith.shrsi %get3A_308, %shift_right_arithmetic3A_326 : vector<16xi32>
        %and3A_328 = arith.constant 255 : i32
        %and3A_329 = vector.broadcast %and3A_328 : i32 to vector<16xi32>
        %and3A_330 = arith.andi %shift_right_arithmetic3A_327, %and3A_329 : vector<16xi32>
        %mul3A_331 = arith.constant 2 : i32
        %mul3A_332 = vector.broadcast %mul3A_331 : i32 to vector<16xi32>
        %mul3A_333 = arith.muli %and3A_330, %mul3A_332 : vector<16xi32>
        %add3A_334 = arith.addi %add3A_324, %mul3A_333 : vector<16xi32>
        %shift_right_arithmetic3A_335 = arith.constant 24 : i32
        %shift_right_arithmetic3A_336 = vector.broadcast %shift_right_arithmetic3A_335 : i32 to vector<16xi32>
        %shift_right_arithmetic3A_337 = arith.shrsi %get3A_308, %shift_right_arithmetic3A_336 : vector<16xi32>
        %and3A_338 = arith.constant 255 : i32
        %and3A_339 = vector.broadcast %and3A_338 : i32 to vector<16xi32>
        %and3A_340 = arith.andi %shift_right_arithmetic3A_337, %and3A_339 : vector<16xi32>
        %add3A_341 = arith.addi %add3A_334, %and3A_340 : vector<16xi32>
        %min3A_342 = arith.constant 127 : i32
        %min3A_343 = vector.broadcast %min3A_342 : i32 to vector<16xi32>
        %min3A_344 = arith.minsi %add3A_341, %min3A_343 : vector<16xi32>
        %swap3A_345 = arith.constant 80 : index
        %swap3A_346 = tpu.vector_load %arg8[%swap3A_345] {strides = array<i32>} : memref<400xi32, #tpu.memory_space<vmem>>, vector<16xi32>,
        %swap3A_347 = vector.shape_cast %swap3A_346 : vector<16xi32> to vector<16xi32>
        %swap3A_348 = vector.shape_cast %min3A_344 : vector<16xi32> to vector<16xi32>
        tpu.vector_store %arg8[%swap3A_345], %swap3A_348 {strides = array<i32>} : memref<400xi32, #tpu.memory_space<vmem>>, vector<16xi32>,
        %get3A_349 = arith.constant 96 : index
        %get3A_350 = tpu.vector_load %arg6[%get3A_349] {strides = array<i32>} : memref<400xi32, #tpu.memory_space<vmem>>, vector<16xi32>,
        %get3A_351 = vector.shape_cast %get3A_350 : vector<16xi32> to vector<16xi32>
        %and3A_352 = arith.constant 255 : i32
        %and3A_353 = vector.broadcast %and3A_352 : i32 to vector<16xi32>
        %and3A_354 = arith.andi %get3A_351, %and3A_353 : vector<16xi32>
        %mul3A_355 = arith.constant 24 : i32
        %mul3A_356 = vector.broadcast %mul3A_355 : i32 to vector<16xi32>
        %mul3A_357 = arith.muli %and3A_354, %mul3A_356 : vector<16xi32>
        %shift_right_arithmetic3A_358 = arith.constant 8 : i32
        %shift_right_arithmetic3A_359 = vector.broadcast %shift_right_arithmetic3A_358 : i32 to vector<16xi32>
        %shift_right_arithmetic3A_360 = arith.shrsi %get3A_351, %shift_right_arithmetic3A_359 : vector<16xi32>
        %and3A_361 = arith.constant 255 : i32
        %and3A_362 = vector.broadcast %and3A_361 : i32 to vector<16xi32>
        %and3A_363 = arith.andi %shift_right_arithmetic3A_360, %and3A_362 : vector<16xi32>
        %mul3A_364 = arith.constant 4 : i32
        %mul3A_365 = vector.broadcast %mul3A_364 : i32 to vector<16xi32>
        %mul3A_366 = arith.muli %and3A_363, %mul3A_365 : vector<16xi32>
        %add3A_367 = arith.addi %mul3A_357, %mul3A_366 : vector<16xi32>
        %shift_right_arithmetic3A_368 = arith.constant 16 : i32
        %shift_right_arithmetic3A_369 = vector.broadcast %shift_right_arithmetic3A_368 : i32 to vector<16xi32>
        %shift_right_arithmetic3A_370 = arith.shrsi %get3A_351, %shift_right_arithmetic3A_369 : vector<16xi32>
        %and3A_371 = arith.constant 255 : i32
        %and3A_372 = vector.broadcast %and3A_371 : i32 to vector<16xi32>
        %and3A_373 = arith.andi %shift_right_arithmetic3A_370, %and3A_372 : vector<16xi32>
        %mul3A_374 = arith.constant 2 : i32
        %mul3A_375 = vector.broadcast %mul3A_374 : i32 to vector<16xi32>
        %mul3A_376 = arith.muli %and3A_373, %mul3A_375 : vector<16xi32>
        %add3A_377 = arith.addi %add3A_367, %mul3A_376 : vector<16xi32>
        %shift_right_arithmetic3A_378 = arith.constant 24 : i32
        %shift_right_arithmetic3A_379 = vector.broadcast %shift_right_arithmetic3A_378 : i32 to vector<16xi32>
        %shift_right_arithmetic3A_380 = arith.shrsi %get3A_351, %shift_right_arithmetic3A_379 : vector<16xi32>
        %and3A_381 = arith.constant 255 : i32
        %and3A_382 = vector.broadcast %and3A_381 : i32 to vector<16xi32>
        %and3A_383 = arith.andi %shift_right_arithmetic3A_380, %and3A_382 : vector<16xi32>
        %add3A_384 = arith.addi %add3A_377, %and3A_383 : vector<16xi32>
        %min3A_385 = arith.constant 127 : i32
        %min3A_386 = vector.broadcast %min3A_385 : i32 to vector<16xi32>
        %min3A_387 = arith.minsi %add3A_384, %min3A_386 : vector<16xi32>
        %swap3A_388 = arith.constant 96 : index
        %swap3A_389 = tpu.vector_load %arg8[%swap3A_388] {strides = array<i32>} : memref<400xi32, #tpu.memory_space<vmem>>, vector<16xi32>,
        %swap3A_390 = vector.shape_cast %swap3A_389 : vector<16xi32> to vector<16xi32>
        %swap3A_391 = vector.shape_cast %min3A_387 : vector<16xi32> to vector<16xi32>
        tpu.vector_store %arg8[%swap3A_388], %swap3A_391 {strides = array<i32>} : memref<400xi32, #tpu.memory_space<vmem>>, vector<16xi32>,
        %get3A_392 = arith.constant 112 : index
        %get3A_393 = tpu.vector_load %arg6[%get3A_392] {strides = array<i32>} : memref<400xi32, #tpu.memory_space<vmem>>, vector<16xi32>,
        %get3A_394 = vector.shape_cast %get3A_393 : vector<16xi32> to vector<16xi32>
        %and3A_395 = arith.constant 255 : i32
        %and3A_396 = vector.broadcast %and3A_395 : i32 to vector<16xi32>
        %and3A_397 = arith.andi %get3A_394, %and3A_396 : vector<16xi32>
        %mul3A_398 = arith.constant 24 : i32
        %mul3A_399 = vector.broadcast %mul3A_398 : i32 to vector<16xi32>
        %mul3A_400 = arith.muli %and3A_397, %mul3A_399 : vector<16xi32>
        %shift_right_arithmetic3A_401 = arith.constant 8 : i32
        %shift_right_arithmetic3A_402 = vector.broadcast %shift_right_arithmetic3A_401 : i32 to vector<16xi32>
        %shift_right_arithmetic3A_403 = arith.shrsi %get3A_394, %shift_right_arithmetic3A_402 : vector<16xi32>
        %and3A_404 = arith.constant 255 : i32
        %and3A_405 = vector.broadcast %and3A_404 : i32 to vector<16xi32>
        %and3A_406 = arith.andi %shift_right_arithmetic3A_403, %and3A_405 : vector<16xi32>
        %mul3A_407 = arith.constant 4 : i32
        %mul3A_408 = vector.broadcast %mul3A_407 : i32 to vector<16xi32>
        %mul3A_409 = arith.muli %and3A_406, %mul3A_408 : vector<16xi32>
        %add3A_410 = arith.addi %mul3A_400, %mul3A_409 : vector<16xi32>
        %shift_right_arithmetic3A_411 = arith.constant 16 : i32
        %shift_right_arithmetic3A_412 = vector.broadcast %shift_right_arithmetic3A_411 : i32 to vector<16xi32>
        %shift_right_arithmetic3A_413 = arith.shrsi %get3A_394, %shift_right_arithmetic3A_412 : vector<16xi32>
        %and3A_414 = arith.constant 255 : i32
        %and3A_415 = vector.broadcast %and3A_414 : i32 to vector<16xi32>
        %and3A_416 = arith.andi %shift_right_arithmetic3A_413, %and3A_415 : vector<16xi32>
        %mul3A_417 = arith.constant 2 : i32
        %mul3A_418 = vector.broadcast %mul3A_417 : i32 to vector<16xi32>
        %mul3A_419 = arith.muli %and3A_416, %mul3A_418 : vector<16xi32>
        %add3A_420 = arith.addi %add3A_410, %mul3A_419 : vector<16xi32>
        %shift_right_arithmetic3A_421 = arith.constant 24 : i32
        %shift_right_arithmetic3A_422 = vector.broadcast %shift_right_arithmetic3A_421 : i32 to vector<16xi32>
        %shift_right_arithmetic3A_423 = arith.shrsi %get3A_394, %shift_right_arithmetic3A_422 : vector<16xi32>
        %and3A_424 = arith.constant 255 : i32
        %and3A_425 = vector.broadcast %and3A_424 : i32 to vector<16xi32>
        %and3A_426 = arith.andi %shift_right_arithmetic3A_423, %and3A_425 : vector<16xi32>
        %add3A_427 = arith.addi %add3A_420, %and3A_426 : vector<16xi32>
        %min3A_428 = arith.constant 127 : i32
        %min3A_429 = vector.broadcast %min3A_428 : i32 to vector<16xi32>
        %min3A_430 = arith.minsi %add3A_427, %min3A_429 : vector<16xi32>
        %swap3A_431 = arith.constant 112 : index
        %swap3A_432 = tpu.vector_load %arg8[%swap3A_431] {strides = array<i32>} : memref<400xi32, #tpu.memory_space<vmem>>, vector<16xi32>,
        %swap3A_433 = vector.shape_cast %swap3A_432 : vector<16xi32> to vector<16xi32>
        %swap3A_434 = vector.shape_cast %min3A_430 : vector<16xi32> to vector<16xi32>
        tpu.vector_store %arg8[%swap3A_431], %swap3A_434 {strides = array<i32>} : memref<400xi32, #tpu.memory_space<vmem>>, vector<16xi32>,
        %get3A_435 = arith.constant 128 : index
        %get3A_436 = tpu.vector_load %arg6[%get3A_435] {strides = array<i32>} : memref<400xi32, #tpu.memory_space<vmem>>, vector<16xi32>,
        %get3A_437 = vector.shape_cast %get3A_436 : vector<16xi32> to vector<16xi32>
        %and3A_438 = arith.constant 255 : i32
        %and3A_439 = vector.broadcast %and3A_438 : i32 to vector<16xi32>
        %and3A_440 = arith.andi %get3A_437, %and3A_439 : vector<16xi32>
        %mul3A_441 = arith.constant 24 : i32
        %mul3A_442 = vector.broadcast %mul3A_441 : i32 to vector<16xi32>
        %mul3A_443 = arith.muli %and3A_440, %mul3A_442 : vector<16xi32>
        %shift_right_arithmetic3A_444 = arith.constant 8 : i32
        %shift_right_arithmetic3A_445 = vector.broadcast %shift_right_arithmetic3A_444 : i32 to vector<16xi32>
        %shift_right_arithmetic3A_446 = arith.shrsi %get3A_437, %shift_right_arithmetic3A_445 : vector<16xi32>
        %and3A_447 = arith.constant 255 : i32
        %and3A_448 = vector.broadcast %and3A_447 : i32 to vector<16xi32>
        %and3A_449 = arith.andi %shift_right_arithmetic3A_446, %and3A_448 : vector<16xi32>
        %mul3A_450 = arith.constant 4 : i32
        %mul3A_451 = vector.broadcast %mul3A_450 : i32 to vector<16xi32>
        %mul3A_452 = arith.muli %and3A_449, %mul3A_451 : vector<16xi32>
        %add3A_453 = arith.addi %mul3A_443, %mul3A_452 : vector<16xi32>
        %shift_right_arithmetic3A_454 = arith.constant 16 : i32
        %shift_right_arithmetic3A_455 = vector.broadcast %shift_right_arithmetic3A_454 : i32 to vector<16xi32>
        %shift_right_arithmetic3A_456 = arith.shrsi %get3A_437, %shift_right_arithmetic3A_455 : vector<16xi32>
        %and3A_457 = arith.constant 255 : i32
        %and3A_458 = vector.broadcast %and3A_457 : i32 to vector<16xi32>
        %and3A_459 = arith.andi %shift_right_arithmetic3A_456, %and3A_458 : vector<16xi32>
        %mul3A_460 = arith.constant 2 : i32
        %mul3A_461 = vector.broadcast %mul3A_460 : i32 to vector<16xi32>
        %mul3A_462 = arith.muli %and3A_459, %mul3A_461 : vector<16xi32>
        %add3A_463 = arith.addi %add3A_453, %mul3A_462 : vector<16xi32>
        %shift_right_arithmetic3A_464 = arith.constant 24 : i32
        %shift_right_arithmetic3A_465 = vector.broadcast %shift_right_arithmetic3A_464 : i32 to vector<16xi32>
        %shift_right_arithmetic3A_466 = arith.shrsi %get3A_437, %shift_right_arithmetic3A_465 : vector<16xi32>
        %and3A_467 = arith.constant 255 : i32
        %and3A_468 = vector.broadcast %and3A_467 : i32 to vector<16xi32>
        %and3A_469 = arith.andi %shift_right_arithmetic3A_466, %and3A_468 : vector<16xi32>
        %add3A_470 = arith.addi %add3A_463, %and3A_469 : vector<16xi32>
        %min3A_471 = arith.constant 127 : i32
        %min3A_472 = vector.broadcast %min3A_471 : i32 to vector<16xi32>
        %min3A_473 = arith.minsi %add3A_470, %min3A_472 : vector<16xi32>
        %swap3A_474 = arith.constant 128 : index
        %swap3A_475 = tpu.vector_load %arg8[%swap3A_474] {strides = array<i32>} : memref<400xi32, #tpu.memory_space<vmem>>, vector<16xi32>,
        %swap3A_476 = vector.shape_cast %swap3A_475 : vector<16xi32> to vector<16xi32>
        %swap3A_477 = vector.shape_cast %min3A_473 : vector<16xi32> to vector<16xi32>
        tpu.vector_store %arg8[%swap3A_474], %swap3A_477 {strides = array<i32>} : memref<400xi32, #tpu.memory_space<vmem>>, vector<16xi32>,
        %get3A_478 = arith.constant 144 : index
        %get3A_479 = tpu.vector_load %arg6[%get3A_478] {strides = array<i32>} : memref<400xi32, #tpu.memory_space<vmem>>, vector<16xi32>,
        %get3A_480 = vector.shape_cast %get3A_479 : vector<16xi32> to vector<16xi32>
        %and3A_481 = arith.constant 255 : i32
        %and3A_482 = vector.broadcast %and3A_481 : i32 to vector<16xi32>
        %and3A_483 = arith.andi %get3A_480, %and3A_482 : vector<16xi32>
        %mul3A_484 = arith.constant 24 : i32
        %mul3A_485 = vector.broadcast %mul3A_484 : i32 to vector<16xi32>
        %mul3A_486 = arith.muli %and3A_483, %mul3A_485 : vector<16xi32>
        %shift_right_arithmetic3A_487 = arith.constant 8 : i32
        %shift_right_arithmetic3A_488 = vector.broadcast %shift_right_arithmetic3A_487 : i32 to vector<16xi32>
        %shift_right_arithmetic3A_489 = arith.shrsi %get3A_480, %shift_right_arithmetic3A_488 : vector<16xi32>
        %and3A_490 = arith.constant 255 : i32
        %and3A_491 = vector.broadcast %and3A_490 : i32 to vector<16xi32>
        %and3A_492 = arith.andi %shift_right_arithmetic3A_489, %and3A_491 : vector<16xi32>
        %mul3A_493 = arith.constant 4 : i32
        %mul3A_494 = vector.broadcast %mul3A_493 : i32 to vector<16xi32>
        %mul3A_495 = arith.muli %and3A_492, %mul3A_494 : vector<16xi32>
        %add3A_496 = arith.addi %mul3A_486, %mul3A_495 : vector<16xi32>
        %shift_right_arithmetic3A_497 = arith.constant 16 : i32
        %shift_right_arithmetic3A_498 = vector.broadcast %shift_right_arithmetic3A_497 : i32 to vector<16xi32>
        %shift_right_arithmetic3A_499 = arith.shrsi %get3A_480, %shift_right_arithmetic3A_498 : vector<16xi32>
        %and3A_500 = arith.constant 255 : i32
        %and3A_501 = vector.broadcast %and3A_500 : i32 to vector<16xi32>
        %and3A_502 = arith.andi %shift_right_arithmetic3A_499, %and3A_501 : vector<16xi32>
        %mul3A_503 = arith.constant 2 : i32
        %mul3A_504 = vector.broadcast %mul3A_503 : i32 to vector<16xi32>
        %mul3A_505 = arith.muli %and3A_502, %mul3A_504 : vector<16xi32>
        %add3A_506 = arith.addi %add3A_496, %mul3A_505 : vector<16xi32>
        %shift_right_arithmetic3A_507 = arith.constant 24 : i32
        %shift_right_arithmetic3A_508 = vector.broadcast %shift_right_arithmetic3A_507 : i32 to vector<16xi32>
        %shift_right_arithmetic3A_509 = arith.shrsi %get3A_480, %shift_right_arithmetic3A_508 : vector<16xi32>
        %and3A_510 = arith.constant 255 : i32
        %and3A_511 = vector.broadcast %and3A_510 : i32 to vector<16xi32>
        %and3A_512 = arith.andi %shift_right_arithmetic3A_509, %and3A_511 : vector<16xi32>
        %add3A_513 = arith.addi %add3A_506, %and3A_512 : vector<16xi32>
        %min3A_514 = arith.constant 127 : i32
        %min3A_515 = vector.broadcast %min3A_514 : i32 to vector<16xi32>
        %min3A_516 = arith.minsi %add3A_513, %min3A_515 : vector<16xi32>
        %swap3A_517 = arith.constant 144 : index
        %swap3A_518 = tpu.vector_load %arg8[%swap3A_517] {strides = array<i32>} : memref<400xi32, #tpu.memory_space<vmem>>, vector<16xi32>,
        %swap3A_519 = vector.shape_cast %swap3A_518 : vector<16xi32> to vector<16xi32>
        %swap3A_520 = vector.shape_cast %min3A_516 : vector<16xi32> to vector<16xi32>
        tpu.vector_store %arg8[%swap3A_517], %swap3A_520 {strides = array<i32>} : memref<400xi32, #tpu.memory_space<vmem>>, vector<16xi32>,
        %get3A_521 = arith.constant 160 : index
        %get3A_522 = tpu.vector_load %arg6[%get3A_521] {strides = array<i32>} : memref<400xi32, #tpu.memory_space<vmem>>, vector<16xi32>,
        %get3A_523 = vector.shape_cast %get3A_522 : vector<16xi32> to vector<16xi32>
        %and3A_524 = arith.constant 255 : i32
        %and3A_525 = vector.broadcast %and3A_524 : i32 to vector<16xi32>
        %and3A_526 = arith.andi %get3A_523, %and3A_525 : vector<16xi32>
        %mul3A_527 = arith.constant 24 : i32
        %mul3A_528 = vector.broadcast %mul3A_527 : i32 to vector<16xi32>
        %mul3A_529 = arith.muli %and3A_526, %mul3A_528 : vector<16xi32>
        %shift_right_arithmetic3A_530 = arith.constant 8 : i32
        %shift_right_arithmetic3A_531 = vector.broadcast %shift_right_arithmetic3A_530 : i32 to vector<16xi32>
        %shift_right_arithmetic3A_532 = arith.shrsi %get3A_523, %shift_right_arithmetic3A_531 : vector<16xi32>
        %and3A_533 = arith.constant 255 : i32
        %and3A_534 = vector.broadcast %and3A_533 : i32 to vector<16xi32>
        %and3A_535 = arith.andi %shift_right_arithmetic3A_532, %and3A_534 : vector<16xi32>
        %mul3A_536 = arith.constant 4 : i32
        %mul3A_537 = vector.broadcast %mul3A_536 : i32 to vector<16xi32>
        %mul3A_538 = arith.muli %and3A_535, %mul3A_537 : vector<16xi32>
        %add3A_539 = arith.addi %mul3A_529, %mul3A_538 : vector<16xi32>
        %shift_right_arithmetic3A_540 = arith.constant 16 : i32
        %shift_right_arithmetic3A_541 = vector.broadcast %shift_right_arithmetic3A_540 : i32 to vector<16xi32>
        %shift_right_arithmetic3A_542 = arith.shrsi %get3A_523, %shift_right_arithmetic3A_541 : vector<16xi32>
        %and3A_543 = arith.constant 255 : i32
        %and3A_544 = vector.broadcast %and3A_543 : i32 to vector<16xi32>
        %and3A_545 = arith.andi %shift_right_arithmetic3A_542, %and3A_544 : vector<16xi32>
        %mul3A_546 = arith.constant 2 : i32
        %mul3A_547 = vector.broadcast %mul3A_546 : i32 to vector<16xi32>
        %mul3A_548 = arith.muli %and3A_545, %mul3A_547 : vector<16xi32>
        %add3A_549 = arith.addi %add3A_539, %mul3A_548 : vector<16xi32>
        %shift_right_arithmetic3A_550 = arith.constant 24 : i32
        %shift_right_arithmetic3A_551 = vector.broadcast %shift_right_arithmetic3A_550 : i32 to vector<16xi32>
        %shift_right_arithmetic3A_552 = arith.shrsi %get3A_523, %shift_right_arithmetic3A_551 : vector<16xi32>
        %and3A_553 = arith.constant 255 : i32
        %and3A_554 = vector.broadcast %and3A_553 : i32 to vector<16xi32>
        %and3A_555 = arith.andi %shift_right_arithmetic3A_552, %and3A_554 : vector<16xi32>
        %add3A_556 = arith.addi %add3A_549, %and3A_555 : vector<16xi32>
        %min3A_557 = arith.constant 127 : i32
        %min3A_558 = vector.broadcast %min3A_557 : i32 to vector<16xi32>
        %min3A_559 = arith.minsi %add3A_556, %min3A_558 : vector<16xi32>
        %swap3A_560 = arith.constant 160 : index
        %swap3A_561 = tpu.vector_load %arg8[%swap3A_560] {strides = array<i32>} : memref<400xi32, #tpu.memory_space<vmem>>, vector<16xi32>,
        %swap3A_562 = vector.shape_cast %swap3A_561 : vector<16xi32> to vector<16xi32>
        %swap3A_563 = vector.shape_cast %min3A_559 : vector<16xi32> to vector<16xi32>
        tpu.vector_store %arg8[%swap3A_560], %swap3A_563 {strides = array<i32>} : memref<400xi32, #tpu.memory_space<vmem>>, vector<16xi32>,
        %get3A_564 = arith.constant 176 : index
        %get3A_565 = tpu.vector_load %arg6[%get3A_564] {strides = array<i32>} : memref<400xi32, #tpu.memory_space<vmem>>, vector<16xi32>,
        %get3A_566 = vector.shape_cast %get3A_565 : vector<16xi32> to vector<16xi32>
        %and3A_567 = arith.constant 255 : i32
        %and3A_568 = vector.broadcast %and3A_567 : i32 to vector<16xi32>
        %and3A_569 = arith.andi %get3A_566, %and3A_568 : vector<16xi32>
        %mul3A_570 = arith.constant 24 : i32
        %mul3A_571 = vector.broadcast %mul3A_570 : i32 to vector<16xi32>
        %mul3A_572 = arith.muli %and3A_569, %mul3A_571 : vector<16xi32>
        %shift_right_arithmetic3A_573 = arith.constant 8 : i32
        %shift_right_arithmetic3A_574 = vector.broadcast %shift_right_arithmetic3A_573 : i32 to vector<16xi32>
        %shift_right_arithmetic3A_575 = arith.shrsi %get3A_566, %shift_right_arithmetic3A_574 : vector<16xi32>
        %and3A_576 = arith.constant 255 : i32
        %and3A_577 = vector.broadcast %and3A_576 : i32 to vector<16xi32>
        %and3A_578 = arith.andi %shift_right_arithmetic3A_575, %and3A_577 : vector<16xi32>
        %mul3A_579 = arith.constant 4 : i32
        %mul3A_580 = vector.broadcast %mul3A_579 : i32 to vector<16xi32>
        %mul3A_581 = arith.muli %and3A_578, %mul3A_580 : vector<16xi32>
        %add3A_582 = arith.addi %mul3A_572, %mul3A_581 : vector<16xi32>
        %shift_right_arithmetic3A_583 = arith.constant 16 : i32
        %shift_right_arithmetic3A_584 = vector.broadcast %shift_right_arithmetic3A_583 : i32 to vector<16xi32>
        %shift_right_arithmetic3A_585 = arith.shrsi %get3A_566, %shift_right_arithmetic3A_584 : vector<16xi32>
        %and3A_586 = arith.constant 255 : i32
        %and3A_587 = vector.broadcast %and3A_586 : i32 to vector<16xi32>
        %and3A_588 = arith.andi %shift_right_arithmetic3A_585, %and3A_587 : vector<16xi32>
        %mul3A_589 = arith.constant 2 : i32
        %mul3A_590 = vector.broadcast %mul3A_589 : i32 to vector<16xi32>
        %mul3A_591 = arith.muli %and3A_588, %mul3A_590 : vector<16xi32>
        %add3A_592 = arith.addi %add3A_582, %mul3A_591 : vector<16xi32>
        %shift_right_arithmetic3A_593 = arith.constant 24 : i32
        %shift_right_arithmetic3A_594 = vector.broadcast %shift_right_arithmetic3A_593 : i32 to vector<16xi32>
        %shift_right_arithmetic3A_595 = arith.shrsi %get3A_566, %shift_right_arithmetic3A_594 : vector<16xi32>
        %and3A_596 = arith.constant 255 : i32
        %and3A_597 = vector.broadcast %and3A_596 : i32 to vector<16xi32>
        %and3A_598 = arith.andi %shift_right_arithmetic3A_595, %and3A_597 : vector<16xi32>
        %add3A_599 = arith.addi %add3A_592, %and3A_598 : vector<16xi32>
        %min3A_600 = arith.constant 127 : i32
        %min3A_601 = vector.broadcast %min3A_600 : i32 to vector<16xi32>
        %min3A_602 = arith.minsi %add3A_599, %min3A_601 : vector<16xi32>
        %swap3A_603 = arith.constant 176 : index
        %swap3A_604 = tpu.vector_load %arg8[%swap3A_603] {strides = array<i32>} : memref<400xi32, #tpu.memory_space<vmem>>, vector<16xi32>,
        %swap3A_605 = vector.shape_cast %swap3A_604 : vector<16xi32> to vector<16xi32>
        %swap3A_606 = vector.shape_cast %min3A_602 : vector<16xi32> to vector<16xi32>
        tpu.vector_store %arg8[%swap3A_603], %swap3A_606 {strides = array<i32>} : memref<400xi32, #tpu.memory_space<vmem>>, vector<16xi32>,
        %get3A_607 = arith.constant 192 : index
        %get3A_608 = tpu.vector_load %arg6[%get3A_607] {strides = array<i32>} : memref<400xi32, #tpu.memory_space<vmem>>, vector<16xi32>,
        %get3A_609 = vector.shape_cast %get3A_608 : vector<16xi32> to vector<16xi32>
        %and3A_610 = arith.constant 255 : i32
        %and3A_611 = vector.broadcast %and3A_610 : i32 to vector<16xi32>
        %and3A_612 = arith.andi %get3A_609, %and3A_611 : vector<16xi32>
        %mul3A_613 = arith.constant 24 : i32
        %mul3A_614 = vector.broadcast %mul3A_613 : i32 to vector<16xi32>
        %mul3A_615 = arith.muli %and3A_612, %mul3A_614 : vector<16xi32>
        %shift_right_arithmetic3A_616 = arith.constant 8 : i32
        %shift_right_arithmetic3A_617 = vector.broadcast %shift_right_arithmetic3A_616 : i32 to vector<16xi32>
        %shift_right_arithmetic3A_618 = arith.shrsi %get3A_609, %shift_right_arithmetic3A_617 : vector<16xi32>
        %and3A_619 = arith.constant 255 : i32
        %and3A_620 = vector.broadcast %and3A_619 : i32 to vector<16xi32>
        %and3A_621 = arith.andi %shift_right_arithmetic3A_618, %and3A_620 : vector<16xi32>
        %mul3A_622 = arith.constant 4 : i32
        %mul3A_623 = vector.broadcast %mul3A_622 : i32 to vector<16xi32>
        %mul3A_624 = arith.muli %and3A_621, %mul3A_623 : vector<16xi32>
        %add3A_625 = arith.addi %mul3A_615, %mul3A_624 : vector<16xi32>
        %shift_right_arithmetic3A_626 = arith.constant 16 : i32
        %shift_right_arithmetic3A_627 = vector.broadcast %shift_right_arithmetic3A_626 : i32 to vector<16xi32>
        %shift_right_arithmetic3A_628 = arith.shrsi %get3A_609, %shift_right_arithmetic3A_627 : vector<16xi32>
        %and3A_629 = arith.constant 255 : i32
        %and3A_630 = vector.broadcast %and3A_629 : i32 to vector<16xi32>
        %and3A_631 = arith.andi %shift_right_arithmetic3A_628, %and3A_630 : vector<16xi32>
        %mul3A_632 = arith.constant 2 : i32
        %mul3A_633 = vector.broadcast %mul3A_632 : i32 to vector<16xi32>
        %mul3A_634 = arith.muli %and3A_631, %mul3A_633 : vector<16xi32>
        %add3A_635 = arith.addi %add3A_625, %mul3A_634 : vector<16xi32>
        %shift_right_arithmetic3A_636 = arith.constant 24 : i32
        %shift_right_arithmetic3A_637 = vector.broadcast %shift_right_arithmetic3A_636 : i32 to vector<16xi32>
        %shift_right_arithmetic3A_638 = arith.shrsi %get3A_609, %shift_right_arithmetic3A_637 : vector<16xi32>
        %and3A_639 = arith.constant 255 : i32
        %and3A_640 = vector.broadcast %and3A_639 : i32 to vector<16xi32>
        %and3A_641 = arith.andi %shift_right_arithmetic3A_638, %and3A_640 : vector<16xi32>
        %add3A_642 = arith.addi %add3A_635, %and3A_641 : vector<16xi32>
        %min3A_643 = arith.constant 127 : i32
        %min3A_644 = vector.broadcast %min3A_643 : i32 to vector<16xi32>
        %min3A_645 = arith.minsi %add3A_642, %min3A_644 : vector<16xi32>
        %swap3A_646 = arith.constant 192 : index
        %swap3A_647 = tpu.vector_load %arg8[%swap3A_646] {strides = array<i32>} : memref<400xi32, #tpu.memory_space<vmem>>, vector<16xi32>,
        %swap3A_648 = vector.shape_cast %swap3A_647 : vector<16xi32> to vector<16xi32>
        %swap3A_649 = vector.shape_cast %min3A_645 : vector<16xi32> to vector<16xi32>
        tpu.vector_store %arg8[%swap3A_646], %swap3A_649 {strides = array<i32>} : memref<400xi32, #tpu.memory_space<vmem>>, vector<16xi32>,
        %get3A_650 = arith.constant 208 : index
        %get3A_651 = tpu.vector_load %arg6[%get3A_650] {strides = array<i32>} : memref<400xi32, #tpu.memory_space<vmem>>, vector<16xi32>,
        %get3A_652 = vector.shape_cast %get3A_651 : vector<16xi32> to vector<16xi32>
        %and3A_653 = arith.constant 255 : i32
        %and3A_654 = vector.broadcast %and3A_653 : i32 to vector<16xi32>
        %and3A_655 = arith.andi %get3A_652, %and3A_654 : vector<16xi32>
        %mul3A_656 = arith.constant 24 : i32
        %mul3A_657 = vector.broadcast %mul3A_656 : i32 to vector<16xi32>
        %mul3A_658 = arith.muli %and3A_655, %mul3A_657 : vector<16xi32>
        %shift_right_arithmetic3A_659 = arith.constant 8 : i32
        %shift_right_arithmetic3A_660 = vector.broadcast %shift_right_arithmetic3A_659 : i32 to vector<16xi32>
        %shift_right_arithmetic3A_661 = arith.shrsi %get3A_652, %shift_right_arithmetic3A_660 : vector<16xi32>
        %and3A_662 = arith.constant 255 : i32
        %and3A_663 = vector.broadcast %and3A_662 : i32 to vector<16xi32>
        %and3A_664 = arith.andi %shift_right_arithmetic3A_661, %and3A_663 : vector<16xi32>
        %mul3A_665 = arith.constant 4 : i32
        %mul3A_666 = vector.broadcast %mul3A_665 : i32 to vector<16xi32>
        %mul3A_667 = arith.muli %and3A_664, %mul3A_666 : vector<16xi32>
        %add3A_668 = arith.addi %mul3A_658, %mul3A_667 : vector<16xi32>
        %shift_right_arithmetic3A_669 = arith.constant 16 : i32
        %shift_right_arithmetic3A_670 = vector.broadcast %shift_right_arithmetic3A_669 : i32 to vector<16xi32>
        %shift_right_arithmetic3A_671 = arith.shrsi %get3A_652, %shift_right_arithmetic3A_670 : vector<16xi32>
        %and3A_672 = arith.constant 255 : i32
        %and3A_673 = vector.broadcast %and3A_672 : i32 to vector<16xi32>
        %and3A_674 = arith.andi %shift_right_arithmetic3A_671, %and3A_673 : vector<16xi32>
        %mul3A_675 = arith.constant 2 : i32
        %mul3A_676 = vector.broadcast %mul3A_675 : i32 to vector<16xi32>
        %mul3A_677 = arith.muli %and3A_674, %mul3A_676 : vector<16xi32>
        %add3A_678 = arith.addi %add3A_668, %mul3A_677 : vector<16xi32>
        %shift_right_arithmetic3A_679 = arith.constant 24 : i32
        %shift_right_arithmetic3A_680 = vector.broadcast %shift_right_arithmetic3A_679 : i32 to vector<16xi32>
        %shift_right_arithmetic3A_681 = arith.shrsi %get3A_652, %shift_right_arithmetic3A_680 : vector<16xi32>
        %and3A_682 = arith.constant 255 : i32
        %and3A_683 = vector.broadcast %and3A_682 : i32 to vector<16xi32>
        %and3A_684 = arith.andi %shift_right_arithmetic3A_681, %and3A_683 : vector<16xi32>
        %add3A_685 = arith.addi %add3A_678, %and3A_684 : vector<16xi32>
        %min3A_686 = arith.constant 127 : i32
        %min3A_687 = vector.broadcast %min3A_686 : i32 to vector<16xi32>
        %min3A_688 = arith.minsi %add3A_685, %min3A_687 : vector<16xi32>
        %swap3A_689 = arith.constant 208 : index
        %swap3A_690 = tpu.vector_load %arg8[%swap3A_689] {strides = array<i32>} : memref<400xi32, #tpu.memory_space<vmem>>, vector<16xi32>,
        %swap3A_691 = vector.shape_cast %swap3A_690 : vector<16xi32> to vector<16xi32>
        %swap3A_692 = vector.shape_cast %min3A_688 : vector<16xi32> to vector<16xi32>
        tpu.vector_store %arg8[%swap3A_689], %swap3A_692 {strides = array<i32>} : memref<400xi32, #tpu.memory_space<vmem>>, vector<16xi32>,
        %get3A_693 = arith.constant 224 : index
        %get3A_694 = tpu.vector_load %arg6[%get3A_693] {strides = array<i32>} : memref<400xi32, #tpu.memory_space<vmem>>, vector<16xi32>,
        %get3A_695 = vector.shape_cast %get3A_694 : vector<16xi32> to vector<16xi32>
        %and3A_696 = arith.constant 255 : i32
        %and3A_697 = vector.broadcast %and3A_696 : i32 to vector<16xi32>
        %and3A_698 = arith.andi %get3A_695, %and3A_697 : vector<16xi32>
        %mul3A_699 = arith.constant 24 : i32
        %mul3A_700 = vector.broadcast %mul3A_699 : i32 to vector<16xi32>
        %mul3A_701 = arith.muli %and3A_698, %mul3A_700 : vector<16xi32>
        %shift_right_arithmetic3A_702 = arith.constant 8 : i32
        %shift_right_arithmetic3A_703 = vector.broadcast %shift_right_arithmetic3A_702 : i32 to vector<16xi32>
        %shift_right_arithmetic3A_704 = arith.shrsi %get3A_695, %shift_right_arithmetic3A_703 : vector<16xi32>
        %and3A_705 = arith.constant 255 : i32
        %and3A_706 = vector.broadcast %and3A_705 : i32 to vector<16xi32>
        %and3A_707 = arith.andi %shift_right_arithmetic3A_704, %and3A_706 : vector<16xi32>
        %mul3A_708 = arith.constant 4 : i32
        %mul3A_709 = vector.broadcast %mul3A_708 : i32 to vector<16xi32>
        %mul3A_710 = arith.muli %and3A_707, %mul3A_709 : vector<16xi32>
        %add3A_711 = arith.addi %mul3A_701, %mul3A_710 : vector<16xi32>
        %shift_right_arithmetic3A_712 = arith.constant 16 : i32
        %shift_right_arithmetic3A_713 = vector.broadcast %shift_right_arithmetic3A_712 : i32 to vector<16xi32>
        %shift_right_arithmetic3A_714 = arith.shrsi %get3A_695, %shift_right_arithmetic3A_713 : vector<16xi32>
        %and3A_715 = arith.constant 255 : i32
        %and3A_716 = vector.broadcast %and3A_715 : i32 to vector<16xi32>
        %and3A_717 = arith.andi %shift_right_arithmetic3A_714, %and3A_716 : vector<16xi32>
        %mul3A_718 = arith.constant 2 : i32
        %mul3A_719 = vector.broadcast %mul3A_718 : i32 to vector<16xi32>
        %mul3A_720 = arith.muli %and3A_717, %mul3A_719 : vector<16xi32>
        %add3A_721 = arith.addi %add3A_711, %mul3A_720 : vector<16xi32>
        %shift_right_arithmetic3A_722 = arith.constant 24 : i32
        %shift_right_arithmetic3A_723 = vector.broadcast %shift_right_arithmetic3A_722 : i32 to vector<16xi32>
        %shift_right_arithmetic3A_724 = arith.shrsi %get3A_695, %shift_right_arithmetic3A_723 : vector<16xi32>
        %and3A_725 = arith.constant 255 : i32
        %and3A_726 = vector.broadcast %and3A_725 : i32 to vector<16xi32>
        %and3A_727 = arith.andi %shift_right_arithmetic3A_724, %and3A_726 : vector<16xi32>
        %add3A_728 = arith.addi %add3A_721, %and3A_727 : vector<16xi32>
        %min3A_729 = arith.constant 127 : i32
        %min3A_730 = vector.broadcast %min3A_729 : i32 to vector<16xi32>
        %min3A_731 = arith.minsi %add3A_728, %min3A_730 : vector<16xi32>
        %swap3A_732 = arith.constant 224 : index
        %swap3A_733 = tpu.vector_load %arg8[%swap3A_732] {strides = array<i32>} : memref<400xi32, #tpu.memory_space<vmem>>, vector<16xi32>,
        %swap3A_734 = vector.shape_cast %swap3A_733 : vector<16xi32> to vector<16xi32>
        %swap3A_735 = vector.shape_cast %min3A_731 : vector<16xi32> to vector<16xi32>
        tpu.vector_store %arg8[%swap3A_732], %swap3A_735 {strides = array<i32>} : memref<400xi32, #tpu.memory_space<vmem>>, vector<16xi32>,
        %get3A_736 = arith.constant 240 : index
        %get3A_737 = tpu.vector_load %arg6[%get3A_736] {strides = array<i32>} : memref<400xi32, #tpu.memory_space<vmem>>, vector<16xi32>,
        %get3A_738 = vector.shape_cast %get3A_737 : vector<16xi32> to vector<16xi32>
        %and3A_739 = arith.constant 255 : i32
        %and3A_740 = vector.broadcast %and3A_739 : i32 to vector<16xi32>
        %and3A_741 = arith.andi %get3A_738, %and3A_740 : vector<16xi32>
        %mul3A_742 = arith.constant 24 : i32
        %mul3A_743 = vector.broadcast %mul3A_742 : i32 to vector<16xi32>
        %mul3A_744 = arith.muli %and3A_741, %mul3A_743 : vector<16xi32>
        %shift_right_arithmetic3A_745 = arith.constant 8 : i32
        %shift_right_arithmetic3A_746 = vector.broadcast %shift_right_arithmetic3A_745 : i32 to vector<16xi32>
        %shift_right_arithmetic3A_747 = arith.shrsi %get3A_738, %shift_right_arithmetic3A_746 : vector<16xi32>
        %and3A_748 = arith.constant 255 : i32
        %and3A_749 = vector.broadcast %and3A_748 : i32 to vector<16xi32>
        %and3A_750 = arith.andi %shift_right_arithmetic3A_747, %and3A_749 : vector<16xi32>
        %mul3A_751 = arith.constant 4 : i32
        %mul3A_752 = vector.broadcast %mul3A_751 : i32 to vector<16xi32>
        %mul3A_753 = arith.muli %and3A_750, %mul3A_752 : vector<16xi32>
        %add3A_754 = arith.addi %mul3A_744, %mul3A_753 : vector<16xi32>
        %shift_right_arithmetic3A_755 = arith.constant 16 : i32
        %shift_right_arithmetic3A_756 = vector.broadcast %shift_right_arithmetic3A_755 : i32 to vector<16xi32>
        %shift_right_arithmetic3A_757 = arith.shrsi %get3A_738, %shift_right_arithmetic3A_756 : vector<16xi32>
        %and3A_758 = arith.constant 255 : i32
        %and3A_759 = vector.broadcast %and3A_758 : i32 to vector<16xi32>
        %and3A_760 = arith.andi %shift_right_arithmetic3A_757, %and3A_759 : vector<16xi32>
        %mul3A_761 = arith.constant 2 : i32
        %mul3A_762 = vector.broadcast %mul3A_761 : i32 to vector<16xi32>
        %mul3A_763 = arith.muli %and3A_760, %mul3A_762 : vector<16xi32>
        %add3A_764 = arith.addi %add3A_754, %mul3A_763 : vector<16xi32>
        %shift_right_arithmetic3A_765 = arith.constant 24 : i32
        %shift_right_arithmetic3A_766 = vector.broadcast %shift_right_arithmetic3A_765 : i32 to vector<16xi32>
        %shift_right_arithmetic3A_767 = arith.shrsi %get3A_738, %shift_right_arithmetic3A_766 : vector<16xi32>
        %and3A_768 = arith.constant 255 : i32
        %and3A_769 = vector.broadcast %and3A_768 : i32 to vector<16xi32>
        %and3A_770 = arith.andi %shift_right_arithmetic3A_767, %and3A_769 : vector<16xi32>
        %add3A_771 = arith.addi %add3A_764, %and3A_770 : vector<16xi32>
        %min3A_772 = arith.constant 127 : i32
        %min3A_773 = vector.broadcast %min3A_772 : i32 to vector<16xi32>
        %min3A_774 = arith.minsi %add3A_771, %min3A_773 : vector<16xi32>
        %swap3A_775 = arith.constant 240 : index
        %swap3A_776 = tpu.vector_load %arg8[%swap3A_775] {strides = array<i32>} : memref<400xi32, #tpu.memory_space<vmem>>, vector<16xi32>,
        %swap3A_777 = vector.shape_cast %swap3A_776 : vector<16xi32> to vector<16xi32>
        %swap3A_778 = vector.shape_cast %min3A_774 : vector<16xi32> to vector<16xi32>
        tpu.vector_store %arg8[%swap3A_775], %swap3A_778 {strides = array<i32>} : memref<400xi32, #tpu.memory_space<vmem>>, vector<16xi32>,
        %get3A_779 = arith.constant 256 : index
        %get3A_780 = tpu.vector_load %arg6[%get3A_779] {strides = array<i32>} : memref<400xi32, #tpu.memory_space<vmem>>, vector<16xi32>,
        %get3A_781 = vector.shape_cast %get3A_780 : vector<16xi32> to vector<16xi32>
        %and3A_782 = arith.constant 255 : i32
        %and3A_783 = vector.broadcast %and3A_782 : i32 to vector<16xi32>
        %and3A_784 = arith.andi %get3A_781, %and3A_783 : vector<16xi32>
        %mul3A_785 = arith.constant 24 : i32
        %mul3A_786 = vector.broadcast %mul3A_785 : i32 to vector<16xi32>
        %mul3A_787 = arith.muli %and3A_784, %mul3A_786 : vector<16xi32>
        %shift_right_arithmetic3A_788 = arith.constant 8 : i32
        %shift_right_arithmetic3A_789 = vector.broadcast %shift_right_arithmetic3A_788 : i32 to vector<16xi32>
        %shift_right_arithmetic3A_790 = arith.shrsi %get3A_781, %shift_right_arithmetic3A_789 : vector<16xi32>
        %and3A_791 = arith.constant 255 : i32
        %and3A_792 = vector.broadcast %and3A_791 : i32 to vector<16xi32>
        %and3A_793 = arith.andi %shift_right_arithmetic3A_790, %and3A_792 : vector<16xi32>
        %mul3A_794 = arith.constant 4 : i32
        %mul3A_795 = vector.broadcast %mul3A_794 : i32 to vector<16xi32>
        %mul3A_796 = arith.muli %and3A_793, %mul3A_795 : vector<16xi32>
        %add3A_797 = arith.addi %mul3A_787, %mul3A_796 : vector<16xi32>
        %shift_right_arithmetic3A_798 = arith.constant 16 : i32
        %shift_right_arithmetic3A_799 = vector.broadcast %shift_right_arithmetic3A_798 : i32 to vector<16xi32>
        %shift_right_arithmetic3A_800 = arith.shrsi %get3A_781, %shift_right_arithmetic3A_799 : vector<16xi32>
        %and3A_801 = arith.constant 255 : i32
        %and3A_802 = vector.broadcast %and3A_801 : i32 to vector<16xi32>
        %and3A_803 = arith.andi %shift_right_arithmetic3A_800, %and3A_802 : vector<16xi32>
        %mul3A_804 = arith.constant 2 : i32
        %mul3A_805 = vector.broadcast %mul3A_804 : i32 to vector<16xi32>
        %mul3A_806 = arith.muli %and3A_803, %mul3A_805 : vector<16xi32>
        %add3A_807 = arith.addi %add3A_797, %mul3A_806 : vector<16xi32>
        %shift_right_arithmetic3A_808 = arith.constant 24 : i32
        %shift_right_arithmetic3A_809 = vector.broadcast %shift_right_arithmetic3A_808 : i32 to vector<16xi32>
        %shift_right_arithmetic3A_810 = arith.shrsi %get3A_781, %shift_right_arithmetic3A_809 : vector<16xi32>
        %and3A_811 = arith.constant 255 : i32
        %and3A_812 = vector.broadcast %and3A_811 : i32 to vector<16xi32>
        %and3A_813 = arith.andi %shift_right_arithmetic3A_810, %and3A_812 : vector<16xi32>
        %add3A_814 = arith.addi %add3A_807, %and3A_813 : vector<16xi32>
        %min3A_815 = arith.constant 127 : i32
        %min3A_816 = vector.broadcast %min3A_815 : i32 to vector<16xi32>
        %min3A_817 = arith.minsi %add3A_814, %min3A_816 : vector<16xi32>
        %swap3A_818 = arith.constant 256 : index
        %swap3A_819 = tpu.vector_load %arg8[%swap3A_818] {strides = array<i32>} : memref<400xi32, #tpu.memory_space<vmem>>, vector<16xi32>,
        %swap3A_820 = vector.shape_cast %swap3A_819 : vector<16xi32> to vector<16xi32>
        %swap3A_821 = vector.shape_cast %min3A_817 : vector<16xi32> to vector<16xi32>
        tpu.vector_store %arg8[%swap3A_818], %swap3A_821 {strides = array<i32>} : memref<400xi32, #tpu.memory_space<vmem>>, vector<16xi32>,
        %get3A_822 = arith.constant 272 : index
        %get3A_823 = tpu.vector_load %arg6[%get3A_822] {strides = array<i32>} : memref<400xi32, #tpu.memory_space<vmem>>, vector<16xi32>,
        %get3A_824 = vector.shape_cast %get3A_823 : vector<16xi32> to vector<16xi32>
        %and3A_825 = arith.constant 255 : i32
        %and3A_826 = vector.broadcast %and3A_825 : i32 to vector<16xi32>
        %and3A_827 = arith.andi %get3A_824, %and3A_826 : vector<16xi32>
        %mul3A_828 = arith.constant 24 : i32
        %mul3A_829 = vector.broadcast %mul3A_828 : i32 to vector<16xi32>
        %mul3A_830 = arith.muli %and3A_827, %mul3A_829 : vector<16xi32>
        %shift_right_arithmetic3A_831 = arith.constant 8 : i32
        %shift_right_arithmetic3A_832 = vector.broadcast %shift_right_arithmetic3A_831 : i32 to vector<16xi32>
        %shift_right_arithmetic3A_833 = arith.shrsi %get3A_824, %shift_right_arithmetic3A_832 : vector<16xi32>
        %and3A_834 = arith.constant 255 : i32
        %and3A_835 = vector.broadcast %and3A_834 : i32 to vector<16xi32>
        %and3A_836 = arith.andi %shift_right_arithmetic3A_833, %and3A_835 : vector<16xi32>
        %mul3A_837 = arith.constant 4 : i32
        %mul3A_838 = vector.broadcast %mul3A_837 : i32 to vector<16xi32>
        %mul3A_839 = arith.muli %and3A_836, %mul3A_838 : vector<16xi32>
        %add3A_840 = arith.addi %mul3A_830, %mul3A_839 : vector<16xi32>
        %shift_right_arithmetic3A_841 = arith.constant 16 : i32
        %shift_right_arithmetic3A_842 = vector.broadcast %shift_right_arithmetic3A_841 : i32 to vector<16xi32>
        %shift_right_arithmetic3A_843 = arith.shrsi %get3A_824, %shift_right_arithmetic3A_842 : vector<16xi32>
        %and3A_844 = arith.constant 255 : i32
        %and3A_845 = vector.broadcast %and3A_844 : i32 to vector<16xi32>
        %and3A_846 = arith.andi %shift_right_arithmetic3A_843, %and3A_845 : vector<16xi32>
        %mul3A_847 = arith.constant 2 : i32
        %mul3A_848 = vector.broadcast %mul3A_847 : i32 to vector<16xi32>
        %mul3A_849 = arith.muli %and3A_846, %mul3A_848 : vector<16xi32>
        %add3A_850 = arith.addi %add3A_840, %mul3A_849 : vector<16xi32>
        %shift_right_arithmetic3A_851 = arith.constant 24 : i32
        %shift_right_arithmetic3A_852 = vector.broadcast %shift_right_arithmetic3A_851 : i32 to vector<16xi32>
        %shift_right_arithmetic3A_853 = arith.shrsi %get3A_824, %shift_right_arithmetic3A_852 : vector<16xi32>
        %and3A_854 = arith.constant 255 : i32
        %and3A_855 = vector.broadcast %and3A_854 : i32 to vector<16xi32>
        %and3A_856 = arith.andi %shift_right_arithmetic3A_853, %and3A_855 : vector<16xi32>
        %add3A_857 = arith.addi %add3A_850, %and3A_856 : vector<16xi32>
        %min3A_858 = arith.constant 127 : i32
        %min3A_859 = vector.broadcast %min3A_858 : i32 to vector<16xi32>
        %min3A_860 = arith.minsi %add3A_857, %min3A_859 : vector<16xi32>
        %swap3A_861 = arith.constant 272 : index
        %swap3A_862 = tpu.vector_load %arg8[%swap3A_861] {strides = array<i32>} : memref<400xi32, #tpu.memory_space<vmem>>, vector<16xi32>,
        %swap3A_863 = vector.shape_cast %swap3A_862 : vector<16xi32> to vector<16xi32>
        %swap3A_864 = vector.shape_cast %min3A_860 : vector<16xi32> to vector<16xi32>
        tpu.vector_store %arg8[%swap3A_861], %swap3A_864 {strides = array<i32>} : memref<400xi32, #tpu.memory_space<vmem>>, vector<16xi32>,
        %get3A_865 = arith.constant 288 : index
        %get3A_866 = tpu.vector_load %arg6[%get3A_865] {strides = array<i32>} : memref<400xi32, #tpu.memory_space<vmem>>, vector<16xi32>,
        %get3A_867 = vector.shape_cast %get3A_866 : vector<16xi32> to vector<16xi32>
        %and3A_868 = arith.constant 255 : i32
        %and3A_869 = vector.broadcast %and3A_868 : i32 to vector<16xi32>
        %and3A_870 = arith.andi %get3A_867, %and3A_869 : vector<16xi32>
        %mul3A_871 = arith.constant 24 : i32
        %mul3A_872 = vector.broadcast %mul3A_871 : i32 to vector<16xi32>
        %mul3A_873 = arith.muli %and3A_870, %mul3A_872 : vector<16xi32>
        %shift_right_arithmetic3A_874 = arith.constant 8 : i32
        %shift_right_arithmetic3A_875 = vector.broadcast %shift_right_arithmetic3A_874 : i32 to vector<16xi32>
        %shift_right_arithmetic3A_876 = arith.shrsi %get3A_867, %shift_right_arithmetic3A_875 : vector<16xi32>
        %and3A_877 = arith.constant 255 : i32
        %and3A_878 = vector.broadcast %and3A_877 : i32 to vector<16xi32>
        %and3A_879 = arith.andi %shift_right_arithmetic3A_876, %and3A_878 : vector<16xi32>
        %mul3A_880 = arith.constant 4 : i32
        %mul3A_881 = vector.broadcast %mul3A_880 : i32 to vector<16xi32>
        %mul3A_882 = arith.muli %and3A_879, %mul3A_881 : vector<16xi32>
        %add3A_883 = arith.addi %mul3A_873, %mul3A_882 : vector<16xi32>
        %shift_right_arithmetic3A_884 = arith.constant 16 : i32
        %shift_right_arithmetic3A_885 = vector.broadcast %shift_right_arithmetic3A_884 : i32 to vector<16xi32>
        %shift_right_arithmetic3A_886 = arith.shrsi %get3A_867, %shift_right_arithmetic3A_885 : vector<16xi32>
        %and3A_887 = arith.constant 255 : i32
        %and3A_888 = vector.broadcast %and3A_887 : i32 to vector<16xi32>
        %and3A_889 = arith.andi %shift_right_arithmetic3A_886, %and3A_888 : vector<16xi32>
        %mul3A_890 = arith.constant 2 : i32
        %mul3A_891 = vector.broadcast %mul3A_890 : i32 to vector<16xi32>
        %mul3A_892 = arith.muli %and3A_889, %mul3A_891 : vector<16xi32>
        %add3A_893 = arith.addi %add3A_883, %mul3A_892 : vector<16xi32>
        %shift_right_arithmetic3A_894 = arith.constant 24 : i32
        %shift_right_arithmetic3A_895 = vector.broadcast %shift_right_arithmetic3A_894 : i32 to vector<16xi32>
        %shift_right_arithmetic3A_896 = arith.shrsi %get3A_867, %shift_right_arithmetic3A_895 : vector<16xi32>
        %and3A_897 = arith.constant 255 : i32
        %and3A_898 = vector.broadcast %and3A_897 : i32 to vector<16xi32>
        %and3A_899 = arith.andi %shift_right_arithmetic3A_896, %and3A_898 : vector<16xi32>
        %add3A_900 = arith.addi %add3A_893, %and3A_899 : vector<16xi32>
        %min3A_901 = arith.constant 127 : i32
        %min3A_902 = vector.broadcast %min3A_901 : i32 to vector<16xi32>
        %min3A_903 = arith.minsi %add3A_900, %min3A_902 : vector<16xi32>
        %swap3A_904 = arith.constant 288 : index
        %swap3A_905 = tpu.vector_load %arg8[%swap3A_904] {strides = array<i32>} : memref<400xi32, #tpu.memory_space<vmem>>, vector<16xi32>,
        %swap3A_906 = vector.shape_cast %swap3A_905 : vector<16xi32> to vector<16xi32>
        %swap3A_907 = vector.shape_cast %min3A_903 : vector<16xi32> to vector<16xi32>
        tpu.vector_store %arg8[%swap3A_904], %swap3A_907 {strides = array<i32>} : memref<400xi32, #tpu.memory_space<vmem>>, vector<16xi32>,
        %get3A_908 = arith.constant 304 : index
        %get3A_909 = tpu.vector_load %arg6[%get3A_908] {strides = array<i32>} : memref<400xi32, #tpu.memory_space<vmem>>, vector<16xi32>,
        %get3A_910 = vector.shape_cast %get3A_909 : vector<16xi32> to vector<16xi32>
        %and3A_911 = arith.constant 255 : i32
        %and3A_912 = vector.broadcast %and3A_911 : i32 to vector<16xi32>
        %and3A_913 = arith.andi %get3A_910, %and3A_912 : vector<16xi32>
        %mul3A_914 = arith.constant 24 : i32
        %mul3A_915 = vector.broadcast %mul3A_914 : i32 to vector<16xi32>
        %mul3A_916 = arith.muli %and3A_913, %mul3A_915 : vector<16xi32>
        %shift_right_arithmetic3A_917 = arith.constant 8 : i32
        %shift_right_arithmetic3A_918 = vector.broadcast %shift_right_arithmetic3A_917 : i32 to vector<16xi32>
        %shift_right_arithmetic3A_919 = arith.shrsi %get3A_910, %shift_right_arithmetic3A_918 : vector<16xi32>
        %and3A_920 = arith.constant 255 : i32
        %and3A_921 = vector.broadcast %and3A_920 : i32 to vector<16xi32>
        %and3A_922 = arith.andi %shift_right_arithmetic3A_919, %and3A_921 : vector<16xi32>
        %mul3A_923 = arith.constant 4 : i32
        %mul3A_924 = vector.broadcast %mul3A_923 : i32 to vector<16xi32>
        %mul3A_925 = arith.muli %and3A_922, %mul3A_924 : vector<16xi32>
        %add3A_926 = arith.addi %mul3A_916, %mul3A_925 : vector<16xi32>
        %shift_right_arithmetic3A_927 = arith.constant 16 : i32
        %shift_right_arithmetic3A_928 = vector.broadcast %shift_right_arithmetic3A_927 : i32 to vector<16xi32>
        %shift_right_arithmetic3A_929 = arith.shrsi %get3A_910, %shift_right_arithmetic3A_928 : vector<16xi32>
        %and3A_930 = arith.constant 255 : i32
        %and3A_931 = vector.broadcast %and3A_930 : i32 to vector<16xi32>
        %and3A_932 = arith.andi %shift_right_arithmetic3A_929, %and3A_931 : vector<16xi32>
        %mul3A_933 = arith.constant 2 : i32
        %mul3A_934 = vector.broadcast %mul3A_933 : i32 to vector<16xi32>
        %mul3A_935 = arith.muli %and3A_932, %mul3A_934 : vector<16xi32>
        %add3A_936 = arith.addi %add3A_926, %mul3A_935 : vector<16xi32>
        %shift_right_arithmetic3A_937 = arith.constant 24 : i32
        %shift_right_arithmetic3A_938 = vector.broadcast %shift_right_arithmetic3A_937 : i32 to vector<16xi32>
        %shift_right_arithmetic3A_939 = arith.shrsi %get3A_910, %shift_right_arithmetic3A_938 : vector<16xi32>
        %and3A_940 = arith.constant 255 : i32
        %and3A_941 = vector.broadcast %and3A_940 : i32 to vector<16xi32>
        %and3A_942 = arith.andi %shift_right_arithmetic3A_939, %and3A_941 : vector<16xi32>
        %add3A_943 = arith.addi %add3A_936, %and3A_942 : vector<16xi32>
        %min3A_944 = arith.constant 127 : i32
        %min3A_945 = vector.broadcast %min3A_944 : i32 to vector<16xi32>
        %min3A_946 = arith.minsi %add3A_943, %min3A_945 : vector<16xi32>
        %swap3A_947 = arith.constant 304 : index
        %swap3A_948 = tpu.vector_load %arg8[%swap3A_947] {strides = array<i32>} : memref<400xi32, #tpu.memory_space<vmem>>, vector<16xi32>,
        %swap3A_949 = vector.shape_cast %swap3A_948 : vector<16xi32> to vector<16xi32>
        %swap3A_950 = vector.shape_cast %min3A_946 : vector<16xi32> to vector<16xi32>
        tpu.vector_store %arg8[%swap3A_947], %swap3A_950 {strides = array<i32>} : memref<400xi32, #tpu.memory_space<vmem>>, vector<16xi32>,
        %get3A_951 = arith.constant 320 : index
        %get3A_952 = tpu.vector_load %arg6[%get3A_951] {strides = array<i32>} : memref<400xi32, #tpu.memory_space<vmem>>, vector<16xi32>,
        %get3A_953 = vector.shape_cast %get3A_952 : vector<16xi32> to vector<16xi32>
        %and3A_954 = arith.constant 255 : i32
        %and3A_955 = vector.broadcast %and3A_954 : i32 to vector<16xi32>
        %and3A_956 = arith.andi %get3A_953, %and3A_955 : vector<16xi32>
        %mul3A_957 = arith.constant 24 : i32
        %mul3A_958 = vector.broadcast %mul3A_957 : i32 to vector<16xi32>
        %mul3A_959 = arith.muli %and3A_956, %mul3A_958 : vector<16xi32>
        %shift_right_arithmetic3A_960 = arith.constant 8 : i32
        %shift_right_arithmetic3A_961 = vector.broadcast %shift_right_arithmetic3A_960 : i32 to vector<16xi32>
        %shift_right_arithmetic3A_962 = arith.shrsi %get3A_953, %shift_right_arithmetic3A_961 : vector<16xi32>
        %and3A_963 = arith.constant 255 : i32
        %and3A_964 = vector.broadcast %and3A_963 : i32 to vector<16xi32>
        %and3A_965 = arith.andi %shift_right_arithmetic3A_962, %and3A_964 : vector<16xi32>
        %mul3A_966 = arith.constant 4 : i32
        %mul3A_967 = vector.broadcast %mul3A_966 : i32 to vector<16xi32>
        %mul3A_968 = arith.muli %and3A_965, %mul3A_967 : vector<16xi32>
        %add3A_969 = arith.addi %mul3A_959, %mul3A_968 : vector<16xi32>
        %shift_right_arithmetic3A_970 = arith.constant 16 : i32
        %shift_right_arithmetic3A_971 = vector.broadcast %shift_right_arithmetic3A_970 : i32 to vector<16xi32>
        %shift_right_arithmetic3A_972 = arith.shrsi %get3A_953, %shift_right_arithmetic3A_971 : vector<16xi32>
        %and3A_973 = arith.constant 255 : i32
        %and3A_974 = vector.broadcast %and3A_973 : i32 to vector<16xi32>
        %and3A_975 = arith.andi %shift_right_arithmetic3A_972, %and3A_974 : vector<16xi32>
        %mul3A_976 = arith.constant 2 : i32
        %mul3A_977 = vector.broadcast %mul3A_976 : i32 to vector<16xi32>
        %mul3A_978 = arith.muli %and3A_975, %mul3A_977 : vector<16xi32>
        %add3A_979 = arith.addi %add3A_969, %mul3A_978 : vector<16xi32>
        %shift_right_arithmetic3A_980 = arith.constant 24 : i32
        %shift_right_arithmetic3A_981 = vector.broadcast %shift_right_arithmetic3A_980 : i32 to vector<16xi32>
        %shift_right_arithmetic3A_982 = arith.shrsi %get3A_953, %shift_right_arithmetic3A_981 : vector<16xi32>
        %and3A_983 = arith.constant 255 : i32
        %and3A_984 = vector.broadcast %and3A_983 : i32 to vector<16xi32>
        %and3A_985 = arith.andi %shift_right_arithmetic3A_982, %and3A_984 : vector<16xi32>
        %add3A_986 = arith.addi %add3A_979, %and3A_985 : vector<16xi32>
        %min3A_987 = arith.constant 127 : i32
        %min3A_988 = vector.broadcast %min3A_987 : i32 to vector<16xi32>
        %min3A_989 = arith.minsi %add3A_986, %min3A_988 : vector<16xi32>
        %swap3A_990 = arith.constant 320 : index
        %swap3A_991 = tpu.vector_load %arg8[%swap3A_990] {strides = array<i32>} : memref<400xi32, #tpu.memory_space<vmem>>, vector<16xi32>,
        %swap3A_992 = vector.shape_cast %swap3A_991 : vector<16xi32> to vector<16xi32>
        %swap3A_993 = vector.shape_cast %min3A_989 : vector<16xi32> to vector<16xi32>
        tpu.vector_store %arg8[%swap3A_990], %swap3A_993 {strides = array<i32>} : memref<400xi32, #tpu.memory_space<vmem>>, vector<16xi32>,
        %get3A_994 = arith.constant 336 : index
        %get3A_995 = tpu.vector_load %arg6[%get3A_994] {strides = array<i32>} : memref<400xi32, #tpu.memory_space<vmem>>, vector<16xi32>,
        %get3A_996 = vector.shape_cast %get3A_995 : vector<16xi32> to vector<16xi32>
        %and3A_997 = arith.constant 255 : i32
        %and3A_998 = vector.broadcast %and3A_997 : i32 to vector<16xi32>
        %and3A_999 = arith.andi %get3A_996, %and3A_998 : vector<16xi32>
        %mul3A_1000 = arith.constant 24 : i32
        %mul3A_1001 = vector.broadcast %mul3A_1000 : i32 to vector<16xi32>
        %mul3A_1002 = arith.muli %and3A_999, %mul3A_1001 : vector<16xi32>
        %shift_right_arithmetic3A_1003 = arith.constant 8 : i32
        %shift_right_arithmetic3A_1004 = vector.broadcast %shift_right_arithmetic3A_1003 : i32 to vector<16xi32>
        %shift_right_arithmetic3A_1005 = arith.shrsi %get3A_996, %shift_right_arithmetic3A_1004 : vector<16xi32>
        %and3A_1006 = arith.constant 255 : i32
        %and3A_1007 = vector.broadcast %and3A_1006 : i32 to vector<16xi32>
        %and3A_1008 = arith.andi %shift_right_arithmetic3A_1005, %and3A_1007 : vector<16xi32>
        %mul3A_1009 = arith.constant 4 : i32
        %mul3A_1010 = vector.broadcast %mul3A_1009 : i32 to vector<16xi32>
        %mul3A_1011 = arith.muli %and3A_1008, %mul3A_1010 : vector<16xi32>
        %add3A_1012 = arith.addi %mul3A_1002, %mul3A_1011 : vector<16xi32>
        %shift_right_arithmetic3A_1013 = arith.constant 16 : i32
        %shift_right_arithmetic3A_1014 = vector.broadcast %shift_right_arithmetic3A_1013 : i32 to vector<16xi32>
        %shift_right_arithmetic3A_1015 = arith.shrsi %get3A_996, %shift_right_arithmetic3A_1014 : vector<16xi32>
        %and3A_1016 = arith.constant 255 : i32
        %and3A_1017 = vector.broadcast %and3A_1016 : i32 to vector<16xi32>
        %and3A_1018 = arith.andi %shift_right_arithmetic3A_1015, %and3A_1017 : vector<16xi32>
        %mul3A_1019 = arith.constant 2 : i32
        %mul3A_1020 = vector.broadcast %mul3A_1019 : i32 to vector<16xi32>
        %mul3A_1021 = arith.muli %and3A_1018, %mul3A_1020 : vector<16xi32>
        %add3A_1022 = arith.addi %add3A_1012, %mul3A_1021 : vector<16xi32>
        %shift_right_arithmetic3A_1023 = arith.constant 24 : i32
        %shift_right_arithmetic3A_1024 = vector.broadcast %shift_right_arithmetic3A_1023 : i32 to vector<16xi32>
        %shift_right_arithmetic3A_1025 = arith.shrsi %get3A_996, %shift_right_arithmetic3A_1024 : vector<16xi32>
        %and3A_1026 = arith.constant 255 : i32
        %and3A_1027 = vector.broadcast %and3A_1026 : i32 to vector<16xi32>
        %and3A_1028 = arith.andi %shift_right_arithmetic3A_1025, %and3A_1027 : vector<16xi32>
        %add3A_1029 = arith.addi %add3A_1022, %and3A_1028 : vector<16xi32>
        %min3A_1030 = arith.constant 127 : i32
        %min3A_1031 = vector.broadcast %min3A_1030 : i32 to vector<16xi32>
        %min3A_1032 = arith.minsi %add3A_1029, %min3A_1031 : vector<16xi32>
        %swap3A_1033 = arith.constant 336 : index
        %swap3A_1034 = tpu.vector_load %arg8[%swap3A_1033] {strides = array<i32>} : memref<400xi32, #tpu.memory_space<vmem>>, vector<16xi32>,
        %swap3A_1035 = vector.shape_cast %swap3A_1034 : vector<16xi32> to vector<16xi32>
        %swap3A_1036 = vector.shape_cast %min3A_1032 : vector<16xi32> to vector<16xi32>
        tpu.vector_store %arg8[%swap3A_1033], %swap3A_1036 {strides = array<i32>} : memref<400xi32, #tpu.memory_space<vmem>>, vector<16xi32>,
        %get3A_1037 = arith.constant 352 : index
        %get3A_1038 = tpu.vector_load %arg6[%get3A_1037] {strides = array<i32>} : memref<400xi32, #tpu.memory_space<vmem>>, vector<16xi32>,
        %get3A_1039 = vector.shape_cast %get3A_1038 : vector<16xi32> to vector<16xi32>
        %and3A_1040 = arith.constant 255 : i32
        %and3A_1041 = vector.broadcast %and3A_1040 : i32 to vector<16xi32>
        %and3A_1042 = arith.andi %get3A_1039, %and3A_1041 : vector<16xi32>
        %mul3A_1043 = arith.constant 24 : i32
        %mul3A_1044 = vector.broadcast %mul3A_1043 : i32 to vector<16xi32>
        %mul3A_1045 = arith.muli %and3A_1042, %mul3A_1044 : vector<16xi32>
        %shift_right_arithmetic3A_1046 = arith.constant 8 : i32
        %shift_right_arithmetic3A_1047 = vector.broadcast %shift_right_arithmetic3A_1046 : i32 to vector<16xi32>
        %shift_right_arithmetic3A_1048 = arith.shrsi %get3A_1039, %shift_right_arithmetic3A_1047 : vector<16xi32>
        %and3A_1049 = arith.constant 255 : i32
        %and3A_1050 = vector.broadcast %and3A_1049 : i32 to vector<16xi32>
        %and3A_1051 = arith.andi %shift_right_arithmetic3A_1048, %and3A_1050 : vector<16xi32>
        %mul3A_1052 = arith.constant 4 : i32
        %mul3A_1053 = vector.broadcast %mul3A_1052 : i32 to vector<16xi32>
        %mul3A_1054 = arith.muli %and3A_1051, %mul3A_1053 : vector<16xi32>
        %add3A_1055 = arith.addi %mul3A_1045, %mul3A_1054 : vector<16xi32>
        %shift_right_arithmetic3A_1056 = arith.constant 16 : i32
        %shift_right_arithmetic3A_1057 = vector.broadcast %shift_right_arithmetic3A_1056 : i32 to vector<16xi32>
        %shift_right_arithmetic3A_1058 = arith.shrsi %get3A_1039, %shift_right_arithmetic3A_1057 : vector<16xi32>
        %and3A_1059 = arith.constant 255 : i32
        %and3A_1060 = vector.broadcast %and3A_1059 : i32 to vector<16xi32>
        %and3A_1061 = arith.andi %shift_right_arithmetic3A_1058, %and3A_1060 : vector<16xi32>
        %mul3A_1062 = arith.constant 2 : i32
        %mul3A_1063 = vector.broadcast %mul3A_1062 : i32 to vector<16xi32>
        %mul3A_1064 = arith.muli %and3A_1061, %mul3A_1063 : vector<16xi32>
        %add3A_1065 = arith.addi %add3A_1055, %mul3A_1064 : vector<16xi32>
        %shift_right_arithmetic3A_1066 = arith.constant 24 : i32
        %shift_right_arithmetic3A_1067 = vector.broadcast %shift_right_arithmetic3A_1066 : i32 to vector<16xi32>
        %shift_right_arithmetic3A_1068 = arith.shrsi %get3A_1039, %shift_right_arithmetic3A_1067 : vector<16xi32>
        %and3A_1069 = arith.constant 255 : i32
        %and3A_1070 = vector.broadcast %and3A_1069 : i32 to vector<16xi32>
        %and3A_1071 = arith.andi %shift_right_arithmetic3A_1068, %and3A_1070 : vector<16xi32>
        %add3A_1072 = arith.addi %add3A_1065, %and3A_1071 : vector<16xi32>
        %min3A_1073 = arith.constant 127 : i32
        %min3A_1074 = vector.broadcast %min3A_1073 : i32 to vector<16xi32>
        %min3A_1075 = arith.minsi %add3A_1072, %min3A_1074 : vector<16xi32>
        %swap3A_1076 = arith.constant 352 : index
        %swap3A_1077 = tpu.vector_load %arg8[%swap3A_1076] {strides = array<i32>} : memref<400xi32, #tpu.memory_space<vmem>>, vector<16xi32>,
        %swap3A_1078 = vector.shape_cast %swap3A_1077 : vector<16xi32> to vector<16xi32>
        %swap3A_1079 = vector.shape_cast %min3A_1075 : vector<16xi32> to vector<16xi32>
        tpu.vector_store %arg8[%swap3A_1076], %swap3A_1079 {strides = array<i32>} : memref<400xi32, #tpu.memory_space<vmem>>, vector<16xi32>,
        %get3A_1080 = arith.constant 368 : index
        %get3A_1081 = tpu.vector_load %arg6[%get3A_1080] {strides = array<i32>} : memref<400xi32, #tpu.memory_space<vmem>>, vector<16xi32>,
        %get3A_1082 = vector.shape_cast %get3A_1081 : vector<16xi32> to vector<16xi32>
        %and3A_1083 = arith.constant 255 : i32
        %and3A_1084 = vector.broadcast %and3A_1083 : i32 to vector<16xi32>
        %and3A_1085 = arith.andi %get3A_1082, %and3A_1084 : vector<16xi32>
        %mul3A_1086 = arith.constant 24 : i32
        %mul3A_1087 = vector.broadcast %mul3A_1086 : i32 to vector<16xi32>
        %mul3A_1088 = arith.muli %and3A_1085, %mul3A_1087 : vector<16xi32>
        %shift_right_arithmetic3A_1089 = arith.constant 8 : i32
        %shift_right_arithmetic3A_1090 = vector.broadcast %shift_right_arithmetic3A_1089 : i32 to vector<16xi32>
        %shift_right_arithmetic3A_1091 = arith.shrsi %get3A_1082, %shift_right_arithmetic3A_1090 : vector<16xi32>
        %and3A_1092 = arith.constant 255 : i32
        %and3A_1093 = vector.broadcast %and3A_1092 : i32 to vector<16xi32>
        %and3A_1094 = arith.andi %shift_right_arithmetic3A_1091, %and3A_1093 : vector<16xi32>
        %mul3A_1095 = arith.constant 4 : i32
        %mul3A_1096 = vector.broadcast %mul3A_1095 : i32 to vector<16xi32>
        %mul3A_1097 = arith.muli %and3A_1094, %mul3A_1096 : vector<16xi32>
        %add3A_1098 = arith.addi %mul3A_1088, %mul3A_1097 : vector<16xi32>
        %shift_right_arithmetic3A_1099 = arith.constant 16 : i32
        %shift_right_arithmetic3A_1100 = vector.broadcast %shift_right_arithmetic3A_1099 : i32 to vector<16xi32>
        %shift_right_arithmetic3A_1101 = arith.shrsi %get3A_1082, %shift_right_arithmetic3A_1100 : vector<16xi32>
        %and3A_1102 = arith.constant 255 : i32
        %and3A_1103 = vector.broadcast %and3A_1102 : i32 to vector<16xi32>
        %and3A_1104 = arith.andi %shift_right_arithmetic3A_1101, %and3A_1103 : vector<16xi32>
        %mul3A_1105 = arith.constant 2 : i32
        %mul3A_1106 = vector.broadcast %mul3A_1105 : i32 to vector<16xi32>
        %mul3A_1107 = arith.muli %and3A_1104, %mul3A_1106 : vector<16xi32>
        %add3A_1108 = arith.addi %add3A_1098, %mul3A_1107 : vector<16xi32>
        %shift_right_arithmetic3A_1109 = arith.constant 24 : i32
        %shift_right_arithmetic3A_1110 = vector.broadcast %shift_right_arithmetic3A_1109 : i32 to vector<16xi32>
        %shift_right_arithmetic3A_1111 = arith.shrsi %get3A_1082, %shift_right_arithmetic3A_1110 : vector<16xi32>
        %and3A_1112 = arith.constant 255 : i32
        %and3A_1113 = vector.broadcast %and3A_1112 : i32 to vector<16xi32>
        %and3A_1114 = arith.andi %shift_right_arithmetic3A_1111, %and3A_1113 : vector<16xi32>
        %add3A_1115 = arith.addi %add3A_1108, %and3A_1114 : vector<16xi32>
        %min3A_1116 = arith.constant 127 : i32
        %min3A_1117 = vector.broadcast %min3A_1116 : i32 to vector<16xi32>
        %min3A_1118 = arith.minsi %add3A_1115, %min3A_1117 : vector<16xi32>
        %swap3A_1119 = arith.constant 368 : index
        %swap3A_1120 = tpu.vector_load %arg8[%swap3A_1119] {strides = array<i32>} : memref<400xi32, #tpu.memory_space<vmem>>, vector<16xi32>,
        %swap3A_1121 = vector.shape_cast %swap3A_1120 : vector<16xi32> to vector<16xi32>
        %swap3A_1122 = vector.shape_cast %min3A_1118 : vector<16xi32> to vector<16xi32>
        tpu.vector_store %arg8[%swap3A_1119], %swap3A_1122 {strides = array<i32>} : memref<400xi32, #tpu.memory_space<vmem>>, vector<16xi32>,
        %get3A_1123 = arith.constant 384 : index
        %get3A_1124 = tpu.vector_load %arg6[%get3A_1123] {strides = array<i32>} : memref<400xi32, #tpu.memory_space<vmem>>, vector<16xi32>,
        %get3A_1125 = vector.shape_cast %get3A_1124 : vector<16xi32> to vector<16xi32>
        %and3A_1126 = arith.constant 255 : i32
        %and3A_1127 = vector.broadcast %and3A_1126 : i32 to vector<16xi32>
        %and3A_1128 = arith.andi %get3A_1125, %and3A_1127 : vector<16xi32>
        %mul3A_1129 = arith.constant 24 : i32
        %mul3A_1130 = vector.broadcast %mul3A_1129 : i32 to vector<16xi32>
        %mul3A_1131 = arith.muli %and3A_1128, %mul3A_1130 : vector<16xi32>
        %shift_right_arithmetic3A_1132 = arith.constant 8 : i32
        %shift_right_arithmetic3A_1133 = vector.broadcast %shift_right_arithmetic3A_1132 : i32 to vector<16xi32>
        %shift_right_arithmetic3A_1134 = arith.shrsi %get3A_1125, %shift_right_arithmetic3A_1133 : vector<16xi32>
        %and3A_1135 = arith.constant 255 : i32
        %and3A_1136 = vector.broadcast %and3A_1135 : i32 to vector<16xi32>
        %and3A_1137 = arith.andi %shift_right_arithmetic3A_1134, %and3A_1136 : vector<16xi32>
        %mul3A_1138 = arith.constant 4 : i32
        %mul3A_1139 = vector.broadcast %mul3A_1138 : i32 to vector<16xi32>
        %mul3A_1140 = arith.muli %and3A_1137, %mul3A_1139 : vector<16xi32>
        %add3A_1141 = arith.addi %mul3A_1131, %mul3A_1140 : vector<16xi32>
        %shift_right_arithmetic3A_1142 = arith.constant 16 : i32
        %shift_right_arithmetic3A_1143 = vector.broadcast %shift_right_arithmetic3A_1142 : i32 to vector<16xi32>
        %shift_right_arithmetic3A_1144 = arith.shrsi %get3A_1125, %shift_right_arithmetic3A_1143 : vector<16xi32>
        %and3A_1145 = arith.constant 255 : i32
        %and3A_1146 = vector.broadcast %and3A_1145 : i32 to vector<16xi32>
        %and3A_1147 = arith.andi %shift_right_arithmetic3A_1144, %and3A_1146 : vector<16xi32>
        %mul3A_1148 = arith.constant 2 : i32
        %mul3A_1149 = vector.broadcast %mul3A_1148 : i32 to vector<16xi32>
        %mul3A_1150 = arith.muli %and3A_1147, %mul3A_1149 : vector<16xi32>
        %add3A_1151 = arith.addi %add3A_1141, %mul3A_1150 : vector<16xi32>
        %shift_right_arithmetic3A_1152 = arith.constant 24 : i32
        %shift_right_arithmetic3A_1153 = vector.broadcast %shift_right_arithmetic3A_1152 : i32 to vector<16xi32>
        %shift_right_arithmetic3A_1154 = arith.shrsi %get3A_1125, %shift_right_arithmetic3A_1153 : vector<16xi32>
        %and3A_1155 = arith.constant 255 : i32
        %and3A_1156 = vector.broadcast %and3A_1155 : i32 to vector<16xi32>
        %and3A_1157 = arith.andi %shift_right_arithmetic3A_1154, %and3A_1156 : vector<16xi32>
        %add3A_1158 = arith.addi %add3A_1151, %and3A_1157 : vector<16xi32>
        %min3A_1159 = arith.constant 127 : i32
        %min3A_1160 = vector.broadcast %min3A_1159 : i32 to vector<16xi32>
        %min3A_1161 = arith.minsi %add3A_1158, %min3A_1160 : vector<16xi32>
        %swap3A_1162 = arith.constant 384 : index
        %swap3A_1163 = tpu.vector_load %arg8[%swap3A_1162] {strides = array<i32>} : memref<400xi32, #tpu.memory_space<vmem>>, vector<16xi32>,
        %swap3A_1164 = vector.shape_cast %swap3A_1163 : vector<16xi32> to vector<16xi32>
        %swap3A_1165 = vector.shape_cast %min3A_1161 : vector<16xi32> to vector<16xi32>
        tpu.vector_store %arg8[%swap3A_1162], %swap3A_1165 {strides = array<i32>} : memref<400xi32, #tpu.memory_space<vmem>>, vector<16xi32>,
        %dma_start3A = arith.constant 0 : i32
        %dma_start3A_1166 = arith.constant 0 : i32
        %dma_start3A_1167 = tpu.memref_slice %arg10[%dma_start3A, %dma_start3A_1166] : memref<400x128xf32, #tpu.memory_space<vmem>> -> memref<80x128xf32, #tpu.memory_space<vmem>>
        %dma_start3A_1168 = arith.constant 0 : i32
        %dma_start3A_1169 = tpu.memref_slice %arg8[%dma_start3A_1168] : memref<400xi32, #tpu.memory_space<vmem>> -> memref<80xi32, #tpu.memory_space<vmem>>
        %dma_start3A_1170 = arith.constant 0 : i32
        %dma_start3A_1171 = arith.constant 0 : i32
        %dma_start3A_1172 = tpu.memref_slice %arg11[%dma_start3A_1170, %dma_start3A_1171] : memref<128x128xf32, #tpu.memory_space<vmem_shared>> -> memref<128x128xf32, #tpu.memory_space<vmem_shared>>
        tpu.enqueue_indirect_dma source(%dma_start3A_1172 : memref<128x128xf32, #tpu.memory_space<vmem_shared>>) target(%dma_start3A_1167 : memref<80x128xf32, #tpu.memory_space<vmem>>) offsets(%dma_start3A_1169 : memref<80xi32, #tpu.memory_space<vmem>>) semaphore(%arg12 : memref<!tpu.dma_semaphore, #tpu.memory_space<semaphore_mem>>)
        %dma_start3A_1173 = arith.constant 80 : i32
        %dma_start3A_1174 = arith.constant 0 : i32
        %dma_start3A_1175 = tpu.memref_slice %arg10[%dma_start3A_1173, %dma_start3A_1174] : memref<400x128xf32, #tpu.memory_space<vmem>> -> memref<80x128xf32, #tpu.memory_space<vmem>>
        %dma_start3A_1176 = arith.constant 80 : i32
        %dma_start3A_1177 = tpu.memref_slice %arg8[%dma_start3A_1176] : memref<400xi32, #tpu.memory_space<vmem>> -> memref<80xi32, #tpu.memory_space<vmem>>
        %dma_start3A_1178 = arith.constant 0 : i32
        %dma_start3A_1179 = arith.constant 0 : i32
        %dma_start3A_1180 = tpu.memref_slice %arg11[%dma_start3A_1178, %dma_start3A_1179] : memref<128x128xf32, #tpu.memory_space<vmem_shared>> -> memref<128x128xf32, #tpu.memory_space<vmem_shared>>
        tpu.enqueue_indirect_dma source(%dma_start3A_1180 : memref<128x128xf32, #tpu.memory_space<vmem_shared>>) target(%dma_start3A_1175 : memref<80x128xf32, #tpu.memory_space<vmem>>) offsets(%dma_start3A_1177 : memref<80xi32, #tpu.memory_space<vmem>>) semaphore(%arg12 : memref<!tpu.dma_semaphore, #tpu.memory_space<semaphore_mem>>)
        %dma_start3A_1181 = arith.constant 160 : i32
        %dma_start3A_1182 = arith.constant 0 : i32
        %dma_start3A_1183 = tpu.memref_slice %arg10[%dma_start3A_1181, %dma_start3A_1182] : memref<400x128xf32, #tpu.memory_space<vmem>> -> memref<80x128xf32, #tpu.memory_space<vmem>>
        %dma_start3A_1184 = arith.constant 160 : i32
        %dma_start3A_1185 = tpu.memref_slice %arg8[%dma_start3A_1184] : memref<400xi32, #tpu.memory_space<vmem>> -> memref<80xi32, #tpu.memory_space<vmem>>
        %dma_start3A_1186 = arith.constant 0 : i32
        %dma_start3A_1187 = arith.constant 0 : i32
        %dma_start3A_1188 = tpu.memref_slice %arg11[%dma_start3A_1186, %dma_start3A_1187] : memref<128x128xf32, #tpu.memory_space<vmem_shared>> -> memref<128x128xf32, #tpu.memory_space<vmem_shared>>
        tpu.enqueue_indirect_dma source(%dma_start3A_1188 : memref<128x128xf32, #tpu.memory_space<vmem_shared>>) target(%dma_start3A_1183 : memref<80x128xf32, #tpu.memory_space<vmem>>) offsets(%dma_start3A_1185 : memref<80xi32, #tpu.memory_space<vmem>>) semaphore(%arg12 : memref<!tpu.dma_semaphore, #tpu.memory_space<semaphore_mem>>)
        %dma_start3A_1189 = arith.constant 240 : i32
        %dma_start3A_1190 = arith.constant 0 : i32
        %dma_start3A_1191 = tpu.memref_slice %arg10[%dma_start3A_1189, %dma_start3A_1190] : memref<400x128xf32, #tpu.memory_space<vmem>> -> memref<80x128xf32, #tpu.memory_space<vmem>>
        %dma_start3A_1192 = arith.constant 240 : i32
        %dma_start3A_1193 = tpu.memref_slice %arg8[%dma_start3A_1192] : memref<400xi32, #tpu.memory_space<vmem>> -> memref<80xi32, #tpu.memory_space<vmem>>
        %dma_start3A_1194 = arith.constant 0 : i32
        %dma_start3A_1195 = arith.constant 0 : i32
        %dma_start3A_1196 = tpu.memref_slice %arg11[%dma_start3A_1194, %dma_start3A_1195] : memref<128x128xf32, #tpu.memory_space<vmem_shared>> -> memref<128x128xf32, #tpu.memory_space<vmem_shared>>
        tpu.enqueue_indirect_dma source(%dma_start3A_1196 : memref<128x128xf32, #tpu.memory_space<vmem_shared>>) target(%dma_start3A_1191 : memref<80x128xf32, #tpu.memory_space<vmem>>) offsets(%dma_start3A_1193 : memref<80xi32, #tpu.memory_space<vmem>>) semaphore(%arg12 : memref<!tpu.dma_semaphore, #tpu.memory_space<semaphore_mem>>)
        %dma_start3A_1197 = arith.constant 320 : i32
        %dma_start3A_1198 = arith.constant 0 : i32
        %dma_start3A_1199 = tpu.memref_slice %arg10[%dma_start3A_1197, %dma_start3A_1198] : memref<400x128xf32, #tpu.memory_space<vmem>> -> memref<80x128xf32, #tpu.memory_space<vmem>>
        %dma_start3A_1200 = arith.constant 320 : i32
        %dma_start3A_1201 = tpu.memref_slice %arg8[%dma_start3A_1200] : memref<400xi32, #tpu.memory_space<vmem>> -> memref<80xi32, #tpu.memory_space<vmem>>
        %dma_start3A_1202 = arith.constant 0 : i32
        %dma_start3A_1203 = arith.constant 0 : i32
        %dma_start3A_1204 = tpu.memref_slice %arg11[%dma_start3A_1202, %dma_start3A_1203] : memref<128x128xf32, #tpu.memory_space<vmem_shared>> -> memref<128x128xf32, #tpu.memory_space<vmem_shared>>
        tpu.enqueue_indirect_dma source(%dma_start3A_1204 : memref<128x128xf32, #tpu.memory_space<vmem_shared>>) target(%dma_start3A_1199 : memref<80x128xf32, #tpu.memory_space<vmem>>) offsets(%dma_start3A_1201 : memref<80xi32, #tpu.memory_space<vmem>>) semaphore(%arg12 : memref<!tpu.dma_semaphore, #tpu.memory_space<semaphore_mem>>)
        %dma_wait3A = arith.constant 0 : i32
        %dma_wait3A_1205 = arith.constant 0 : i32
        %dma_wait3A_1206 = tpu.memref_slice %arg10[%dma_wait3A, %dma_wait3A_1205] : memref<400x128xf32, #tpu.memory_space<vmem>> -> memref<80x128xf32, #tpu.memory_space<vmem>>
        %dma_wait3A_1207 = arith.constant 0 : i32
        %dma_wait3A_1208 = tpu.memref_slice %arg8[%dma_wait3A_1207] : memref<400xi32, #tpu.memory_space<vmem>> -> memref<80xi32, #tpu.memory_space<vmem>>
        %dma_wait3A_1209 = arith.constant 0 : i32
        %dma_wait3A_1210 = arith.constant 0 : i32
        %dma_wait3A_1211 = tpu.memref_slice %arg11[%dma_wait3A_1209, %dma_wait3A_1210] : memref<128x128xf32, #tpu.memory_space<vmem_shared>> -> memref<128x128xf32, #tpu.memory_space<vmem_shared>>
        tpu.wait_indirect_dma semaphore(%arg12 : memref<!tpu.dma_semaphore, #tpu.memory_space<semaphore_mem>>) src(%dma_wait3A_1211 : memref<128x128xf32, #tpu.memory_space<vmem_shared>>) dst(%dma_wait3A_1206 : memref<80x128xf32, #tpu.memory_space<vmem>>)
        %dma_wait3A_1212 = arith.constant 80 : i32
        %dma_wait3A_1213 = arith.constant 0 : i32
        %dma_wait3A_1214 = tpu.memref_slice %arg10[%dma_wait3A_1212, %dma_wait3A_1213] : memref<400x128xf32, #tpu.memory_space<vmem>> -> memref<80x128xf32, #tpu.memory_space<vmem>>
        %dma_wait3A_1215 = arith.constant 80 : i32
        %dma_wait3A_1216 = tpu.memref_slice %arg8[%dma_wait3A_1215] : memref<400xi32, #tpu.memory_space<vmem>> -> memref<80xi32, #tpu.memory_space<vmem>>
        %dma_wait3A_1217 = arith.constant 0 : i32
        %dma_wait3A_1218 = arith.constant 0 : i32
        %dma_wait3A_1219 = tpu.memref_slice %arg11[%dma_wait3A_1217, %dma_wait3A_1218] : memref<128x128xf32, #tpu.memory_space<vmem_shared>> -> memref<128x128xf32, #tpu.memory_space<vmem_shared>>
        tpu.wait_indirect_dma semaphore(%arg12 : memref<!tpu.dma_semaphore, #tpu.memory_space<semaphore_mem>>) src(%dma_wait3A_1219 : memref<128x128xf32, #tpu.memory_space<vmem_shared>>) dst(%dma_wait3A_1214 : memref<80x128xf32, #tpu.memory_space<vmem>>)
        %dma_wait3A_1220 = arith.constant 160 : i32
        %dma_wait3A_1221 = arith.constant 0 : i32
        %dma_wait3A_1222 = tpu.memref_slice %arg10[%dma_wait3A_1220, %dma_wait3A_1221] : memref<400x128xf32, #tpu.memory_space<vmem>> -> memref<80x128xf32, #tpu.memory_space<vmem>>
        %dma_wait3A_1223 = arith.constant 160 : i32
        %dma_wait3A_1224 = tpu.memref_slice %arg8[%dma_wait3A_1223] : memref<400xi32, #tpu.memory_space<vmem>> -> memref<80xi32, #tpu.memory_space<vmem>>
        %dma_wait3A_1225 = arith.constant 0 : i32
        %dma_wait3A_1226 = arith.constant 0 : i32
        %dma_wait3A_1227 = tpu.memref_slice %arg11[%dma_wait3A_1225, %dma_wait3A_1226] : memref<128x128xf32, #tpu.memory_space<vmem_shared>> -> memref<128x128xf32, #tpu.memory_space<vmem_shared>>
        tpu.wait_indirect_dma semaphore(%arg12 : memref<!tpu.dma_semaphore, #tpu.memory_space<semaphore_mem>>) src(%dma_wait3A_1227 : memref<128x128xf32, #tpu.memory_space<vmem_shared>>) dst(%dma_wait3A_1222 : memref<80x128xf32, #tpu.memory_space<vmem>>)
        %dma_wait3A_1228 = arith.constant 240 : i32
        %dma_wait3A_1229 = arith.constant 0 : i32
        %dma_wait3A_1230 = tpu.memref_slice %arg10[%dma_wait3A_1228, %dma_wait3A_1229] : memref<400x128xf32, #tpu.memory_space<vmem>> -> memref<80x128xf32, #tpu.memory_space<vmem>>
        %dma_wait3A_1231 = arith.constant 240 : i32
        %dma_wait3A_1232 = tpu.memref_slice %arg8[%dma_wait3A_1231] : memref<400xi32, #tpu.memory_space<vmem>> -> memref<80xi32, #tpu.memory_space<vmem>>
        %dma_wait3A_1233 = arith.constant 0 : i32
        %dma_wait3A_1234 = arith.constant 0 : i32
        %dma_wait3A_1235 = tpu.memref_slice %arg11[%dma_wait3A_1233, %dma_wait3A_1234] : memref<128x128xf32, #tpu.memory_space<vmem_shared>> -> memref<128x128xf32, #tpu.memory_space<vmem_shared>>
        tpu.wait_indirect_dma semaphore(%arg12 : memref<!tpu.dma_semaphore, #tpu.memory_space<semaphore_mem>>) src(%dma_wait3A_1235 : memref<128x128xf32, #tpu.memory_space<vmem_shared>>) dst(%dma_wait3A_1230 : memref<80x128xf32, #tpu.memory_space<vmem>>)
        %dma_wait3A_1236 = arith.constant 320 : i32
        %dma_wait3A_1237 = arith.constant 0 : i32
        %dma_wait3A_1238 = tpu.memref_slice %arg10[%dma_wait3A_1236, %dma_wait3A_1237] : memref<400x128xf32, #tpu.memory_space<vmem>> -> memref<80x128xf32, #tpu.memory_space<vmem>>
        %dma_wait3A_1239 = arith.constant 320 : i32
        %dma_wait3A_1240 = tpu.memref_slice %arg8[%dma_wait3A_1239] : memref<400xi32, #tpu.memory_space<vmem>> -> memref<80xi32, #tpu.memory_space<vmem>>
        %dma_wait3A_1241 = arith.constant 0 : i32
        %dma_wait3A_1242 = arith.constant 0 : i32
        %dma_wait3A_1243 = tpu.memref_slice %arg11[%dma_wait3A_1241, %dma_wait3A_1242] : memref<128x128xf32, #tpu.memory_space<vmem_shared>> -> memref<128x128xf32, #tpu.memory_space<vmem_shared>>
        tpu.wait_indirect_dma semaphore(%arg12 : memref<!tpu.dma_semaphore, #tpu.memory_space<semaphore_mem>>) src(%dma_wait3A_1243 : memref<128x128xf32, #tpu.memory_space<vmem_shared>>) dst(%dma_wait3A_1238 : memref<80x128xf32, #tpu.memory_space<vmem>>)
        %dma_start3A_1244 = arith.constant 0 : i32
        %dma_start3A_1245 = tpu.memref_slice %arg4[%mul3A_94, %dma_start3A_1244] : memref<800000x128xf32, #tpu.memory_space<hbm>> -> memref<400x128xf32, #tpu.memory_space<hbm>>
        %dma_start3A_1246 = arith.constant 0 : i32
        %dma_start3A_1247 = tpu.memref_slice %arg4[%mul3A_94, %dma_start3A_1246] : memref<800000x128xf32, #tpu.memory_space<hbm>> -> memref<400x128xf32, #tpu.memory_space<hbm>>
        tpu.enqueue_dma source(%arg10 : memref<400x128xf32, #tpu.memory_space<vmem>>) target(%dma_start3A_1247 : memref<400x128xf32, #tpu.memory_space<hbm>>) target_semaphore(%arg14 : memref<!tpu.dma_semaphore, #tpu.memory_space<semaphore_mem>>)
      } else {
      }
    }
    %ge3A = arith.constant 1 : i32
    %ge3A_34 = arith.cmpi sge, %select_n3A, %ge3A : i32
    %convert_element_type3A_35 = arith.extui %ge3A_34 : i1 to i32
    %cond3A_36 = arith.constant 0 : i32
    %cond3A_37 = arith.cmpi ne, %convert_element_type3A_35, %cond3A_36 : i32
    scf.if %cond3A_37 {
      %dma_wait3A = arith.constant 0 : i32
      %dma_wait3A_43 = arith.constant 0 : i32
      %dma_wait3A_44 = tpu.memref_slice %arg4[%dma_wait3A, %dma_wait3A_43] : memref<800000x128xf32, #tpu.memory_space<hbm>> -> memref<400x128xf32, #tpu.memory_space<hbm>>
      %dma_wait3A_45 = arith.constant 0 : i32
      %dma_wait3A_46 = arith.constant 0 : i32
      %dma_wait3A_47 = tpu.memref_slice %arg4[%dma_wait3A_45, %dma_wait3A_46] : memref<800000x128xf32, #tpu.memory_space<hbm>> -> memref<400x128xf32, #tpu.memory_space<hbm>>
      tpu.wait_dma2 semaphore(%arg13 : memref<!tpu.dma_semaphore, #tpu.memory_space<semaphore_mem>>) src(%arg9 : memref<400x128xf32, #tpu.memory_space<vmem>>) dst(%dma_wait3A_47 : memref<400x128xf32, #tpu.memory_space<hbm>>)
    } else {
    }
    %ge3A_38 = arith.constant 2 : i32
    %ge3A_39 = arith.cmpi sge, %select_n3A, %ge3A_38 : i32
    %convert_element_type3A_40 = arith.extui %ge3A_39 : i1 to i32
    %cond3A_41 = arith.constant 0 : i32
    %cond3A_42 = arith.cmpi ne, %convert_element_type3A_40, %cond3A_41 : i32
    scf.if %cond3A_42 {
      %dma_wait3A = arith.constant 0 : i32
      %dma_wait3A_43 = arith.constant 0 : i32
      %dma_wait3A_44 = tpu.memref_slice %arg4[%dma_wait3A, %dma_wait3A_43] : memref<800000x128xf32, #tpu.memory_space<hbm>> -> memref<400x128xf32, #tpu.memory_space<hbm>>
      %dma_wait3A_45 = arith.constant 0 : i32
      %dma_wait3A_46 = arith.constant 0 : i32
      %dma_wait3A_47 = tpu.memref_slice %arg4[%dma_wait3A_45, %dma_wait3A_46] : memref<800000x128xf32, #tpu.memory_space<hbm>> -> memref<400x128xf32, #tpu.memory_space<hbm>>
      tpu.wait_dma2 semaphore(%arg14 : memref<!tpu.dma_semaphore, #tpu.memory_space<semaphore_mem>>) src(%arg10 : memref<400x128xf32, #tpu.memory_space<vmem>>) dst(%dma_wait3A_47 : memref<400x128xf32, #tpu.memory_space<hbm>>)
    } else {
    }
    return
  }
}

module attributes {stable_mosaic.version = 14 : i64} {
  func.func @_tab_body(%arg0: memref<5x64xf32, #tpu.memory_space<vmem>>, %arg1: memref<6x64xf32, #tpu.memory_space<vmem>>, %arg2: memref<2x64xf32, #tpu.memory_space<vmem>>, %arg3: memref<2x64xf32, #tpu.memory_space<vmem>>, %arg4: memref<128x128xf32, #tpu.memory_space<vmem>>) attributes {dimension_semantics = [], scalar_prefetch = 0 : i64, scratch_operands = 0 : i64, tpu.core_type = #tpu.core_type<tc>} {
    %iota3A = tpu.iota {dimensions = array<i32: 0>} : vector<128x64xi32>
    %jit3A = arith.constant 24 : i32
    %div3A = vector.broadcast %jit3A : i32 to vector<128x64xi32>
    %div3A_0 = arith.divsi %iota3A, %div3A : vector<128x64xi32>
    %sign3A = arith.constant 0 : i32
    %sign3A_1 = vector.broadcast %sign3A : i32 to vector<128x64xi32>
    %sign3A_2 = arith.cmpi sgt, %iota3A, %sign3A_1 : vector<128x64xi32>
    %sign3A_3 = arith.extui %sign3A_2 : vector<128x64xi1> to vector<128x64xi32>
    %sign3A_4 = arith.constant 0 : i32
    %sign3A_5 = vector.broadcast %sign3A_4 : i32 to vector<128x64xi32>
    %sign3A_6 = arith.cmpi slt, %iota3A, %sign3A_5 : vector<128x64xi32>
    %sign3A_7 = arith.extui %sign3A_6 : vector<128x64xi1> to vector<128x64xi32>
    %sign3A_8 = arith.subi %sign3A_3, %sign3A_7 : vector<128x64xi32>
    %sign3A_9 = arith.constant 0 : i32
    %sign3A_10 = arith.cmpi sgt, %jit3A, %sign3A_9 : i32
    %sign3A_11 = arith.extui %sign3A_10 : i1 to i32
    %sign3A_12 = arith.constant 0 : i32
    %sign3A_13 = arith.cmpi slt, %jit3A, %sign3A_12 : i32
    %sign3A_14 = arith.extui %sign3A_13 : i1 to i32
    %sign3A_15 = arith.subi %sign3A_11, %sign3A_14 : i32
    %ne3A = vector.broadcast %sign3A_15 : i32 to vector<128x64xi32>
    %ne3A_16 = arith.cmpi ne, %sign3A_8, %ne3A : vector<128x64xi32>
    %rem3A = vector.broadcast %jit3A : i32 to vector<128x64xi32>
    %rem3A_17 = arith.remsi %iota3A, %rem3A : vector<128x64xi32>
    %ne3A_18 = arith.constant 0 : i32
    %ne3A_19 = vector.broadcast %ne3A_18 : i32 to vector<128x64xi32>
    %ne3A_20 = arith.cmpi ne, %rem3A_17, %ne3A_19 : vector<128x64xi32>
    %and3A = arith.andi %ne3A_16, %ne3A_20 : vector<128x64xi1>
    %sub3A = arith.constant 1 : i32
    %sub3A_21 = vector.broadcast %sub3A : i32 to vector<128x64xi32>
    %sub3A_22 = arith.subi %div3A_0, %sub3A_21 : vector<128x64xi32>
    %select_n3A = arith.select %and3A, %sub3A_22, %div3A_0 : vector<128x64xi1>, vector<128x64xi32>
    %jit3A_23 = arith.constant 24 : i32
    %eq3A = arith.constant 0 : i32
    %eq3A_24 = arith.cmpi eq, %jit3A_23, %eq3A : i32
    %jit3A_25 = arith.constant 1 : i32
    %select_n3A_26 = arith.select %eq3A_24, %jit3A_25, %jit3A_23 : i32
    %rem3A_27 = vector.broadcast %select_n3A_26 : i32 to vector<128x64xi32>
    %rem3A_28 = arith.remsi %iota3A, %rem3A_27 : vector<128x64xi32>
    %ne3A_29 = arith.constant 0 : i32
    %ne3A_30 = vector.broadcast %ne3A_29 : i32 to vector<128x64xi32>
    %ne3A_31 = arith.cmpi ne, %rem3A_28, %ne3A_30 : vector<128x64xi32>
    %lt3A = arith.constant 0 : i32
    %lt3A_32 = vector.broadcast %lt3A : i32 to vector<128x64xi32>
    %lt3A_33 = arith.cmpi slt, %rem3A_28, %lt3A_32 : vector<128x64xi32>
    %lt3A_34 = arith.constant 0 : i32
    %lt3A_35 = arith.cmpi slt, %select_n3A_26, %lt3A_34 : i32
    %ne3A_36 = vector.broadcast %lt3A_35 : i1 to vector<128x64xi1>
    %ne3A_37 = vector.broadcast %ne3A_36 : vector<128x64xi1> to vector<128x64xi1>
    %ne3A_38 = arith.xori %lt3A_33, %ne3A_37 : vector<128x64xi1>
    %and3A_39 = arith.andi %ne3A_38, %ne3A_31 : vector<128x64xi1>
    %add3A = vector.broadcast %select_n3A_26 : i32 to vector<128x64xi32>
    %add3A_40 = arith.addi %rem3A_28, %add3A : vector<128x64xi32>
    %select_n3A_41 = arith.select %and3A_39, %add3A_40, %rem3A_28 : vector<128x64xi1>, vector<128x64xi32>
    %jit3A_42 = arith.constant 4 : i32
    %div3A_43 = vector.broadcast %jit3A_42 : i32 to vector<128x64xi32>
    %div3A_44 = arith.divsi %select_n3A_41, %div3A_43 : vector<128x64xi32>
    %sign3A_45 = arith.constant 0 : i32
    %sign3A_46 = vector.broadcast %sign3A_45 : i32 to vector<128x64xi32>
    %sign3A_47 = arith.cmpi sgt, %select_n3A_41, %sign3A_46 : vector<128x64xi32>
    %sign3A_48 = arith.extui %sign3A_47 : vector<128x64xi1> to vector<128x64xi32>
    %sign3A_49 = arith.constant 0 : i32
    %sign3A_50 = vector.broadcast %sign3A_49 : i32 to vector<128x64xi32>
    %sign3A_51 = arith.cmpi slt, %select_n3A_41, %sign3A_50 : vector<128x64xi32>
    %sign3A_52 = arith.extui %sign3A_51 : vector<128x64xi1> to vector<128x64xi32>
    %sign3A_53 = arith.subi %sign3A_48, %sign3A_52 : vector<128x64xi32>
    %sign3A_54 = arith.constant 0 : i32
    %sign3A_55 = arith.cmpi sgt, %jit3A_42, %sign3A_54 : i32
    %sign3A_56 = arith.extui %sign3A_55 : i1 to i32
    %sign3A_57 = arith.constant 0 : i32
    %sign3A_58 = arith.cmpi slt, %jit3A_42, %sign3A_57 : i32
    %sign3A_59 = arith.extui %sign3A_58 : i1 to i32
    %sign3A_60 = arith.subi %sign3A_56, %sign3A_59 : i32
    %ne3A_61 = vector.broadcast %sign3A_60 : i32 to vector<128x64xi32>
    %ne3A_62 = arith.cmpi ne, %sign3A_53, %ne3A_61 : vector<128x64xi32>
    %rem3A_63 = vector.broadcast %jit3A_42 : i32 to vector<128x64xi32>
    %rem3A_64 = arith.remsi %select_n3A_41, %rem3A_63 : vector<128x64xi32>
    %ne3A_65 = arith.constant 0 : i32
    %ne3A_66 = vector.broadcast %ne3A_65 : i32 to vector<128x64xi32>
    %ne3A_67 = arith.cmpi ne, %rem3A_64, %ne3A_66 : vector<128x64xi32>
    %and3A_68 = arith.andi %ne3A_62, %ne3A_67 : vector<128x64xi1>
    %sub3A_69 = arith.constant 1 : i32
    %sub3A_70 = vector.broadcast %sub3A_69 : i32 to vector<128x64xi32>
    %sub3A_71 = arith.subi %div3A_44, %sub3A_70 : vector<128x64xi32>
    %select_n3A_72 = arith.select %and3A_68, %sub3A_71, %div3A_44 : vector<128x64xi1>, vector<128x64xi32>
    %jit3A_73 = arith.constant 2 : i32
    %div3A_74 = vector.broadcast %jit3A_73 : i32 to vector<128x64xi32>
    %div3A_75 = arith.divsi %iota3A, %div3A_74 : vector<128x64xi32>
    %sign3A_76 = arith.constant 0 : i32
    %sign3A_77 = vector.broadcast %sign3A_76 : i32 to vector<128x64xi32>
    %sign3A_78 = arith.cmpi sgt, %iota3A, %sign3A_77 : vector<128x64xi32>
    %sign3A_79 = arith.extui %sign3A_78 : vector<128x64xi1> to vector<128x64xi32>
    %sign3A_80 = arith.constant 0 : i32
    %sign3A_81 = vector.broadcast %sign3A_80 : i32 to vector<128x64xi32>
    %sign3A_82 = arith.cmpi slt, %iota3A, %sign3A_81 : vector<128x64xi32>
    %sign3A_83 = arith.extui %sign3A_82 : vector<128x64xi1> to vector<128x64xi32>
    %sign3A_84 = arith.subi %sign3A_79, %sign3A_83 : vector<128x64xi32>
    %sign3A_85 = arith.constant 0 : i32
    %sign3A_86 = arith.cmpi sgt, %jit3A_73, %sign3A_85 : i32
    %sign3A_87 = arith.extui %sign3A_86 : i1 to i32
    %sign3A_88 = arith.constant 0 : i32
    %sign3A_89 = arith.cmpi slt, %jit3A_73, %sign3A_88 : i32
    %sign3A_90 = arith.extui %sign3A_89 : i1 to i32
    %sign3A_91 = arith.subi %sign3A_87, %sign3A_90 : i32
    %ne3A_92 = vector.broadcast %sign3A_91 : i32 to vector<128x64xi32>
    %ne3A_93 = arith.cmpi ne, %sign3A_84, %ne3A_92 : vector<128x64xi32>
    %rem3A_94 = vector.broadcast %jit3A_73 : i32 to vector<128x64xi32>
    %rem3A_95 = arith.remsi %iota3A, %rem3A_94 : vector<128x64xi32>
    %ne3A_96 = arith.constant 0 : i32
    %ne3A_97 = vector.broadcast %ne3A_96 : i32 to vector<128x64xi32>
    %ne3A_98 = arith.cmpi ne, %rem3A_95, %ne3A_97 : vector<128x64xi32>
    %and3A_99 = arith.andi %ne3A_93, %ne3A_98 : vector<128x64xi1>
    %sub3A_100 = arith.constant 1 : i32
    %sub3A_101 = vector.broadcast %sub3A_100 : i32 to vector<128x64xi32>
    %sub3A_102 = arith.subi %div3A_75, %sub3A_101 : vector<128x64xi32>
    %select_n3A_103 = arith.select %and3A_99, %sub3A_102, %div3A_75 : vector<128x64xi1>, vector<128x64xi32>
    %jit3A_104 = arith.constant 2 : i32
    %eq3A_105 = arith.constant 0 : i32
    %eq3A_106 = arith.cmpi eq, %jit3A_104, %eq3A_105 : i32
    %jit3A_107 = arith.constant 1 : i32
    %select_n3A_108 = arith.select %eq3A_106, %jit3A_107, %jit3A_104 : i32
    %rem3A_109 = vector.broadcast %select_n3A_108 : i32 to vector<128x64xi32>
    %rem3A_110 = arith.remsi %select_n3A_103, %rem3A_109 : vector<128x64xi32>
    %ne3A_111 = arith.constant 0 : i32
    %ne3A_112 = vector.broadcast %ne3A_111 : i32 to vector<128x64xi32>
    %ne3A_113 = arith.cmpi ne, %rem3A_110, %ne3A_112 : vector<128x64xi32>
    %lt3A_114 = arith.constant 0 : i32
    %lt3A_115 = vector.broadcast %lt3A_114 : i32 to vector<128x64xi32>
    %lt3A_116 = arith.cmpi slt, %rem3A_110, %lt3A_115 : vector<128x64xi32>
    %lt3A_117 = arith.constant 0 : i32
    %lt3A_118 = arith.cmpi slt, %select_n3A_108, %lt3A_117 : i32
    %ne3A_119 = vector.broadcast %lt3A_118 : i1 to vector<128x64xi1>
    %ne3A_120 = vector.broadcast %ne3A_119 : vector<128x64xi1> to vector<128x64xi1>
    %ne3A_121 = arith.xori %lt3A_116, %ne3A_120 : vector<128x64xi1>
    %and3A_122 = arith.andi %ne3A_121, %ne3A_113 : vector<128x64xi1>
    %add3A_123 = vector.broadcast %select_n3A_108 : i32 to vector<128x64xi32>
    %add3A_124 = arith.addi %rem3A_110, %add3A_123 : vector<128x64xi32>
    %select_n3A_125 = arith.select %and3A_122, %add3A_124, %rem3A_110 : vector<128x64xi1>, vector<128x64xi32>
    %jit3A_126 = arith.constant 2 : i32
    %eq3A_127 = arith.constant 0 : i32
    %eq3A_128 = arith.cmpi eq, %jit3A_126, %eq3A_127 : i32
    %jit3A_129 = arith.constant 1 : i32
    %select_n3A_130 = arith.select %eq3A_128, %jit3A_129, %jit3A_126 : i32
    %rem3A_131 = vector.broadcast %select_n3A_130 : i32 to vector<128x64xi32>
    %rem3A_132 = arith.remsi %iota3A, %rem3A_131 : vector<128x64xi32>
    %ne3A_133 = arith.constant 0 : i32
    %ne3A_134 = vector.broadcast %ne3A_133 : i32 to vector<128x64xi32>
    %ne3A_135 = arith.cmpi ne, %rem3A_132, %ne3A_134 : vector<128x64xi32>
    %lt3A_136 = arith.constant 0 : i32
    %lt3A_137 = vector.broadcast %lt3A_136 : i32 to vector<128x64xi32>
    %lt3A_138 = arith.cmpi slt, %rem3A_132, %lt3A_137 : vector<128x64xi32>
    %lt3A_139 = arith.constant 0 : i32
    %lt3A_140 = arith.cmpi slt, %select_n3A_130, %lt3A_139 : i32
    %ne3A_141 = vector.broadcast %lt3A_140 : i1 to vector<128x64xi1>
    %ne3A_142 = vector.broadcast %ne3A_141 : vector<128x64xi1> to vector<128x64xi1>
    %ne3A_143 = arith.xori %lt3A_138, %ne3A_142 : vector<128x64xi1>
    %and3A_144 = arith.andi %ne3A_143, %ne3A_135 : vector<128x64xi1>
    %add3A_145 = vector.broadcast %select_n3A_130 : i32 to vector<128x64xi32>
    %add3A_146 = arith.addi %rem3A_132, %add3A_145 : vector<128x64xi32>
    %select_n3A_147 = arith.select %and3A_144, %add3A_146, %rem3A_132 : vector<128x64xi1>, vector<128x64xi32>
    %broadcast_in_dim3A = arith.constant 0.000000e+00 : f32
    %broadcast_in_dim3A_148 = vector.broadcast %broadcast_in_dim3A : f32 to vector<128x64xf32>
    %eq3A_149 = arith.constant 0 : i32
    %eq3A_150 = vector.broadcast %eq3A_149 : i32 to vector<128x64xi32>
    %eq3A_151 = arith.cmpi eq, %select_n3A, %eq3A_150 : vector<128x64xi32>
    %jit3A_152 = arith.constant 1.000000e+00 : f32
    %jit3A_153 = arith.constant 0.000000e+00 : f32
    %broadcast_in_dim3A_154 = vector.broadcast %jit3A_152 : f32 to vector<128x64xf32>
    %broadcast_in_dim3A_155 = vector.broadcast %jit3A_153 : f32 to vector<128x64xf32>
    %select_n3A_156 = arith.select %eq3A_151, %broadcast_in_dim3A_154, %broadcast_in_dim3A_155 : vector<128x64xi1>, vector<128x64xf32>
    %get3A = arith.constant 0 : index
    %get3A_157 = arith.constant 0 : index
    %get3A_158 = vector.load %arg0[%get3A, %get3A_157] : memref<5x64xf32, #tpu.memory_space<vmem>>, vector<1x64xf32>
    %get3A_159 = vector.shape_cast %get3A_158 : vector<1x64xf32> to vector<64xf32>
    %broadcast_in_dim3A_160 = vector.shape_cast %get3A_159 : vector<64xf32> to vector<1x64xf32>
    %mul3A = vector.broadcast %broadcast_in_dim3A_160 : vector<1x64xf32> to vector<128x64xf32>
    %mul3A_161 = arith.mulf %select_n3A_156, %mul3A : vector<128x64xf32>
    %add3A_162 = arith.addf %broadcast_in_dim3A_148, %mul3A_161 : vector<128x64xf32>
    %eq3A_163 = arith.constant 1 : i32
    %eq3A_164 = vector.broadcast %eq3A_163 : i32 to vector<128x64xi32>
    %eq3A_165 = arith.cmpi eq, %select_n3A, %eq3A_164 : vector<128x64xi32>
    %jit3A_166 = arith.constant 1.000000e+00 : f32
    %jit3A_167 = arith.constant 0.000000e+00 : f32
    %broadcast_in_dim3A_168 = vector.broadcast %jit3A_166 : f32 to vector<128x64xf32>
    %broadcast_in_dim3A_169 = vector.broadcast %jit3A_167 : f32 to vector<128x64xf32>
    %select_n3A_170 = arith.select %eq3A_165, %broadcast_in_dim3A_168, %broadcast_in_dim3A_169 : vector<128x64xi1>, vector<128x64xf32>
    %get3A_171 = arith.constant 1 : index
    %get3A_172 = arith.constant 0 : index
    %get3A_173 = vector.load %arg0[%get3A_171, %get3A_172] : memref<5x64xf32, #tpu.memory_space<vmem>>, vector<1x64xf32>
    %get3A_174 = vector.shape_cast %get3A_173 : vector<1x64xf32> to vector<64xf32>
    %broadcast_in_dim3A_175 = vector.shape_cast %get3A_174 : vector<64xf32> to vector<1x64xf32>
    %mul3A_176 = vector.broadcast %broadcast_in_dim3A_175 : vector<1x64xf32> to vector<128x64xf32>
    %mul3A_177 = arith.mulf %select_n3A_170, %mul3A_176 : vector<128x64xf32>
    %add3A_178 = arith.addf %add3A_162, %mul3A_177 : vector<128x64xf32>
    %eq3A_179 = arith.constant 2 : i32
    %eq3A_180 = vector.broadcast %eq3A_179 : i32 to vector<128x64xi32>
    %eq3A_181 = arith.cmpi eq, %select_n3A, %eq3A_180 : vector<128x64xi32>
    %jit3A_182 = arith.constant 1.000000e+00 : f32
    %jit3A_183 = arith.constant 0.000000e+00 : f32
    %broadcast_in_dim3A_184 = vector.broadcast %jit3A_182 : f32 to vector<128x64xf32>
    %broadcast_in_dim3A_185 = vector.broadcast %jit3A_183 : f32 to vector<128x64xf32>
    %select_n3A_186 = arith.select %eq3A_181, %broadcast_in_dim3A_184, %broadcast_in_dim3A_185 : vector<128x64xi1>, vector<128x64xf32>
    %get3A_187 = arith.constant 2 : index
    %get3A_188 = arith.constant 0 : index
    %get3A_189 = vector.load %arg0[%get3A_187, %get3A_188] : memref<5x64xf32, #tpu.memory_space<vmem>>, vector<1x64xf32>
    %get3A_190 = vector.shape_cast %get3A_189 : vector<1x64xf32> to vector<64xf32>
    %broadcast_in_dim3A_191 = vector.shape_cast %get3A_190 : vector<64xf32> to vector<1x64xf32>
    %mul3A_192 = vector.broadcast %broadcast_in_dim3A_191 : vector<1x64xf32> to vector<128x64xf32>
    %mul3A_193 = arith.mulf %select_n3A_186, %mul3A_192 : vector<128x64xf32>
    %add3A_194 = arith.addf %add3A_178, %mul3A_193 : vector<128x64xf32>
    %eq3A_195 = arith.constant 3 : i32
    %eq3A_196 = vector.broadcast %eq3A_195 : i32 to vector<128x64xi32>
    %eq3A_197 = arith.cmpi eq, %select_n3A, %eq3A_196 : vector<128x64xi32>
    %jit3A_198 = arith.constant 1.000000e+00 : f32
    %jit3A_199 = arith.constant 0.000000e+00 : f32
    %broadcast_in_dim3A_200 = vector.broadcast %jit3A_198 : f32 to vector<128x64xf32>
    %broadcast_in_dim3A_201 = vector.broadcast %jit3A_199 : f32 to vector<128x64xf32>
    %select_n3A_202 = arith.select %eq3A_197, %broadcast_in_dim3A_200, %broadcast_in_dim3A_201 : vector<128x64xi1>, vector<128x64xf32>
    %get3A_203 = arith.constant 3 : index
    %get3A_204 = arith.constant 0 : index
    %get3A_205 = vector.load %arg0[%get3A_203, %get3A_204] : memref<5x64xf32, #tpu.memory_space<vmem>>, vector<1x64xf32>
    %get3A_206 = vector.shape_cast %get3A_205 : vector<1x64xf32> to vector<64xf32>
    %broadcast_in_dim3A_207 = vector.shape_cast %get3A_206 : vector<64xf32> to vector<1x64xf32>
    %mul3A_208 = vector.broadcast %broadcast_in_dim3A_207 : vector<1x64xf32> to vector<128x64xf32>
    %mul3A_209 = arith.mulf %select_n3A_202, %mul3A_208 : vector<128x64xf32>
    %add3A_210 = arith.addf %add3A_194, %mul3A_209 : vector<128x64xf32>
    %eq3A_211 = arith.constant 4 : i32
    %eq3A_212 = vector.broadcast %eq3A_211 : i32 to vector<128x64xi32>
    %eq3A_213 = arith.cmpi eq, %select_n3A, %eq3A_212 : vector<128x64xi32>
    %jit3A_214 = arith.constant 1.000000e+00 : f32
    %jit3A_215 = arith.constant 0.000000e+00 : f32
    %broadcast_in_dim3A_216 = vector.broadcast %jit3A_214 : f32 to vector<128x64xf32>
    %broadcast_in_dim3A_217 = vector.broadcast %jit3A_215 : f32 to vector<128x64xf32>
    %select_n3A_218 = arith.select %eq3A_213, %broadcast_in_dim3A_216, %broadcast_in_dim3A_217 : vector<128x64xi1>, vector<128x64xf32>
    %get3A_219 = arith.constant 4 : index
    %get3A_220 = arith.constant 0 : index
    %get3A_221 = vector.load %arg0[%get3A_219, %get3A_220] : memref<5x64xf32, #tpu.memory_space<vmem>>, vector<1x64xf32>
    %get3A_222 = vector.shape_cast %get3A_221 : vector<1x64xf32> to vector<64xf32>
    %broadcast_in_dim3A_223 = vector.shape_cast %get3A_222 : vector<64xf32> to vector<1x64xf32>
    %mul3A_224 = vector.broadcast %broadcast_in_dim3A_223 : vector<1x64xf32> to vector<128x64xf32>
    %mul3A_225 = arith.mulf %select_n3A_218, %mul3A_224 : vector<128x64xf32>
    %add3A_226 = arith.addf %add3A_210, %mul3A_225 : vector<128x64xf32>
    %eq3A_227 = arith.constant 0 : i32
    %eq3A_228 = vector.broadcast %eq3A_227 : i32 to vector<128x64xi32>
    %eq3A_229 = arith.cmpi eq, %select_n3A_72, %eq3A_228 : vector<128x64xi32>
    %jit3A_230 = arith.constant 1.000000e+00 : f32
    %jit3A_231 = arith.constant 0.000000e+00 : f32
    %broadcast_in_dim3A_232 = vector.broadcast %jit3A_230 : f32 to vector<128x64xf32>
    %broadcast_in_dim3A_233 = vector.broadcast %jit3A_231 : f32 to vector<128x64xf32>
    %select_n3A_234 = arith.select %eq3A_229, %broadcast_in_dim3A_232, %broadcast_in_dim3A_233 : vector<128x64xi1>, vector<128x64xf32>
    %get3A_235 = arith.constant 0 : index
    %get3A_236 = arith.constant 0 : index
    %get3A_237 = vector.load %arg1[%get3A_235, %get3A_236] : memref<6x64xf32, #tpu.memory_space<vmem>>, vector<1x64xf32>
    %get3A_238 = vector.shape_cast %get3A_237 : vector<1x64xf32> to vector<64xf32>
    %broadcast_in_dim3A_239 = vector.shape_cast %get3A_238 : vector<64xf32> to vector<1x64xf32>
    %mul3A_240 = vector.broadcast %broadcast_in_dim3A_239 : vector<1x64xf32> to vector<128x64xf32>
    %mul3A_241 = arith.mulf %select_n3A_234, %mul3A_240 : vector<128x64xf32>
    %add3A_242 = arith.addf %add3A_226, %mul3A_241 : vector<128x64xf32>
    %eq3A_243 = arith.constant 1 : i32
    %eq3A_244 = vector.broadcast %eq3A_243 : i32 to vector<128x64xi32>
    %eq3A_245 = arith.cmpi eq, %select_n3A_72, %eq3A_244 : vector<128x64xi32>
    %jit3A_246 = arith.constant 1.000000e+00 : f32
    %jit3A_247 = arith.constant 0.000000e+00 : f32
    %broadcast_in_dim3A_248 = vector.broadcast %jit3A_246 : f32 to vector<128x64xf32>
    %broadcast_in_dim3A_249 = vector.broadcast %jit3A_247 : f32 to vector<128x64xf32>
    %select_n3A_250 = arith.select %eq3A_245, %broadcast_in_dim3A_248, %broadcast_in_dim3A_249 : vector<128x64xi1>, vector<128x64xf32>
    %get3A_251 = arith.constant 1 : index
    %get3A_252 = arith.constant 0 : index
    %get3A_253 = vector.load %arg1[%get3A_251, %get3A_252] : memref<6x64xf32, #tpu.memory_space<vmem>>, vector<1x64xf32>
    %get3A_254 = vector.shape_cast %get3A_253 : vector<1x64xf32> to vector<64xf32>
    %broadcast_in_dim3A_255 = vector.shape_cast %get3A_254 : vector<64xf32> to vector<1x64xf32>
    %mul3A_256 = vector.broadcast %broadcast_in_dim3A_255 : vector<1x64xf32> to vector<128x64xf32>
    %mul3A_257 = arith.mulf %select_n3A_250, %mul3A_256 : vector<128x64xf32>
    %add3A_258 = arith.addf %add3A_242, %mul3A_257 : vector<128x64xf32>
    %eq3A_259 = arith.constant 2 : i32
    %eq3A_260 = vector.broadcast %eq3A_259 : i32 to vector<128x64xi32>
    %eq3A_261 = arith.cmpi eq, %select_n3A_72, %eq3A_260 : vector<128x64xi32>
    %jit3A_262 = arith.constant 1.000000e+00 : f32
    %jit3A_263 = arith.constant 0.000000e+00 : f32
    %broadcast_in_dim3A_264 = vector.broadcast %jit3A_262 : f32 to vector<128x64xf32>
    %broadcast_in_dim3A_265 = vector.broadcast %jit3A_263 : f32 to vector<128x64xf32>
    %select_n3A_266 = arith.select %eq3A_261, %broadcast_in_dim3A_264, %broadcast_in_dim3A_265 : vector<128x64xi1>, vector<128x64xf32>
    %get3A_267 = arith.constant 2 : index
    %get3A_268 = arith.constant 0 : index
    %get3A_269 = vector.load %arg1[%get3A_267, %get3A_268] : memref<6x64xf32, #tpu.memory_space<vmem>>, vector<1x64xf32>
    %get3A_270 = vector.shape_cast %get3A_269 : vector<1x64xf32> to vector<64xf32>
    %broadcast_in_dim3A_271 = vector.shape_cast %get3A_270 : vector<64xf32> to vector<1x64xf32>
    %mul3A_272 = vector.broadcast %broadcast_in_dim3A_271 : vector<1x64xf32> to vector<128x64xf32>
    %mul3A_273 = arith.mulf %select_n3A_266, %mul3A_272 : vector<128x64xf32>
    %add3A_274 = arith.addf %add3A_258, %mul3A_273 : vector<128x64xf32>
    %eq3A_275 = arith.constant 3 : i32
    %eq3A_276 = vector.broadcast %eq3A_275 : i32 to vector<128x64xi32>
    %eq3A_277 = arith.cmpi eq, %select_n3A_72, %eq3A_276 : vector<128x64xi32>
    %jit3A_278 = arith.constant 1.000000e+00 : f32
    %jit3A_279 = arith.constant 0.000000e+00 : f32
    %broadcast_in_dim3A_280 = vector.broadcast %jit3A_278 : f32 to vector<128x64xf32>
    %broadcast_in_dim3A_281 = vector.broadcast %jit3A_279 : f32 to vector<128x64xf32>
    %select_n3A_282 = arith.select %eq3A_277, %broadcast_in_dim3A_280, %broadcast_in_dim3A_281 : vector<128x64xi1>, vector<128x64xf32>
    %get3A_283 = arith.constant 3 : index
    %get3A_284 = arith.constant 0 : index
    %get3A_285 = vector.load %arg1[%get3A_283, %get3A_284] : memref<6x64xf32, #tpu.memory_space<vmem>>, vector<1x64xf32>
    %get3A_286 = vector.shape_cast %get3A_285 : vector<1x64xf32> to vector<64xf32>
    %broadcast_in_dim3A_287 = vector.shape_cast %get3A_286 : vector<64xf32> to vector<1x64xf32>
    %mul3A_288 = vector.broadcast %broadcast_in_dim3A_287 : vector<1x64xf32> to vector<128x64xf32>
    %mul3A_289 = arith.mulf %select_n3A_282, %mul3A_288 : vector<128x64xf32>
    %add3A_290 = arith.addf %add3A_274, %mul3A_289 : vector<128x64xf32>
    %eq3A_291 = arith.constant 4 : i32
    %eq3A_292 = vector.broadcast %eq3A_291 : i32 to vector<128x64xi32>
    %eq3A_293 = arith.cmpi eq, %select_n3A_72, %eq3A_292 : vector<128x64xi32>
    %jit3A_294 = arith.constant 1.000000e+00 : f32
    %jit3A_295 = arith.constant 0.000000e+00 : f32
    %broadcast_in_dim3A_296 = vector.broadcast %jit3A_294 : f32 to vector<128x64xf32>
    %broadcast_in_dim3A_297 = vector.broadcast %jit3A_295 : f32 to vector<128x64xf32>
    %select_n3A_298 = arith.select %eq3A_293, %broadcast_in_dim3A_296, %broadcast_in_dim3A_297 : vector<128x64xi1>, vector<128x64xf32>
    %get3A_299 = arith.constant 4 : index
    %get3A_300 = arith.constant 0 : index
    %get3A_301 = vector.load %arg1[%get3A_299, %get3A_300] : memref<6x64xf32, #tpu.memory_space<vmem>>, vector<1x64xf32>
    %get3A_302 = vector.shape_cast %get3A_301 : vector<1x64xf32> to vector<64xf32>
    %broadcast_in_dim3A_303 = vector.shape_cast %get3A_302 : vector<64xf32> to vector<1x64xf32>
    %mul3A_304 = vector.broadcast %broadcast_in_dim3A_303 : vector<1x64xf32> to vector<128x64xf32>
    %mul3A_305 = arith.mulf %select_n3A_298, %mul3A_304 : vector<128x64xf32>
    %add3A_306 = arith.addf %add3A_290, %mul3A_305 : vector<128x64xf32>
    %eq3A_307 = arith.constant 5 : i32
    %eq3A_308 = vector.broadcast %eq3A_307 : i32 to vector<128x64xi32>
    %eq3A_309 = arith.cmpi eq, %select_n3A_72, %eq3A_308 : vector<128x64xi32>
    %jit3A_310 = arith.constant 1.000000e+00 : f32
    %jit3A_311 = arith.constant 0.000000e+00 : f32
    %broadcast_in_dim3A_312 = vector.broadcast %jit3A_310 : f32 to vector<128x64xf32>
    %broadcast_in_dim3A_313 = vector.broadcast %jit3A_311 : f32 to vector<128x64xf32>
    %select_n3A_314 = arith.select %eq3A_309, %broadcast_in_dim3A_312, %broadcast_in_dim3A_313 : vector<128x64xi1>, vector<128x64xf32>
    %get3A_315 = arith.constant 5 : index
    %get3A_316 = arith.constant 0 : index
    %get3A_317 = vector.load %arg1[%get3A_315, %get3A_316] : memref<6x64xf32, #tpu.memory_space<vmem>>, vector<1x64xf32>
    %get3A_318 = vector.shape_cast %get3A_317 : vector<1x64xf32> to vector<64xf32>
    %broadcast_in_dim3A_319 = vector.shape_cast %get3A_318 : vector<64xf32> to vector<1x64xf32>
    %mul3A_320 = vector.broadcast %broadcast_in_dim3A_319 : vector<1x64xf32> to vector<128x64xf32>
    %mul3A_321 = arith.mulf %select_n3A_314, %mul3A_320 : vector<128x64xf32>
    %add3A_322 = arith.addf %add3A_306, %mul3A_321 : vector<128x64xf32>
    %eq3A_323 = arith.constant 0 : i32
    %eq3A_324 = vector.broadcast %eq3A_323 : i32 to vector<128x64xi32>
    %eq3A_325 = arith.cmpi eq, %select_n3A_125, %eq3A_324 : vector<128x64xi32>
    %jit3A_326 = arith.constant 1.000000e+00 : f32
    %jit3A_327 = arith.constant 0.000000e+00 : f32
    %broadcast_in_dim3A_328 = vector.broadcast %jit3A_326 : f32 to vector<128x64xf32>
    %broadcast_in_dim3A_329 = vector.broadcast %jit3A_327 : f32 to vector<128x64xf32>
    %select_n3A_330 = arith.select %eq3A_325, %broadcast_in_dim3A_328, %broadcast_in_dim3A_329 : vector<128x64xi1>, vector<128x64xf32>
    %get3A_331 = arith.constant 0 : index
    %get3A_332 = arith.constant 0 : index
    %get3A_333 = vector.load %arg2[%get3A_331, %get3A_332] : memref<2x64xf32, #tpu.memory_space<vmem>>, vector<1x64xf32>
    %get3A_334 = vector.shape_cast %get3A_333 : vector<1x64xf32> to vector<64xf32>
    %broadcast_in_dim3A_335 = vector.shape_cast %get3A_334 : vector<64xf32> to vector<1x64xf32>
    %mul3A_336 = vector.broadcast %broadcast_in_dim3A_335 : vector<1x64xf32> to vector<128x64xf32>
    %mul3A_337 = arith.mulf %select_n3A_330, %mul3A_336 : vector<128x64xf32>
    %add3A_338 = arith.addf %add3A_322, %mul3A_337 : vector<128x64xf32>
    %eq3A_339 = arith.constant 1 : i32
    %eq3A_340 = vector.broadcast %eq3A_339 : i32 to vector<128x64xi32>
    %eq3A_341 = arith.cmpi eq, %select_n3A_125, %eq3A_340 : vector<128x64xi32>
    %jit3A_342 = arith.constant 1.000000e+00 : f32
    %jit3A_343 = arith.constant 0.000000e+00 : f32
    %broadcast_in_dim3A_344 = vector.broadcast %jit3A_342 : f32 to vector<128x64xf32>
    %broadcast_in_dim3A_345 = vector.broadcast %jit3A_343 : f32 to vector<128x64xf32>
    %select_n3A_346 = arith.select %eq3A_341, %broadcast_in_dim3A_344, %broadcast_in_dim3A_345 : vector<128x64xi1>, vector<128x64xf32>
    %get3A_347 = arith.constant 1 : index
    %get3A_348 = arith.constant 0 : index
    %get3A_349 = vector.load %arg2[%get3A_347, %get3A_348] : memref<2x64xf32, #tpu.memory_space<vmem>>, vector<1x64xf32>
    %get3A_350 = vector.shape_cast %get3A_349 : vector<1x64xf32> to vector<64xf32>
    %broadcast_in_dim3A_351 = vector.shape_cast %get3A_350 : vector<64xf32> to vector<1x64xf32>
    %mul3A_352 = vector.broadcast %broadcast_in_dim3A_351 : vector<1x64xf32> to vector<128x64xf32>
    %mul3A_353 = arith.mulf %select_n3A_346, %mul3A_352 : vector<128x64xf32>
    %add3A_354 = arith.addf %add3A_338, %mul3A_353 : vector<128x64xf32>
    %eq3A_355 = arith.constant 0 : i32
    %eq3A_356 = vector.broadcast %eq3A_355 : i32 to vector<128x64xi32>
    %eq3A_357 = arith.cmpi eq, %select_n3A_147, %eq3A_356 : vector<128x64xi32>
    %jit3A_358 = arith.constant 1.000000e+00 : f32
    %jit3A_359 = arith.constant 0.000000e+00 : f32
    %broadcast_in_dim3A_360 = vector.broadcast %jit3A_358 : f32 to vector<128x64xf32>
    %broadcast_in_dim3A_361 = vector.broadcast %jit3A_359 : f32 to vector<128x64xf32>
    %select_n3A_362 = arith.select %eq3A_357, %broadcast_in_dim3A_360, %broadcast_in_dim3A_361 : vector<128x64xi1>, vector<128x64xf32>
    %get3A_363 = arith.constant 0 : index
    %get3A_364 = arith.constant 0 : index
    %get3A_365 = vector.load %arg3[%get3A_363, %get3A_364] : memref<2x64xf32, #tpu.memory_space<vmem>>, vector<1x64xf32>
    %get3A_366 = vector.shape_cast %get3A_365 : vector<1x64xf32> to vector<64xf32>
    %broadcast_in_dim3A_367 = vector.shape_cast %get3A_366 : vector<64xf32> to vector<1x64xf32>
    %mul3A_368 = vector.broadcast %broadcast_in_dim3A_367 : vector<1x64xf32> to vector<128x64xf32>
    %mul3A_369 = arith.mulf %select_n3A_362, %mul3A_368 : vector<128x64xf32>
    %add3A_370 = arith.addf %add3A_354, %mul3A_369 : vector<128x64xf32>
    %eq3A_371 = arith.constant 1 : i32
    %eq3A_372 = vector.broadcast %eq3A_371 : i32 to vector<128x64xi32>
    %eq3A_373 = arith.cmpi eq, %select_n3A_147, %eq3A_372 : vector<128x64xi32>
    %jit3A_374 = arith.constant 1.000000e+00 : f32
    %jit3A_375 = arith.constant 0.000000e+00 : f32
    %broadcast_in_dim3A_376 = vector.broadcast %jit3A_374 : f32 to vector<128x64xf32>
    %broadcast_in_dim3A_377 = vector.broadcast %jit3A_375 : f32 to vector<128x64xf32>
    %select_n3A_378 = arith.select %eq3A_373, %broadcast_in_dim3A_376, %broadcast_in_dim3A_377 : vector<128x64xi1>, vector<128x64xf32>
    %get3A_379 = arith.constant 1 : index
    %get3A_380 = arith.constant 0 : index
    %get3A_381 = vector.load %arg3[%get3A_379, %get3A_380] : memref<2x64xf32, #tpu.memory_space<vmem>>, vector<1x64xf32>
    %get3A_382 = vector.shape_cast %get3A_381 : vector<1x64xf32> to vector<64xf32>
    %broadcast_in_dim3A_383 = vector.shape_cast %get3A_382 : vector<64xf32> to vector<1x64xf32>
    %mul3A_384 = vector.broadcast %broadcast_in_dim3A_383 : vector<1x64xf32> to vector<128x64xf32>
    %mul3A_385 = arith.mulf %select_n3A_378, %mul3A_384 : vector<128x64xf32>
    %add3A_386 = arith.addf %add3A_370, %mul3A_385 : vector<128x64xf32>
    %broadcast_in_dim3A_387 = arith.constant 0.000000e+00 : f32
    %broadcast_in_dim3A_388 = vector.broadcast %broadcast_in_dim3A_387 : f32 to vector<128x64xf32>
    %concatenate3A = tpu.concatenate %add3A_386, %broadcast_in_dim3A_388 in 1 : vector<128x64xf32>, vector<128x64xf32> -> vector<128x128xf32>
    %swap3A = arith.constant 0 : index
    %swap3A_389 = arith.constant 0 : index
    %swap3A_390 = vector.load %arg4[%swap3A, %swap3A_389] : memref<128x128xf32, #tpu.memory_space<vmem>>, vector<128x128xf32>
    tpu.vector_store %arg4[%swap3A, %swap3A_389], %concatenate3A {strides = array<i32>} : memref<128x128xf32, #tpu.memory_space<vmem>>, vector<128x128xf32>,
    return
  }
}

</mosaic_0001>

<sc_bundles>
// kernel: kernel.4.cloned.1.call-start
scs
__scs_entry_jumppad:
0x0: {  	(pc) =	sbr.rel $0x88, $3  }
0x1: {  	(tag) =	ssettag $0x0;
	lr =	simm.s32 $0x1  }
0x2: {  	[smem:$0x3F9C] =	sst lr;
	_ =	strace $0xD0000000  }
0x3: {  	_ = 	snop  }
0x4: {  	_ = 	snop  }
0x5: {  	_ = 	snop  }
0x6: {  	_ = 	snop  }
0x7: {  	_ = 	snop  }
__scs_overlays_trampoline_lowered:
0x8: {  	[smem:$0x3FAB] =	sst s0  }
0x9: {  	[smem:$0x3FAC] =	sst s1  }
0xa: {  	[smem:$0x3FAD] =	sst s2  }
0xb: {  	[smem:$0x3FAE] =	sst s3  }
0xc: {  	[smem:$0x3FAF] =	sst s4  }
0xd: {  	[smem:$0x3FB0] =	sst s5  }
0xe: {  	[smem:$0x3FB1] =	sst s6  }
0xf: {  	[smem:$0x3FB2] =	sst s7  }
0x10: {  	[smem:$0x3FB3] =	sst s8  }
0x11: {  	[smem:$0x3FB4] =	sst s9;
	s0 =	simm.s32 @!p0 $0x0  }
0x12: {  	s1 =	sld [smem:$0x3F9A];
	s0 =	simm.s32 @p0 $0x1  }
0x13: {  	[smem:$0x3FB5] =	sst s0;
	s0 =	simm.s32 @!p1 $0x0  }
0x14: {  	s2 =	sld [smem:$0x3F99];
	s0 =	simm.s32 @p1 $0x1  }
0x15: {  	[smem:$0x3FB6] =	sst s0;
	s0 =	simm.s32 @!p2 $0x0  }
0x16: {  	s3 =	sld [smem:$0x3FDB];
	s0 =	simm.s32 @p2 $0x1  }
0x17: {  	s4 =	simm.s32 $0x1BF5;
	[smem:$0x3FB8] =	sst s0  }
0x18: {  	s0 =	sld [smem:$0x3F9B];
	_ =	swait.ge [sflag:s4], $0x0  }
0x19: {  	s7 =	sld [smem:$0x3F9C]  }
0x1a: {  	s8 =	sadd.s32 $0xFFFFE003, lr  }
0x1b: {  	s9 =	sadd.s32 $0xFFFFFEF7, lr;
	s5 =	simm.s32 $0xFFFFFFFF;
	p2 =	slt.u32 s8, $0xFFFFF086  }
0x1c: {  	p1 =	slt.u32 s9, $0xF7A;
	s5 =	simm.s32 @!p2 $0x0  }
0x1d: {  	s5 =	simm.s32 @p1 $0x1;
	p0 =	seq.s32 s7, s2  }
0x1e: {  	s7 =	smul.u32 @!p0 $0xF7A, s2;
	p2 =	seq.s32 @!p0 s5, $0x0  }
0x1f: {  	s9 =	smul.u32 $0xF7A, s1;
	s8 =	simm.s32 @!p0 $0x1BF5;
	p2 =	por !p2, p0  }
0x20: {  	[sflag:s8] =	ssyncset.s32 @!p0 $0xFFFFF086;
	s6 =	sadd.s32 @!p0 s3, s7;
	s7 =	simm.s32 @!p0 $0x108  }
0x21: {  	s3 =	sadd.s32 s3, s9;
	s6 =	sadd.s32 @!p0 $0x88, s6;
	s7 =	simm.s32 @p2 $0x1082  }
0x22: {  	[simem:s7], [sflag:s8] =	dma.local @!p0 [hbm:s6], $0xF7A  }
0x23: {  	s9 =	sor.u32 $0xD0000000, s2;
	s6 =	simm.s32 $0x108;
	_ =	swait.ge @!p0 [sflag:s8], $0x0  }
0x24: {  	s3 =	sadd.s32 $0x88, s3;
	s6 =	simm.s32 @!p1 $0x1082;
	[sflag:s4] =	ssyncset.s32 $0xFFFFF086  }
0x25: {  	[simem:s6], [sflag:s4] =	dma.local [hbm:s3], $0xF7A  }
0x26: {  	[smem:$0x3F9C] =	sst s1;
	(tag) =	ssettag s2;
	_ =	strace s9  }
0x27: {  	s1 =	sld [smem:$0x3FAC]  }
0x28: {  	s2 =	sld [smem:$0x3FAD]  }
0x29: {  	s4 =	sld [smem:$0x3FAF]  }
0x2a: {  	p0 =	seq.s32 s5, $0x0;
	s5 =	sld [smem:$0x3FB0]  }
0x2b: {  	s6 =	sld [smem:$0x3FB1]  }
0x2c: {  	s7 =	sld [smem:$0x3FB2]  }
0x2d: {  	s3 =	simm.s32 $0x108;
	s8 =	sld [smem:$0x3FB3]  }
0x2e: {  	s3 =	simm.s32 @!p0 $0x1082;
	s9 =	sld [smem:$0x3FB4]  }
0x2f: {  	lr =	sadd.s32 s0, s3;
	s0 =	sld [smem:$0x3FAB]  }
0x30: {  	s3 =	sld [smem:$0x3FAE]  }
0x31: {  	[smem:$0x3FB7] =	sst s10  }
0x32: {  	s10 =	sld [smem:$0x3FB5];
	_ =	sdelay $0x3  }
0x33: {  	p0 =	seq.s32 s10, $0x1;
	s10 =	sld [smem:$0x3FB7];
	_ =	sdelay $0x3  }
0x34: {  	[smem:$0x3FB7] =	sst s10  }
0x35: {  	s10 =	sld [smem:$0x3FB6];
	_ =	sdelay $0x3  }
0x36: {  	p1 =	seq.s32 s10, $0x1;
	s10 =	sld [smem:$0x3FB7];
	_ =	sdelay $0x3  }
0x37: {  	[smem:$0x3FB7] =	sst s10  }
0x38: {  	s10 =	sld [smem:$0x3FB8]  }
0x39: {  	_ = 	snop;
	(pc) =	sbr.ind lr, $3  }
0x3a: {  	_ = 	snop  }
0x3b: {  	_ = 	snop  }
0x3c: {  	p2 =	seq.s32 s10, $0x1;
	s10 =	sld [smem:$0x3FB7]  }
0x3d: {  	_ =	shalt  }
0x3e: {  	_ =	shalt  }
0x3f: {  	_ =	shalt  }
0x40: {  	_ =	shalt  }
0x41: {  	_ =	shalt  }
0x42: {  	_ =	shalt  }
0x43: {  	_ =	shalt  }
0x44: {  	_ =	shalt  }
0x45: {  	_ =	shalt  }
0x46: {  	_ =	shalt  }
0x47: {  	_ =	shalt  }
0x48: {  	_ =	shalt  }
0x49: {  	_ =	shalt  }
0x4a: {  	_ =	shalt  }
0x4b: {  	_ =	shalt  }
0x4c: {  	_ =	shalt  }
0x4d: {  	_ =	shalt  }
0x4e: {  	_ =	shalt  }
0x4f: {  	_ =	shalt  }
0x50: {  	_ =	shalt  }
0x51: {  	_ =	shalt  }
0x52: {  	_ =	shalt  }
0x53: {  	_ =	shalt  }
0x54: {  	_ =	shalt  }
0x55: {  	_ =	shalt  }
0x56: {  	_ =	shalt  }
0x57: {  	_ =	shalt  }
0x58: {  	_ =	shalt  }
0x59: {  	_ =	shalt  }
0x5a: {  	_ =	shalt  }
0x5b: {  	_ =	shalt  }
0x5c: {  	_ =	shalt  }
0x5d: {  	_ =	shalt  }
0x5e: {  	_ =	shalt  }
0x5f: {  	_ =	shalt  }
0x60: {  	_ =	shalt  }
0x61: {  	_ =	shalt  }
0x62: {  	_ =	shalt  }
0x63: {  	_ =	shalt  }
0x64: {  	_ =	shalt  }
0x65: {  	_ =	shalt  }
0x66: {  	_ =	shalt  }
0x67: {  	_ =	shalt  }
0x68: {  	_ =	shalt  }
0x69: {  	_ =	shalt  }
0x6a: {  	_ =	shalt  }
0x6b: {  	_ =	shalt  }
0x6c: {  	_ =	shalt  }
0x6d: {  	_ =	shalt  }
0x6e: {  	_ =	shalt  }
0x6f: {  	_ =	shalt  }
0x70: {  	_ =	shalt  }
0x71: {  	_ =	shalt  }
0x72: {  	_ =	shalt  }
0x73: {  	_ =	shalt  }
0x74: {  	_ =	shalt  }
0x75: {  	_ =	shalt  }
0x76: {  	_ =	shalt  }
0x77: {  	_ =	shalt  }
0x78: {  	_ =	shalt  }
0x79: {  	_ =	shalt  }
0x7a: {  	_ =	shalt  }
0x7b: {  	_ =	shalt  }
0x7c: {  	_ =	shalt  }
0x7d: {  	_ =	shalt  }
0x7e: {  	_ =	shalt  }
0x7f: {  	_ =	shalt  }
0x80: {  	_ =	shalt  }
0x81: {  	_ =	shalt  }
0x82: {  	_ =	shalt  }
0x83: {  	_ =	shalt  }
0x84: {  	_ =	shalt  }
0x85: {  	_ =	shalt  }
0x86: {  	_ =	shalt  }
0x87: {  	_ =	shalt  }
.Lfunc_end0:
.L_simem_size_0:
called_computation.1_lowered:
.L_overlay_start_0:
0x88: {  	s2 =	sld [smem:$0x3FD9]  }
0x89: {  	s3 =	sld [smem:$0x3FFE];
	_ =	sdelay $0x1  }
0x8a: {  	s1 =	srdreg.scid  }
0x8b: {  	s0 =	sand.u32 $0x1, s1  }
0x8c: {  	s17 =	sshll.u32 s0, $0xA;
	s2 =	sadd.s32 s3, s2  }
0x8d: {  	s2 =	sadd.s32 s2, s17  }
0x8e: {  	[smem:$0x3FC3] =	sst s2  }
0x8f: {  	_ = 	snop  }
0x90: {  	s2 =	sld [smem:$0x3FD0];
	(tm) =	ssettm $0x1  }
0x91: {  	s18 =	sld [smem:$0x3FFB];
	_ =	sdelay $0x3  }
0x92: {  	_ =	strace s18  }
0x93: {  	s3 =	sld [smem:$0x3FFC];
	_ =	sdelay $0x3  }
0x94: {  	_ =	strace s3  }
0x95: {  	s3 =	sld [smem:$0x3FFD];
	_ =	sdelay $0x3  }
0x96: {  	_ =	strace s3  }
0x97: {  	_ =	strace $0x8FFFFFFF  }
0x98: {  	s19 =	sld [smem:$0x3FDB];
	_ =	sdelay $0x1  }
0x99: {  	s4 =	simm.s32 $_scs_section_size  }
0x9a: {  	s5 =	simm.s32 $_size__tile_overlayer_lowered;
	s6 =	simm.s32 $_tile_overlayer_lowered  }
0x9b: {  	s22 =	simm.s32 $0x1BFF;
	s21 =	sshll.u32 s6, $0x1;
	s3 =	sadd.s32 s4, s19  }
0x9c: {  	s7 =	simm.s32 $0x0;
	s20 =	sshll.u32 s5, $0x1;
	s5 =	sadd.s32 s21, s3  }
0x9d: {  	[timem:s7], [sflag:s22] =	dma.local [hbm:s5], s20  }
0x9e: {  	_ =	swait.ge [sflag:s22], s20  }
0x9f: {  	s4 =	ssub.s32 $0x0, s20;
	[sflag:s22] =	ssyncset.done $0x0  }
0xa0: {  	[sflag:s22] =	ssyncadd.s32 s4;
	_ =	sdelay $0x1  }
0xa1: {  	s23 =	simm.s32 $0x1B8B  }
0xa2: {  	_ =	swait.ge [sflag:s23], $0x1  }
0xa3: {  	[sflag:s23] =	ssyncset.done $0x0  }
0xa4: {  	s25 =	simm.s32 $0x1B8E;
	s24 =	sld [smem:$0x3FFE];
	[sflag:s23] =	ssyncadd.s32 $0xFFFFFFFF  }
0xa5: {  	s26 =	simm.s32 $execute0_lowered;
	[smem:$0x3FD2] =	sst s25  }
0xa6: {  	s5 =	sshll.u32 s26, $0x1;
	_ =	strace $0x80000046;
	[dreg:$0x1] =	wrdreg $0xFFFFFFFF  }
0xa7: {  	s28 =	simm.s32 $_size_execute0_lowered;
	s3 =	sadd.s32 s3, s5;
	[dreg:$0x0] =	wrdreg $0x0  }
0xa8: {  	s5 =	sshll.u32 s28, $0x1;
	[dreg:$0x2] =	wrdreg s3  }
0xa9: {  	[dreg:$0x3] =	wrdreg s5  }
0xaa: {  	[dreg:$0x4] =	wrdreg $0xC0  }
0xab: {  	_ =	task [dreg:s7], $0x5FFFF  }
0xac: {  	[dreg:$0x1] =	wrdreg $0xFFFFFFFF  }
0xad: {  	[dreg:$0x0] =	wrdreg $0x60  }
0xae: {  	[dreg:$0x2] =	wrdreg s2  }
0xaf: {  	[dreg:$0x3] =	wrdreg s24  }
0xb0: {  	[dreg:$0x4] =	wrdreg $0x198000  }
0xb1: {  	[dreg:$0x5] =	wrdreg $0x9  }
0xb2: {  	_ =	task.clear_ibuf [dreg:s7], $0x6FFFF;
	_ =	strace $0x90000046  }
0xb3: {  	s29 =	simm.s32 $0x9;
	_ =	strace $0x80000048  }
0xb4: {  	_ =	swait.ge [sflag:s29], $0x1  }
0xb5: {  	[sflag:s29] =	ssyncadd.s32 $0xFFFFFFFF  }
0xb6: {  	_ =	strace $0x90000048  }
0xb7: {  	_ =	sfence  }
0xb8: {  	s30 =	sld [smem:$0x0];
	_ =	sdelay $0x2  }
0xb9: {  	s31 =	sshll.u32 s1, $0xD;
	s1 =	sshrl.u32 s1, $0x2  }
0xba: {  	s3 =	sand.u32 $0x4000, s31;
	s1 =	sadd.s32 s1, s30  }
0xbb: {  	s0 =	sor.u32 s3, s0;
	s1 =	sshll.u32 s1, $0x11  }
0xbc: {  	s0 =	sor.u32 s1, s0  }
0xbd: {  	s0 =	sadd.s32 $0x8F2B, s0  }
0xbe: {  	[sflag:s0] =	ssyncadd.remote.s32 $0x1  }
0xbf: {  	_ =	sfence.sel $0xFFFF  }
0xc0: {  	[dreg:$0x0] =	wrdreg $0xFFFFFFFF;
	(pc) =	sbr.abs _section_cstart, $3  }
0xc1: {  	[dreg:$0x1] =	wrdreg $0xFFFFFFFF  }
0xc2: {  	_ =	task.clear_ibuf [dreg:s7], $0x2FFFF;
	_ =	strace $0x9FFFFFFF  }
0xc3: {  	(tm) =	ssettm $0x7FFFFFFF  }
tec
execute0_lowered:
.L_overlay_start_1:
0x0: {  	(tag) =	ssettag $0x1  }
0x1: {  	s1 =	rddreg [dreg:$0x0]  }
0x2: {  	s0 =	rddreg [dreg:$0x1]  }
0x3: {  	s2 =	rddreg [dreg:$0x2];
	s3 =	simm.s32 $0x0;
	s4 =	srdreg.scid  }
0x4: {  	s10 =	stileid.u32;
	s13 =	simm.s32 $0x200;
	s14 =	simm.s32 $0x4  }
0x5: {  	s15 =	simm.s32 $0x50;
	s16 =	simm.s32 $0x600;
	s17 =	simm.s32 $0xD000  }
0x6: {  	s18 =	simm.s32 $0x650;
	s19 =	simm.s32 $0xF800;
	s20 =	simm.s32 $0x6A0  }
0x7: {  	s21 =	simm.s32 $0x12000;
	s22 =	simm.s32 $0x6F0;
	s23 =	simm.s32 $0x14800  }
0x8: {  	s24 =	simm.s32 $0x740;
	s25 =	simm.s32 $0x17000;
	s28 =	simm.s32 $0x0  }
0x9: {  	[smem:$0x7FF] =	sst s3;
	s5 =	sadd.s32 $0xE00, s0;
	s7 =	smul.u32 $0x320, s10  }
0xa: {  	s4 =	sand.u32 $0x1, s4;
	s9 =	sshll.u32 s10, $0x1;
	s11 =	smul.u32 $0x19000, s10  }
0xb: {  	p0 =	sne.s32 s10, $0x0;
	_ =	strace $0x80000047;
	[dreg:$0x4] =	wrdreg s5  }
0xc: {  	s5 =	sadd.s32 $0x1600, s0;
	s26 =	ssub.s32 $0x2, s4;
	s8 =	smul.u32 $0x190, s4  }
0xd: {  	s12 =	smul.u32 $0xC800, s4;
	s4 =	sor.u32 s9, s4;
	s6 =	sshrl.u32 s26, $0x1  }
.Ltmp0:
0xe: {  	s30 =	ssub.s32 $0x7EF, s4;
	s29 =	sadd.s32 s8, s7;
	(pc) =	sbr.rel .LBB2_1-.Ltmp0, $4  }
0xf: {  	s0 =	ssub.s32 s26, s6;
	s31 =	sadd.s32 s12, s11;
	[dreg:$0x6] =	wrdreg s29  }
0x10: {  	s9 =	sshrl.u32 s30, $0x5;
	s0 =	smax.u32 s0, $0x1;
	[dreg:$0x7] =	wrdreg s31  }
0x11: {  	s11 =	simm.s32 $0x2;
	[dreg:$0x5] =	wrdreg s0;
	s0 =	sshrl.u32 @!p0 s2, $0x3  }
0x12: {  	s12 =	simm.s32 $0x3;
	s26 =	simm.s32 $0x1;
	[dreg:$0x8] =	wrdreg s0  }
.LBB2_5:
0x13: {  	_ =	swait.ge [sflag:s11], $0xC800  }
0x14: {  	[sflag:s11] =	ssyncset.done $0x0  }
0x15: {  	[sflag:s11] =	ssyncadd.s32 $0xFFFF3800  }
0x16: {  	_ =	swait.ge [sflag:s12], $0xC800  }
0x17: {  	s28 =	sadd.s32 $0x1, s28;
	s0 =	rddreg [dreg:$0x5]  }
0x18: {  	p1 =	sne.s32 s28, s0  }
.Ltmp1:
0x19: {  	_ = 	snop;
	(pc) =	sbr.rel @!p1 .LBB2_6-.Ltmp1, $3  }
0x1a: {  	_ =	sdelay $0x1  }
0x1b: {  	[sflag:s12] =	ssyncset.done $0x0  }
0x1c: {  	[sflag:s12] =	ssyncadd.s32 $0xFFFF3800  }
.LBB2_1:
0x1d: {  	s4 =	rddreg [dreg:$0x4]  }
0x1e: {  	s0 =	simm.s32 @!p0 $0x1C04;
	s6 =	rddreg [dreg:$0x8]  }
0x1f: {  	[spmem:s6], [sflag:s0] =	dma.local @!p0 [hbm:s4], $0x800  }
0x20: {  	s0 =	simm.s32 @!p0 $0x4  }
0x21: {  	_ =	swait.ge @!p0 [sflag:s0], $0x800  }
.Ltmp2:
0x22: {  	[sflag:s0] =	ssyncset.done @!p0 $0x0;
	(pc) =	sbr.rel .LBB2_2-.Ltmp2, $4  }
0x23: {  	[sflag:s0] =	ssyncadd.s32 @!p0 $0xFFFFF800  }
0x24: {  	[bflag:$0x0] =	sbarrier.arrive $0xFFFF  }
0x25: {  	s29 =	rddreg [dreg:$0x7]  }
0x26: {  	s31 =	simm.s32 $0x0;
	s30 =	rddreg [dreg:$0x6]  }
.LBB2_4:
0x27: {  	s31 =	sadd.s32 $0x1, s31  }
0x28: {  	p1 =	sne.s32 s9, s31  }
.Ltmp3:
0x29: {  	_ = 	snop;
	(pc) =	sbr.rel @!p1 .LBB2_5-.Ltmp3, $2  }
0x2a: {  	_ =	sdelay $0x2  }
0x2b: {  	s30 =	sadd.s32 $0x3200, s30;
	s29 =	sadd.s32 $0x190000, s29  }
.LBB2_2:
0x2c: {  	s0 =	sand.u32 $0x1, s31  }
0x2d: {  	p1 =	seq.s32 s0, $0x1  }
0x2e: {  	p2 =	slt.u32 @!p1 s31, $0x2  }
0x2f: {  	p2 =	por p2, p1  }
0x30: {  	s4 =	simm.s32 @!p2 $0x2  }
0x31: {  	_ =	swait.ge @!p2 [sflag:s4], $0xC800  }
0x32: {  	s6 =	sshrl.u32 @!p1 s30, $0x3;
	[sflag:s4] =	ssyncset.done @!p2 $0x0  }
0x33: {  	s6 =	sadd.s32 @!p1 s1, s6;
	[sflag:s4] =	ssyncadd.s32 @!p2 $0xFFFF3800;
	s4 =	simm.s32 @!p1 $0x0  }
0x34: {  	[tilespmem:s4], [sflag:$0x4] =	stream.linear.gather @!p1 [hbm4b:s6+s4], $0x190, $0x38;
	[tilespmem:$0x19C00] =	vst v63  }
0x35: {  	s6 =	simm.s32 @!p1 $0x4  }
0x36: {  	_ =	swait.ge @!p1 [sflag:s6], $0x190  }
0x37: {  	[sflag:s6] =	ssyncset.done @!p1 $0x0  }
0x38: {  	[sflag:s6] =	ssyncadd.s32 @!p1 $0xFFFFFE70  }
0x39: {  	v0 =	vld @!p1 [tilespmem:$0x0]  }
0x3a: {  	v1 =	vld @!p1 [tilespmem:$0x10]  }
0x3b: {  	v7 =	vld @!p1 [tilespmem:$0x40]  }
0x3c: {  	v8 =	vld @!p1 [tilespmem:$0x50]  }
0x3d: {  	v14 =	vld @!p1 [tilespmem:$0xA0]  }
0x3e: {  	v2 =	vand.u32 @!p1 $0xFF, v0;
	v3 =	vshrl.u32 @!p1 v0, $0x6  }
0x3f: {  	v4 =	vshrl.u32 @!p1 v0, $0xF;
	v0 =	vshrl.u32 @!p1 v0, $0x18;
	v5 =	vshrl.u32 @!p1 v1, $0x6  }
0x40: {  	v17 =	vld @!p1 [tilespmem:$0xD0];
	v6 =	vshrl.u32 @!p1 v1, $0x18;
	v2 =	vmul.u32 @!p1 $0x18, v2;
	v3 =	vand.u32 @!p1 $0x3FC, v3  }
0x41: {  	v9 =	vshrl.u32 @!p1 v7, $0xF;
	v11 =	vshrl.u32 @!p1 v8, $0x18;
	v0 =	vadd.s32 @!p1 v0, v3;
	v3 =	vld @!p1 [tilespmem:$0x20]  }
0x42: {  	v15 =	vshrl.u32 @!p1 v14, $0xF;
	v0 =	vadd.s32 @!p1 v2, v0;
	v2 =	vand.u32 @!p1 $0xFF, v1  }
0x43: {  	v20 =	vld @!p1 [tilespmem:$0x100];
	v4 =	vand.u32 @!p1 $0x1FE, v4;
	v5 =	vand.u32 @!p1 $0x3FC, v5;
	v2 =	vmul.u32 @!p1 $0x18, v2  }
0x44: {  	v1 =	vshrl.u32 @!p1 v1, $0xF;
	v0 =	vadd.s32 @!p1 v4, v0;
	v4 =	vadd.s32 @!p1 v6, v5;
	v5 =	vld @!p1 [tilespmem:$0x30]  }
0x45: {  	v18 =	vshrl.u32 @!p1 v17, $0xF;
	v1 =	vand.u32 @!p1 $0x1FE, v1;
	v2 =	vadd.s32 @!p1 v2, v4  }
0x46: {  	v1 =	vadd.s32 @!p1 v1, v2;
	v2 =	vand.u32 @!p1 $0xFF, v3;
	v4 =	vshrl.u32 @!p1 v3, $0x6  }
0x47: {  	v6 =	vshrl.u32 @!p1 v3, $0x18;
	v2 =	vmul.u32 @!p1 $0x18, v2;
	v4 =	vand.u32 @!p1 $0x3FC, v4  }
0x48: {  	v21 =	vshrl.u32 @!p1 v20, $0x6;
	v3 =	vshrl.u32 @!p1 v3, $0xF;
	v4 =	vadd.s32 @!p1 v6, v4  }
0x49: {  	v3 =	vand.u32 @!p1 $0x1FE, v3;
	v2 =	vadd.s32 @!p1 v2, v4;
	v4 =	vand.u32 @!p1 $0xFF, v5  }
0x4a: {  	v2 =	vadd.s32 @!p1 v3, v2;
	v3 =	vmul.u32 @!p1 $0x18, v4;
	v4 =	vshrl.u32 @!p1 v5, $0x6  }
0x4b: {  	v6 =	vshrl.u32 @!p1 v5, $0xF;
	v5 =	vshrl.u32 @!p1 v5, $0x18;
	v4 =	vand.u32 @!p1 $0x3FC, v4  }
0x4c: {  	v23 =	vshrl.u32 @!p1 v20, $0x18;
	v4 =	vadd.s32 @!p1 v5, v4;
	v5 =	vand.u32 @!p1 $0xFF, v7  }
0x4d: {  	v3 =	vadd.s32 @!p1 v3, v4;
	v4 =	vmul.u32 @!p1 $0x18, v5;
	v5 =	vshrl.u32 @!p1 v7, $0x6  }
0x4e: {  	v10 =	vld @!p1 [tilespmem:$0x60];
	v6 =	vand.u32 @!p1 $0x1FE, v6;
	v7 =	vshrl.u32 @!p1 v7, $0x18;
	v5 =	vand.u32 @!p1 $0x3FC, v5  }
0x4f: {  	v21 =	vand.u32 @!p1 $0x3FC, v21;
	v3 =	vadd.s32 @!p1 v6, v3;
	v5 =	vadd.s32 @!p1 v7, v5  }
0x50: {  	v7 =	vshrl.u32 @!p1 v8, $0x6;
	v4 =	vadd.s32 @!p1 v4, v5;
	v5 =	vand.u32 @!p1 $0xFF, v8  }
0x51: {  	v12 =	vld @!p1 [tilespmem:$0x70];
	v6 =	vand.u32 @!p1 $0x1FE, v9;
	v7 =	vand.u32 @!p1 $0x3FC, v7;
	v9 =	vmul.u32 @!p1 $0x18, v5  }
0x52: {  	v5 =	vadd.s32 @!p1 v6, v4;
	v4 =	vshrl.u32 @!p1 v8, $0xF;
	v6 =	vadd.s32 @!p1 v11, v7  }
0x53: {  	v8 =	vand.u32 @!p1 $0xFF, v10;
	v4 =	vand.u32 @!p1 $0x1FE, v4;
	v6 =	vadd.s32 @!p1 v9, v6  }
0x54: {  	v9 =	vshrl.u32 @!p1 v10, $0x18;
	v7 =	vadd.s32 @!p1 v4, v6;
	v6 =	vshrl.u32 @!p1 v10, $0x6  }
0x55: {  	v4 =	vmul.u32 @!p1 $0x18, v8;
	v8 =	vshrl.u32 @!p1 v10, $0xF;
	v10 =	vld @!p1 [tilespmem:$0x80];
	v6 =	vand.u32 @!p1 $0x3FC, v6  }
0x56: {  	v11 =	vshrl.u32 @!p1 v12, $0xF;
	v6 =	vadd.s32 @!p1 v9, v6;
	v9 =	vand.u32 @!p1 $0xFF, v12  }
0x57: {  	v4 =	vadd.s32 @!p1 v4, v6;
	v6 =	vmul.u32 @!p1 $0x18, v9;
	v9 =	vshrl.u32 @!p1 v12, $0x6  }
0x58: {  	v13 =	vld @!p1 [tilespmem:$0x90];
	v8 =	vand.u32 @!p1 $0x1FE, v8;
	v12 =	vshrl.u32 @!p1 v12, $0x18;
	v9 =	vand.u32 @!p1 $0x3FC, v9  }
0x59: {  	v4 =	vadd.s32 @!p1 v8, v4;
	v8 =	vand.u32 @!p1 $0x1FE, v11;
	v9 =	vadd.s32 @!p1 v12, v9  }
0x5a: {  	v11 =	vshrl.u32 @!p1 v10, $0x6;
	v6 =	vadd.s32 @!p1 v6, v9;
	v9 =	vand.u32 @!p1 $0xFF, v10  }
0x5b: {  	v12 =	vshrl.u32 @!p1 v10, $0x18;
	v11 =	vand.u32 @!p1 $0x3FC, v11;
	v9 =	vmul.u32 @!p1 $0x18, v9  }
0x5c: {  	v6 =	vadd.s32 @!p1 v8, v6;
	v8 =	vshrl.u32 @!p1 v10, $0xF;
	v10 =	vadd.s32 @!p1 v12, v11  }
0x5d: {  	v8 =	vand.u32 @!p1 $0x1FE, v8;
	v9 =	vadd.s32 @!p1 v9, v10;
	v10 =	vand.u32 @!p1 $0xFF, v13  }
0x5e: {  	v8 =	vadd.s32 @!p1 v8, v9;
	v9 =	vmul.u32 @!p1 $0x18, v10;
	v10 =	vshrl.u32 @!p1 v13, $0x6  }
0x5f: {  	v11 =	vshrl.u32 @!p1 v13, $0xF;
	v12 =	vshrl.u32 @!p1 v13, $0x18;
	v13 =	vld @!p1 [tilespmem:$0xB0];
	v10 =	vand.u32 @!p1 $0x3FC, v10  }
0x60: {  	v21 =	vadd.s32 @!p1 v23, v21;
	v10 =	vadd.s32 @!p1 v12, v10;
	v12 =	vand.u32 @!p1 $0xFF, v14  }
0x61: {  	v9 =	vadd.s32 @!p1 v9, v10;
	v10 =	vmul.u32 @!p1 $0x18, v12;
	v12 =	vshrl.u32 @!p1 v14, $0x6  }
0x62: {  	v16 =	vld @!p1 [tilespmem:$0xC0];
	v11 =	vand.u32 @!p1 $0x1FE, v11;
	v14 =	vshrl.u32 @!p1 v14, $0x18;
	v12 =	vand.u32 @!p1 $0x3FC, v12  }
0x63: {  	v9 =	vadd.s32 @!p1 v11, v9;
	v11 =	vand.u32 @!p1 $0x1FE, v15;
	v12 =	vadd.s32 @!p1 v14, v12  }
0x64: {  	v14 =	vshrl.u32 @!p1 v13, $0x6;
	v10 =	vadd.s32 @!p1 v10, v12;
	v12 =	vand.u32 @!p1 $0xFF, v13  }
0x65: {  	v15 =	vshrl.u32 @!p1 v13, $0x18;
	v14 =	vand.u32 @!p1 $0x3FC, v14;
	v12 =	vmul.u32 @!p1 $0x18, v12  }
0x66: {  	v10 =	vadd.s32 @!p1 v11, v10;
	v11 =	vshrl.u32 @!p1 v13, $0xF;
	v13 =	vadd.s32 @!p1 v15, v14  }
0x67: {  	v11 =	vand.u32 @!p1 $0x1FE, v11;
	v12 =	vadd.s32 @!p1 v12, v13;
	v13 =	vand.u32 @!p1 $0xFF, v16  }
0x68: {  	v11 =	vadd.s32 @!p1 v11, v12;
	v12 =	vmul.u32 @!p1 $0x18, v13;
	v13 =	vshrl.u32 @!p1 v16, $0x6  }
0x69: {  	v14 =	vshrl.u32 @!p1 v16, $0xF;
	v15 =	vshrl.u32 @!p1 v16, $0x18;
	v16 =	vld @!p1 [tilespmem:$0xE0];
	v13 =	vand.u32 @!p1 $0x3FC, v13  }
0x6a: {  	v0 =	vmin.u32 @!p1 v0, $0x7F;
	v1 =	vmin.u32 @!p1 v1, $0x7F;
	v13 =	vadd.s32 @!p1 v15, v13  }
0x6b: {  	v14 =	vand.u32 @!p1 $0x1FE, v14;
	v15 =	vand.u32 @!p1 $0xFF, v17;
	v12 =	vadd.s32 @!p1 v12, v13  }
0x6c: {  	v19 =	vld @!p1 [tilespmem:$0xF0];
	v13 =	vmul.u32 @!p1 $0x18, v15;
	v15 =	vshrl.u32 @!p1 v17, $0x6;
	v17 =	vshrl.u32 @!p1 v17, $0x18  }
0x6d: {  	v15 =	vand.u32 @!p1 $0x3FC, v15;
	v12 =	vadd.s32 @!p1 v14, v12;
	v14 =	vand.u32 @!p1 $0x1FE, v18  }
0x6e: {  	v15 =	vadd.s32 @!p1 v17, v15;
	v17 =	vshrl.u32 @!p1 v16, $0x6;
	v18 =	vshrl.u32 @!p1 v16, $0x18  }
0x6f: {  	v13 =	vadd.s32 @!p1 v13, v15;
	v15 =	vand.u32 @!p1 $0xFF, v16;
	v17 =	vand.u32 @!p1 $0x3FC, v17  }
0x70: {  	v15 =	vmul.u32 @!p1 $0x18, v15;
	v13 =	vadd.s32 @!p1 v14, v13;
	v14 =	vshrl.u32 @!p1 v16, $0xF  }
0x71: {  	v16 =	vadd.s32 @!p1 v18, v17;
	v17 =	vshrl.u32 @!p1 v19, $0xF;
	v18 =	vshrl.u32 @!p1 v19, $0x18  }
0x72: {  	v22 =	vld @!p1 [tilespmem:$0x120];
	v14 =	vand.u32 @!p1 $0x1FE, v14;
	v15 =	vadd.s32 @!p1 v15, v16;
	v16 =	vand.u32 @!p1 $0xFF, v19  }
0x73: {  	v14 =	vadd.s32 @!p1 v14, v15;
	v15 =	vmul.u32 @!p1 $0x18, v16;
	v16 =	vshrl.u32 @!p1 v19, $0x6;
	v19 =	vld @!p1 [tilespmem:$0x110]  }
0x74: {  	v2 =	vmin.u32 @!p1 v2, $0x7F;
	v3 =	vmin.u32 @!p1 v3, $0x7F;
	v16 =	vand.u32 @!p1 $0x3FC, v16  }
0x75: {  	v5 =	vmin.u32 @!p1 v5, $0x7F;
	v16 =	vadd.s32 @!p1 v18, v16;
	v18 =	vand.u32 @!p1 $0xFF, v20  }
0x76: {  	v17 =	vand.u32 @!p1 $0x1FE, v17;
	v20 =	vshrl.u32 @!p1 v20, $0xF;
	v18 =	vmul.u32 @!p1 $0x18, v18  }
0x77: {  	v15 =	vadd.s32 @!p1 v15, v16;
	v16 =	vand.u32 @!p1 $0x1FE, v20;
	v20 =	vshrl.u32 @!p1 v22, $0x6  }
0x78: {  	v15 =	vadd.s32 @!p1 v17, v15;
	v18 =	vadd.s32 @!p1 v18, v21;
	v17 =	vshrl.u32 @!p1 v19, $0x6  }
0x79: {  	v16 =	vadd.s32 @!p1 v16, v18;
	v17 =	vand.u32 @!p1 $0x3FC, v17;
	v18 =	vshrl.u32 @!p1 v19, $0x18  }
0x7a: {  	v17 =	vadd.s32 @!p1 v18, v17;
	v18 =	vand.u32 @!p1 $0x3FC, v20;
	v20 =	vshrl.u32 @!p1 v22, $0x18  }
0x7b: {  	v21 =	vld @!p1 [tilespmem:$0x130];
	v23 =	vand.u32 @!p1 $0xFF, v19;
	v18 =	vadd.s32 @!p1 v20, v18;
	v20 =	vand.u32 @!p1 $0xFF, v22  }
0x7c: {  	v23 =	vmul.u32 @!p1 $0x18, v23;
	v19 =	vshrl.u32 @!p1 v19, $0xF;
	v20 =	vmul.u32 @!p1 $0x18, v20  }
0x7d: {  	v7 =	vmin.u32 @!p1 v7, $0x7F;
	v4 =	vmin.u32 @!p1 v4, $0x7F;
	v19 =	vand.u32 @!p1 $0x1FE, v19  }
0x7e: {  	v22 =	vshrl.u32 @!p1 v22, $0xF;
	v17 =	vadd.s32 @!p1 v23, v17;
	v18 =	vadd.s32 @!p1 v20, v18;
	v20 =	vld @!p1 [tilespmem:$0x140]  }
0x7f: {  	v6 =	vmin.u32 @!p1 v6, $0x7F;
	v22 =	vand.u32 @!p1 $0x1FE, v22;
	v17 =	vadd.s32 @!p1 v19, v17  }
0x80: {  	v19 =	vshrl.u32 @!p1 v21, $0x6;
	v18 =	vadd.s32 @!p1 v22, v18;
	v22 =	vand.u32 @!p1 $0xFF, v21  }
0x81: {  	[tilespmem:$0x440] =	vst @!p1 v5;
	v5 =	vld @!p1 [tilespmem:$0x160];
	v23 =	vshrl.u32 @!p1 v21, $0x18;
	v19 =	vand.u32 @!p1 $0x3FC, v19;
	v22 =	vmul.u32 @!p1 $0x18, v22  }
0x82: {  	[tilespmem:$0x450] =	vst @!p1 v7;
	v7 =	vmin.u32 @!p1 v9, $0x7F;
	v19 =	vadd.s32 @!p1 v23, v19;
	v21 =	vshrl.u32 @!p1 v21, $0xF  }
0x83: {  	[tilespmem:$0x400] =	vst @!p1 v0;
	v23 =	vld @!p1 [tilespmem:$0x150];
	v21 =	vand.u32 @!p1 $0x1FE, v21;
	v19 =	vadd.s32 @!p1 v22, v19;
	v22 =	vand.u32 @!p1 $0xFF, v20  }
0x84: {  	[tilespmem:$0x410] =	vst @!p1 v1;
	v0 =	vadd.s32 @!p1 v21, v19;
	v21 =	vshrl.u32 @!p1 v20, $0x6;
	v19 =	vmul.u32 @!p1 $0x18, v22  }
0x85: {  	[tilespmem:$0x460] =	vst @!p1 v4;
	v1 =	vand.u32 @!p1 $0x3FC, v21;
	v21 =	vshrl.u32 @!p1 v20, $0xF;
	v20 =	vshrl.u32 @!p1 v20, $0x18  }
0x86: {  	v4 =	vmin.u32 @!p1 v8, $0x7F;
	[tilespmem:$0x490] =	vst @!p1 v7;
	v7 =	vand.u32 @!p1 $0xFF, v5;
	v1 =	vadd.s32 @!p1 v20, v1  }
0x87: {  	[tilespmem:$0x420] =	vst @!p1 v2;
	v7 =	vmul.u32 @!p1 $0x18, v7;
	v2 =	vand.u32 @!p1 $0x1FE, v21;
	v1 =	vadd.s32 @!p1 v19, v1  }
0x88: {  	v20 =	vshrl.u32 @!p1 v23, $0x6;
	v1 =	vadd.s32 @!p1 v2, v1;
	v2 =	vand.u32 @!p1 $0xFF, v23  }
0x89: {  	[tilespmem:$0x430] =	vst @!p1 v3;
	v3 =	vand.u32 @!p1 $0x3FC, v20;
	v19 =	vshrl.u32 @!p1 v23, $0x18;
	v2 =	vmul.u32 @!p1 $0x18, v2  }
0x8a: {  	[tilespmem:$0x470] =	vst @!p1 v6;
	v8 =	vmin.u32 @!p1 v10, $0x7F;
	v6 =	vmin.u32 @!p1 v11, $0x7F;
	v3 =	vadd.s32 @!p1 v19, v3  }
0x8b: {  	[tilespmem:$0x480] =	vst @!p1 v4;
	v4 =	vmin.u32 @!p1 v12, $0x7F;
	v9 =	vshrl.u32 @!p1 v23, $0xF;
	v2 =	vadd.s32 @!p1 v2, v3;
	v3 =	vld @!p1 [tilespmem:$0x170]  }
0x8c: {  	[tilespmem:$0x4B0] =	vst @!p1 v6;
	v10 =	vmin.u32 @!p1 v13, $0x7F;
	v6 =	vmin.u32 @!p1 v14, $0x7F;
	v9 =	vand.u32 @!p1 $0x1FE, v9  }
0x8d: {  	v0 =	vmin.u32 @!p1 v0, $0x7F;
	v2 =	vadd.s32 @!p1 v9, v2;
	v9 =	vshrl.u32 @!p1 v5, $0x6  }
0x8e: {  	[tilespmem:$0x4A0] =	vst @!p1 v8;
	v8 =	vand.u32 @!p1 $0x3FC, v9;
	v9 =	vshrl.u32 @!p1 v5, $0x18;
	v5 =	vshrl.u32 @!p1 v5, $0xF  }
0x8f: {  	[tilespmem:$0x4C0] =	vst @!p1 v4;
	v1 =	vmin.u32 @!p1 v1, $0x7F;
	v8 =	vadd.s32 @!p1 v9, v8;
	v5 =	vand.u32 @!p1 $0x1FE, v5  }
0x90: {  	[tilespmem:$0x4D0] =	vst @!p1 v10;
	v10 =	vld @!p1 [tilespmem:$0x180];
	v4 =	vadd.s32 @!p1 v7, v8;
	v7 =	vand.u32 @!p1 $0xFF, v3;
	v8 =	vshrl.u32 @!p1 v3, $0x6  }
0x91: {  	[tilespmem:$0x4E0] =	vst @!p1 v6;
	v9 =	vshrl.u32 @!p1 v3, $0x18;
	v7 =	vmul.u32 @!p1 $0x18, v7;
	v8 =	vand.u32 @!p1 $0x3FC, v8  }
0x92: {  	[tilespmem:$0x530] =	vst @!p1 v0;
	v2 =	vmin.u32 @!p1 v2, $0x7F;
	v4 =	vadd.s32 @!p1 v5, v4;
	v6 =	vadd.s32 @!p1 v9, v8  }
0x93: {  	[tilespmem:$0x540] =	vst @!p1 v1;
	v3 =	vshrl.u32 @!p1 v3, $0xF;
	v5 =	vadd.s32 @!p1 v7, v6;
	v6 =	vmin.u32 @!p1 v16, $0x7F  }
0x94: {  	v3 =	vand.u32 @!p1 $0x1FE, v3;
	v8 =	vmin.u32 @!p1 v15, $0x7F;
	[tilespmem:$0x500] =	vst @!p1 v6;
	v6 =	vmin.u32 @!p1 v17, $0x7F  }
0x95: {  	v3 =	vadd.s32 @!p1 v3, v5;
	v5 =	vand.u32 @!p1 $0xFF, v10;
	[tilespmem:$0x510] =	vst @!p1 v6;
	v6 =	vshrl.u32 @!p1 v10, $0x6  }
0x96: {  	[tilespmem:$0x550] =	vst @!p1 v2;
	v0 =	vmul.u32 @!p1 $0x18, v5;
	v5 =	vand.u32 @!p1 $0x3FC, v6;
	v6 =	vshrl.u32 @!p1 v10, $0x18  }
0x97: {  	[tilespmem:$0x4F0] =	vst @!p1 v8;
	v7 =	vmin.u32 @!p1 v18, $0x7F;
	v1 =	vadd.s32 @!p1 v6, v5;
	v5 =	vshrl.u32 @!p1 v10, $0xF  }
0x98: {  	[tilespmem:$0x520] =	vst @!p1 v7;
	v0 =	vadd.s32 @!p1 v0, v1;
	v1 =	vmin.u32 @!p1 v4, $0x7F;
	v2 =	vand.u32 @!p1 $0x1FE, v5  }
0x99: {  	[tilespmem:$0x560] =	vst @!p1 v1;
	v1 =	vmin.u32 @!p1 v3, $0x7F;
	v0 =	vadd.s32 @!p1 v2, v0  }
0x9a: {  	[tilespmem:$0x570] =	vst @!p1 v1;
	v0 =	vmin.u32 @!p1 v0, $0x7F  }
0x9b: {  	s10 =	simm.s32 @!p1 $0x400;
	s7 =	simm.s32 @!p1 $0x800;
	s6 =	simm.s32 @!p1 $0x50;
	[tilespmem:$0x580] =	vst @!p1 v0  }
0x9c: {  	[tilespmem:s7], [sflag:$0x1] =	stream.indirect.gather @!p1 [spmem:s2], $0x80, s10, s6, $0xb8;
	[tilespmem:$0x19C00] =	vst v63  }
0x9d: {  	s8 =	simm.s32 @!p1 $0x3000;
	s10 =	simm.s32 @!p1 $0x450  }
0x9e: {  	[tilespmem:s8], [sflag:$0x1] =	stream.indirect.gather @!p1 [spmem:s2], $0x80, s10, s6, $0xb8;
	[tilespmem:$0x19C00] =	vst v63  }
0x9f: {  	s8 =	simm.s32 @!p1 $0x4A0;
	s10 =	simm.s32 @!p1 $0x5800  }
0xa0: {  	[tilespmem:s10], [sflag:$0x1] =	stream.indirect.gather @!p1 [spmem:s2], $0x80, s8, s6, $0xb8;
	[tilespmem:$0x19C00] =	vst v63  }
0xa1: {  	s8 =	simm.s32 @!p1 $0x4F0;
	s10 =	simm.s32 @!p1 $0x8000  }
0xa2: {  	[tilespmem:s10], [sflag:$0x1] =	stream.indirect.gather @!p1 [spmem:s2], $0x80, s8, s6, $0xb8;
	[tilespmem:$0x19C00] =	vst v63  }
0xa3: {  	s8 =	simm.s32 @!p1 $0x540;
	s10 =	simm.s32 @!p1 $0xA800  }
0xa4: {  	[tilespmem:s10], [sflag:$0x1] =	stream.indirect.gather @!p1 [spmem:s2], $0x80, s8, s6, $0xb8;
	[tilespmem:$0x19C00] =	vst v63  }
0xa5: {  	s6 =	simm.s32 @!p1 $0x1  }
0xa6: {  	_ =	swait.ge @!p1 [sflag:s6], $0x2800  }
0xa7: {  	[sflag:s6] =	ssyncset.done @!p1 $0x0  }
0xa8: {  	[sflag:s6] =	ssyncadd.s32 @!p1 $0xFFFFD800  }
0xa9: {  	_ =	swait.ge @!p1 [sflag:s6], $0x2800  }
0xaa: {  	[sflag:s6] =	ssyncset.done @!p1 $0x0  }
0xab: {  	[sflag:s6] =	ssyncadd.s32 @!p1 $0xFFFFD800  }
0xac: {  	_ =	swait.ge @!p1 [sflag:s6], $0x2800  }
0xad: {  	[sflag:s6] =	ssyncset.done @!p1 $0x0  }
0xae: {  	[sflag:s6] =	ssyncadd.s32 @!p1 $0xFFFFD800  }
0xaf: {  	_ =	swait.ge @!p1 [sflag:s6], $0x2800  }
0xb0: {  	[sflag:s6] =	ssyncset.done @!p1 $0x0  }
0xb1: {  	[sflag:s6] =	ssyncadd.s32 @!p1 $0xFFFFD800  }
0xb2: {  	_ =	swait.ge @!p1 [sflag:s6], $0x2800  }
0xb3: {  	s8 =	sshrl.u32 @!p1 s29, $0x3;
	[sflag:s6] =	ssyncset.done @!p1 $0x0  }
0xb4: {  	p2 =	seq.s32 @!p1 s0, $0x0;
	[sflag:s6] =	ssyncadd.s32 @!p1 $0xFFFFD800;
	s6 =	sadd.s32 @!p1 s5, s8  }
0xb5: {  	[hbm4b:s6+s4] =	stream.linear.scatter @!p1 [tilespmem:s7], [sflag:$0x2], $0xC800, $0x38;
	[tilespmem:$0x19C00] =	vst v63  }
0xb6: {  	p1 =	por p1, !p2  }
.Ltmp4:
0xb7: {  	_ = 	snop;
	(pc) =	sbr.rel @!p1 .LBB2_4-.Ltmp4, $1  }
0xb8: {  	_ =	sdelay $0x3  }
0xb9: {  	p1 =	slt.u32 s31, $0x2  }
0xba: {  	s0 =	simm.s32 @!p1 $0x3  }
0xbb: {  	_ =	swait.ge @!p1 [sflag:s0], $0xC800  }
0xbc: {  	s4 =	sshrl.u32 s30, $0x3;
	[sflag:s0] =	ssyncset.done @!p1 $0x0  }
0xbd: {  	s8 =	sadd.s32 s1, s4;
	[sflag:s0] =	ssyncadd.s32 @!p1 $0xFFFF3800  }
0xbe: {  	[tilespmem:s13], [sflag:$0x4] =	stream.linear.gather [hbm4b:s8+s3], $0x190, $0x38;
	[tilespmem:$0x19C00] =	vst v63  }
0xbf: {  	_ =	swait.ge [sflag:s14], $0x190  }
0xc0: {  	[sflag:s14] =	ssyncset.done $0x0  }
0xc1: {  	[sflag:s14] =	ssyncadd.s32 $0xFFFFFE70  }
0xc2: {  	v0 =	vld [tilespmem:$0x200]  }
0xc3: {  	v1 =	vld [tilespmem:$0x210];
	_ =	sdelay $0x1  }
0xc4: {  	v15 =	vld [tilespmem:$0x220]  }
0xc5: {  	v18 =	vld [tilespmem:$0x230]  }
0xc6: {  	v7 =	vld [tilespmem:$0x240];
	v2 =	vand.u32 $0xFF, v0;
	v3 =	vshrl.u32 v0, $0x6  }
0xc7: {  	v8 =	vld [tilespmem:$0x250];
	v4 =	vshrl.u32 v0, $0xF;
	v0 =	vshrl.u32 v0, $0x18;
	v16 =	vand.u32 $0xFF, v1  }
0xc8: {  	v10 =	vld [tilespmem:$0x260];
	v5 =	vshrl.u32 v1, $0x6;
	v6 =	vshrl.u32 v1, $0x18;
	v1 =	vshrl.u32 v1, $0xF  }
0xc9: {  	v19 =	vand.u32 $0xFF, v15;
	v20 =	vshrl.u32 v15, $0x6;
	v21 =	vshrl.u32 v15, $0x18  }
0xca: {  	v12 =	vld [tilespmem:$0x270];
	v22 =	vand.u32 $0xFF, v18;
	v24 =	vshrl.u32 v18, $0x6;
	v25 =	vshrl.u32 v18, $0xF  }
0xcb: {  	v40 =	vld [tilespmem:$0x280];
	v26 =	vand.u32 $0xFF, v7;
	v28 =	vshrl.u32 v7, $0x6;
	v9 =	vshrl.u32 v7, $0xF  }
0xcc: {  	v13 =	vld [tilespmem:$0x290];
	v7 =	vshrl.u32 v7, $0x18;
	v30 =	vand.u32 $0xFF, v8;
	v31 =	vshrl.u32 v8, $0x6  }
0xcd: {  	v14 =	vld [tilespmem:$0x2A0];
	v11 =	vshrl.u32 v8, $0x18;
	v33 =	vshrl.u32 v8, $0xF;
	v35 =	vand.u32 $0xFF, v10  }
0xce: {  	v56 =	vld [tilespmem:$0x2B0];
	v37 =	vshrl.u32 v10, $0x6;
	v38 =	vshrl.u32 v10, $0xF;
	v39 =	vshrl.u32 v10, $0x18  }
0xcf: {  	v41 =	vand.u32 $0xFF, v12;
	v43 =	vshrl.u32 v12, $0x6;
	v44 =	vshrl.u32 v12, $0xF  }
0xd0: {  	v12 =	vshrl.u32 v12, $0x18;
	v46 =	vand.u32 $0xFF, v40;
	v47 =	vshrl.u32 v40, $0x6  }
0xd1: {  	v48 =	vshrl.u32 v40, $0x18;
	v49 =	vshrl.u32 v40, $0xF;
	v51 =	vand.u32 $0xFF, v13  }
0xd2: {  	v53 =	vshrl.u32 v13, $0x6;
	v54 =	vshrl.u32 v13, $0xF;
	v55 =	vshrl.u32 v13, $0x18  }
0xd3: {  	v57 =	vand.u32 $0xFF, v14;
	v59 =	vshrl.u32 v14, $0x6;
	v61 =	vand.u32 $0xFF, v56  }
0xd4: {  	v62 =	vshrl.u32 v56, $0x6;
	v63 =	vshrl.u32 v56, $0x18;
	v2 =	vmul.u32 $0x18, v2  }
0xd5: {  	v3 =	vand.u32 $0x3FC, v3;
	v4 =	vand.u32 $0x1FE, v4;
	v5 =	vand.u32 $0x3FC, v5  }
0xd6: {  	v1 =	vand.u32 $0x1FE, v1;
	v23 =	vmul.u32 $0x18, v22;
	v27 =	vmul.u32 $0x18, v26  }
0xd7: {  	v29 =	vand.u32 $0x1FE, v9;
	v32 =	vmul.u32 $0x18, v30;
	v36 =	vmul.u32 $0x18, v35  }
0xd8: {  	v8 =	vand.u32 $0x1FE, v38;
	v42 =	vmul.u32 $0x18, v41;
	v9 =	vand.u32 $0x3FC, v43  }
0xd9: {  	v45 =	vand.u32 $0x1FE, v44;
	v52 =	vmul.u32 $0x18, v51;
	v10 =	vand.u32 $0x3FC, v53  }
0xda: {  	v58 =	vmul.u32 $0x18, v57;
	v0 =	vadd.s32 v0, v3;
	v17 =	vadd.s32 v6, v5  }
0xdb: {  	v3 =	vshrl.u32 v15, $0xF;
	v5 =	vshrl.u32 v18, $0x18;
	v6 =	vand.u32 $0x1FE, v25  }
0xdc: {  	v9 =	vadd.s32 v12, v9;
	v10 =	vadd.s32 v55, v10;
	v12 =	vand.u32 $0x3FC, v59  }
0xdd: {  	v53 =	vld [tilespmem:$0x340];
	v15 =	vshrl.u32 v14, $0xF;
	v14 =	vshrl.u32 v14, $0x18;
	v0 =	vadd.s32 v2, v0  }
0xde: {  	v2 =	vmul.u32 $0x18, v16;
	v3 =	vand.u32 $0x1FE, v3;
	v60 =	vand.u32 $0x1FE, v15  }
0xdf: {  	v16 =	vld [tilespmem:$0x2C0];
	v12 =	vadd.s32 v14, v12;
	v14 =	vand.u32 $0x3FC, v62;
	v0 =	vadd.s32 v4, v0  }
0xe0: {  	v4 =	vand.u32 $0x3FC, v20;
	v20 =	vshrl.u32 v56, $0xF;
	v2 =	vadd.s32 v2, v17  }
0xe1: {  	v0 =	vmin.u32 v0, $0x7F;
	v1 =	vadd.s32 v1, v2;
	v2 =	vmul.u32 $0x18, v19  }
0xe2: {  	v57 =	vld [tilespmem:$0x350];
	v4 =	vadd.s32 v21, v4;
	v21 =	vadd.s32 v63, v14;
	v63 =	vshrl.u32 v53, $0xF  }
0xe3: {  	v1 =	vmin.u32 v1, $0x7F;
	v2 =	vadd.s32 v2, v4;
	v4 =	vand.u32 $0x3FC, v24  }
0xe4: {  	v17 =	vld [tilespmem:$0x2D0];
	v22 =	vand.u32 $0xFF, v16;
	v24 =	vshrl.u32 v16, $0x6;
	v25 =	vshrl.u32 v16, $0xF  }
0xe5: {  	v26 =	vshrl.u32 v16, $0x18;
	v2 =	vadd.s32 v3, v2;
	v4 =	vadd.s32 v5, v4  }
0xe6: {  	v5 =	vand.u32 $0x3FC, v28;
	v13 =	vand.u32 $0x3FC, v24;
	v14 =	vand.u32 $0x1FE, v25  }
0xe7: {  	v24 =	vand.u32 $0x1FE, v63;
	v25 =	vshrl.u32 v57, $0x6;
	v3 =	vadd.s32 v23, v4  }
0xe8: {  	v19 =	vld [tilespmem:$0x2F0];
	v5 =	vadd.s32 v7, v5;
	v7 =	vand.u32 $0x3FC, v31;
	v23 =	vmul.u32 $0x18, v22  }
0xe9: {  	v13 =	vadd.s32 v26, v13;
	v28 =	vand.u32 $0xFF, v17;
	v30 =	vshrl.u32 v17, $0x6  }
0xea: {  	v18 =	vshrl.u32 v17, $0xF;
	v17 =	vshrl.u32 v17, $0x18;
	v2 =	vmin.u32 v2, $0x7F  }
0xeb: {  	v26 =	vand.u32 $0x3FC, v25;
	v3 =	vadd.s32 v6, v3;
	v4 =	vadd.s32 v27, v5  }
0xec: {  	v34 =	vadd.s32 v11, v7;
	v11 =	vand.u32 $0x3FC, v47;
	v15 =	vand.u32 $0x3FC, v30  }
0xed: {  	v31 =	vand.u32 $0x1FE, v18;
	v40 =	vshrl.u32 v19, $0xF;
	v41 =	vshrl.u32 v19, $0x18  }
0xee: {  	v5 =	vadd.s32 v29, v4;
	v4 =	vand.u32 $0x1FE, v33;
	v6 =	vadd.s32 v32, v34  }
0xef: {  	v50 =	vadd.s32 v48, v11;
	v11 =	vand.u32 $0x1FE, v54;
	v29 =	vmul.u32 $0x18, v28  }
0xf0: {  	v22 =	vld [tilespmem:$0x320];
	v15 =	vadd.s32 v17, v15;
	v3 =	vmin.u32 v3, $0x7F;
	v28 =	vand.u32 $0xFF, v57  }
0xf1: {  	v27 =	vld [tilespmem:$0x2E0];
	v7 =	vadd.s32 v4, v6;
	v6 =	vand.u32 $0x3FC, v37;
	v37 =	vand.u32 $0xFF, v19  }
0xf2: {  	[tilespmem:$0x620] =	vst v2;
	v5 =	vmin.u32 v5, $0x7F;
	v2 =	vmul.u32 $0x18, v28;
	v6 =	vadd.s32 v39, v6  }
0xf3: {  	v38 =	vmul.u32 $0x18, v37;
	v39 =	vshrl.u32 v19, $0x6;
	v7 =	vmin.u32 v7, $0x7F  }
0xf4: {  	v4 =	vadd.s32 v36, v6;
	v6 =	vadd.s32 v42, v9;
	v9 =	vmul.u32 $0x18, v46  }
0xf5: {  	v16 =	vand.u32 $0x3FC, v39;
	v47 =	vshrl.u32 v22, $0x6;
	v4 =	vadd.s32 v8, v4  }
0xf6: {  	v6 =	vadd.s32 v45, v6;
	v8 =	vand.u32 $0x1FE, v49;
	v32 =	vand.u32 $0xFF, v27  }
0xf7: {  	v33 =	vshrl.u32 v27, $0x6;
	v34 =	vshrl.u32 v27, $0x18;
	v35 =	vshrl.u32 v27, $0xF  }
0xf8: {  	v16 =	vadd.s32 v41, v16;
	v48 =	vand.u32 $0x3FC, v47;
	v49 =	vshrl.u32 v22, $0x18  }
0xf9: {  	v27 =	vshrl.u32 v57, $0x18;
	v9 =	vadd.s32 v9, v50;
	v17 =	vand.u32 $0x3FC, v33  }
0xfa: {  	[tilespmem:$0x630] =	vst v3;
	v3 =	vadd.s32 v27, v26;
	v4 =	vmin.u32 v4, $0x7F;
	v6 =	vmin.u32 v6, $0x7F  }
0xfb: {  	v8 =	vadd.s32 v8, v9;
	v9 =	vadd.s32 v52, v10;
	v10 =	vadd.s32 v58, v12  }
0xfc: {  	v42 =	vld [tilespmem:$0x310];
	v12 =	vmul.u32 $0x18, v61;
	v36 =	vadd.s32 v34, v17;
	v17 =	vand.u32 $0x1FE, v40  }
0xfd: {  	v52 =	vand.u32 $0xFF, v22;
	v22 =	vshrl.u32 v22, $0xF;
	v58 =	vand.u32 $0xFF, v53  }
0xfe: {  	v61 =	vshrl.u32 v53, $0x6;
	v34 =	vshrl.u32 v57, $0xF;
	v2 =	vadd.s32 v2, v3  }
0xff: {  	v9 =	vadd.s32 v11, v9;
	v10 =	vadd.s32 v60, v10;
	v11 =	vand.u32 $0x1FE, v20  }
0x100: {  	v47 =	vld [tilespmem:$0x380];
	v22 =	vand.u32 $0x1FE, v22;
	v60 =	vmul.u32 $0x18, v58;
	v62 =	vand.u32 $0x3FC, v61  }
0x101: {  	v50 =	vld [tilespmem:$0x330];
	v30 =	vmin.u32 v8, $0x7F;
	v12 =	vadd.s32 v12, v21;
	v45 =	vshrl.u32 v42, $0x6  }
0x102: {  	v46 =	vshrl.u32 v42, $0x18;
	v51 =	vand.u32 $0xFF, v42;
	v19 =	vshrl.u32 v42, $0xF  }
0x103: {  	v11 =	vadd.s32 v11, v12;
	v12 =	vadd.s32 v23, v13;
	v13 =	vadd.s32 v29, v15  }
0x104: {  	v15 =	vmul.u32 $0x18, v32;
	v19 =	vand.u32 $0x1FE, v19;
	v32 =	vmin.u32 v10, $0x7F  }
0x105: {  	v20 =	vld [tilespmem:$0x300];
	v58 =	vshrl.u32 v47, $0x18;
	v12 =	vadd.s32 v14, v12;
	v13 =	vadd.s32 v31, v13  }
0x106: {  	v14 =	vand.u32 $0x1FE, v35;
	v54 =	vshrl.u32 v50, $0x6;
	v55 =	vand.u32 $0xFF, v50  }
0x107: {  	v56 =	vshrl.u32 v50, $0x18;
	v31 =	vmin.u32 v9, $0x7F;
	v33 =	vmin.u32 v11, $0x7F  }
0x108: {  	v9 =	vand.u32 $0x1FE, v34;
	v15 =	vadd.s32 v15, v36;
	v36 =	vmin.u32 v12, $0x7F  }
0x109: {  	v37 =	vmin.u32 v13, $0x7F;
	v2 =	vadd.s32 v9, v2;
	v14 =	vadd.s32 v14, v15  }
0x10a: {  	v29 =	vld [tilespmem:$0x360];
	v43 =	vand.u32 $0xFF, v20;
	v21 =	vshrl.u32 v20, $0x6;
	v23 =	vshrl.u32 v20, $0x18  }
0x10b: {  	v20 =	vshrl.u32 v20, $0xF;
	v15 =	vadd.s32 v38, v16;
	v2 =	vmin.u32 v2, $0x7F  }
0x10c: {  	v18 =	vmul.u32 $0x18, v43;
	v21 =	vand.u32 $0x3FC, v21;
	v44 =	vand.u32 $0x1FE, v20  }
0x10d: {  	[tilespmem:$0x600] =	vst v0;
	v35 =	vld [tilespmem:$0x370];
	v15 =	vadd.s32 v17, v15;
	v17 =	vand.u32 $0x3FC, v45;
	v20 =	vmul.u32 $0x18, v52  }
0x10e: {  	[tilespmem:$0x610] =	vst v1;
	v42 =	vmin.u32 v14, $0x7F;
	v21 =	vadd.s32 v23, v21;
	v17 =	vadd.s32 v46, v17  }
0x10f: {  	[tilespmem:$0x640] =	vst v5;
	v23 =	vmul.u32 $0x18, v51;
	v38 =	vand.u32 $0xFF, v29;
	v39 =	vshrl.u32 v29, $0x6  }
0x110: {  	[tilespmem:$0x650] =	vst v7;
	v41 =	vshrl.u32 v29, $0x18;
	v5 =	vshrl.u32 v29, $0xF;
	v18 =	vadd.s32 v18, v21  }
0x111: {  	[tilespmem:$0x660] =	vst v4;
	v21 =	vshrl.u32 v50, $0xF;
	v7 =	vmul.u32 $0x18, v38;
	v40 =	vand.u32 $0x3FC, v39  }
0x112: {  	[tilespmem:$0x670] =	vst v6;
	v45 =	vshrl.u32 v35, $0x6;
	v46 =	vshrl.u32 v35, $0x18;
	v5 =	vand.u32 $0x1FE, v5  }
0x113: {  	[tilespmem:$0x680] =	vst v30;
	v3 =	vshrl.u32 v35, $0xF;
	v16 =	vadd.s32 v44, v18;
	v18 =	vadd.s32 v49, v48  }
0x114: {  	[tilespmem:$0x6A0] =	vst v32;
	v17 =	vadd.s32 v23, v17;
	v21 =	vand.u32 $0x1FE, v21;
	v8 =	vadd.s32 v41, v40  }
0x115: {  	[tilespmem:$0x690] =	vst v31;
	v44 =	vand.u32 $0xFF, v35;
	v49 =	vmin.u32 v15, $0x7F;
	v3 =	vand.u32 $0x1FE, v3  }
0x116: {  	[tilespmem:$0x6B0] =	vst v33;
	v18 =	vadd.s32 v20, v18;
	v17 =	vadd.s32 v19, v17;
	v19 =	vand.u32 $0x3FC, v54  }
0x117: {  	[tilespmem:$0x6C0] =	vst v36;
	v20 =	vshrl.u32 v53, $0x18;
	v43 =	vadd.s32 v7, v8;
	v7 =	vmul.u32 $0x18, v44  }
0x118: {  	[tilespmem:$0x6D0] =	vst v37;
	v8 =	vand.u32 $0x3FC, v45;
	v51 =	vmin.u32 v16, $0x7F;
	v54 =	vand.u32 $0xFF, v47  }
0x119: {  	[tilespmem:$0x750] =	vst v2;
	v18 =	vadd.s32 v22, v18;
	v22 =	vmul.u32 $0x18, v55;
	v19 =	vadd.s32 v56, v19  }
0x11a: {  	[tilespmem:$0x6E0] =	vst v42;
	v1 =	vadd.s32 v20, v62;
	v48 =	vadd.s32 v46, v8;
	v4 =	vadd.s32 v5, v43  }
0x11b: {  	[tilespmem:$0x6F0] =	vst v49;
	v52 =	vmin.u32 v17, $0x7F;
	v55 =	vshrl.u32 v47, $0x6;
	v56 =	vmul.u32 $0x18, v54  }
0x11c: {  	[tilespmem:$0x700] =	vst v51;
	v1 =	vadd.s32 v60, v1;
	v50 =	vadd.s32 v7, v48;
	v53 =	vmin.u32 v18, $0x7F  }
0x11d: {  	[tilespmem:$0x710] =	vst v52;
	v57 =	vand.u32 $0x3FC, v55;
	v60 =	vshrl.u32 v47, $0xF;
	v19 =	vadd.s32 v22, v19  }
0x11e: {  	v61 =	vmin.u32 v4, $0x7F;
	v1 =	vadd.s32 v24, v1;
	[tilespmem:$0x720] =	vst v53;
	v59 =	vadd.s32 v21, v19  }
0x11f: {  	v3 =	vadd.s32 v3, v50;
	[tilespmem:$0x760] =	vst v61;
	v0 =	vmin.u32 v59, $0x7F;
	v59 =	vadd.s32 v58, v57  }
0x120: {  	v62 =	vand.u32 $0x1FE, v60;
	v1 =	vmin.u32 v1, $0x7F;
	[tilespmem:$0x730] =	vst v0;
	v0 =	vadd.s32 v56, v59  }
0x121: {  	v63 =	vmin.u32 v3, $0x7F;
	[tilespmem:$0x740] =	vst v1;
	v0 =	vadd.s32 v62, v0  }
0x122: {  	[tilespmem:$0x770] =	vst v63;
	v0 =	vmin.u32 v0, $0x7F  }
0x123: {  	[tilespmem:$0x780] =	vst v0  }
0x124: {  	[tilespmem:s17], [sflag:$0x1] =	stream.indirect.gather [spmem:s2], $0x80, s16, s15, $0xb8;
	[tilespmem:$0x19C00] =	vst v63  }
0x125: {  	_ = 	snop  }
0x126: {  	[tilespmem:s19], [sflag:$0x1] =	stream.indirect.gather [spmem:s2], $0x80, s18, s15, $0xb8;
	[tilespmem:$0x19C00] =	vst v63  }
0x127: {  	_ = 	snop  }
0x128: {  	[tilespmem:s21], [sflag:$0x1] =	stream.indirect.gather [spmem:s2], $0x80, s20, s15, $0xb8;
	[tilespmem:$0x19C00] =	vst v63  }
0x129: {  	_ = 	snop  }
0x12a: {  	[tilespmem:s23], [sflag:$0x1] =	stream.indirect.gather [spmem:s2], $0x80, s22, s15, $0xb8;
	[tilespmem:$0x19C00] =	vst v63  }
0x12b: {  	_ = 	snop  }
0x12c: {  	[tilespmem:s25], [sflag:$0x1] =	stream.indirect.gather [spmem:s2], $0x80, s24, s15, $0xb8;
	[tilespmem:$0x19C00] =	vst v63  }
0x12d: {  	_ =	swait.ge [sflag:s26], $0x2800  }
0x12e: {  	[sflag:s26] =	ssyncset.done $0x0  }
0x12f: {  	[sflag:s26] =	ssyncadd.s32 $0xFFFFD800  }
0x130: {  	_ =	swait.ge [sflag:s26], $0x2800  }
0x131: {  	[sflag:s26] =	ssyncset.done $0x0  }
0x132: {  	[sflag:s26] =	ssyncadd.s32 $0xFFFFD800  }
0x133: {  	_ =	swait.ge [sflag:s26], $0x2800  }
0x134: {  	[sflag:s26] =	ssyncset.done $0x0  }
0x135: {  	[sflag:s26] =	ssyncadd.s32 $0xFFFFD800  }
0x136: {  	_ =	swait.ge [sflag:s26], $0x2800  }
0x137: {  	[sflag:s26] =	ssyncset.done $0x0  }
.Ltmp5:
0x138: {  	[sflag:s26] =	ssyncadd.s32 $0xFFFFD800;
	(pc) =	sbr.rel .LBB2_4-.Ltmp5, $4  }
0x139: {  	_ =	swait.ge [sflag:s26], $0x2800  }
0x13a: {  	s10 =	sshrl.u32 s29, $0x3;
	[sflag:s26] =	ssyncset.done $0x0  }
0x13b: {  	s0 =	sadd.s32 s5, s10;
	[sflag:s26] =	ssyncadd.s32 $0xFFFFD800  }
0x13c: {  	[hbm4b:s0+s3] =	stream.linear.scatter [tilespmem:s17], [sflag:$0x3], $0xC800, $0x38;
	[tilespmem:$0x19C00] =	vst v63  }
.LBB2_6:
0x13d: {  	_ =	sfence.sel $0x180000  }
0x13e: {  	[bflag:$0x0] =	sbarrier.arrive $0xFFFF  }
0x13f: {  	_ =	strace $0x90000047  }
0x140: {  	[bflag:$0x2] =	sbarrier.arrive $0xFFFF  }
0x141: {  	s0 =	rddreg [dreg:$0x3]  }
0x142: {  	s0 =	sadd.s32 @!p0 $0x100000, s0  }
0x143: {  	[sflag:s0] =	ssyncadd.tile.s32 @!p0 $0x1;
	_ =	shalt  }
.Lfunc_end2:
_tile_overlayer_lowered:
.L_overlay_start_2:
0x144: {  	(tag) =	ssettag $0x2  }
0x145: {  	s0 =	rddreg [dreg:$0x0];
	s2 =	stileid.u32  }
0x146: {  	s1 =	rddreg [dreg:$0x1];
	p0 =	sne.s32 s2, $0x0  }
0x147: {  	s3 =	rddreg [dreg:$0x2];
	[bflag:$0x3] =	sbarrier.arrive $0xFFFF;
	s2 =	simm.s32 @!p0 $0x1C04  }
0x148: {  	[timem:s3], [sflag:s2] =	dma.local @!p0 [hbm:s0], s1  }
0x149: {  	s0 =	simm.s32 @!p0 $0x4  }
0x14a: {  	_ =	swait.ge @!p0 [sflag:s0], s1  }
0x14b: {  	s1 =	ssub.s32 @!p0 $0x0, s1;
	[sflag:s0] =	ssyncset.done @!p0 $0x0  }
0x14c: {  	[sflag:s0] =	ssyncadd.s32 @!p0 s1  }
0x14d: {  	[bflag:$0x3] =	sbarrier.arrive $0xFFFF  }
0x14e: {  	_ =	shalt  }

// kernel: sparse-core-data-format-call.cloned.1.call-start
scs
called_computation_lowered:
.L_overlay_start_0:
0x0: {  	s2 =	sld [smem:$0x3FD9]  }
0x1: {  	s3 =	sld [smem:$0x3FFE];
	_ =	sdelay $0x1  }
0x2: {  	s1 =	srdreg.scid  }
0x3: {  	s0 =	sand.u32 $0x1, s1  }
0x4: {  	s18 =	sshll.u32 s0, $0xA;
	s2 =	sadd.s32 s3, s2  }
0x5: {  	s2 =	sadd.s32 s2, s18  }
0x6: {  	[smem:$0x3FC3] =	sst s2  }
0x7: {  	_ = 	snop  }
0x8: {  	s2 =	sld [smem:$0x3FD0];
	(tm) =	ssettm $0x1  }
0x9: {  	s19 =	sld [smem:$0x3FFB];
	_ =	sdelay $0x3  }
0xa: {  	_ =	strace s19  }
0xb: {  	s3 =	sld [smem:$0x3FFC];
	_ =	sdelay $0x3  }
0xc: {  	_ =	strace s3  }
0xd: {  	s3 =	sld [smem:$0x3FFD];
	_ =	sdelay $0x3  }
0xe: {  	_ =	strace s3  }
0xf: {  	_ =	strace $0x8FFFFFFF  }
0x10: {  	s20 =	sld [smem:$0x3FDB];
	_ =	sdelay $0x1  }
0x11: {  	s4 =	simm.s32 $_scs_section_size  }
0x12: {  	s5 =	simm.s32 $_size__tile_overlayer_lowered;
	s6 =	simm.s32 $_tile_overlayer_lowered  }
0x13: {  	s23 =	simm.s32 $0x1BFF;
	s22 =	sshll.u32 s6, $0x1;
	s3 =	sadd.s32 s4, s20  }
0x14: {  	s7 =	simm.s32 $0x0;
	s21 =	sshll.u32 s5, $0x1;
	s5 =	sadd.s32 s22, s3  }
0x15: {  	[timem:s7], [sflag:s23] =	dma.local [hbm:s5], s21  }
0x16: {  	_ =	swait.ge [sflag:s23], s21  }
0x17: {  	s4 =	ssub.s32 $0x0, s21;
	[sflag:s23] =	ssyncset.done $0x0  }
0x18: {  	[sflag:s23] =	ssyncadd.s32 s4;
	_ =	sdelay $0x1  }
0x19: {  	s24 =	simm.s32 $0x1B8B  }
0x1a: {  	_ =	swait.ge [sflag:s24], $0x1  }
0x1b: {  	[sflag:s24] =	ssyncset.done $0x0  }
0x1c: {  	s26 =	simm.s32 $0x1B8E;
	s25 =	sld [smem:$0x3FFE];
	[sflag:s24] =	ssyncadd.s32 $0xFFFFFFFF  }
0x1d: {  	s27 =	simm.s32 $execute0_lowered;
	[smem:$0x3FD2] =	sst s26  }
0x1e: {  	s5 =	sshll.u32 s27, $0x1;
	_ =	strace $0x80000049;
	[dreg:$0x1] =	wrdreg $0xFFFFFFFF  }
0x1f: {  	s28 =	simm.s32 $_size_execute0_lowered;
	s3 =	sadd.s32 s3, s5;
	[dreg:$0x0] =	wrdreg $0x0  }
0x20: {  	s5 =	sshll.u32 s28, $0x1;
	[dreg:$0x2] =	wrdreg s3  }
0x21: {  	[dreg:$0x3] =	wrdreg s5  }
0x22: {  	[dreg:$0x4] =	wrdreg $0xC0  }
0x23: {  	_ =	task [dreg:s7], $0x5FFFF  }
0x24: {  	[dreg:$0x1] =	wrdreg $0xFFFFFFFF  }
0x25: {  	[dreg:$0x0] =	wrdreg $0x60  }
0x26: {  	[dreg:$0x2] =	wrdreg s25  }
0x27: {  	[dreg:$0x3] =	wrdreg s2  }
0x28: {  	[dreg:$0x4] =	wrdreg $0x9  }
0x29: {  	_ =	task.clear_ibuf [dreg:s7], $0x5FFFF;
	_ =	strace $0x90000049  }
0x2a: {  	s29 =	simm.s32 $0x9;
	_ =	strace $0x8000004B  }
0x2b: {  	_ =	swait.ge [sflag:s29], $0x1  }
0x2c: {  	[sflag:s29] =	ssyncadd.s32 $0xFFFFFFFF  }
0x2d: {  	_ =	strace $0x9000004B  }
0x2e: {  	_ =	sfence  }
0x2f: {  	s30 =	sld [smem:$0x0];
	_ =	sdelay $0x2  }
0x30: {  	s31 =	sshll.u32 s1, $0xD;
	s1 =	sshrl.u32 s1, $0x2  }
0x31: {  	s3 =	sand.u32 $0x4000, s31;
	s1 =	sadd.s32 s1, s30  }
0x32: {  	s0 =	sor.u32 s3, s0;
	s1 =	sshll.u32 s1, $0x11  }
0x33: {  	s0 =	sor.u32 s1, s0  }
0x34: {  	s0 =	sadd.s32 $0x8F2B, s0  }
0x35: {  	[sflag:s0] =	ssyncadd.remote.s32 $0x1  }
0x36: {  	_ =	sfence.sel $0xFFFF  }
0x37: {  	[dreg:$0x0] =	wrdreg $0xFFFFFFFF;
	(pc) =	sbr.abs _section_cstart, $3  }
0x38: {  	[dreg:$0x1] =	wrdreg $0xFFFFFFFF  }
0x39: {  	_ =	task.clear_ibuf [dreg:s7], $0x2FFFF;
	_ =	strace $0x9FFFFFFF  }
0x3a: {  	(tm) =	ssettm $0x7FFFFFFF  }
0x3b: {  	_ =	shalt  }
tec
execute0_lowered:
.L_overlay_start_1:
0x0: {  	(tag) =	ssettag $0x1  }
0x1: {  	s0 =	srdreg.scid  }
0x2: {  	s1 =	sshll.u32 s0, $0x4  }
0x3: {  	s4 =	rddreg [dreg:$0x0];
	s0 =	stileid.u32;
	s1 =	sand.u32 $0x10, s1  }
0x4: {  	s2 =	rddreg [dreg:$0x1];
	s7 =	simm.s32 $0x1;
	s1 =	sor.u32 s0, s1  }
0x5: {  	s8 =	simm.s32 $0x2;
	s11 =	simm.s32 $0x0;
	s3 =	sshll.u32 s1, $0x7  }
0x6: {  	s10 =	simm.s32 $0x0;
	s4 =	sadd.s32 $0x1600, s4;
	s6 =	ssub.s32 $0xC3500, s3  }
.Ltmp0:
0x7: {  	s1 =	rddreg [dreg:$0x2];
	s5 =	sand.u32 $0xF80, s6;
	(pc) =	sbr.rel .LBB1_1-.Ltmp0, $4  }
0x8: {  	_ =	strace $0x8000004A;
	s9 =	smov.u32 s3;
	p0 =	sne.s32 s5, $0x0  }
0x9: {  	s6 =	sshrl.u32 s6, $0xC;
	s5 =	simm.s32 $0x1;
	s7 =	simm.s32 @!p0 $0x0  }
0xa: {  	[sflag:s5] =	ssyncpa.u1 $0x0;
	p0 =	por $0x0, $0x0;
	s6 =	sadd.s32 s7, s6  }
0xb: {  	[sflag:s8] =	ssyncpa.u1 $0x0;
	s8 =	simm.s32 $0x61A800;
	s7 =	sadd.s32 $0x1, s6  }
.LBB1_4:
0xc: {  	s14 =	sshll.u32 s11, $0x3  }
0xd: {  	s14 =	sand.u32 $0xFFFFFC00, s14  }
0xe: {  	s15 =	sshrl.u32 s14, $0x8  }
0xf: {  	s15 =	smulhi.u32 $0x14F8B59, s15;
	_ =	sdelay $0x1  }
0x10: {  	s15 =	sshrl.u32 s15, $0x4  }
0x11: {  	s28 =	sand.u32 $0x7F, s11;
	s16 =	smul.u32 $0xC3500, s15  }
0x12: {  	s11 =	sor.u32 s28, s14  }
0x13: {  	s29 =	sand.u32 $0x3F, s15;
	s11 =	ssub.s32 s11, s16  }
0x14: {  	[tilespmem:s13+$0x810 ss:$0x81] =	vst.msk $0xffff, v2;
	s14 =	smul.u32 $0x186A0, s29;
	s30 =	sshrl.u32 s11, $0x3;
	s11 =	sand.u32 $0x7, s11  }
0x15: {  	[tilespmem:s13+$0x1020 ss:$0x81] =	vst.msk $0xffff, v0;
	s15 =	sadd.s32 s2, s30;
	s11 =	sshll.u32 s11, $0x12  }
0x16: {  	[tilespmem:s13+$0x0 ss:$0x81] =	vst.msk $0xffff, v1;
	s31 =	sadd.s32 s14, s15;
	s11 =	sor.u32 $0x400, s11  }
0x17: {  	[hbm4b:s31+s11] =	stream.strided.scatter [tilespmem:s12], [sflag:$0x2], $0x2000, s8, s11, $0x20;
	[tilespmem:$0x8080] =	vst v63  }
.LBB1_5:
0x18: {  	s13 =	sadd.s32 $0x1000, s9  }
0x19: {  	p2 =	sgt.s32 s13, $0xC34FF  }
0x1a: {  	s13 =	smov.u32 @p2 s3;
	p2 =	sne.s32 s10, s7  }
.Ltmp1:
0x1b: {  	p1 =	slt.u32 s10, $0x2;
	(pc) =	sbr.rel @!p2 .LBB1_6-.Ltmp1, $4  }
0x1c: {  	s12 =	simm.s32 @!p1 $0x2  }
0x1d: {  	s14 =	sadd.s32 $0x1, s10;
	_ =	swait.ge @!p1 [sflag:s12], $0x2000  }
0x1e: {  	s11 =	smov.u32 s9;
	p0 =	por !p0, !p0;
	[sflag:s12] =	ssyncset.done @!p1 $0x0  }
0x1f: {  	s10 =	smov.u32 s14;
	s9 =	smov.u32 s13;
	[sflag:s12] =	ssyncadd.s32 @!p1 $0xFFFFE000  }
.LBB1_1:
0x20: {  	p1 =	sge.u32 s10, s6  }
0x21: {  	s12 =	sand.u32 @!p1 $0x1FFFFFF, s9  }
0x22: {  	s13 =	smulhi.u32 @!p1 $0x14F8B59, s12;
	_ =	sdelay $0x1  }
0x23: {  	s13 =	sshrl.u32 @!p1 s13, $0xC  }
0x24: {  	s13 =	smul.u32 @!p1 $0xC3500, s13;
	_ =	sdelay $0x1  }
0x25: {  	s31 =	sadd.s32 $0xFFFFFFFF, s10;
	s14 =	sxor.u32 @!p1 $0xFFFFFFFF, s10;
	s12 =	ssub.s32 @!p1 s12, s13  }
0x26: {  	s15 =	simm.s32 @!p1 $0x80;
	s14 =	sshll.u32 @!p1 s14, $0xD;
	s12 =	sshll.u32 @!p1 s12, $0x4  }
0x27: {  	s13 =	sand.u32 @!p1 $0x2000, s14;
	s14 =	simm.s32 @!p1 $0x40;
	s12 =	sadd.s32 @!p1 s4, s12  }
0x28: {  	[tilespmem:s13], [sflag:$0x1] =	stream.strided.gather @!p1 [hbm4b:s12+s14], $0x2000, s15, s14, $0x38;
	[tilespmem:$0x8080] =	vst v63  }
0x29: {  	p1 =	sge.u32 s31, s6  }
.Ltmp2:
0x2a: {  	_ = 	snop;
	(pc) =	sbr.rel @p1 .LBB1_5-.Ltmp2, $1  }
0x2b: {  	_ =	sdelay $0x3  }
0x2c: {  	s12 =	simm.s32 $0x1  }
0x2d: {  	_ =	swait.ge [sflag:s5], $0x2000;
	s12 =	simm.s32 @!p0 $0x0  }
0x2e: {  	[sflag:s5] =	ssyncset.done $0x0;
	s13 =	sshll.u32 s12, $0xD  }
0x2f: {  	[sflag:s5] =	ssyncadd.s32 $0xFFFFE000;
	s16 =	sor.u32 $0x20, s13  }
0x30: {  	s12 =	smul.u32 $0x8100, s12;
	v3 =	vld [tilespmem:s16+$0x10]  }
0x31: {  	s30 =	sand.u32 $0x1, s10;
	v2 =	vld [tilespmem:s16+$0xFFFFFFF0]  }
0x32: {  	s13 =	smul.u32 $0x8100, s30;
	s12 =	sshrl.u32 s12, $0x2;
	v0 =	vld [tilespmem:s16+$0x0]  }
0x33: {  	v1 =	vld [tilespmem:s16+$0xFFFFFFE0];
	s14 =	sor.u32 $0x4000, s12  }
0x34: {  	s31 =	sshrl.u32 s13, $0x2;
	s13 =	sadd.s32 $0x0, s14  }
0x35: {  	s15 =	simm.s32 $0x4;
	s16 =	sadd.s32 $0x40, s16;
	s12 =	sor.u32 $0x4000, s31;
	[tilespmem:s13+$0x1830 ss:$0x81] =	vst.msk $0xffff, v3  }
.LBB1_3:
0x36: {  	v3 =	vld [tilespmem:s16+$0x10];
	p1 =	sne.s32 s15, $0x1FC;
	[tilespmem:s13+$0x810 ss:$0x81] =	vst.msk $0xffff, v2;
	s17 =	smov.u32 s15;
	s15 =	sadd.s32 $0x4, s15  }
.Ltmp3:
0x37: {  	v2 =	vld [tilespmem:s16+$0xFFFFFFF0];
	[tilespmem:s13+$0x1020 ss:$0x81] =	vst.msk $0xffff, v0;
	(pc) =	sbr.rel @p1 .LBB1_3-.Ltmp3, $4  }
0x38: {  	v0 =	vld [tilespmem:s16+$0x0];
	[tilespmem:s13+$0x0 ss:$0x81] =	vst.msk $0xffff, v1  }
0x39: {  	s13 =	sshra.s32 s17, $0x2;
	v1 =	vld [tilespmem:s16+$0xFFFFFFE0]  }
0x3a: {  	s13 =	sadd.s32 s13, s14  }
0x3b: {  	s16 =	sadd.s32 $0x40, s16;
	[tilespmem:s13+$0x1830 ss:$0x81] =	vst.msk $0xffff, v3  }
.Ltmp4:
0x3c: {  	_ = 	snop;
	(pc) =	sbr.rel .LBB1_4-.Ltmp4, $1  }
0x3d: {  	_ =	sdelay $0x3  }
.LBB1_6:
0x3e: {  	_ =	sfence.sel $0x180000  }
0x3f: {  	s2 =	simm.s32 $0x1;
	[bflag:$0x0] =	sbarrier.arrive $0xFFFF  }
0x40: {  	s31 =	simm.s32 $0x2;
	[sflag:s2] =	ssyncpa.u1 $0x1  }
0x41: {  	[sflag:s31] =	ssyncpa.u1 $0x1  }
0x42: {  	p0 =	sne.s32 s0, $0x0;
	_ =	strace $0x9000004A  }
0x43: {  	s0 =	sadd.s32 @!p0 $0x100000, s1;
	[bflag:$0x2] =	sbarrier.arrive $0xFFFF  }
0x44: {  	[sflag:s0] =	ssyncadd.tile.s32 @!p0 $0x1;
	_ =	shalt  }
.Lfunc_end1:
_tile_overlayer_lowered:
.L_overlay_start_2:
0x45: {  	(tag) =	ssettag $0x2  }
0x46: {  	s0 =	rddreg [dreg:$0x0];
	s2 =	stileid.u32  }
0x47: {  	s1 =	rddreg [dreg:$0x1];
	p0 =	sne.s32 s2, $0x0  }
0x48: {  	s3 =	rddreg [dreg:$0x2];
	[bflag:$0x3] =	sbarrier.arrive $0xFFFF;
	s2 =	simm.s32 @!p0 $0x1C01  }
0x49: {  	[timem:s3], [sflag:s2] =	dma.local @!p0 [hbm:s0], s1  }
0x4a: {  	s0 =	simm.s32 @!p0 $0x1  }
0x4b: {  	_ =	swait.ge @!p0 [sflag:s0], s1  }
0x4c: {  	s1 =	ssub.s32 @!p0 $0x0, s1;
	[sflag:s0] =	ssyncset.done @!p0 $0x0  }
0x4d: {  	[sflag:s0] =	ssyncadd.s32 @!p0 s1  }
0x4e: {  	[bflag:$0x3] =	sbarrier.arrive $0xFFFF  }
0x4f: {  	_ =	shalt  }

</sc_bundles>
